<compile_context>
chip_gen: v7x
topology: tpu7x:2x2x1
jax: 0.10.2.dev20260603
libtpu: 0.0.44.dev20260713+nightly
codegen_flags: <defaults>
</compile_context>

<pallas_src>
import functools

import jax
import jax.numpy as jnp
from jax import lax
from jax.experimental import pallas as pl
from jax.experimental.pallas import tpu as pltpu
from jax.experimental.pallas import tpu_sc as plsc

N = 10000
E = 320000
H = 256
HH = 128
G = 64

BN = 400
NB = N // BN
BE = 2000
EB = E // BE
CH = 100
NCHUNK = E // CH
NTILES = 16
CPT = NCHUNK // NTILES
ROWS_PER_TILE = N // NTILES


def _proj_body(x_ref, w_ref, b_ref, out_ref):
    out_ref[...] = (
        jnp.dot(x_ref[...], w_ref[...], preferred_element_type=jnp.float32)
        + b_ref[0]
    )


def _proj_split(x, w, b, rows, row_block):
    nb = rows // row_block
    din = x.shape[1]
    b2 = b.reshape(2, 1, HH)
    return pl.pallas_call(
        _proj_body,
        grid=(nb, 2),
        in_specs=[
            pl.BlockSpec((row_block, din), lambda i, j: (i, 0)),
            pl.BlockSpec((din, HH), lambda i, j: (0, j)),
            pl.BlockSpec((1, 1, HH), lambda i, j: (j, 0, 0)),
        ],
        out_specs=pl.BlockSpec((row_block, HH), lambda i, j: (j * nb + i, 0)),
        out_shape=jax.ShapeDtypeStruct((2 * rows, HH), jnp.float32),
    )(x, w, b2)


_N_OUTER = CPT // 2


def _mp_body(h_hbm, e_hbm, idx_hbm, z_hbm, hb_hbm,
             agg_sh, ib0, ib1, be0, be1, gb0, gb1,
             sem_i0, sem_i1, sem_e0, sem_e1, sem_h0, sem_h1,
             sem_s0, sem_s1):
    c = lax.axis_index("c")
    s = lax.axis_index("s")
    rbase = s * ROWS_PER_TILE
    base_chunk = s * CPT
    bufs = ((ib0, be0, gb0, sem_i0, sem_e0, sem_h0, sem_s0),
            (ib1, be1, gb1, sem_i1, sem_e1, sem_h1, sem_s1))

    def pack_block(off_rows, nrows):
        pltpu.sync_copy(
            h_hbm.at[pl.ds(c * N + rbase + off_rows, nrows)],
            be0.at[pl.ds(0, nrows)])

        def prow(r, _):
            for k in range(HH // 32):
                a = be0[r, pl.ds(32 * k, 16)]
                bb = be0[r, pl.ds(32 * k + 16, 16)]
                pw = plsc.bitcast(
                    plsc.pack(a, bb, format=plsc.PackFormat.INTERLEAVED),
                    jnp.int32)
                gb0[r, pl.ds(16 * k, 16)] = pw
            return _

        lax.fori_loop(0, nrows, prow, 0)
        pltpu.sync_copy(be0.at[pl.ds(0, nrows)],
                        agg_sh.at[pl.ds(rbase + off_rows, nrows)])
        pltpu.sync_copy(gb0.at[pl.ds(0, nrows)],
                        hb_hbm.at[pl.ds(c * N + rbase + off_rows, nrows)])

    _full, _tail = divmod(ROWS_PER_TILE, CH)
    for blk in range(_full):
        pack_block(blk * CH, CH)
    if _tail:
        pack_block(_full * CH, _tail)

    plsc.subcore_barrier()

    def issue_idx(j, b):
        ib, _, _, sem_i, _, _, _ = bufs[b]

        @pl.when(j < CPT)
        def _():
            pltpu.async_copy(
                idx_hbm.at[c * NCHUNK + base_chunk + j], ib, sem_i)

    def issue_e(j, b):
        _, buf_e, _, _, sem_e, _, _ = bufs[b]

        @pl.when(j < CPT)
        def _():
            ebase = (base_chunk + j) * CH
            pltpu.async_copy(e_hbm.at[pl.ds(c * E + ebase, CH)], buf_e, sem_e)

    def issue_gather(j, b):
        ib, _, gb, sem_i, _, sem_h, _ = bufs[b]

        @pl.when(j < CPT)
        def _():
            pltpu.make_async_copy(
                idx_hbm.at[c * NCHUNK + base_chunk + j], ib, sem_i).wait()
            pltpu.async_copy(hb_hbm.at[ib.at[0]], gb, sem_h)

    issue_idx(jnp.int32(0), 0)
    issue_idx(jnp.int32(1), 1)
    issue_e(jnp.int32(0), 0)
    issue_gather(jnp.int32(0), 0)

    def outer_body(i2, carry):
        for b in range(2):
            j = i2 * 2 + b
            b1 = 1 - b

            @pl.when(j >= 1)
            def _():
                ibp, bep, _, _, _, _, sem_sp = bufs[b1]
                pltpu.make_async_copy(
                    bep, agg_sh.at[ibp.at[1]], sem_sp).wait()

            issue_e(j + 1, b1)
            issue_gather(j + 1, b1)

            ib, buf_e, gb, _, sem_e, sem_h, sem_s = bufs[b]
            ebase = (base_chunk + j) * CH
            pltpu.make_async_copy(
                e_hbm.at[pl.ds(c * E + ebase, CH)], buf_e, sem_e).wait()
            pltpu.make_async_copy(hb_hbm.at[ib.at[0]], gb, sem_h).wait()

            @plsc.parallel_loop(0, CH, 1, unroll=4)
            def _(r):
                for k in range(HH // 32):
                    w = gb[r, pl.ds(16 * k, 16)]
                    ha = plsc.bitcast(w << 16, jnp.float32)
                    hb = plsc.bitcast(w & jnp.int32(-65536), jnp.float32)
                    sa = (r, pl.ds(32 * k, 16))
                    sb = (r, pl.ds(32 * k + 16, 16))
                    buf_e[sa] = jnp.maximum(buf_e[sa] + ha, 0.0)
                    buf_e[sb] = jnp.maximum(buf_e[sb] + hb, 0.0)

            pltpu.async_copy(buf_e, agg_sh.at[ib.at[1]], sem_s, add=True)
            issue_idx(j + 2, b)

        return carry

    lax.fori_loop(0, _N_OUTER, outer_body, 0)

    bl = (CPT - 1) % 2
    ibl, bel, _, _, _, _, sem_sl = bufs[bl]
    pltpu.make_async_copy(bel, agg_sh.at[ibl.at[1]], sem_sl).wait()

    plsc.subcore_barrier()
    pltpu.sync_copy(
        agg_sh.at[pl.ds(rbase, ROWS_PER_TILE)],
        z_hbm.at[pl.ds(c * N + rbase, ROWS_PER_TILE)],
    )


@functools.cache
def _get_mp_kernel():
    return pl.kernel(
        _mp_body,
        out_type=(jax.ShapeDtypeStruct((2 * N, HH), jnp.float32),
                  jax.ShapeDtypeStruct((2 * N, HH // 2), jnp.int32)),
        mesh=plsc.VectorSubcoreMesh(core_axis_name="c", subcore_axis_name="s"),
        compiler_params=pltpu.CompilerParams(
            use_tc_tiling_on_sc=False, needs_layout_passes=False),
        scratch_types=[
            pltpu.VMEM_SHARED((N, HH), jnp.float32),
            pltpu.VMEM((2, CH), jnp.int32),
            pltpu.VMEM((2, CH), jnp.int32),
            pltpu.VMEM((CH, HH), jnp.float32),
            pltpu.VMEM((CH, HH), jnp.float32),
            pltpu.VMEM((CH, HH // 2), jnp.int32),
            pltpu.VMEM((CH, HH // 2), jnp.int32),
            pltpu.SemaphoreType.DMA,
            pltpu.SemaphoreType.DMA,
            pltpu.SemaphoreType.DMA,
            pltpu.SemaphoreType.DMA,
            pltpu.SemaphoreType.DMA,
            pltpu.SemaphoreType.DMA,
            pltpu.SemaphoreType.DMA,
            pltpu.SemaphoreType.DMA,
        ],
    )


def _mlp_body(z0_ref, z1_ref, w1_ref, b1_ref, w2_ref, b2_ref, out_ref):
    w1 = w1_ref[...]
    t = jnp.dot(z0_ref[...], w1[:HH], preferred_element_type=jnp.float32)
    t += jnp.dot(z1_ref[...], w1[HH:], preferred_element_type=jnp.float32)
    t = jnp.maximum(t + b1_ref[...], 0.0)
    o = jnp.dot(t, w2_ref[...], preferred_element_type=jnp.float32) + b2_ref[...]
    o = jnp.maximum(o, 0.0)
    out_ref[0] = o[:, :HH]
    out_ref[1] = o[:, HH:]


def _gine_mlp(z, w1, b1, w2, b2):
    out = pl.pallas_call(
        _mlp_body,
        grid=(NB,),
        in_specs=[
            pl.BlockSpec((BN, HH), lambda i: (i, 0)),
            pl.BlockSpec((BN, HH), lambda i: (NB + i, 0)),
            pl.BlockSpec((H, 2 * H), lambda i: (0, 0)),
            pl.BlockSpec((1, 2 * H), lambda i: (0, 0)),
            pl.BlockSpec((2 * H, H), lambda i: (0, 0)),
            pl.BlockSpec((1, H), lambda i: (0, 0)),
        ],
        out_specs=pl.BlockSpec((2, BN, HH), lambda i: (0, i, 0)),
        out_shape=jax.ShapeDtypeStruct((2, N, HH), jnp.float32),
    )(z, z, w1, b1.reshape(1, 2 * H), w2, b2.reshape(1, H))
    return out.reshape(2 * N, HH)


def _pool_head_body(batch_ref, h0_ref, h1_ref, wl1_ref, bl1_ref,
                    wl2_ref, bl2_ref, out_ref, acc_ref, cnt_ref):
    i = pl.program_id(0)

    @pl.when(i == 0)
    def _():
        acc_ref[...] = jnp.zeros_like(acc_ref)
        cnt_ref[...] = jnp.zeros_like(cnt_ref)

    b = batch_ref[0]
    gids = lax.broadcasted_iota(jnp.int32, (G, BN), 0)
    onehot = (b == gids).astype(jnp.float32)
    acc_ref[0] += jnp.dot(onehot, h0_ref[...], preferred_element_type=jnp.float32)
    acc_ref[1] += jnp.dot(onehot, h1_ref[...], preferred_element_type=jnp.float32)
    cnt_ref[...] += jnp.broadcast_to(
        jnp.sum(onehot, axis=1, keepdims=True), (G, HH)
    )

    @pl.when(i == NB - 1)
    def _():
        cnt = jnp.maximum(cnt_ref[...], 1.0)
        p0 = acc_ref[0] / cnt
        p1 = acc_ref[1] / cnt
        wl1 = wl1_ref[...]
        t = jnp.dot(p0, wl1[:HH], preferred_element_type=jnp.float32)
        t += jnp.dot(p1, wl1[HH:], preferred_element_type=jnp.float32)
        t = jnp.maximum(t + bl1_ref[...], 0.0)
        out_ref[...] = (
            jnp.dot(t, wl2_ref[...], preferred_element_type=jnp.float32)
            + bl2_ref[...]
        )


def _pool_head(h, batch3, wl1, bl1, wl2, bl2):
    hw = wl1.shape[1]
    out_d = wl2.shape[1]
    return pl.pallas_call(
        _pool_head_body,
        grid=(NB,),
        in_specs=[
            pl.BlockSpec((1, 1, BN), lambda i: (i, 0, 0)),
            pl.BlockSpec((BN, HH), lambda i: (i, 0)),
            pl.BlockSpec((BN, HH), lambda i: (NB + i, 0)),
            pl.BlockSpec((H, hw), lambda i: (0, 0)),
            pl.BlockSpec((1, hw), lambda i: (0, 0)),
            pl.BlockSpec((hw, out_d), lambda i: (0, 0)),
            pl.BlockSpec((1, out_d), lambda i: (0, 0)),
        ],
        out_specs=pl.BlockSpec((G, out_d), lambda i: (0, 0)),
        out_shape=jax.ShapeDtypeStruct((G, out_d), jnp.float32),
        scratch_shapes=[
            pltpu.VMEM((2, G, HH), jnp.float32),
            pltpu.VMEM((G, HH), jnp.float32),
        ],
    )(batch3, h, h, wl1, bl1.reshape(1, hw), wl2, bl2.reshape(1, out_d))


def kernel(x, edge_index, edge_attr, batch, time,
           W_in, b_in,
           We0, be0, W1_0, b1_0, W2_0, b2_0,
           We1, be1, W1_1, b1_1, W2_1, b2_1,
           Wl1, bl1, Wl2, bl2):
    del time
    ei = edge_index.reshape(2, NCHUNK, CH).transpose(1, 0, 2)
    offs = jnp.array([[0, 0], [N, 0]], jnp.int32).reshape(2, 1, 2, 1)
    idx = (ei[None] + offs).reshape(2 * NCHUNK, 2, CH)
    batch3 = batch.reshape(NB, 1, BN)

    h = _proj_split(x, W_in, b_in, N, BN)
    e0 = _proj_split(edge_attr, We0, be0, E, BE)
    e1 = _proj_split(edge_attr, We1, be1, E, BE)

    mp = _get_mp_kernel()
    z0, _hb0 = mp(h, e0, idx)
    h = _gine_mlp(z0, W1_0, b1_0, W2_0, b2_0)
    z1, _hb1 = mp(h, e1, idx)
    h = _gine_mlp(z1, W1_1, b1_1, W2_1, b2_1)

    return _pool_head(h, batch3, Wl1, bl1, Wl2, bl2)

# --- scband reference (transcript-rebuilt; emitter-appended) ---
"""Pipeline reference for scband-cpabactivation-gnn-53197464928908 (READ-ONLY COPY).

The authoritative reference and input builder live on the scoring server;
editing this copy changes nothing except your own understanding.
"""

import jax, jax.numpy as jnp
import numpy as np

N = 10000
E = 320000
D_IN = 128
D_EDGE = 16
H = 256
G = 64
OUT = 15  # tess_size - 1 with zero_boundary=True


def _lin(k, fin, fout):
    return jax.random.normal(k, (fin, fout), dtype=jnp.float32) * (1.0 / np.sqrt(fin))


def setup_inputs(seed: int = 0) -> dict:
    key = jax.random.key(seed)
    ks = jax.random.split(key, 24)
    inp = {}
    inp["x"] = jax.random.normal(ks[0], (N, D_IN), dtype=jnp.float32)
    inp["edge_index"] = jax.random.randint(ks[1], (2, E), 0, N, dtype=jnp.int32)
    inp["edge_attr"] = jax.random.normal(ks[2], (E, D_EDGE), dtype=jnp.float32)
    inp["batch"] = jnp.sort(jax.random.randint(ks[3], (N,), 0, G, dtype=jnp.int32))
    inp["time"] = 1
    # input projection
    inp["W_in"] = _lin(ks[4], D_IN, H)
    inp["b_in"] = jnp.zeros((H,), jnp.float32)
    # GINE layer 0
    inp["We0"] = _lin(ks[5], D_EDGE, H)
    inp["be0"] = jnp.zeros((H,), jnp.float32)
    inp["W1_0"] = _lin(ks[6], H, 2 * H)
    inp["b1_0"] = jnp.zeros((2 * H,), jnp.float32)
    inp["W2_0"] = _lin(ks[7], 2 * H, H)
    inp["b2_0"] = jnp.zeros((H,), jnp.float32)
    # GINE layer 1
    inp["We1"] = _lin(ks[8], D_EDGE, H)
    inp["be1"] = jnp.zeros((H,), jnp.float32)
    inp["W1_1"] = _lin(ks[9], H, 2 * H)
    inp["b1_1"] = jnp.zeros((2 * H,), jnp.float32)
    inp["W2_1"] = _lin(ks[10], 2 * H, H)
    inp["b2_1"] = jnp.zeros((H,), jnp.float32)
    # readout MLP: Linear(H, H//2) -> ReLU -> Linear(H//2, OUT)
    inp["Wl1"] = _lin(ks[11], H, H // 2)
    inp["bl1"] = jnp.zeros((H // 2,), jnp.float32)
    inp["Wl2"] = _lin(ks[12], H // 2, OUT)
    inp["bl2"] = jnp.zeros((OUT,), jnp.float32)
    return inp


def reference(x, edge_index, edge_attr, batch, time,
              W_in, b_in,
              We0, be0, W1_0, b1_0, W2_0, b2_0,
              We1, be1, W1_1, b1_1, W2_1, b2_1,
              Wl1, bl1, Wl2, bl2):
    src = edge_index[0]
    dst = edge_index[1]
    h = x @ W_in + b_in
    layers = [(We0, be0, W1_0, b1_0, W2_0, b2_0), (We1, be1, W1_1, b1_1, W2_1, b2_1)]
    for (We, be, W1, b1, W2, b2) in layers:
        e = edge_attr @ We + be
        m = jax.nn.relu(h[src] + e)
        agg = jax.ops.segment_sum(m, dst, num_segments=N)
        z = h + agg  # (1+eps)*h + agg with eps=0
        z = jax.nn.relu(z @ W1 + b1) @ W2 + b2
        h = jax.nn.relu(z)
    # global mean pooling over graphs in the batch
    sums = jax.ops.segment_sum(h, batch, num_segments=G)
    counts = jax.ops.segment_sum(jnp.ones((N,), jnp.float32), batch, num_segments=G)
    pooled = sums / jnp.clip(counts, 1.0)[:, None]
    theta = jax.nn.relu(pooled @ Wl1 + bl1) @ Wl2 + bl2
    # all post-theta code in the original forward is under `if False:` (dead)
    return theta

if __name__ == "__main__":
    import jax
    _d = setup_inputs()
    print(jax.jit(kernel)(*tuple(_d.values())))

</pallas_src>

<mosaic_0001>
#map = affine_map<(d0, d1) -> (0, 0)>
#map1 = affine_map<(d0, d1) -> (0, 0, 0)>
module attributes {stable_mosaic.version = 14 : i64} {
  func.func @_mp_body(%arg0: i32, %arg1: i32, %arg2: memref<20000x128xf32, #tpu.memory_space<hbm>>, %arg3: memref<640000x128xf32, #tpu.memory_space<hbm>>, %arg4: memref<6400x2x100xi32, #tpu.memory_space<hbm>>, %arg5: memref<20000x128xf32, #tpu.memory_space<hbm>>, %arg6: memref<20000x64xi32, #tpu.memory_space<hbm>>, %arg7: memref<10000x128xf32, #tpu.memory_space<vmem_shared>>, %arg8: memref<2x100xi32, #tpu.memory_space<vmem>>, %arg9: memref<2x100xi32, #tpu.memory_space<vmem>>, %arg10: memref<100x128xf32, #tpu.memory_space<vmem>>, %arg11: memref<100x128xf32, #tpu.memory_space<vmem>>, %arg12: memref<100x64xi32, #tpu.memory_space<vmem>>, %arg13: memref<100x64xi32, #tpu.memory_space<vmem>>, %arg14: memref<!tpu.dma_semaphore, #tpu.memory_space<semaphore_mem>>, %arg15: memref<!tpu.dma_semaphore, #tpu.memory_space<semaphore_mem>>, %arg16: memref<!tpu.dma_semaphore, #tpu.memory_space<semaphore_mem>>, %arg17: memref<!tpu.dma_semaphore, #tpu.memory_space<semaphore_mem>>, %arg18: memref<!tpu.dma_semaphore, #tpu.memory_space<semaphore_mem>>, %arg19: memref<!tpu.dma_semaphore, #tpu.memory_space<semaphore_mem>>, %arg20: memref<!tpu.dma_semaphore, #tpu.memory_space<semaphore_mem>>, %arg21: memref<!tpu.dma_semaphore, #tpu.memory_space<semaphore_mem>>) attributes {dimension_semantics = [#tpu.dimension_semantics<core_parallel>, #tpu.dimension_semantics<subcore_parallel>], iteration_bounds = array<i64: 2, 16>, scalar_prefetch = 0 : i64, scratch_operands = 15 : i64, tpu.core_type = #tpu.core_type<sc_vector_subcore>, window_params = [{transform_indices = #map}, {transform_indices = #map}, {transform_indices = #map1}, {transform_indices = #map}, {transform_indices = #map}]} {
    %mul3A = arith.constant 625 : i32
    %mul3A_0 = arith.muli %arg1, %mul3A : i32
    %mul3A_1 = arith.constant 200 : i32
    %mul3A_2 = arith.muli %arg1, %mul3A_1 : i32
    %mul3A_3 = arith.constant 10000 : i32
    %mul3A_4 = arith.muli %arg0, %mul3A_3 : i32
    %add3A = arith.addi %mul3A_4, %mul3A_0 : i32
    %add3A_5 = arith.constant 0 : i32
    %add3A_6 = arith.addi %add3A, %add3A_5 : i32
    "tpu.region"() ({
      %run_scoped3A = tpu.sem_alloc : memref<!tpu.dma_semaphore, #tpu.memory_space<semaphore_mem>>
      %dma_start3A = arith.constant 0 : i32
      %dma_start3A_168 = arith.constant 0 : i32
      %dma_start3A_169 = tpu.memref_slice %arg10[%dma_start3A, %dma_start3A_168] : memref<100x128xf32, #tpu.memory_space<vmem>> -> memref<100x128xf32, #tpu.memory_space<vmem>>
      %dma_start3A_170 = arith.constant 0 : i32
      %dma_start3A_171 = tpu.memref_slice %arg2[%add3A_6, %dma_start3A_170] : memref<20000x128xf32, #tpu.memory_space<hbm>> -> memref<100x128xf32, #tpu.memory_space<hbm>>
      %dma_start3A_172 = arith.constant 0 : i32
      %dma_start3A_173 = arith.constant 0 : i32
      %dma_start3A_174 = tpu.memref_slice %arg10[%dma_start3A_172, %dma_start3A_173] : memref<100x128xf32, #tpu.memory_space<vmem>> -> memref<100x128xf32, #tpu.memory_space<vmem>>
      %dma_start3A_175 = arith.constant 0 : i32
      %dma_start3A_176 = tpu.memref_slice %arg2[%add3A_6, %dma_start3A_175] : memref<20000x128xf32, #tpu.memory_space<hbm>> -> memref<100x128xf32, #tpu.memory_space<hbm>>
      tpu.enqueue_dma source(%dma_start3A_176 : memref<100x128xf32, #tpu.memory_space<hbm>>) target(%dma_start3A_174 : memref<100x128xf32, #tpu.memory_space<vmem>>) target_semaphore(%run_scoped3A : memref<!tpu.dma_semaphore, #tpu.memory_space<semaphore_mem>>)
      %dma_wait3A_177 = arith.constant 0 : i32
      %dma_wait3A_178 = arith.constant 0 : i32
      %dma_wait3A_179 = tpu.memref_slice %arg10[%dma_wait3A_177, %dma_wait3A_178] : memref<100x128xf32, #tpu.memory_space<vmem>> -> memref<100x128xf32, #tpu.memory_space<vmem>>
      %dma_wait3A_180 = arith.constant 0 : i32
      %dma_wait3A_181 = tpu.memref_slice %arg2[%add3A_6, %dma_wait3A_180] : memref<20000x128xf32, #tpu.memory_space<hbm>> -> memref<100x128xf32, #tpu.memory_space<hbm>>
      %dma_wait3A_182 = arith.constant 0 : i32
      %dma_wait3A_183 = arith.constant 0 : i32
      %dma_wait3A_184 = tpu.memref_slice %arg10[%dma_wait3A_182, %dma_wait3A_183] : memref<100x128xf32, #tpu.memory_space<vmem>> -> memref<100x128xf32, #tpu.memory_space<vmem>>
      %dma_wait3A_185 = arith.constant 0 : i32
      %dma_wait3A_186 = tpu.memref_slice %arg2[%add3A_6, %dma_wait3A_185] : memref<20000x128xf32, #tpu.memory_space<hbm>> -> memref<100x128xf32, #tpu.memory_space<hbm>>
      tpu.wait_dma2 semaphore(%run_scoped3A : memref<!tpu.dma_semaphore, #tpu.memory_space<semaphore_mem>>) src(%dma_wait3A_186 : memref<100x128xf32, #tpu.memory_space<hbm>>) dst(%dma_wait3A_184 : memref<100x128xf32, #tpu.memory_space<vmem>>)
      tpu.yield
    }) : () -> ()
    %scan3A = arith.constant 0 : i32
    %scan3A_7 = arith.constant 0 : i32
    %scan3A_8 = arith.constant 100 : i32
    %scan3A_9 = arith.addi %scan3A_7, %scan3A_8 : i32
    %scan3A_10 = arith.constant 1 : i32
    scf.for %scan3A_168 = %scan3A_7 to %scan3A_9 step %scan3A_10  : i32 {
      %get3A = arith.index_cast %scan3A_168 : i32 to index
      %get3A_169 = arith.constant 0 : index
      %get3A_170 = tpu.vector_load %arg10[%get3A, %get3A_169] {strides = array<i32>} : memref<100x128xf32, #tpu.memory_space<vmem>>, vector<16xf32>,
      %get3A_171 = arith.index_cast %scan3A_168 : i32 to index
      %get3A_172 = arith.constant 16 : index
      %get3A_173 = tpu.vector_load %arg10[%get3A_171, %get3A_172] {strides = array<i32>} : memref<100x128xf32, #tpu.memory_space<vmem>>, vector<16xf32>,
      %pack3A = tpu.pack_subelements %get3A_170, %get3A_173 {pack_format = #tpu.pack_format<interleaved>, positions = array<i32: 0, 1>} : vector<16xf32>, vector<16xf32> -> vector<32xbf16>
      %bitcast3A = vector.bitcast %pack3A : vector<32xbf16> to vector<16xi32>
      %swap3A = arith.index_cast %scan3A_168 : i32 to index
      %swap3A_174 = arith.constant 0 : index
      %swap3A_175 = tpu.vector_load %arg12[%swap3A, %swap3A_174] {strides = array<i32>} : memref<100x64xi32, #tpu.memory_space<vmem>>, vector<16xi32>,
      tpu.vector_store %arg12[%swap3A, %swap3A_174], %bitcast3A {strides = array<i32>} : memref<100x64xi32, #tpu.memory_space<vmem>>, vector<16xi32>,
      %get3A_176 = arith.index_cast %scan3A_168 : i32 to index
      %get3A_177 = arith.constant 32 : index
      %get3A_178 = tpu.vector_load %arg10[%get3A_176, %get3A_177] {strides = array<i32>} : memref<100x128xf32, #tpu.memory_space<vmem>>, vector<16xf32>,
      %get3A_179 = arith.index_cast %scan3A_168 : i32 to index
      %get3A_180 = arith.constant 48 : index
      %get3A_181 = tpu.vector_load %arg10[%get3A_179, %get3A_180] {strides = array<i32>} : memref<100x128xf32, #tpu.memory_space<vmem>>, vector<16xf32>,
      %pack3A_182 = tpu.pack_subelements %get3A_178, %get3A_181 {pack_format = #tpu.pack_format<interleaved>, positions = array<i32: 0, 1>} : vector<16xf32>, vector<16xf32> -> vector<32xbf16>
      %bitcast3A_183 = vector.bitcast %pack3A_182 : vector<32xbf16> to vector<16xi32>
      %swap3A_184 = arith.index_cast %scan3A_168 : i32 to index
      %swap3A_185 = arith.constant 16 : index
      %swap3A_186 = tpu.vector_load %arg12[%swap3A_184, %swap3A_185] {strides = array<i32>} : memref<100x64xi32, #tpu.memory_space<vmem>>, vector<16xi32>,
      tpu.vector_store %arg12[%swap3A_184, %swap3A_185], %bitcast3A_183 {strides = array<i32>} : memref<100x64xi32, #tpu.memory_space<vmem>>, vector<16xi32>,
      %get3A_187 = arith.index_cast %scan3A_168 : i32 to index
      %get3A_188 = arith.constant 64 : index
      %get3A_189 = tpu.vector_load %arg10[%get3A_187, %get3A_188] {strides = array<i32>} : memref<100x128xf32, #tpu.memory_space<vmem>>, vector<16xf32>,
      %get3A_190 = arith.index_cast %scan3A_168 : i32 to index
      %get3A_191 = arith.constant 80 : index
      %get3A_192 = tpu.vector_load %arg10[%get3A_190, %get3A_191] {strides = array<i32>} : memref<100x128xf32, #tpu.memory_space<vmem>>, vector<16xf32>,
      %pack3A_193 = tpu.pack_subelements %get3A_189, %get3A_192 {pack_format = #tpu.pack_format<interleaved>, positions = array<i32: 0, 1>} : vector<16xf32>, vector<16xf32> -> vector<32xbf16>
      %bitcast3A_194 = vector.bitcast %pack3A_193 : vector<32xbf16> to vector<16xi32>
      %swap3A_195 = arith.index_cast %scan3A_168 : i32 to index
      %swap3A_196 = arith.constant 32 : index
      %swap3A_197 = tpu.vector_load %arg12[%swap3A_195, %swap3A_196] {strides = array<i32>} : memref<100x64xi32, #tpu.memory_space<vmem>>, vector<16xi32>,
      tpu.vector_store %arg12[%swap3A_195, %swap3A_196], %bitcast3A_194 {strides = array<i32>} : memref<100x64xi32, #tpu.memory_space<vmem>>, vector<16xi32>,
      %get3A_198 = arith.index_cast %scan3A_168 : i32 to index
      %get3A_199 = arith.constant 96 : index
      %get3A_200 = tpu.vector_load %arg10[%get3A_198, %get3A_199] {strides = array<i32>} : memref<100x128xf32, #tpu.memory_space<vmem>>, vector<16xf32>,
      %get3A_201 = arith.index_cast %scan3A_168 : i32 to index
      %get3A_202 = arith.constant 112 : index
      %get3A_203 = tpu.vector_load %arg10[%get3A_201, %get3A_202] {strides = array<i32>} : memref<100x128xf32, #tpu.memory_space<vmem>>, vector<16xf32>,
      %pack3A_204 = tpu.pack_subelements %get3A_200, %get3A_203 {pack_format = #tpu.pack_format<interleaved>, positions = array<i32: 0, 1>} : vector<16xf32>, vector<16xf32> -> vector<32xbf16>
      %bitcast3A_205 = vector.bitcast %pack3A_204 : vector<32xbf16> to vector<16xi32>
      %swap3A_206 = arith.index_cast %scan3A_168 : i32 to index
      %swap3A_207 = arith.constant 48 : index
      %swap3A_208 = tpu.vector_load %arg12[%swap3A_206, %swap3A_207] {strides = array<i32>} : memref<100x64xi32, #tpu.memory_space<vmem>>, vector<16xi32>,
      tpu.vector_store %arg12[%swap3A_206, %swap3A_207], %bitcast3A_205 {strides = array<i32>} : memref<100x64xi32, #tpu.memory_space<vmem>>, vector<16xi32>,
    }
    %scan3A_11 = arith.constant 100 : i32
    %add3A_12 = arith.constant 0 : i32
    %add3A_13 = arith.addi %mul3A_0, %add3A_12 : i32
    "tpu.region"() ({
      %run_scoped3A = tpu.sem_alloc : memref<!tpu.dma_semaphore, #tpu.memory_space<semaphore_mem>>
      %dma_start3A = arith.constant 0 : i32
      %dma_start3A_168 = arith.constant 0 : i32
      %dma_start3A_169 = tpu.memref_slice %arg10[%dma_start3A, %dma_start3A_168] : memref<100x128xf32, #tpu.memory_space<vmem>> -> memref<100x128xf32, #tpu.memory_space<vmem>>
      %dma_start3A_170 = arith.constant 0 : i32
      %dma_start3A_171 = tpu.memref_slice %arg7[%add3A_13, %dma_start3A_170] : memref<10000x128xf32, #tpu.memory_space<vmem_shared>> -> memref<100x128xf32, #tpu.memory_space<vmem_shared>>
      %dma_start3A_172 = arith.constant 0 : i32
      %dma_start3A_173 = tpu.memref_slice %arg7[%add3A_13, %dma_start3A_172] : memref<10000x128xf32, #tpu.memory_space<vmem_shared>> -> memref<100x128xf32, #tpu.memory_space<vmem_shared>>
      %dma_start3A_174 = arith.constant 0 : i32
      %dma_start3A_175 = arith.constant 0 : i32
      %dma_start3A_176 = tpu.memref_slice %arg10[%dma_start3A_174, %dma_start3A_175] : memref<100x128xf32, #tpu.memory_space<vmem>> -> memref<100x128xf32, #tpu.memory_space<vmem>>
      tpu.enqueue_dma source(%dma_start3A_176 : memref<100x128xf32, #tpu.memory_space<vmem>>) target(%dma_start3A_173 : memref<100x128xf32, #tpu.memory_space<vmem_shared>>) target_semaphore(%run_scoped3A : memref<!tpu.dma_semaphore, #tpu.memory_space<semaphore_mem>>)
      %dma_wait3A_177 = arith.constant 0 : i32
      %dma_wait3A_178 = arith.constant 0 : i32
      %dma_wait3A_179 = tpu.memref_slice %arg10[%dma_wait3A_177, %dma_wait3A_178] : memref<100x128xf32, #tpu.memory_space<vmem>> -> memref<100x128xf32, #tpu.memory_space<vmem>>
      %dma_wait3A_180 = arith.constant 0 : i32
      %dma_wait3A_181 = tpu.memref_slice %arg7[%add3A_13, %dma_wait3A_180] : memref<10000x128xf32, #tpu.memory_space<vmem_shared>> -> memref<100x128xf32, #tpu.memory_space<vmem_shared>>
      %dma_wait3A_182 = arith.constant 0 : i32
      %dma_wait3A_183 = tpu.memref_slice %arg7[%add3A_13, %dma_wait3A_182] : memref<10000x128xf32, #tpu.memory_space<vmem_shared>> -> memref<100x128xf32, #tpu.memory_space<vmem_shared>>
      %dma_wait3A_184 = arith.constant 0 : i32
      %dma_wait3A_185 = arith.constant 0 : i32
      %dma_wait3A_186 = tpu.memref_slice %arg10[%dma_wait3A_184, %dma_wait3A_185] : memref<100x128xf32, #tpu.memory_space<vmem>> -> memref<100x128xf32, #tpu.memory_space<vmem>>
      tpu.wait_dma2 semaphore(%run_scoped3A : memref<!tpu.dma_semaphore, #tpu.memory_space<semaphore_mem>>) src(%dma_wait3A_186 : memref<100x128xf32, #tpu.memory_space<vmem>>) dst(%dma_wait3A_183 : memref<100x128xf32, #tpu.memory_space<vmem_shared>>)
      tpu.yield
    }) : () -> ()
    %mul3A_14 = arith.constant 10000 : i32
    %mul3A_15 = arith.muli %arg0, %mul3A_14 : i32
    %add3A_16 = arith.addi %mul3A_15, %mul3A_0 : i32
    %add3A_17 = arith.constant 0 : i32
    %add3A_18 = arith.addi %add3A_16, %add3A_17 : i32
    "tpu.region"() ({
      %run_scoped3A = tpu.sem_alloc : memref<!tpu.dma_semaphore, #tpu.memory_space<semaphore_mem>>
      %dma_start3A = arith.constant 0 : i32
      %dma_start3A_168 = arith.constant 0 : i32
      %dma_start3A_169 = tpu.memref_slice %arg12[%dma_start3A, %dma_start3A_168] : memref<100x64xi32, #tpu.memory_space<vmem>> -> memref<100x64xi32, #tpu.memory_space<vmem>>
      %dma_start3A_170 = arith.constant 0 : i32
      %dma_start3A_171 = tpu.memref_slice %arg6[%add3A_18, %dma_start3A_170] : memref<20000x64xi32, #tpu.memory_space<hbm>> -> memref<100x64xi32, #tpu.memory_space<hbm>>
      %dma_start3A_172 = arith.constant 0 : i32
      %dma_start3A_173 = tpu.memref_slice %arg6[%add3A_18, %dma_start3A_172] : memref<20000x64xi32, #tpu.memory_space<hbm>> -> memref<100x64xi32, #tpu.memory_space<hbm>>
      %dma_start3A_174 = arith.constant 0 : i32
      %dma_start3A_175 = arith.constant 0 : i32
      %dma_start3A_176 = tpu.memref_slice %arg12[%dma_start3A_174, %dma_start3A_175] : memref<100x64xi32, #tpu.memory_space<vmem>> -> memref<100x64xi32, #tpu.memory_space<vmem>>
      tpu.enqueue_dma source(%dma_start3A_176 : memref<100x64xi32, #tpu.memory_space<vmem>>) target(%dma_start3A_173 : memref<100x64xi32, #tpu.memory_space<hbm>>) target_semaphore(%run_scoped3A : memref<!tpu.dma_semaphore, #tpu.memory_space<semaphore_mem>>)
      %dma_wait3A_177 = arith.constant 0 : i32
      %dma_wait3A_178 = arith.constant 0 : i32
      %dma_wait3A_179 = tpu.memref_slice %arg12[%dma_wait3A_177, %dma_wait3A_178] : memref<100x64xi32, #tpu.memory_space<vmem>> -> memref<100x64xi32, #tpu.memory_space<vmem>>
      %dma_wait3A_180 = arith.constant 0 : i32
      %dma_wait3A_181 = tpu.memref_slice %arg6[%add3A_18, %dma_wait3A_180] : memref<20000x64xi32, #tpu.memory_space<hbm>> -> memref<100x64xi32, #tpu.memory_space<hbm>>
      %dma_wait3A_182 = arith.constant 0 : i32
      %dma_wait3A_183 = tpu.memref_slice %arg6[%add3A_18, %dma_wait3A_182] : memref<20000x64xi32, #tpu.memory_space<hbm>> -> memref<100x64xi32, #tpu.memory_space<hbm>>
      %dma_wait3A_184 = arith.constant 0 : i32
      %dma_wait3A_185 = arith.constant 0 : i32
      %dma_wait3A_186 = tpu.memref_slice %arg12[%dma_wait3A_184, %dma_wait3A_185] : memref<100x64xi32, #tpu.memory_space<vmem>> -> memref<100x64xi32, #tpu.memory_space<vmem>>
      tpu.wait_dma2 semaphore(%run_scoped3A : memref<!tpu.dma_semaphore, #tpu.memory_space<semaphore_mem>>) src(%dma_wait3A_186 : memref<100x64xi32, #tpu.memory_space<vmem>>) dst(%dma_wait3A_183 : memref<100x64xi32, #tpu.memory_space<hbm>>)
      tpu.yield
    }) : () -> ()
    %mul3A_19 = arith.constant 10000 : i32
    %mul3A_20 = arith.muli %arg0, %mul3A_19 : i32
    %add3A_21 = arith.addi %mul3A_20, %mul3A_0 : i32
    %add3A_22 = arith.constant 100 : i32
    %add3A_23 = arith.addi %add3A_21, %add3A_22 : i32
    "tpu.region"() ({
      %run_scoped3A = tpu.sem_alloc : memref<!tpu.dma_semaphore, #tpu.memory_space<semaphore_mem>>
      %dma_start3A = arith.constant 0 : i32
      %dma_start3A_168 = arith.constant 0 : i32
      %dma_start3A_169 = tpu.memref_slice %arg10[%dma_start3A, %dma_start3A_168] : memref<100x128xf32, #tpu.memory_space<vmem>> -> memref<100x128xf32, #tpu.memory_space<vmem>>
      %dma_start3A_170 = arith.constant 0 : i32
      %dma_start3A_171 = tpu.memref_slice %arg2[%add3A_23, %dma_start3A_170] : memref<20000x128xf32, #tpu.memory_space<hbm>> -> memref<100x128xf32, #tpu.memory_space<hbm>>
      %dma_start3A_172 = arith.constant 0 : i32
      %dma_start3A_173 = arith.constant 0 : i32
      %dma_start3A_174 = tpu.memref_slice %arg10[%dma_start3A_172, %dma_start3A_173] : memref<100x128xf32, #tpu.memory_space<vmem>> -> memref<100x128xf32, #tpu.memory_space<vmem>>
      %dma_start3A_175 = arith.constant 0 : i32
      %dma_start3A_176 = tpu.memref_slice %arg2[%add3A_23, %dma_start3A_175] : memref<20000x128xf32, #tpu.memory_space<hbm>> -> memref<100x128xf32, #tpu.memory_space<hbm>>
      tpu.enqueue_dma source(%dma_start3A_176 : memref<100x128xf32, #tpu.memory_space<hbm>>) target(%dma_start3A_174 : memref<100x128xf32, #tpu.memory_space<vmem>>) target_semaphore(%run_scoped3A : memref<!tpu.dma_semaphore, #tpu.memory_space<semaphore_mem>>)
      %dma_wait3A_177 = arith.constant 0 : i32
      %dma_wait3A_178 = arith.constant 0 : i32
      %dma_wait3A_179 = tpu.memref_slice %arg10[%dma_wait3A_177, %dma_wait3A_178] : memref<100x128xf32, #tpu.memory_space<vmem>> -> memref<100x128xf32, #tpu.memory_space<vmem>>
      %dma_wait3A_180 = arith.constant 0 : i32
      %dma_wait3A_181 = tpu.memref_slice %arg2[%add3A_23, %dma_wait3A_180] : memref<20000x128xf32, #tpu.memory_space<hbm>> -> memref<100x128xf32, #tpu.memory_space<hbm>>
      %dma_wait3A_182 = arith.constant 0 : i32
      %dma_wait3A_183 = arith.constant 0 : i32
      %dma_wait3A_184 = tpu.memref_slice %arg10[%dma_wait3A_182, %dma_wait3A_183] : memref<100x128xf32, #tpu.memory_space<vmem>> -> memref<100x128xf32, #tpu.memory_space<vmem>>
      %dma_wait3A_185 = arith.constant 0 : i32
      %dma_wait3A_186 = tpu.memref_slice %arg2[%add3A_23, %dma_wait3A_185] : memref<20000x128xf32, #tpu.memory_space<hbm>> -> memref<100x128xf32, #tpu.memory_space<hbm>>
      tpu.wait_dma2 semaphore(%run_scoped3A : memref<!tpu.dma_semaphore, #tpu.memory_space<semaphore_mem>>) src(%dma_wait3A_186 : memref<100x128xf32, #tpu.memory_space<hbm>>) dst(%dma_wait3A_184 : memref<100x128xf32, #tpu.memory_space<vmem>>)
      tpu.yield
    }) : () -> ()
    %scan3A_24 = arith.constant 0 : i32
    %scan3A_25 = arith.constant 0 : i32
    %scan3A_26 = arith.constant 100 : i32
    %scan3A_27 = arith.addi %scan3A_25, %scan3A_26 : i32
    %scan3A_28 = arith.constant 1 : i32
    scf.for %scan3A_168 = %scan3A_25 to %scan3A_27 step %scan3A_28  : i32 {
      %get3A = arith.index_cast %scan3A_168 : i32 to index
      %get3A_169 = arith.constant 0 : index
      %get3A_170 = tpu.vector_load %arg10[%get3A, %get3A_169] {strides = array<i32>} : memref<100x128xf32, #tpu.memory_space<vmem>>, vector<16xf32>,
      %get3A_171 = arith.index_cast %scan3A_168 : i32 to index
      %get3A_172 = arith.constant 16 : index
      %get3A_173 = tpu.vector_load %arg10[%get3A_171, %get3A_172] {strides = array<i32>} : memref<100x128xf32, #tpu.memory_space<vmem>>, vector<16xf32>,
      %pack3A = tpu.pack_subelements %get3A_170, %get3A_173 {pack_format = #tpu.pack_format<interleaved>, positions = array<i32: 0, 1>} : vector<16xf32>, vector<16xf32> -> vector<32xbf16>
      %bitcast3A = vector.bitcast %pack3A : vector<32xbf16> to vector<16xi32>
      %swap3A = arith.index_cast %scan3A_168 : i32 to index
      %swap3A_174 = arith.constant 0 : index
      %swap3A_175 = tpu.vector_load %arg12[%swap3A, %swap3A_174] {strides = array<i32>} : memref<100x64xi32, #tpu.memory_space<vmem>>, vector<16xi32>,
      tpu.vector_store %arg12[%swap3A, %swap3A_174], %bitcast3A {strides = array<i32>} : memref<100x64xi32, #tpu.memory_space<vmem>>, vector<16xi32>,
      %get3A_176 = arith.index_cast %scan3A_168 : i32 to index
      %get3A_177 = arith.constant 32 : index
      %get3A_178 = tpu.vector_load %arg10[%get3A_176, %get3A_177] {strides = array<i32>} : memref<100x128xf32, #tpu.memory_space<vmem>>, vector<16xf32>,
      %get3A_179 = arith.index_cast %scan3A_168 : i32 to index
      %get3A_180 = arith.constant 48 : index
      %get3A_181 = tpu.vector_load %arg10[%get3A_179, %get3A_180] {strides = array<i32>} : memref<100x128xf32, #tpu.memory_space<vmem>>, vector<16xf32>,
      %pack3A_182 = tpu.pack_subelements %get3A_178, %get3A_181 {pack_format = #tpu.pack_format<interleaved>, positions = array<i32: 0, 1>} : vector<16xf32>, vector<16xf32> -> vector<32xbf16>
      %bitcast3A_183 = vector.bitcast %pack3A_182 : vector<32xbf16> to vector<16xi32>
      %swap3A_184 = arith.index_cast %scan3A_168 : i32 to index
      %swap3A_185 = arith.constant 16 : index
      %swap3A_186 = tpu.vector_load %arg12[%swap3A_184, %swap3A_185] {strides = array<i32>} : memref<100x64xi32, #tpu.memory_space<vmem>>, vector<16xi32>,
      tpu.vector_store %arg12[%swap3A_184, %swap3A_185], %bitcast3A_183 {strides = array<i32>} : memref<100x64xi32, #tpu.memory_space<vmem>>, vector<16xi32>,
      %get3A_187 = arith.index_cast %scan3A_168 : i32 to index
      %get3A_188 = arith.constant 64 : index
      %get3A_189 = tpu.vector_load %arg10[%get3A_187, %get3A_188] {strides = array<i32>} : memref<100x128xf32, #tpu.memory_space<vmem>>, vector<16xf32>,
      %get3A_190 = arith.index_cast %scan3A_168 : i32 to index
      %get3A_191 = arith.constant 80 : index
      %get3A_192 = tpu.vector_load %arg10[%get3A_190, %get3A_191] {strides = array<i32>} : memref<100x128xf32, #tpu.memory_space<vmem>>, vector<16xf32>,
      %pack3A_193 = tpu.pack_subelements %get3A_189, %get3A_192 {pack_format = #tpu.pack_format<interleaved>, positions = array<i32: 0, 1>} : vector<16xf32>, vector<16xf32> -> vector<32xbf16>
      %bitcast3A_194 = vector.bitcast %pack3A_193 : vector<32xbf16> to vector<16xi32>
      %swap3A_195 = arith.index_cast %scan3A_168 : i32 to index
      %swap3A_196 = arith.constant 32 : index
      %swap3A_197 = tpu.vector_load %arg12[%swap3A_195, %swap3A_196] {strides = array<i32>} : memref<100x64xi32, #tpu.memory_space<vmem>>, vector<16xi32>,
      tpu.vector_store %arg12[%swap3A_195, %swap3A_196], %bitcast3A_194 {strides = array<i32>} : memref<100x64xi32, #tpu.memory_space<vmem>>, vector<16xi32>,
      %get3A_198 = arith.index_cast %scan3A_168 : i32 to index
      %get3A_199 = arith.constant 96 : index
      %get3A_200 = tpu.vector_load %arg10[%get3A_198, %get3A_199] {strides = array<i32>} : memref<100x128xf32, #tpu.memory_space<vmem>>, vector<16xf32>,
      %get3A_201 = arith.index_cast %scan3A_168 : i32 to index
      %get3A_202 = arith.constant 112 : index
      %get3A_203 = tpu.vector_load %arg10[%get3A_201, %get3A_202] {strides = array<i32>} : memref<100x128xf32, #tpu.memory_space<vmem>>, vector<16xf32>,
      %pack3A_204 = tpu.pack_subelements %get3A_200, %get3A_203 {pack_format = #tpu.pack_format<interleaved>, positions = array<i32: 0, 1>} : vector<16xf32>, vector<16xf32> -> vector<32xbf16>
      %bitcast3A_205 = vector.bitcast %pack3A_204 : vector<32xbf16> to vector<16xi32>
      %swap3A_206 = arith.index_cast %scan3A_168 : i32 to index
      %swap3A_207 = arith.constant 48 : index
      %swap3A_208 = tpu.vector_load %arg12[%swap3A_206, %swap3A_207] {strides = array<i32>} : memref<100x64xi32, #tpu.memory_space<vmem>>, vector<16xi32>,
      tpu.vector_store %arg12[%swap3A_206, %swap3A_207], %bitcast3A_205 {strides = array<i32>} : memref<100x64xi32, #tpu.memory_space<vmem>>, vector<16xi32>,
    }
    %scan3A_29 = arith.constant 100 : i32
    %add3A_30 = arith.constant 100 : i32
    %add3A_31 = arith.addi %mul3A_0, %add3A_30 : i32
    "tpu.region"() ({
      %run_scoped3A = tpu.sem_alloc : memref<!tpu.dma_semaphore, #tpu.memory_space<semaphore_mem>>
      %dma_start3A = arith.constant 0 : i32
      %dma_start3A_168 = arith.constant 0 : i32
      %dma_start3A_169 = tpu.memref_slice %arg10[%dma_start3A, %dma_start3A_168] : memref<100x128xf32, #tpu.memory_space<vmem>> -> memref<100x128xf32, #tpu.memory_space<vmem>>
      %dma_start3A_170 = arith.constant 0 : i32
      %dma_start3A_171 = tpu.memref_slice %arg7[%add3A_31, %dma_start3A_170] : memref<10000x128xf32, #tpu.memory_space<vmem_shared>> -> memref<100x128xf32, #tpu.memory_space<vmem_shared>>
      %dma_start3A_172 = arith.constant 0 : i32
      %dma_start3A_173 = tpu.memref_slice %arg7[%add3A_31, %dma_start3A_172] : memref<10000x128xf32, #tpu.memory_space<vmem_shared>> -> memref<100x128xf32, #tpu.memory_space<vmem_shared>>
      %dma_start3A_174 = arith.constant 0 : i32
      %dma_start3A_175 = arith.constant 0 : i32
      %dma_start3A_176 = tpu.memref_slice %arg10[%dma_start3A_174, %dma_start3A_175] : memref<100x128xf32, #tpu.memory_space<vmem>> -> memref<100x128xf32, #tpu.memory_space<vmem>>
      tpu.enqueue_dma source(%dma_start3A_176 : memref<100x128xf32, #tpu.memory_space<vmem>>) target(%dma_start3A_173 : memref<100x128xf32, #tpu.memory_space<vmem_shared>>) target_semaphore(%run_scoped3A : memref<!tpu.dma_semaphore, #tpu.memory_space<semaphore_mem>>)
      %dma_wait3A_177 = arith.constant 0 : i32
      %dma_wait3A_178 = arith.constant 0 : i32
      %dma_wait3A_179 = tpu.memref_slice %arg10[%dma_wait3A_177, %dma_wait3A_178] : memref<100x128xf32, #tpu.memory_space<vmem>> -> memref<100x128xf32, #tpu.memory_space<vmem>>
      %dma_wait3A_180 = arith.constant 0 : i32
      %dma_wait3A_181 = tpu.memref_slice %arg7[%add3A_31, %dma_wait3A_180] : memref<10000x128xf32, #tpu.memory_space<vmem_shared>> -> memref<100x128xf32, #tpu.memory_space<vmem_shared>>
      %dma_wait3A_182 = arith.constant 0 : i32
      %dma_wait3A_183 = tpu.memref_slice %arg7[%add3A_31, %dma_wait3A_182] : memref<10000x128xf32, #tpu.memory_space<vmem_shared>> -> memref<100x128xf32, #tpu.memory_space<vmem_shared>>
      %dma_wait3A_184 = arith.constant 0 : i32
      %dma_wait3A_185 = arith.constant 0 : i32
      %dma_wait3A_186 = tpu.memref_slice %arg10[%dma_wait3A_184, %dma_wait3A_185] : memref<100x128xf32, #tpu.memory_space<vmem>> -> memref<100x128xf32, #tpu.memory_space<vmem>>
      tpu.wait_dma2 semaphore(%run_scoped3A : memref<!tpu.dma_semaphore, #tpu.memory_space<semaphore_mem>>) src(%dma_wait3A_186 : memref<100x128xf32, #tpu.memory_space<vmem>>) dst(%dma_wait3A_183 : memref<100x128xf32, #tpu.memory_space<vmem_shared>>)
      tpu.yield
    }) : () -> ()
    %mul3A_32 = arith.constant 10000 : i32
    %mul3A_33 = arith.muli %arg0, %mul3A_32 : i32
    %add3A_34 = arith.addi %mul3A_33, %mul3A_0 : i32
    %add3A_35 = arith.constant 100 : i32
    %add3A_36 = arith.addi %add3A_34, %add3A_35 : i32
    "tpu.region"() ({
      %run_scoped3A = tpu.sem_alloc : memref<!tpu.dma_semaphore, #tpu.memory_space<semaphore_mem>>
      %dma_start3A = arith.constant 0 : i32
      %dma_start3A_168 = arith.constant 0 : i32
      %dma_start3A_169 = tpu.memref_slice %arg12[%dma_start3A, %dma_start3A_168] : memref<100x64xi32, #tpu.memory_space<vmem>> -> memref<100x64xi32, #tpu.memory_space<vmem>>
      %dma_start3A_170 = arith.constant 0 : i32
      %dma_start3A_171 = tpu.memref_slice %arg6[%add3A_36, %dma_start3A_170] : memref<20000x64xi32, #tpu.memory_space<hbm>> -> memref<100x64xi32, #tpu.memory_space<hbm>>
      %dma_start3A_172 = arith.constant 0 : i32
      %dma_start3A_173 = tpu.memref_slice %arg6[%add3A_36, %dma_start3A_172] : memref<20000x64xi32, #tpu.memory_space<hbm>> -> memref<100x64xi32, #tpu.memory_space<hbm>>
      %dma_start3A_174 = arith.constant 0 : i32
      %dma_start3A_175 = arith.constant 0 : i32
      %dma_start3A_176 = tpu.memref_slice %arg12[%dma_start3A_174, %dma_start3A_175] : memref<100x64xi32, #tpu.memory_space<vmem>> -> memref<100x64xi32, #tpu.memory_space<vmem>>
      tpu.enqueue_dma source(%dma_start3A_176 : memref<100x64xi32, #tpu.memory_space<vmem>>) target(%dma_start3A_173 : memref<100x64xi32, #tpu.memory_space<hbm>>) target_semaphore(%run_scoped3A : memref<!tpu.dma_semaphore, #tpu.memory_space<semaphore_mem>>)
      %dma_wait3A_177 = arith.constant 0 : i32
      %dma_wait3A_178 = arith.constant 0 : i32
      %dma_wait3A_179 = tpu.memref_slice %arg12[%dma_wait3A_177, %dma_wait3A_178] : memref<100x64xi32, #tpu.memory_space<vmem>> -> memref<100x64xi32, #tpu.memory_space<vmem>>
      %dma_wait3A_180 = arith.constant 0 : i32
      %dma_wait3A_181 = tpu.memref_slice %arg6[%add3A_36, %dma_wait3A_180] : memref<20000x64xi32, #tpu.memory_space<hbm>> -> memref<100x64xi32, #tpu.memory_space<hbm>>
      %dma_wait3A_182 = arith.constant 0 : i32
      %dma_wait3A_183 = tpu.memref_slice %arg6[%add3A_36, %dma_wait3A_182] : memref<20000x64xi32, #tpu.memory_space<hbm>> -> memref<100x64xi32, #tpu.memory_space<hbm>>
      %dma_wait3A_184 = arith.constant 0 : i32
      %dma_wait3A_185 = arith.constant 0 : i32
      %dma_wait3A_186 = tpu.memref_slice %arg12[%dma_wait3A_184, %dma_wait3A_185] : memref<100x64xi32, #tpu.memory_space<vmem>> -> memref<100x64xi32, #tpu.memory_space<vmem>>
      tpu.wait_dma2 semaphore(%run_scoped3A : memref<!tpu.dma_semaphore, #tpu.memory_space<semaphore_mem>>) src(%dma_wait3A_186 : memref<100x64xi32, #tpu.memory_space<vmem>>) dst(%dma_wait3A_183 : memref<100x64xi32, #tpu.memory_space<hbm>>)
      tpu.yield
    }) : () -> ()
    %mul3A_37 = arith.constant 10000 : i32
    %mul3A_38 = arith.muli %arg0, %mul3A_37 : i32
    %add3A_39 = arith.addi %mul3A_38, %mul3A_0 : i32
    %add3A_40 = arith.constant 200 : i32
    %add3A_41 = arith.addi %add3A_39, %add3A_40 : i32
    "tpu.region"() ({
      %run_scoped3A = tpu.sem_alloc : memref<!tpu.dma_semaphore, #tpu.memory_space<semaphore_mem>>
      %dma_start3A = arith.constant 0 : i32
      %dma_start3A_168 = arith.constant 0 : i32
      %dma_start3A_169 = tpu.memref_slice %arg10[%dma_start3A, %dma_start3A_168] : memref<100x128xf32, #tpu.memory_space<vmem>> -> memref<100x128xf32, #tpu.memory_space<vmem>>
      %dma_start3A_170 = arith.constant 0 : i32
      %dma_start3A_171 = tpu.memref_slice %arg2[%add3A_41, %dma_start3A_170] : memref<20000x128xf32, #tpu.memory_space<hbm>> -> memref<100x128xf32, #tpu.memory_space<hbm>>
      %dma_start3A_172 = arith.constant 0 : i32
      %dma_start3A_173 = arith.constant 0 : i32
      %dma_start3A_174 = tpu.memref_slice %arg10[%dma_start3A_172, %dma_start3A_173] : memref<100x128xf32, #tpu.memory_space<vmem>> -> memref<100x128xf32, #tpu.memory_space<vmem>>
      %dma_start3A_175 = arith.constant 0 : i32
      %dma_start3A_176 = tpu.memref_slice %arg2[%add3A_41, %dma_start3A_175] : memref<20000x128xf32, #tpu.memory_space<hbm>> -> memref<100x128xf32, #tpu.memory_space<hbm>>
      tpu.enqueue_dma source(%dma_start3A_176 : memref<100x128xf32, #tpu.memory_space<hbm>>) target(%dma_start3A_174 : memref<100x128xf32, #tpu.memory_space<vmem>>) target_semaphore(%run_scoped3A : memref<!tpu.dma_semaphore, #tpu.memory_space<semaphore_mem>>)
      %dma_wait3A_177 = arith.constant 0 : i32
      %dma_wait3A_178 = arith.constant 0 : i32
      %dma_wait3A_179 = tpu.memref_slice %arg10[%dma_wait3A_177, %dma_wait3A_178] : memref<100x128xf32, #tpu.memory_space<vmem>> -> memref<100x128xf32, #tpu.memory_space<vmem>>
      %dma_wait3A_180 = arith.constant 0 : i32
      %dma_wait3A_181 = tpu.memref_slice %arg2[%add3A_41, %dma_wait3A_180] : memref<20000x128xf32, #tpu.memory_space<hbm>> -> memref<100x128xf32, #tpu.memory_space<hbm>>
      %dma_wait3A_182 = arith.constant 0 : i32
      %dma_wait3A_183 = arith.constant 0 : i32
      %dma_wait3A_184 = tpu.memref_slice %arg10[%dma_wait3A_182, %dma_wait3A_183] : memref<100x128xf32, #tpu.memory_space<vmem>> -> memref<100x128xf32, #tpu.memory_space<vmem>>
      %dma_wait3A_185 = arith.constant 0 : i32
      %dma_wait3A_186 = tpu.memref_slice %arg2[%add3A_41, %dma_wait3A_185] : memref<20000x128xf32, #tpu.memory_space<hbm>> -> memref<100x128xf32, #tpu.memory_space<hbm>>
      tpu.wait_dma2 semaphore(%run_scoped3A : memref<!tpu.dma_semaphore, #tpu.memory_space<semaphore_mem>>) src(%dma_wait3A_186 : memref<100x128xf32, #tpu.memory_space<hbm>>) dst(%dma_wait3A_184 : memref<100x128xf32, #tpu.memory_space<vmem>>)
      tpu.yield
    }) : () -> ()
    %scan3A_42 = arith.constant 0 : i32
    %scan3A_43 = arith.constant 0 : i32
    %scan3A_44 = arith.constant 100 : i32
    %scan3A_45 = arith.addi %scan3A_43, %scan3A_44 : i32
    %scan3A_46 = arith.constant 1 : i32
    scf.for %scan3A_168 = %scan3A_43 to %scan3A_45 step %scan3A_46  : i32 {
      %get3A = arith.index_cast %scan3A_168 : i32 to index
      %get3A_169 = arith.constant 0 : index
      %get3A_170 = tpu.vector_load %arg10[%get3A, %get3A_169] {strides = array<i32>} : memref<100x128xf32, #tpu.memory_space<vmem>>, vector<16xf32>,
      %get3A_171 = arith.index_cast %scan3A_168 : i32 to index
      %get3A_172 = arith.constant 16 : index
      %get3A_173 = tpu.vector_load %arg10[%get3A_171, %get3A_172] {strides = array<i32>} : memref<100x128xf32, #tpu.memory_space<vmem>>, vector<16xf32>,
      %pack3A = tpu.pack_subelements %get3A_170, %get3A_173 {pack_format = #tpu.pack_format<interleaved>, positions = array<i32: 0, 1>} : vector<16xf32>, vector<16xf32> -> vector<32xbf16>
      %bitcast3A = vector.bitcast %pack3A : vector<32xbf16> to vector<16xi32>
      %swap3A = arith.index_cast %scan3A_168 : i32 to index
      %swap3A_174 = arith.constant 0 : index
      %swap3A_175 = tpu.vector_load %arg12[%swap3A, %swap3A_174] {strides = array<i32>} : memref<100x64xi32, #tpu.memory_space<vmem>>, vector<16xi32>,
      tpu.vector_store %arg12[%swap3A, %swap3A_174], %bitcast3A {strides = array<i32>} : memref<100x64xi32, #tpu.memory_space<vmem>>, vector<16xi32>,
      %get3A_176 = arith.index_cast %scan3A_168 : i32 to index
      %get3A_177 = arith.constant 32 : index
      %get3A_178 = tpu.vector_load %arg10[%get3A_176, %get3A_177] {strides = array<i32>} : memref<100x128xf32, #tpu.memory_space<vmem>>, vector<16xf32>,
      %get3A_179 = arith.index_cast %scan3A_168 : i32 to index
      %get3A_180 = arith.constant 48 : index
      %get3A_181 = tpu.vector_load %arg10[%get3A_179, %get3A_180] {strides = array<i32>} : memref<100x128xf32, #tpu.memory_space<vmem>>, vector<16xf32>,
      %pack3A_182 = tpu.pack_subelements %get3A_178, %get3A_181 {pack_format = #tpu.pack_format<interleaved>, positions = array<i32: 0, 1>} : vector<16xf32>, vector<16xf32> -> vector<32xbf16>
      %bitcast3A_183 = vector.bitcast %pack3A_182 : vector<32xbf16> to vector<16xi32>
      %swap3A_184 = arith.index_cast %scan3A_168 : i32 to index
      %swap3A_185 = arith.constant 16 : index
      %swap3A_186 = tpu.vector_load %arg12[%swap3A_184, %swap3A_185] {strides = array<i32>} : memref<100x64xi32, #tpu.memory_space<vmem>>, vector<16xi32>,
      tpu.vector_store %arg12[%swap3A_184, %swap3A_185], %bitcast3A_183 {strides = array<i32>} : memref<100x64xi32, #tpu.memory_space<vmem>>, vector<16xi32>,
      %get3A_187 = arith.index_cast %scan3A_168 : i32 to index
      %get3A_188 = arith.constant 64 : index
      %get3A_189 = tpu.vector_load %arg10[%get3A_187, %get3A_188] {strides = array<i32>} : memref<100x128xf32, #tpu.memory_space<vmem>>, vector<16xf32>,
      %get3A_190 = arith.index_cast %scan3A_168 : i32 to index
      %get3A_191 = arith.constant 80 : index
      %get3A_192 = tpu.vector_load %arg10[%get3A_190, %get3A_191] {strides = array<i32>} : memref<100x128xf32, #tpu.memory_space<vmem>>, vector<16xf32>,
      %pack3A_193 = tpu.pack_subelements %get3A_189, %get3A_192 {pack_format = #tpu.pack_format<interleaved>, positions = array<i32: 0, 1>} : vector<16xf32>, vector<16xf32> -> vector<32xbf16>
      %bitcast3A_194 = vector.bitcast %pack3A_193 : vector<32xbf16> to vector<16xi32>
      %swap3A_195 = arith.index_cast %scan3A_168 : i32 to index
      %swap3A_196 = arith.constant 32 : index
      %swap3A_197 = tpu.vector_load %arg12[%swap3A_195, %swap3A_196] {strides = array<i32>} : memref<100x64xi32, #tpu.memory_space<vmem>>, vector<16xi32>,
      tpu.vector_store %arg12[%swap3A_195, %swap3A_196], %bitcast3A_194 {strides = array<i32>} : memref<100x64xi32, #tpu.memory_space<vmem>>, vector<16xi32>,
      %get3A_198 = arith.index_cast %scan3A_168 : i32 to index
      %get3A_199 = arith.constant 96 : index
      %get3A_200 = tpu.vector_load %arg10[%get3A_198, %get3A_199] {strides = array<i32>} : memref<100x128xf32, #tpu.memory_space<vmem>>, vector<16xf32>,
      %get3A_201 = arith.index_cast %scan3A_168 : i32 to index
      %get3A_202 = arith.constant 112 : index
      %get3A_203 = tpu.vector_load %arg10[%get3A_201, %get3A_202] {strides = array<i32>} : memref<100x128xf32, #tpu.memory_space<vmem>>, vector<16xf32>,
      %pack3A_204 = tpu.pack_subelements %get3A_200, %get3A_203 {pack_format = #tpu.pack_format<interleaved>, positions = array<i32: 0, 1>} : vector<16xf32>, vector<16xf32> -> vector<32xbf16>
      %bitcast3A_205 = vector.bitcast %pack3A_204 : vector<32xbf16> to vector<16xi32>
      %swap3A_206 = arith.index_cast %scan3A_168 : i32 to index
      %swap3A_207 = arith.constant 48 : index
      %swap3A_208 = tpu.vector_load %arg12[%swap3A_206, %swap3A_207] {strides = array<i32>} : memref<100x64xi32, #tpu.memory_space<vmem>>, vector<16xi32>,
      tpu.vector_store %arg12[%swap3A_206, %swap3A_207], %bitcast3A_205 {strides = array<i32>} : memref<100x64xi32, #tpu.memory_space<vmem>>, vector<16xi32>,
    }
    %scan3A_47 = arith.constant 100 : i32
    %add3A_48 = arith.constant 200 : i32
    %add3A_49 = arith.addi %mul3A_0, %add3A_48 : i32
    "tpu.region"() ({
      %run_scoped3A = tpu.sem_alloc : memref<!tpu.dma_semaphore, #tpu.memory_space<semaphore_mem>>
      %dma_start3A = arith.constant 0 : i32
      %dma_start3A_168 = arith.constant 0 : i32
      %dma_start3A_169 = tpu.memref_slice %arg10[%dma_start3A, %dma_start3A_168] : memref<100x128xf32, #tpu.memory_space<vmem>> -> memref<100x128xf32, #tpu.memory_space<vmem>>
      %dma_start3A_170 = arith.constant 0 : i32
      %dma_start3A_171 = tpu.memref_slice %arg7[%add3A_49, %dma_start3A_170] : memref<10000x128xf32, #tpu.memory_space<vmem_shared>> -> memref<100x128xf32, #tpu.memory_space<vmem_shared>>
      %dma_start3A_172 = arith.constant 0 : i32
      %dma_start3A_173 = tpu.memref_slice %arg7[%add3A_49, %dma_start3A_172] : memref<10000x128xf32, #tpu.memory_space<vmem_shared>> -> memref<100x128xf32, #tpu.memory_space<vmem_shared>>
      %dma_start3A_174 = arith.constant 0 : i32
      %dma_start3A_175 = arith.constant 0 : i32
      %dma_start3A_176 = tpu.memref_slice %arg10[%dma_start3A_174, %dma_start3A_175] : memref<100x128xf32, #tpu.memory_space<vmem>> -> memref<100x128xf32, #tpu.memory_space<vmem>>
      tpu.enqueue_dma source(%dma_start3A_176 : memref<100x128xf32, #tpu.memory_space<vmem>>) target(%dma_start3A_173 : memref<100x128xf32, #tpu.memory_space<vmem_shared>>) target_semaphore(%run_scoped3A : memref<!tpu.dma_semaphore, #tpu.memory_space<semaphore_mem>>)
      %dma_wait3A_177 = arith.constant 0 : i32
      %dma_wait3A_178 = arith.constant 0 : i32
      %dma_wait3A_179 = tpu.memref_slice %arg10[%dma_wait3A_177, %dma_wait3A_178] : memref<100x128xf32, #tpu.memory_space<vmem>> -> memref<100x128xf32, #tpu.memory_space<vmem>>
      %dma_wait3A_180 = arith.constant 0 : i32
      %dma_wait3A_181 = tpu.memref_slice %arg7[%add3A_49, %dma_wait3A_180] : memref<10000x128xf32, #tpu.memory_space<vmem_shared>> -> memref<100x128xf32, #tpu.memory_space<vmem_shared>>
      %dma_wait3A_182 = arith.constant 0 : i32
      %dma_wait3A_183 = tpu.memref_slice %arg7[%add3A_49, %dma_wait3A_182] : memref<10000x128xf32, #tpu.memory_space<vmem_shared>> -> memref<100x128xf32, #tpu.memory_space<vmem_shared>>
      %dma_wait3A_184 = arith.constant 0 : i32
      %dma_wait3A_185 = arith.constant 0 : i32
      %dma_wait3A_186 = tpu.memref_slice %arg10[%dma_wait3A_184, %dma_wait3A_185] : memref<100x128xf32, #tpu.memory_space<vmem>> -> memref<100x128xf32, #tpu.memory_space<vmem>>
      tpu.wait_dma2 semaphore(%run_scoped3A : memref<!tpu.dma_semaphore, #tpu.memory_space<semaphore_mem>>) src(%dma_wait3A_186 : memref<100x128xf32, #tpu.memory_space<vmem>>) dst(%dma_wait3A_183 : memref<100x128xf32, #tpu.memory_space<vmem_shared>>)
      tpu.yield
    }) : () -> ()
    %mul3A_50 = arith.constant 10000 : i32
    %mul3A_51 = arith.muli %arg0, %mul3A_50 : i32
    %add3A_52 = arith.addi %mul3A_51, %mul3A_0 : i32
    %add3A_53 = arith.constant 200 : i32
    %add3A_54 = arith.addi %add3A_52, %add3A_53 : i32
    "tpu.region"() ({
      %run_scoped3A = tpu.sem_alloc : memref<!tpu.dma_semaphore, #tpu.memory_space<semaphore_mem>>
      %dma_start3A = arith.constant 0 : i32
      %dma_start3A_168 = arith.constant 0 : i32
      %dma_start3A_169 = tpu.memref_slice %arg12[%dma_start3A, %dma_start3A_168] : memref<100x64xi32, #tpu.memory_space<vmem>> -> memref<100x64xi32, #tpu.memory_space<vmem>>
      %dma_start3A_170 = arith.constant 0 : i32
      %dma_start3A_171 = tpu.memref_slice %arg6[%add3A_54, %dma_start3A_170] : memref<20000x64xi32, #tpu.memory_space<hbm>> -> memref<100x64xi32, #tpu.memory_space<hbm>>
      %dma_start3A_172 = arith.constant 0 : i32
      %dma_start3A_173 = tpu.memref_slice %arg6[%add3A_54, %dma_start3A_172] : memref<20000x64xi32, #tpu.memory_space<hbm>> -> memref<100x64xi32, #tpu.memory_space<hbm>>
      %dma_start3A_174 = arith.constant 0 : i32
      %dma_start3A_175 = arith.constant 0 : i32
      %dma_start3A_176 = tpu.memref_slice %arg12[%dma_start3A_174, %dma_start3A_175] : memref<100x64xi32, #tpu.memory_space<vmem>> -> memref<100x64xi32, #tpu.memory_space<vmem>>
      tpu.enqueue_dma source(%dma_start3A_176 : memref<100x64xi32, #tpu.memory_space<vmem>>) target(%dma_start3A_173 : memref<100x64xi32, #tpu.memory_space<hbm>>) target_semaphore(%run_scoped3A : memref<!tpu.dma_semaphore, #tpu.memory_space<semaphore_mem>>)
      %dma_wait3A_177 = arith.constant 0 : i32
      %dma_wait3A_178 = arith.constant 0 : i32
      %dma_wait3A_179 = tpu.memref_slice %arg12[%dma_wait3A_177, %dma_wait3A_178] : memref<100x64xi32, #tpu.memory_space<vmem>> -> memref<100x64xi32, #tpu.memory_space<vmem>>
      %dma_wait3A_180 = arith.constant 0 : i32
      %dma_wait3A_181 = tpu.memref_slice %arg6[%add3A_54, %dma_wait3A_180] : memref<20000x64xi32, #tpu.memory_space<hbm>> -> memref<100x64xi32, #tpu.memory_space<hbm>>
      %dma_wait3A_182 = arith.constant 0 : i32
      %dma_wait3A_183 = tpu.memref_slice %arg6[%add3A_54, %dma_wait3A_182] : memref<20000x64xi32, #tpu.memory_space<hbm>> -> memref<100x64xi32, #tpu.memory_space<hbm>>
      %dma_wait3A_184 = arith.constant 0 : i32
      %dma_wait3A_185 = arith.constant 0 : i32
      %dma_wait3A_186 = tpu.memref_slice %arg12[%dma_wait3A_184, %dma_wait3A_185] : memref<100x64xi32, #tpu.memory_space<vmem>> -> memref<100x64xi32, #tpu.memory_space<vmem>>
      tpu.wait_dma2 semaphore(%run_scoped3A : memref<!tpu.dma_semaphore, #tpu.memory_space<semaphore_mem>>) src(%dma_wait3A_186 : memref<100x64xi32, #tpu.memory_space<vmem>>) dst(%dma_wait3A_183 : memref<100x64xi32, #tpu.memory_space<hbm>>)
      tpu.yield
    }) : () -> ()
    %mul3A_55 = arith.constant 10000 : i32
    %mul3A_56 = arith.muli %arg0, %mul3A_55 : i32
    %add3A_57 = arith.addi %mul3A_56, %mul3A_0 : i32
    %add3A_58 = arith.constant 300 : i32
    %add3A_59 = arith.addi %add3A_57, %add3A_58 : i32
    "tpu.region"() ({
      %run_scoped3A = tpu.sem_alloc : memref<!tpu.dma_semaphore, #tpu.memory_space<semaphore_mem>>
      %dma_start3A = arith.constant 0 : i32
      %dma_start3A_168 = arith.constant 0 : i32
      %dma_start3A_169 = tpu.memref_slice %arg10[%dma_start3A, %dma_start3A_168] : memref<100x128xf32, #tpu.memory_space<vmem>> -> memref<100x128xf32, #tpu.memory_space<vmem>>
      %dma_start3A_170 = arith.constant 0 : i32
      %dma_start3A_171 = tpu.memref_slice %arg2[%add3A_59, %dma_start3A_170] : memref<20000x128xf32, #tpu.memory_space<hbm>> -> memref<100x128xf32, #tpu.memory_space<hbm>>
      %dma_start3A_172 = arith.constant 0 : i32
      %dma_start3A_173 = arith.constant 0 : i32
      %dma_start3A_174 = tpu.memref_slice %arg10[%dma_start3A_172, %dma_start3A_173] : memref<100x128xf32, #tpu.memory_space<vmem>> -> memref<100x128xf32, #tpu.memory_space<vmem>>
      %dma_start3A_175 = arith.constant 0 : i32
      %dma_start3A_176 = tpu.memref_slice %arg2[%add3A_59, %dma_start3A_175] : memref<20000x128xf32, #tpu.memory_space<hbm>> -> memref<100x128xf32, #tpu.memory_space<hbm>>
      tpu.enqueue_dma source(%dma_start3A_176 : memref<100x128xf32, #tpu.memory_space<hbm>>) target(%dma_start3A_174 : memref<100x128xf32, #tpu.memory_space<vmem>>) target_semaphore(%run_scoped3A : memref<!tpu.dma_semaphore, #tpu.memory_space<semaphore_mem>>)
      %dma_wait3A_177 = arith.constant 0 : i32
      %dma_wait3A_178 = arith.constant 0 : i32
      %dma_wait3A_179 = tpu.memref_slice %arg10[%dma_wait3A_177, %dma_wait3A_178] : memref<100x128xf32, #tpu.memory_space<vmem>> -> memref<100x128xf32, #tpu.memory_space<vmem>>
      %dma_wait3A_180 = arith.constant 0 : i32
      %dma_wait3A_181 = tpu.memref_slice %arg2[%add3A_59, %dma_wait3A_180] : memref<20000x128xf32, #tpu.memory_space<hbm>> -> memref<100x128xf32, #tpu.memory_space<hbm>>
      %dma_wait3A_182 = arith.constant 0 : i32
      %dma_wait3A_183 = arith.constant 0 : i32
      %dma_wait3A_184 = tpu.memref_slice %arg10[%dma_wait3A_182, %dma_wait3A_183] : memref<100x128xf32, #tpu.memory_space<vmem>> -> memref<100x128xf32, #tpu.memory_space<vmem>>
      %dma_wait3A_185 = arith.constant 0 : i32
      %dma_wait3A_186 = tpu.memref_slice %arg2[%add3A_59, %dma_wait3A_185] : memref<20000x128xf32, #tpu.memory_space<hbm>> -> memref<100x128xf32, #tpu.memory_space<hbm>>
      tpu.wait_dma2 semaphore(%run_scoped3A : memref<!tpu.dma_semaphore, #tpu.memory_space<semaphore_mem>>) src(%dma_wait3A_186 : memref<100x128xf32, #tpu.memory_space<hbm>>) dst(%dma_wait3A_184 : memref<100x128xf32, #tpu.memory_space<vmem>>)
      tpu.yield
    }) : () -> ()
    %scan3A_60 = arith.constant 0 : i32
    %scan3A_61 = arith.constant 0 : i32
    %scan3A_62 = arith.constant 100 : i32
    %scan3A_63 = arith.addi %scan3A_61, %scan3A_62 : i32
    %scan3A_64 = arith.constant 1 : i32
    scf.for %scan3A_168 = %scan3A_61 to %scan3A_63 step %scan3A_64  : i32 {
      %get3A = arith.index_cast %scan3A_168 : i32 to index
      %get3A_169 = arith.constant 0 : index
      %get3A_170 = tpu.vector_load %arg10[%get3A, %get3A_169] {strides = array<i32>} : memref<100x128xf32, #tpu.memory_space<vmem>>, vector<16xf32>,
      %get3A_171 = arith.index_cast %scan3A_168 : i32 to index
      %get3A_172 = arith.constant 16 : index
      %get3A_173 = tpu.vector_load %arg10[%get3A_171, %get3A_172] {strides = array<i32>} : memref<100x128xf32, #tpu.memory_space<vmem>>, vector<16xf32>,
      %pack3A = tpu.pack_subelements %get3A_170, %get3A_173 {pack_format = #tpu.pack_format<interleaved>, positions = array<i32: 0, 1>} : vector<16xf32>, vector<16xf32> -> vector<32xbf16>
      %bitcast3A = vector.bitcast %pack3A : vector<32xbf16> to vector<16xi32>
      %swap3A = arith.index_cast %scan3A_168 : i32 to index
      %swap3A_174 = arith.constant 0 : index
      %swap3A_175 = tpu.vector_load %arg12[%swap3A, %swap3A_174] {strides = array<i32>} : memref<100x64xi32, #tpu.memory_space<vmem>>, vector<16xi32>,
      tpu.vector_store %arg12[%swap3A, %swap3A_174], %bitcast3A {strides = array<i32>} : memref<100x64xi32, #tpu.memory_space<vmem>>, vector<16xi32>,
      %get3A_176 = arith.index_cast %scan3A_168 : i32 to index
      %get3A_177 = arith.constant 32 : index
      %get3A_178 = tpu.vector_load %arg10[%get3A_176, %get3A_177] {strides = array<i32>} : memref<100x128xf32, #tpu.memory_space<vmem>>, vector<16xf32>,
      %get3A_179 = arith.index_cast %scan3A_168 : i32 to index
      %get3A_180 = arith.constant 48 : index
      %get3A_181 = tpu.vector_load %arg10[%get3A_179, %get3A_180] {strides = array<i32>} : memref<100x128xf32, #tpu.memory_space<vmem>>, vector<16xf32>,
      %pack3A_182 = tpu.pack_subelements %get3A_178, %get3A_181 {pack_format = #tpu.pack_format<interleaved>, positions = array<i32: 0, 1>} : vector<16xf32>, vector<16xf32> -> vector<32xbf16>
      %bitcast3A_183 = vector.bitcast %pack3A_182 : vector<32xbf16> to vector<16xi32>
      %swap3A_184 = arith.index_cast %scan3A_168 : i32 to index
      %swap3A_185 = arith.constant 16 : index
      %swap3A_186 = tpu.vector_load %arg12[%swap3A_184, %swap3A_185] {strides = array<i32>} : memref<100x64xi32, #tpu.memory_space<vmem>>, vector<16xi32>,
      tpu.vector_store %arg12[%swap3A_184, %swap3A_185], %bitcast3A_183 {strides = array<i32>} : memref<100x64xi32, #tpu.memory_space<vmem>>, vector<16xi32>,
      %get3A_187 = arith.index_cast %scan3A_168 : i32 to index
      %get3A_188 = arith.constant 64 : index
      %get3A_189 = tpu.vector_load %arg10[%get3A_187, %get3A_188] {strides = array<i32>} : memref<100x128xf32, #tpu.memory_space<vmem>>, vector<16xf32>,
      %get3A_190 = arith.index_cast %scan3A_168 : i32 to index
      %get3A_191 = arith.constant 80 : index
      %get3A_192 = tpu.vector_load %arg10[%get3A_190, %get3A_191] {strides = array<i32>} : memref<100x128xf32, #tpu.memory_space<vmem>>, vector<16xf32>,
      %pack3A_193 = tpu.pack_subelements %get3A_189, %get3A_192 {pack_format = #tpu.pack_format<interleaved>, positions = array<i32: 0, 1>} : vector<16xf32>, vector<16xf32> -> vector<32xbf16>
      %bitcast3A_194 = vector.bitcast %pack3A_193 : vector<32xbf16> to vector<16xi32>
      %swap3A_195 = arith.index_cast %scan3A_168 : i32 to index
      %swap3A_196 = arith.constant 32 : index
      %swap3A_197 = tpu.vector_load %arg12[%swap3A_195, %swap3A_196] {strides = array<i32>} : memref<100x64xi32, #tpu.memory_space<vmem>>, vector<16xi32>,
      tpu.vector_store %arg12[%swap3A_195, %swap3A_196], %bitcast3A_194 {strides = array<i32>} : memref<100x64xi32, #tpu.memory_space<vmem>>, vector<16xi32>,
      %get3A_198 = arith.index_cast %scan3A_168 : i32 to index
      %get3A_199 = arith.constant 96 : index
      %get3A_200 = tpu.vector_load %arg10[%get3A_198, %get3A_199] {strides = array<i32>} : memref<100x128xf32, #tpu.memory_space<vmem>>, vector<16xf32>,
      %get3A_201 = arith.index_cast %scan3A_168 : i32 to index
      %get3A_202 = arith.constant 112 : index
      %get3A_203 = tpu.vector_load %arg10[%get3A_201, %get3A_202] {strides = array<i32>} : memref<100x128xf32, #tpu.memory_space<vmem>>, vector<16xf32>,
      %pack3A_204 = tpu.pack_subelements %get3A_200, %get3A_203 {pack_format = #tpu.pack_format<interleaved>, positions = array<i32: 0, 1>} : vector<16xf32>, vector<16xf32> -> vector<32xbf16>
      %bitcast3A_205 = vector.bitcast %pack3A_204 : vector<32xbf16> to vector<16xi32>
      %swap3A_206 = arith.index_cast %scan3A_168 : i32 to index
      %swap3A_207 = arith.constant 48 : index
      %swap3A_208 = tpu.vector_load %arg12[%swap3A_206, %swap3A_207] {strides = array<i32>} : memref<100x64xi32, #tpu.memory_space<vmem>>, vector<16xi32>,
      tpu.vector_store %arg12[%swap3A_206, %swap3A_207], %bitcast3A_205 {strides = array<i32>} : memref<100x64xi32, #tpu.memory_space<vmem>>, vector<16xi32>,
    }
    %scan3A_65 = arith.constant 100 : i32
    %add3A_66 = arith.constant 300 : i32
    %add3A_67 = arith.addi %mul3A_0, %add3A_66 : i32
    "tpu.region"() ({
      %run_scoped3A = tpu.sem_alloc : memref<!tpu.dma_semaphore, #tpu.memory_space<semaphore_mem>>
      %dma_start3A = arith.constant 0 : i32
      %dma_start3A_168 = arith.constant 0 : i32
      %dma_start3A_169 = tpu.memref_slice %arg10[%dma_start3A, %dma_start3A_168] : memref<100x128xf32, #tpu.memory_space<vmem>> -> memref<100x128xf32, #tpu.memory_space<vmem>>
      %dma_start3A_170 = arith.constant 0 : i32
      %dma_start3A_171 = tpu.memref_slice %arg7[%add3A_67, %dma_start3A_170] : memref<10000x128xf32, #tpu.memory_space<vmem_shared>> -> memref<100x128xf32, #tpu.memory_space<vmem_shared>>
      %dma_start3A_172 = arith.constant 0 : i32
      %dma_start3A_173 = tpu.memref_slice %arg7[%add3A_67, %dma_start3A_172] : memref<10000x128xf32, #tpu.memory_space<vmem_shared>> -> memref<100x128xf32, #tpu.memory_space<vmem_shared>>
      %dma_start3A_174 = arith.constant 0 : i32
      %dma_start3A_175 = arith.constant 0 : i32
      %dma_start3A_176 = tpu.memref_slice %arg10[%dma_start3A_174, %dma_start3A_175] : memref<100x128xf32, #tpu.memory_space<vmem>> -> memref<100x128xf32, #tpu.memory_space<vmem>>
      tpu.enqueue_dma source(%dma_start3A_176 : memref<100x128xf32, #tpu.memory_space<vmem>>) target(%dma_start3A_173 : memref<100x128xf32, #tpu.memory_space<vmem_shared>>) target_semaphore(%run_scoped3A : memref<!tpu.dma_semaphore, #tpu.memory_space<semaphore_mem>>)
      %dma_wait3A_177 = arith.constant 0 : i32
      %dma_wait3A_178 = arith.constant 0 : i32
      %dma_wait3A_179 = tpu.memref_slice %arg10[%dma_wait3A_177, %dma_wait3A_178] : memref<100x128xf32, #tpu.memory_space<vmem>> -> memref<100x128xf32, #tpu.memory_space<vmem>>
      %dma_wait3A_180 = arith.constant 0 : i32
      %dma_wait3A_181 = tpu.memref_slice %arg7[%add3A_67, %dma_wait3A_180] : memref<10000x128xf32, #tpu.memory_space<vmem_shared>> -> memref<100x128xf32, #tpu.memory_space<vmem_shared>>
      %dma_wait3A_182 = arith.constant 0 : i32
      %dma_wait3A_183 = tpu.memref_slice %arg7[%add3A_67, %dma_wait3A_182] : memref<10000x128xf32, #tpu.memory_space<vmem_shared>> -> memref<100x128xf32, #tpu.memory_space<vmem_shared>>
      %dma_wait3A_184 = arith.constant 0 : i32
      %dma_wait3A_185 = arith.constant 0 : i32
      %dma_wait3A_186 = tpu.memref_slice %arg10[%dma_wait3A_184, %dma_wait3A_185] : memref<100x128xf32, #tpu.memory_space<vmem>> -> memref<100x128xf32, #tpu.memory_space<vmem>>
      tpu.wait_dma2 semaphore(%run_scoped3A : memref<!tpu.dma_semaphore, #tpu.memory_space<semaphore_mem>>) src(%dma_wait3A_186 : memref<100x128xf32, #tpu.memory_space<vmem>>) dst(%dma_wait3A_183 : memref<100x128xf32, #tpu.memory_space<vmem_shared>>)
      tpu.yield
    }) : () -> ()
    %mul3A_68 = arith.constant 10000 : i32
    %mul3A_69 = arith.muli %arg0, %mul3A_68 : i32
    %add3A_70 = arith.addi %mul3A_69, %mul3A_0 : i32
    %add3A_71 = arith.constant 300 : i32
    %add3A_72 = arith.addi %add3A_70, %add3A_71 : i32
    "tpu.region"() ({
      %run_scoped3A = tpu.sem_alloc : memref<!tpu.dma_semaphore, #tpu.memory_space<semaphore_mem>>
      %dma_start3A = arith.constant 0 : i32
      %dma_start3A_168 = arith.constant 0 : i32
      %dma_start3A_169 = tpu.memref_slice %arg12[%dma_start3A, %dma_start3A_168] : memref<100x64xi32, #tpu.memory_space<vmem>> -> memref<100x64xi32, #tpu.memory_space<vmem>>
      %dma_start3A_170 = arith.constant 0 : i32
      %dma_start3A_171 = tpu.memref_slice %arg6[%add3A_72, %dma_start3A_170] : memref<20000x64xi32, #tpu.memory_space<hbm>> -> memref<100x64xi32, #tpu.memory_space<hbm>>
      %dma_start3A_172 = arith.constant 0 : i32
      %dma_start3A_173 = tpu.memref_slice %arg6[%add3A_72, %dma_start3A_172] : memref<20000x64xi32, #tpu.memory_space<hbm>> -> memref<100x64xi32, #tpu.memory_space<hbm>>
      %dma_start3A_174 = arith.constant 0 : i32
      %dma_start3A_175 = arith.constant 0 : i32
      %dma_start3A_176 = tpu.memref_slice %arg12[%dma_start3A_174, %dma_start3A_175] : memref<100x64xi32, #tpu.memory_space<vmem>> -> memref<100x64xi32, #tpu.memory_space<vmem>>
      tpu.enqueue_dma source(%dma_start3A_176 : memref<100x64xi32, #tpu.memory_space<vmem>>) target(%dma_start3A_173 : memref<100x64xi32, #tpu.memory_space<hbm>>) target_semaphore(%run_scoped3A : memref<!tpu.dma_semaphore, #tpu.memory_space<semaphore_mem>>)
      %dma_wait3A_177 = arith.constant 0 : i32
      %dma_wait3A_178 = arith.constant 0 : i32
      %dma_wait3A_179 = tpu.memref_slice %arg12[%dma_wait3A_177, %dma_wait3A_178] : memref<100x64xi32, #tpu.memory_space<vmem>> -> memref<100x64xi32, #tpu.memory_space<vmem>>
      %dma_wait3A_180 = arith.constant 0 : i32
      %dma_wait3A_181 = tpu.memref_slice %arg6[%add3A_72, %dma_wait3A_180] : memref<20000x64xi32, #tpu.memory_space<hbm>> -> memref<100x64xi32, #tpu.memory_space<hbm>>
      %dma_wait3A_182 = arith.constant 0 : i32
      %dma_wait3A_183 = tpu.memref_slice %arg6[%add3A_72, %dma_wait3A_182] : memref<20000x64xi32, #tpu.memory_space<hbm>> -> memref<100x64xi32, #tpu.memory_space<hbm>>
      %dma_wait3A_184 = arith.constant 0 : i32
      %dma_wait3A_185 = arith.constant 0 : i32
      %dma_wait3A_186 = tpu.memref_slice %arg12[%dma_wait3A_184, %dma_wait3A_185] : memref<100x64xi32, #tpu.memory_space<vmem>> -> memref<100x64xi32, #tpu.memory_space<vmem>>
      tpu.wait_dma2 semaphore(%run_scoped3A : memref<!tpu.dma_semaphore, #tpu.memory_space<semaphore_mem>>) src(%dma_wait3A_186 : memref<100x64xi32, #tpu.memory_space<vmem>>) dst(%dma_wait3A_183 : memref<100x64xi32, #tpu.memory_space<hbm>>)
      tpu.yield
    }) : () -> ()
    %mul3A_73 = arith.constant 10000 : i32
    %mul3A_74 = arith.muli %arg0, %mul3A_73 : i32
    %add3A_75 = arith.addi %mul3A_74, %mul3A_0 : i32
    %add3A_76 = arith.constant 400 : i32
    %add3A_77 = arith.addi %add3A_75, %add3A_76 : i32
    "tpu.region"() ({
      %run_scoped3A = tpu.sem_alloc : memref<!tpu.dma_semaphore, #tpu.memory_space<semaphore_mem>>
      %dma_start3A = arith.constant 0 : i32
      %dma_start3A_168 = arith.constant 0 : i32
      %dma_start3A_169 = tpu.memref_slice %arg10[%dma_start3A, %dma_start3A_168] : memref<100x128xf32, #tpu.memory_space<vmem>> -> memref<100x128xf32, #tpu.memory_space<vmem>>
      %dma_start3A_170 = arith.constant 0 : i32
      %dma_start3A_171 = tpu.memref_slice %arg2[%add3A_77, %dma_start3A_170] : memref<20000x128xf32, #tpu.memory_space<hbm>> -> memref<100x128xf32, #tpu.memory_space<hbm>>
      %dma_start3A_172 = arith.constant 0 : i32
      %dma_start3A_173 = arith.constant 0 : i32
      %dma_start3A_174 = tpu.memref_slice %arg10[%dma_start3A_172, %dma_start3A_173] : memref<100x128xf32, #tpu.memory_space<vmem>> -> memref<100x128xf32, #tpu.memory_space<vmem>>
      %dma_start3A_175 = arith.constant 0 : i32
      %dma_start3A_176 = tpu.memref_slice %arg2[%add3A_77, %dma_start3A_175] : memref<20000x128xf32, #tpu.memory_space<hbm>> -> memref<100x128xf32, #tpu.memory_space<hbm>>
      tpu.enqueue_dma source(%dma_start3A_176 : memref<100x128xf32, #tpu.memory_space<hbm>>) target(%dma_start3A_174 : memref<100x128xf32, #tpu.memory_space<vmem>>) target_semaphore(%run_scoped3A : memref<!tpu.dma_semaphore, #tpu.memory_space<semaphore_mem>>)
      %dma_wait3A_177 = arith.constant 0 : i32
      %dma_wait3A_178 = arith.constant 0 : i32
      %dma_wait3A_179 = tpu.memref_slice %arg10[%dma_wait3A_177, %dma_wait3A_178] : memref<100x128xf32, #tpu.memory_space<vmem>> -> memref<100x128xf32, #tpu.memory_space<vmem>>
      %dma_wait3A_180 = arith.constant 0 : i32
      %dma_wait3A_181 = tpu.memref_slice %arg2[%add3A_77, %dma_wait3A_180] : memref<20000x128xf32, #tpu.memory_space<hbm>> -> memref<100x128xf32, #tpu.memory_space<hbm>>
      %dma_wait3A_182 = arith.constant 0 : i32
      %dma_wait3A_183 = arith.constant 0 : i32
      %dma_wait3A_184 = tpu.memref_slice %arg10[%dma_wait3A_182, %dma_wait3A_183] : memref<100x128xf32, #tpu.memory_space<vmem>> -> memref<100x128xf32, #tpu.memory_space<vmem>>
      %dma_wait3A_185 = arith.constant 0 : i32
      %dma_wait3A_186 = tpu.memref_slice %arg2[%add3A_77, %dma_wait3A_185] : memref<20000x128xf32, #tpu.memory_space<hbm>> -> memref<100x128xf32, #tpu.memory_space<hbm>>
      tpu.wait_dma2 semaphore(%run_scoped3A : memref<!tpu.dma_semaphore, #tpu.memory_space<semaphore_mem>>) src(%dma_wait3A_186 : memref<100x128xf32, #tpu.memory_space<hbm>>) dst(%dma_wait3A_184 : memref<100x128xf32, #tpu.memory_space<vmem>>)
      tpu.yield
    }) : () -> ()
    %scan3A_78 = arith.constant 0 : i32
    %scan3A_79 = arith.constant 0 : i32
    %scan3A_80 = arith.constant 100 : i32
    %scan3A_81 = arith.addi %scan3A_79, %scan3A_80 : i32
    %scan3A_82 = arith.constant 1 : i32
    scf.for %scan3A_168 = %scan3A_79 to %scan3A_81 step %scan3A_82  : i32 {
      %get3A = arith.index_cast %scan3A_168 : i32 to index
      %get3A_169 = arith.constant 0 : index
      %get3A_170 = tpu.vector_load %arg10[%get3A, %get3A_169] {strides = array<i32>} : memref<100x128xf32, #tpu.memory_space<vmem>>, vector<16xf32>,
      %get3A_171 = arith.index_cast %scan3A_168 : i32 to index
      %get3A_172 = arith.constant 16 : index
      %get3A_173 = tpu.vector_load %arg10[%get3A_171, %get3A_172] {strides = array<i32>} : memref<100x128xf32, #tpu.memory_space<vmem>>, vector<16xf32>,
      %pack3A = tpu.pack_subelements %get3A_170, %get3A_173 {pack_format = #tpu.pack_format<interleaved>, positions = array<i32: 0, 1>} : vector<16xf32>, vector<16xf32> -> vector<32xbf16>
      %bitcast3A = vector.bitcast %pack3A : vector<32xbf16> to vector<16xi32>
      %swap3A = arith.index_cast %scan3A_168 : i32 to index
      %swap3A_174 = arith.constant 0 : index
      %swap3A_175 = tpu.vector_load %arg12[%swap3A, %swap3A_174] {strides = array<i32>} : memref<100x64xi32, #tpu.memory_space<vmem>>, vector<16xi32>,
      tpu.vector_store %arg12[%swap3A, %swap3A_174], %bitcast3A {strides = array<i32>} : memref<100x64xi32, #tpu.memory_space<vmem>>, vector<16xi32>,
      %get3A_176 = arith.index_cast %scan3A_168 : i32 to index
      %get3A_177 = arith.constant 32 : index
      %get3A_178 = tpu.vector_load %arg10[%get3A_176, %get3A_177] {strides = array<i32>} : memref<100x128xf32, #tpu.memory_space<vmem>>, vector<16xf32>,
      %get3A_179 = arith.index_cast %scan3A_168 : i32 to index
      %get3A_180 = arith.constant 48 : index
      %get3A_181 = tpu.vector_load %arg10[%get3A_179, %get3A_180] {strides = array<i32>} : memref<100x128xf32, #tpu.memory_space<vmem>>, vector<16xf32>,
      %pack3A_182 = tpu.pack_subelements %get3A_178, %get3A_181 {pack_format = #tpu.pack_format<interleaved>, positions = array<i32: 0, 1>} : vector<16xf32>, vector<16xf32> -> vector<32xbf16>
      %bitcast3A_183 = vector.bitcast %pack3A_182 : vector<32xbf16> to vector<16xi32>
      %swap3A_184 = arith.index_cast %scan3A_168 : i32 to index
      %swap3A_185 = arith.constant 16 : index
      %swap3A_186 = tpu.vector_load %arg12[%swap3A_184, %swap3A_185] {strides = array<i32>} : memref<100x64xi32, #tpu.memory_space<vmem>>, vector<16xi32>,
      tpu.vector_store %arg12[%swap3A_184, %swap3A_185], %bitcast3A_183 {strides = array<i32>} : memref<100x64xi32, #tpu.memory_space<vmem>>, vector<16xi32>,
      %get3A_187 = arith.index_cast %scan3A_168 : i32 to index
      %get3A_188 = arith.constant 64 : index
      %get3A_189 = tpu.vector_load %arg10[%get3A_187, %get3A_188] {strides = array<i32>} : memref<100x128xf32, #tpu.memory_space<vmem>>, vector<16xf32>,
      %get3A_190 = arith.index_cast %scan3A_168 : i32 to index
      %get3A_191 = arith.constant 80 : index
      %get3A_192 = tpu.vector_load %arg10[%get3A_190, %get3A_191] {strides = array<i32>} : memref<100x128xf32, #tpu.memory_space<vmem>>, vector<16xf32>,
      %pack3A_193 = tpu.pack_subelements %get3A_189, %get3A_192 {pack_format = #tpu.pack_format<interleaved>, positions = array<i32: 0, 1>} : vector<16xf32>, vector<16xf32> -> vector<32xbf16>
      %bitcast3A_194 = vector.bitcast %pack3A_193 : vector<32xbf16> to vector<16xi32>
      %swap3A_195 = arith.index_cast %scan3A_168 : i32 to index
      %swap3A_196 = arith.constant 32 : index
      %swap3A_197 = tpu.vector_load %arg12[%swap3A_195, %swap3A_196] {strides = array<i32>} : memref<100x64xi32, #tpu.memory_space<vmem>>, vector<16xi32>,
      tpu.vector_store %arg12[%swap3A_195, %swap3A_196], %bitcast3A_194 {strides = array<i32>} : memref<100x64xi32, #tpu.memory_space<vmem>>, vector<16xi32>,
      %get3A_198 = arith.index_cast %scan3A_168 : i32 to index
      %get3A_199 = arith.constant 96 : index
      %get3A_200 = tpu.vector_load %arg10[%get3A_198, %get3A_199] {strides = array<i32>} : memref<100x128xf32, #tpu.memory_space<vmem>>, vector<16xf32>,
      %get3A_201 = arith.index_cast %scan3A_168 : i32 to index
      %get3A_202 = arith.constant 112 : index
      %get3A_203 = tpu.vector_load %arg10[%get3A_201, %get3A_202] {strides = array<i32>} : memref<100x128xf32, #tpu.memory_space<vmem>>, vector<16xf32>,
      %pack3A_204 = tpu.pack_subelements %get3A_200, %get3A_203 {pack_format = #tpu.pack_format<interleaved>, positions = array<i32: 0, 1>} : vector<16xf32>, vector<16xf32> -> vector<32xbf16>
      %bitcast3A_205 = vector.bitcast %pack3A_204 : vector<32xbf16> to vector<16xi32>
      %swap3A_206 = arith.index_cast %scan3A_168 : i32 to index
      %swap3A_207 = arith.constant 48 : index
      %swap3A_208 = tpu.vector_load %arg12[%swap3A_206, %swap3A_207] {strides = array<i32>} : memref<100x64xi32, #tpu.memory_space<vmem>>, vector<16xi32>,
      tpu.vector_store %arg12[%swap3A_206, %swap3A_207], %bitcast3A_205 {strides = array<i32>} : memref<100x64xi32, #tpu.memory_space<vmem>>, vector<16xi32>,
    }
    %scan3A_83 = arith.constant 100 : i32
    %add3A_84 = arith.constant 400 : i32
    %add3A_85 = arith.addi %mul3A_0, %add3A_84 : i32
    "tpu.region"() ({
      %run_scoped3A = tpu.sem_alloc : memref<!tpu.dma_semaphore, #tpu.memory_space<semaphore_mem>>
      %dma_start3A = arith.constant 0 : i32
      %dma_start3A_168 = arith.constant 0 : i32
      %dma_start3A_169 = tpu.memref_slice %arg10[%dma_start3A, %dma_start3A_168] : memref<100x128xf32, #tpu.memory_space<vmem>> -> memref<100x128xf32, #tpu.memory_space<vmem>>
      %dma_start3A_170 = arith.constant 0 : i32
      %dma_start3A_171 = tpu.memref_slice %arg7[%add3A_85, %dma_start3A_170] : memref<10000x128xf32, #tpu.memory_space<vmem_shared>> -> memref<100x128xf32, #tpu.memory_space<vmem_shared>>
      %dma_start3A_172 = arith.constant 0 : i32
      %dma_start3A_173 = tpu.memref_slice %arg7[%add3A_85, %dma_start3A_172] : memref<10000x128xf32, #tpu.memory_space<vmem_shared>> -> memref<100x128xf32, #tpu.memory_space<vmem_shared>>
      %dma_start3A_174 = arith.constant 0 : i32
      %dma_start3A_175 = arith.constant 0 : i32
      %dma_start3A_176 = tpu.memref_slice %arg10[%dma_start3A_174, %dma_start3A_175] : memref<100x128xf32, #tpu.memory_space<vmem>> -> memref<100x128xf32, #tpu.memory_space<vmem>>
      tpu.enqueue_dma source(%dma_start3A_176 : memref<100x128xf32, #tpu.memory_space<vmem>>) target(%dma_start3A_173 : memref<100x128xf32, #tpu.memory_space<vmem_shared>>) target_semaphore(%run_scoped3A : memref<!tpu.dma_semaphore, #tpu.memory_space<semaphore_mem>>)
      %dma_wait3A_177 = arith.constant 0 : i32
      %dma_wait3A_178 = arith.constant 0 : i32
      %dma_wait3A_179 = tpu.memref_slice %arg10[%dma_wait3A_177, %dma_wait3A_178] : memref<100x128xf32, #tpu.memory_space<vmem>> -> memref<100x128xf32, #tpu.memory_space<vmem>>
      %dma_wait3A_180 = arith.constant 0 : i32
      %dma_wait3A_181 = tpu.memref_slice %arg7[%add3A_85, %dma_wait3A_180] : memref<10000x128xf32, #tpu.memory_space<vmem_shared>> -> memref<100x128xf32, #tpu.memory_space<vmem_shared>>
      %dma_wait3A_182 = arith.constant 0 : i32
      %dma_wait3A_183 = tpu.memref_slice %arg7[%add3A_85, %dma_wait3A_182] : memref<10000x128xf32, #tpu.memory_space<vmem_shared>> -> memref<100x128xf32, #tpu.memory_space<vmem_shared>>
      %dma_wait3A_184 = arith.constant 0 : i32
      %dma_wait3A_185 = arith.constant 0 : i32
      %dma_wait3A_186 = tpu.memref_slice %arg10[%dma_wait3A_184, %dma_wait3A_185] : memref<100x128xf32, #tpu.memory_space<vmem>> -> memref<100x128xf32, #tpu.memory_space<vmem>>
      tpu.wait_dma2 semaphore(%run_scoped3A : memref<!tpu.dma_semaphore, #tpu.memory_space<semaphore_mem>>) src(%dma_wait3A_186 : memref<100x128xf32, #tpu.memory_space<vmem>>) dst(%dma_wait3A_183 : memref<100x128xf32, #tpu.memory_space<vmem_shared>>)
      tpu.yield
    }) : () -> ()
    %mul3A_86 = arith.constant 10000 : i32
    %mul3A_87 = arith.muli %arg0, %mul3A_86 : i32
    %add3A_88 = arith.addi %mul3A_87, %mul3A_0 : i32
    %add3A_89 = arith.constant 400 : i32
    %add3A_90 = arith.addi %add3A_88, %add3A_89 : i32
    "tpu.region"() ({
      %run_scoped3A = tpu.sem_alloc : memref<!tpu.dma_semaphore, #tpu.memory_space<semaphore_mem>>
      %dma_start3A = arith.constant 0 : i32
      %dma_start3A_168 = arith.constant 0 : i32
      %dma_start3A_169 = tpu.memref_slice %arg12[%dma_start3A, %dma_start3A_168] : memref<100x64xi32, #tpu.memory_space<vmem>> -> memref<100x64xi32, #tpu.memory_space<vmem>>
      %dma_start3A_170 = arith.constant 0 : i32
      %dma_start3A_171 = tpu.memref_slice %arg6[%add3A_90, %dma_start3A_170] : memref<20000x64xi32, #tpu.memory_space<hbm>> -> memref<100x64xi32, #tpu.memory_space<hbm>>
      %dma_start3A_172 = arith.constant 0 : i32
      %dma_start3A_173 = tpu.memref_slice %arg6[%add3A_90, %dma_start3A_172] : memref<20000x64xi32, #tpu.memory_space<hbm>> -> memref<100x64xi32, #tpu.memory_space<hbm>>
      %dma_start3A_174 = arith.constant 0 : i32
      %dma_start3A_175 = arith.constant 0 : i32
      %dma_start3A_176 = tpu.memref_slice %arg12[%dma_start3A_174, %dma_start3A_175] : memref<100x64xi32, #tpu.memory_space<vmem>> -> memref<100x64xi32, #tpu.memory_space<vmem>>
      tpu.enqueue_dma source(%dma_start3A_176 : memref<100x64xi32, #tpu.memory_space<vmem>>) target(%dma_start3A_173 : memref<100x64xi32, #tpu.memory_space<hbm>>) target_semaphore(%run_scoped3A : memref<!tpu.dma_semaphore, #tpu.memory_space<semaphore_mem>>)
      %dma_wait3A_177 = arith.constant 0 : i32
      %dma_wait3A_178 = arith.constant 0 : i32
      %dma_wait3A_179 = tpu.memref_slice %arg12[%dma_wait3A_177, %dma_wait3A_178] : memref<100x64xi32, #tpu.memory_space<vmem>> -> memref<100x64xi32, #tpu.memory_space<vmem>>
      %dma_wait3A_180 = arith.constant 0 : i32
      %dma_wait3A_181 = tpu.memref_slice %arg6[%add3A_90, %dma_wait3A_180] : memref<20000x64xi32, #tpu.memory_space<hbm>> -> memref<100x64xi32, #tpu.memory_space<hbm>>
      %dma_wait3A_182 = arith.constant 0 : i32
      %dma_wait3A_183 = tpu.memref_slice %arg6[%add3A_90, %dma_wait3A_182] : memref<20000x64xi32, #tpu.memory_space<hbm>> -> memref<100x64xi32, #tpu.memory_space<hbm>>
      %dma_wait3A_184 = arith.constant 0 : i32
      %dma_wait3A_185 = arith.constant 0 : i32
      %dma_wait3A_186 = tpu.memref_slice %arg12[%dma_wait3A_184, %dma_wait3A_185] : memref<100x64xi32, #tpu.memory_space<vmem>> -> memref<100x64xi32, #tpu.memory_space<vmem>>
      tpu.wait_dma2 semaphore(%run_scoped3A : memref<!tpu.dma_semaphore, #tpu.memory_space<semaphore_mem>>) src(%dma_wait3A_186 : memref<100x64xi32, #tpu.memory_space<vmem>>) dst(%dma_wait3A_183 : memref<100x64xi32, #tpu.memory_space<hbm>>)
      tpu.yield
    }) : () -> ()
    %mul3A_91 = arith.constant 10000 : i32
    %mul3A_92 = arith.muli %arg0, %mul3A_91 : i32
    %add3A_93 = arith.addi %mul3A_92, %mul3A_0 : i32
    %add3A_94 = arith.constant 500 : i32
    %add3A_95 = arith.addi %add3A_93, %add3A_94 : i32
    "tpu.region"() ({
      %run_scoped3A = tpu.sem_alloc : memref<!tpu.dma_semaphore, #tpu.memory_space<semaphore_mem>>
      %dma_start3A = arith.constant 0 : i32
      %dma_start3A_168 = arith.constant 0 : i32
      %dma_start3A_169 = tpu.memref_slice %arg10[%dma_start3A, %dma_start3A_168] : memref<100x128xf32, #tpu.memory_space<vmem>> -> memref<100x128xf32, #tpu.memory_space<vmem>>
      %dma_start3A_170 = arith.constant 0 : i32
      %dma_start3A_171 = tpu.memref_slice %arg2[%add3A_95, %dma_start3A_170] : memref<20000x128xf32, #tpu.memory_space<hbm>> -> memref<100x128xf32, #tpu.memory_space<hbm>>
      %dma_start3A_172 = arith.constant 0 : i32
      %dma_start3A_173 = arith.constant 0 : i32
      %dma_start3A_174 = tpu.memref_slice %arg10[%dma_start3A_172, %dma_start3A_173] : memref<100x128xf32, #tpu.memory_space<vmem>> -> memref<100x128xf32, #tpu.memory_space<vmem>>
      %dma_start3A_175 = arith.constant 0 : i32
      %dma_start3A_176 = tpu.memref_slice %arg2[%add3A_95, %dma_start3A_175] : memref<20000x128xf32, #tpu.memory_space<hbm>> -> memref<100x128xf32, #tpu.memory_space<hbm>>
      tpu.enqueue_dma source(%dma_start3A_176 : memref<100x128xf32, #tpu.memory_space<hbm>>) target(%dma_start3A_174 : memref<100x128xf32, #tpu.memory_space<vmem>>) target_semaphore(%run_scoped3A : memref<!tpu.dma_semaphore, #tpu.memory_space<semaphore_mem>>)
      %dma_wait3A_177 = arith.constant 0 : i32
      %dma_wait3A_178 = arith.constant 0 : i32
      %dma_wait3A_179 = tpu.memref_slice %arg10[%dma_wait3A_177, %dma_wait3A_178] : memref<100x128xf32, #tpu.memory_space<vmem>> -> memref<100x128xf32, #tpu.memory_space<vmem>>
      %dma_wait3A_180 = arith.constant 0 : i32
      %dma_wait3A_181 = tpu.memref_slice %arg2[%add3A_95, %dma_wait3A_180] : memref<20000x128xf32, #tpu.memory_space<hbm>> -> memref<100x128xf32, #tpu.memory_space<hbm>>
      %dma_wait3A_182 = arith.constant 0 : i32
      %dma_wait3A_183 = arith.constant 0 : i32
      %dma_wait3A_184 = tpu.memref_slice %arg10[%dma_wait3A_182, %dma_wait3A_183] : memref<100x128xf32, #tpu.memory_space<vmem>> -> memref<100x128xf32, #tpu.memory_space<vmem>>
      %dma_wait3A_185 = arith.constant 0 : i32
      %dma_wait3A_186 = tpu.memref_slice %arg2[%add3A_95, %dma_wait3A_185] : memref<20000x128xf32, #tpu.memory_space<hbm>> -> memref<100x128xf32, #tpu.memory_space<hbm>>
      tpu.wait_dma2 semaphore(%run_scoped3A : memref<!tpu.dma_semaphore, #tpu.memory_space<semaphore_mem>>) src(%dma_wait3A_186 : memref<100x128xf32, #tpu.memory_space<hbm>>) dst(%dma_wait3A_184 : memref<100x128xf32, #tpu.memory_space<vmem>>)
      tpu.yield
    }) : () -> ()
    %scan3A_96 = arith.constant 0 : i32
    %scan3A_97 = arith.constant 0 : i32
    %scan3A_98 = arith.constant 100 : i32
    %scan3A_99 = arith.addi %scan3A_97, %scan3A_98 : i32
    %scan3A_100 = arith.constant 1 : i32
    scf.for %scan3A_168 = %scan3A_97 to %scan3A_99 step %scan3A_100  : i32 {
      %get3A = arith.index_cast %scan3A_168 : i32 to index
      %get3A_169 = arith.constant 0 : index
      %get3A_170 = tpu.vector_load %arg10[%get3A, %get3A_169] {strides = array<i32>} : memref<100x128xf32, #tpu.memory_space<vmem>>, vector<16xf32>,
      %get3A_171 = arith.index_cast %scan3A_168 : i32 to index
      %get3A_172 = arith.constant 16 : index
      %get3A_173 = tpu.vector_load %arg10[%get3A_171, %get3A_172] {strides = array<i32>} : memref<100x128xf32, #tpu.memory_space<vmem>>, vector<16xf32>,
      %pack3A = tpu.pack_subelements %get3A_170, %get3A_173 {pack_format = #tpu.pack_format<interleaved>, positions = array<i32: 0, 1>} : vector<16xf32>, vector<16xf32> -> vector<32xbf16>
      %bitcast3A = vector.bitcast %pack3A : vector<32xbf16> to vector<16xi32>
      %swap3A = arith.index_cast %scan3A_168 : i32 to index
      %swap3A_174 = arith.constant 0 : index
      %swap3A_175 = tpu.vector_load %arg12[%swap3A, %swap3A_174] {strides = array<i32>} : memref<100x64xi32, #tpu.memory_space<vmem>>, vector<16xi32>,
      tpu.vector_store %arg12[%swap3A, %swap3A_174], %bitcast3A {strides = array<i32>} : memref<100x64xi32, #tpu.memory_space<vmem>>, vector<16xi32>,
      %get3A_176 = arith.index_cast %scan3A_168 : i32 to index
      %get3A_177 = arith.constant 32 : index
      %get3A_178 = tpu.vector_load %arg10[%get3A_176, %get3A_177] {strides = array<i32>} : memref<100x128xf32, #tpu.memory_space<vmem>>, vector<16xf32>,
      %get3A_179 = arith.index_cast %scan3A_168 : i32 to index
      %get3A_180 = arith.constant 48 : index
      %get3A_181 = tpu.vector_load %arg10[%get3A_179, %get3A_180] {strides = array<i32>} : memref<100x128xf32, #tpu.memory_space<vmem>>, vector<16xf32>,
      %pack3A_182 = tpu.pack_subelements %get3A_178, %get3A_181 {pack_format = #tpu.pack_format<interleaved>, positions = array<i32: 0, 1>} : vector<16xf32>, vector<16xf32> -> vector<32xbf16>
      %bitcast3A_183 = vector.bitcast %pack3A_182 : vector<32xbf16> to vector<16xi32>
      %swap3A_184 = arith.index_cast %scan3A_168 : i32 to index
      %swap3A_185 = arith.constant 16 : index
      %swap3A_186 = tpu.vector_load %arg12[%swap3A_184, %swap3A_185] {strides = array<i32>} : memref<100x64xi32, #tpu.memory_space<vmem>>, vector<16xi32>,
      tpu.vector_store %arg12[%swap3A_184, %swap3A_185], %bitcast3A_183 {strides = array<i32>} : memref<100x64xi32, #tpu.memory_space<vmem>>, vector<16xi32>,
      %get3A_187 = arith.index_cast %scan3A_168 : i32 to index
      %get3A_188 = arith.constant 64 : index
      %get3A_189 = tpu.vector_load %arg10[%get3A_187, %get3A_188] {strides = array<i32>} : memref<100x128xf32, #tpu.memory_space<vmem>>, vector<16xf32>,
      %get3A_190 = arith.index_cast %scan3A_168 : i32 to index
      %get3A_191 = arith.constant 80 : index
      %get3A_192 = tpu.vector_load %arg10[%get3A_190, %get3A_191] {strides = array<i32>} : memref<100x128xf32, #tpu.memory_space<vmem>>, vector<16xf32>,
      %pack3A_193 = tpu.pack_subelements %get3A_189, %get3A_192 {pack_format = #tpu.pack_format<interleaved>, positions = array<i32: 0, 1>} : vector<16xf32>, vector<16xf32> -> vector<32xbf16>
      %bitcast3A_194 = vector.bitcast %pack3A_193 : vector<32xbf16> to vector<16xi32>
      %swap3A_195 = arith.index_cast %scan3A_168 : i32 to index
      %swap3A_196 = arith.constant 32 : index
      %swap3A_197 = tpu.vector_load %arg12[%swap3A_195, %swap3A_196] {strides = array<i32>} : memref<100x64xi32, #tpu.memory_space<vmem>>, vector<16xi32>,
      tpu.vector_store %arg12[%swap3A_195, %swap3A_196], %bitcast3A_194 {strides = array<i32>} : memref<100x64xi32, #tpu.memory_space<vmem>>, vector<16xi32>,
      %get3A_198 = arith.index_cast %scan3A_168 : i32 to index
      %get3A_199 = arith.constant 96 : index
      %get3A_200 = tpu.vector_load %arg10[%get3A_198, %get3A_199] {strides = array<i32>} : memref<100x128xf32, #tpu.memory_space<vmem>>, vector<16xf32>,
      %get3A_201 = arith.index_cast %scan3A_168 : i32 to index
      %get3A_202 = arith.constant 112 : index
      %get3A_203 = tpu.vector_load %arg10[%get3A_201, %get3A_202] {strides = array<i32>} : memref<100x128xf32, #tpu.memory_space<vmem>>, vector<16xf32>,
      %pack3A_204 = tpu.pack_subelements %get3A_200, %get3A_203 {pack_format = #tpu.pack_format<interleaved>, positions = array<i32: 0, 1>} : vector<16xf32>, vector<16xf32> -> vector<32xbf16>
      %bitcast3A_205 = vector.bitcast %pack3A_204 : vector<32xbf16> to vector<16xi32>
      %swap3A_206 = arith.index_cast %scan3A_168 : i32 to index
      %swap3A_207 = arith.constant 48 : index
      %swap3A_208 = tpu.vector_load %arg12[%swap3A_206, %swap3A_207] {strides = array<i32>} : memref<100x64xi32, #tpu.memory_space<vmem>>, vector<16xi32>,
      tpu.vector_store %arg12[%swap3A_206, %swap3A_207], %bitcast3A_205 {strides = array<i32>} : memref<100x64xi32, #tpu.memory_space<vmem>>, vector<16xi32>,
    }
    %scan3A_101 = arith.constant 100 : i32
    %add3A_102 = arith.constant 500 : i32
    %add3A_103 = arith.addi %mul3A_0, %add3A_102 : i32
    "tpu.region"() ({
      %run_scoped3A = tpu.sem_alloc : memref<!tpu.dma_semaphore, #tpu.memory_space<semaphore_mem>>
      %dma_start3A = arith.constant 0 : i32
      %dma_start3A_168 = arith.constant 0 : i32
      %dma_start3A_169 = tpu.memref_slice %arg10[%dma_start3A, %dma_start3A_168] : memref<100x128xf32, #tpu.memory_space<vmem>> -> memref<100x128xf32, #tpu.memory_space<vmem>>
      %dma_start3A_170 = arith.constant 0 : i32
      %dma_start3A_171 = tpu.memref_slice %arg7[%add3A_103, %dma_start3A_170] : memref<10000x128xf32, #tpu.memory_space<vmem_shared>> -> memref<100x128xf32, #tpu.memory_space<vmem_shared>>
      %dma_start3A_172 = arith.constant 0 : i32
      %dma_start3A_173 = tpu.memref_slice %arg7[%add3A_103, %dma_start3A_172] : memref<10000x128xf32, #tpu.memory_space<vmem_shared>> -> memref<100x128xf32, #tpu.memory_space<vmem_shared>>
      %dma_start3A_174 = arith.constant 0 : i32
      %dma_start3A_175 = arith.constant 0 : i32
      %dma_start3A_176 = tpu.memref_slice %arg10[%dma_start3A_174, %dma_start3A_175] : memref<100x128xf32, #tpu.memory_space<vmem>> -> memref<100x128xf32, #tpu.memory_space<vmem>>
      tpu.enqueue_dma source(%dma_start3A_176 : memref<100x128xf32, #tpu.memory_space<vmem>>) target(%dma_start3A_173 : memref<100x128xf32, #tpu.memory_space<vmem_shared>>) target_semaphore(%run_scoped3A : memref<!tpu.dma_semaphore, #tpu.memory_space<semaphore_mem>>)
      %dma_wait3A_177 = arith.constant 0 : i32
      %dma_wait3A_178 = arith.constant 0 : i32
      %dma_wait3A_179 = tpu.memref_slice %arg10[%dma_wait3A_177, %dma_wait3A_178] : memref<100x128xf32, #tpu.memory_space<vmem>> -> memref<100x128xf32, #tpu.memory_space<vmem>>
      %dma_wait3A_180 = arith.constant 0 : i32
      %dma_wait3A_181 = tpu.memref_slice %arg7[%add3A_103, %dma_wait3A_180] : memref<10000x128xf32, #tpu.memory_space<vmem_shared>> -> memref<100x128xf32, #tpu.memory_space<vmem_shared>>
      %dma_wait3A_182 = arith.constant 0 : i32
      %dma_wait3A_183 = tpu.memref_slice %arg7[%add3A_103, %dma_wait3A_182] : memref<10000x128xf32, #tpu.memory_space<vmem_shared>> -> memref<100x128xf32, #tpu.memory_space<vmem_shared>>
      %dma_wait3A_184 = arith.constant 0 : i32
      %dma_wait3A_185 = arith.constant 0 : i32
      %dma_wait3A_186 = tpu.memref_slice %arg10[%dma_wait3A_184, %dma_wait3A_185] : memref<100x128xf32, #tpu.memory_space<vmem>> -> memref<100x128xf32, #tpu.memory_space<vmem>>
      tpu.wait_dma2 semaphore(%run_scoped3A : memref<!tpu.dma_semaphore, #tpu.memory_space<semaphore_mem>>) src(%dma_wait3A_186 : memref<100x128xf32, #tpu.memory_space<vmem>>) dst(%dma_wait3A_183 : memref<100x128xf32, #tpu.memory_space<vmem_shared>>)
      tpu.yield
    }) : () -> ()
    %mul3A_104 = arith.constant 10000 : i32
    %mul3A_105 = arith.muli %arg0, %mul3A_104 : i32
    %add3A_106 = arith.addi %mul3A_105, %mul3A_0 : i32
    %add3A_107 = arith.constant 500 : i32
    %add3A_108 = arith.addi %add3A_106, %add3A_107 : i32
    "tpu.region"() ({
      %run_scoped3A = tpu.sem_alloc : memref<!tpu.dma_semaphore, #tpu.memory_space<semaphore_mem>>
      %dma_start3A = arith.constant 0 : i32
      %dma_start3A_168 = arith.constant 0 : i32
      %dma_start3A_169 = tpu.memref_slice %arg12[%dma_start3A, %dma_start3A_168] : memref<100x64xi32, #tpu.memory_space<vmem>> -> memref<100x64xi32, #tpu.memory_space<vmem>>
      %dma_start3A_170 = arith.constant 0 : i32
      %dma_start3A_171 = tpu.memref_slice %arg6[%add3A_108, %dma_start3A_170] : memref<20000x64xi32, #tpu.memory_space<hbm>> -> memref<100x64xi32, #tpu.memory_space<hbm>>
      %dma_start3A_172 = arith.constant 0 : i32
      %dma_start3A_173 = tpu.memref_slice %arg6[%add3A_108, %dma_start3A_172] : memref<20000x64xi32, #tpu.memory_space<hbm>> -> memref<100x64xi32, #tpu.memory_space<hbm>>
      %dma_start3A_174 = arith.constant 0 : i32
      %dma_start3A_175 = arith.constant 0 : i32
      %dma_start3A_176 = tpu.memref_slice %arg12[%dma_start3A_174, %dma_start3A_175] : memref<100x64xi32, #tpu.memory_space<vmem>> -> memref<100x64xi32, #tpu.memory_space<vmem>>
      tpu.enqueue_dma source(%dma_start3A_176 : memref<100x64xi32, #tpu.memory_space<vmem>>) target(%dma_start3A_173 : memref<100x64xi32, #tpu.memory_space<hbm>>) target_semaphore(%run_scoped3A : memref<!tpu.dma_semaphore, #tpu.memory_space<semaphore_mem>>)
      %dma_wait3A_177 = arith.constant 0 : i32
      %dma_wait3A_178 = arith.constant 0 : i32
      %dma_wait3A_179 = tpu.memref_slice %arg12[%dma_wait3A_177, %dma_wait3A_178] : memref<100x64xi32, #tpu.memory_space<vmem>> -> memref<100x64xi32, #tpu.memory_space<vmem>>
      %dma_wait3A_180 = arith.constant 0 : i32
      %dma_wait3A_181 = tpu.memref_slice %arg6[%add3A_108, %dma_wait3A_180] : memref<20000x64xi32, #tpu.memory_space<hbm>> -> memref<100x64xi32, #tpu.memory_space<hbm>>
      %dma_wait3A_182 = arith.constant 0 : i32
      %dma_wait3A_183 = tpu.memref_slice %arg6[%add3A_108, %dma_wait3A_182] : memref<20000x64xi32, #tpu.memory_space<hbm>> -> memref<100x64xi32, #tpu.memory_space<hbm>>
      %dma_wait3A_184 = arith.constant 0 : i32
      %dma_wait3A_185 = arith.constant 0 : i32
      %dma_wait3A_186 = tpu.memref_slice %arg12[%dma_wait3A_184, %dma_wait3A_185] : memref<100x64xi32, #tpu.memory_space<vmem>> -> memref<100x64xi32, #tpu.memory_space<vmem>>
      tpu.wait_dma2 semaphore(%run_scoped3A : memref<!tpu.dma_semaphore, #tpu.memory_space<semaphore_mem>>) src(%dma_wait3A_186 : memref<100x64xi32, #tpu.memory_space<vmem>>) dst(%dma_wait3A_183 : memref<100x64xi32, #tpu.memory_space<hbm>>)
      tpu.yield
    }) : () -> ()
    %mul3A_109 = arith.constant 10000 : i32
    %mul3A_110 = arith.muli %arg0, %mul3A_109 : i32
    %add3A_111 = arith.addi %mul3A_110, %mul3A_0 : i32
    %add3A_112 = arith.constant 600 : i32
    %add3A_113 = arith.addi %add3A_111, %add3A_112 : i32
    "tpu.region"() ({
      %run_scoped3A = tpu.sem_alloc : memref<!tpu.dma_semaphore, #tpu.memory_space<semaphore_mem>>
      %dma_start3A = arith.constant 0 : i32
      %dma_start3A_168 = arith.constant 0 : i32
      %dma_start3A_169 = tpu.memref_slice %arg10[%dma_start3A, %dma_start3A_168] : memref<100x128xf32, #tpu.memory_space<vmem>> -> memref<25x128xf32, #tpu.memory_space<vmem>>
      %dma_start3A_170 = arith.constant 0 : i32
      %dma_start3A_171 = tpu.memref_slice %arg2[%add3A_113, %dma_start3A_170] : memref<20000x128xf32, #tpu.memory_space<hbm>> -> memref<25x128xf32, #tpu.memory_space<hbm>>
      %dma_start3A_172 = arith.constant 0 : i32
      %dma_start3A_173 = arith.constant 0 : i32
      %dma_start3A_174 = tpu.memref_slice %arg10[%dma_start3A_172, %dma_start3A_173] : memref<100x128xf32, #tpu.memory_space<vmem>> -> memref<25x128xf32, #tpu.memory_space<vmem>>
      %dma_start3A_175 = arith.constant 0 : i32
      %dma_start3A_176 = tpu.memref_slice %arg2[%add3A_113, %dma_start3A_175] : memref<20000x128xf32, #tpu.memory_space<hbm>> -> memref<25x128xf32, #tpu.memory_space<hbm>>
      tpu.enqueue_dma source(%dma_start3A_176 : memref<25x128xf32, #tpu.memory_space<hbm>>) target(%dma_start3A_174 : memref<25x128xf32, #tpu.memory_space<vmem>>) target_semaphore(%run_scoped3A : memref<!tpu.dma_semaphore, #tpu.memory_space<semaphore_mem>>)
      %dma_wait3A_177 = arith.constant 0 : i32
      %dma_wait3A_178 = arith.constant 0 : i32
      %dma_wait3A_179 = tpu.memref_slice %arg10[%dma_wait3A_177, %dma_wait3A_178] : memref<100x128xf32, #tpu.memory_space<vmem>> -> memref<25x128xf32, #tpu.memory_space<vmem>>
      %dma_wait3A_180 = arith.constant 0 : i32
      %dma_wait3A_181 = tpu.memref_slice %arg2[%add3A_113, %dma_wait3A_180] : memref<20000x128xf32, #tpu.memory_space<hbm>> -> memref<25x128xf32, #tpu.memory_space<hbm>>
      %dma_wait3A_182 = arith.constant 0 : i32
      %dma_wait3A_183 = arith.constant 0 : i32
      %dma_wait3A_184 = tpu.memref_slice %arg10[%dma_wait3A_182, %dma_wait3A_183] : memref<100x128xf32, #tpu.memory_space<vmem>> -> memref<25x128xf32, #tpu.memory_space<vmem>>
      %dma_wait3A_185 = arith.constant 0 : i32
      %dma_wait3A_186 = tpu.memref_slice %arg2[%add3A_113, %dma_wait3A_185] : memref<20000x128xf32, #tpu.memory_space<hbm>> -> memref<25x128xf32, #tpu.memory_space<hbm>>
      tpu.wait_dma2 semaphore(%run_scoped3A : memref<!tpu.dma_semaphore, #tpu.memory_space<semaphore_mem>>) src(%dma_wait3A_186 : memref<25x128xf32, #tpu.memory_space<hbm>>) dst(%dma_wait3A_184 : memref<25x128xf32, #tpu.memory_space<vmem>>)
      tpu.yield
    }) : () -> ()
    %scan3A_114 = arith.constant 0 : i32
    %scan3A_115 = arith.constant 0 : i32
    %scan3A_116 = arith.constant 25 : i32
    %scan3A_117 = arith.addi %scan3A_115, %scan3A_116 : i32
    %scan3A_118 = arith.constant 1 : i32
    scf.for %scan3A_168 = %scan3A_115 to %scan3A_117 step %scan3A_118  : i32 {
      %get3A = arith.index_cast %scan3A_168 : i32 to index
      %get3A_169 = arith.constant 0 : index
      %get3A_170 = tpu.vector_load %arg10[%get3A, %get3A_169] {strides = array<i32>} : memref<100x128xf32, #tpu.memory_space<vmem>>, vector<16xf32>,
      %get3A_171 = arith.index_cast %scan3A_168 : i32 to index
      %get3A_172 = arith.constant 16 : index
      %get3A_173 = tpu.vector_load %arg10[%get3A_171, %get3A_172] {strides = array<i32>} : memref<100x128xf32, #tpu.memory_space<vmem>>, vector<16xf32>,
      %pack3A = tpu.pack_subelements %get3A_170, %get3A_173 {pack_format = #tpu.pack_format<interleaved>, positions = array<i32: 0, 1>} : vector<16xf32>, vector<16xf32> -> vector<32xbf16>
      %bitcast3A = vector.bitcast %pack3A : vector<32xbf16> to vector<16xi32>
      %swap3A = arith.index_cast %scan3A_168 : i32 to index
      %swap3A_174 = arith.constant 0 : index
      %swap3A_175 = tpu.vector_load %arg12[%swap3A, %swap3A_174] {strides = array<i32>} : memref<100x64xi32, #tpu.memory_space<vmem>>, vector<16xi32>,
      tpu.vector_store %arg12[%swap3A, %swap3A_174], %bitcast3A {strides = array<i32>} : memref<100x64xi32, #tpu.memory_space<vmem>>, vector<16xi32>,
      %get3A_176 = arith.index_cast %scan3A_168 : i32 to index
      %get3A_177 = arith.constant 32 : index
      %get3A_178 = tpu.vector_load %arg10[%get3A_176, %get3A_177] {strides = array<i32>} : memref<100x128xf32, #tpu.memory_space<vmem>>, vector<16xf32>,
      %get3A_179 = arith.index_cast %scan3A_168 : i32 to index
      %get3A_180 = arith.constant 48 : index
      %get3A_181 = tpu.vector_load %arg10[%get3A_179, %get3A_180] {strides = array<i32>} : memref<100x128xf32, #tpu.memory_space<vmem>>, vector<16xf32>,
      %pack3A_182 = tpu.pack_subelements %get3A_178, %get3A_181 {pack_format = #tpu.pack_format<interleaved>, positions = array<i32: 0, 1>} : vector<16xf32>, vector<16xf32> -> vector<32xbf16>
      %bitcast3A_183 = vector.bitcast %pack3A_182 : vector<32xbf16> to vector<16xi32>
      %swap3A_184 = arith.index_cast %scan3A_168 : i32 to index
      %swap3A_185 = arith.constant 16 : index
      %swap3A_186 = tpu.vector_load %arg12[%swap3A_184, %swap3A_185] {strides = array<i32>} : memref<100x64xi32, #tpu.memory_space<vmem>>, vector<16xi32>,
      tpu.vector_store %arg12[%swap3A_184, %swap3A_185], %bitcast3A_183 {strides = array<i32>} : memref<100x64xi32, #tpu.memory_space<vmem>>, vector<16xi32>,
      %get3A_187 = arith.index_cast %scan3A_168 : i32 to index
      %get3A_188 = arith.constant 64 : index
      %get3A_189 = tpu.vector_load %arg10[%get3A_187, %get3A_188] {strides = array<i32>} : memref<100x128xf32, #tpu.memory_space<vmem>>, vector<16xf32>,
      %get3A_190 = arith.index_cast %scan3A_168 : i32 to index
      %get3A_191 = arith.constant 80 : index
      %get3A_192 = tpu.vector_load %arg10[%get3A_190, %get3A_191] {strides = array<i32>} : memref<100x128xf32, #tpu.memory_space<vmem>>, vector<16xf32>,
      %pack3A_193 = tpu.pack_subelements %get3A_189, %get3A_192 {pack_format = #tpu.pack_format<interleaved>, positions = array<i32: 0, 1>} : vector<16xf32>, vector<16xf32> -> vector<32xbf16>
      %bitcast3A_194 = vector.bitcast %pack3A_193 : vector<32xbf16> to vector<16xi32>
      %swap3A_195 = arith.index_cast %scan3A_168 : i32 to index
      %swap3A_196 = arith.constant 32 : index
      %swap3A_197 = tpu.vector_load %arg12[%swap3A_195, %swap3A_196] {strides = array<i32>} : memref<100x64xi32, #tpu.memory_space<vmem>>, vector<16xi32>,
      tpu.vector_store %arg12[%swap3A_195, %swap3A_196], %bitcast3A_194 {strides = array<i32>} : memref<100x64xi32, #tpu.memory_space<vmem>>, vector<16xi32>,
      %get3A_198 = arith.index_cast %scan3A_168 : i32 to index
      %get3A_199 = arith.constant 96 : index
      %get3A_200 = tpu.vector_load %arg10[%get3A_198, %get3A_199] {strides = array<i32>} : memref<100x128xf32, #tpu.memory_space<vmem>>, vector<16xf32>,
      %get3A_201 = arith.index_cast %scan3A_168 : i32 to index
      %get3A_202 = arith.constant 112 : index
      %get3A_203 = tpu.vector_load %arg10[%get3A_201, %get3A_202] {strides = array<i32>} : memref<100x128xf32, #tpu.memory_space<vmem>>, vector<16xf32>,
      %pack3A_204 = tpu.pack_subelements %get3A_200, %get3A_203 {pack_format = #tpu.pack_format<interleaved>, positions = array<i32: 0, 1>} : vector<16xf32>, vector<16xf32> -> vector<32xbf16>
      %bitcast3A_205 = vector.bitcast %pack3A_204 : vector<32xbf16> to vector<16xi32>
      %swap3A_206 = arith.index_cast %scan3A_168 : i32 to index
      %swap3A_207 = arith.constant 48 : index
      %swap3A_208 = tpu.vector_load %arg12[%swap3A_206, %swap3A_207] {strides = array<i32>} : memref<100x64xi32, #tpu.memory_space<vmem>>, vector<16xi32>,
      tpu.vector_store %arg12[%swap3A_206, %swap3A_207], %bitcast3A_205 {strides = array<i32>} : memref<100x64xi32, #tpu.memory_space<vmem>>, vector<16xi32>,
    }
    %scan3A_119 = arith.constant 25 : i32
    %add3A_120 = arith.constant 600 : i32
    %add3A_121 = arith.addi %mul3A_0, %add3A_120 : i32
    "tpu.region"() ({
      %run_scoped3A = tpu.sem_alloc : memref<!tpu.dma_semaphore, #tpu.memory_space<semaphore_mem>>
      %dma_start3A = arith.constant 0 : i32
      %dma_start3A_168 = arith.constant 0 : i32
      %dma_start3A_169 = tpu.memref_slice %arg10[%dma_start3A, %dma_start3A_168] : memref<100x128xf32, #tpu.memory_space<vmem>> -> memref<25x128xf32, #tpu.memory_space<vmem>>
      %dma_start3A_170 = arith.constant 0 : i32
      %dma_start3A_171 = tpu.memref_slice %arg7[%add3A_121, %dma_start3A_170] : memref<10000x128xf32, #tpu.memory_space<vmem_shared>> -> memref<25x128xf32, #tpu.memory_space<vmem_shared>>
      %dma_start3A_172 = arith.constant 0 : i32
      %dma_start3A_173 = tpu.memref_slice %arg7[%add3A_121, %dma_start3A_172] : memref<10000x128xf32, #tpu.memory_space<vmem_shared>> -> memref<25x128xf32, #tpu.memory_space<vmem_shared>>
      %dma_start3A_174 = arith.constant 0 : i32
      %dma_start3A_175 = arith.constant 0 : i32
      %dma_start3A_176 = tpu.memref_slice %arg10[%dma_start3A_174, %dma_start3A_175] : memref<100x128xf32, #tpu.memory_space<vmem>> -> memref<25x128xf32, #tpu.memory_space<vmem>>
      tpu.enqueue_dma source(%dma_start3A_176 : memref<25x128xf32, #tpu.memory_space<vmem>>) target(%dma_start3A_173 : memref<25x128xf32, #tpu.memory_space<vmem_shared>>) target_semaphore(%run_scoped3A : memref<!tpu.dma_semaphore, #tpu.memory_space<semaphore_mem>>)
      %dma_wait3A_177 = arith.constant 0 : i32
      %dma_wait3A_178 = arith.constant 0 : i32
      %dma_wait3A_179 = tpu.memref_slice %arg10[%dma_wait3A_177, %dma_wait3A_178] : memref<100x128xf32, #tpu.memory_space<vmem>> -> memref<25x128xf32, #tpu.memory_space<vmem>>
      %dma_wait3A_180 = arith.constant 0 : i32
      %dma_wait3A_181 = tpu.memref_slice %arg7[%add3A_121, %dma_wait3A_180] : memref<10000x128xf32, #tpu.memory_space<vmem_shared>> -> memref<25x128xf32, #tpu.memory_space<vmem_shared>>
      %dma_wait3A_182 = arith.constant 0 : i32
      %dma_wait3A_183 = tpu.memref_slice %arg7[%add3A_121, %dma_wait3A_182] : memref<10000x128xf32, #tpu.memory_space<vmem_shared>> -> memref<25x128xf32, #tpu.memory_space<vmem_shared>>
      %dma_wait3A_184 = arith.constant 0 : i32
      %dma_wait3A_185 = arith.constant 0 : i32
      %dma_wait3A_186 = tpu.memref_slice %arg10[%dma_wait3A_184, %dma_wait3A_185] : memref<100x128xf32, #tpu.memory_space<vmem>> -> memref<25x128xf32, #tpu.memory_space<vmem>>
      tpu.wait_dma2 semaphore(%run_scoped3A : memref<!tpu.dma_semaphore, #tpu.memory_space<semaphore_mem>>) src(%dma_wait3A_186 : memref<25x128xf32, #tpu.memory_space<vmem>>) dst(%dma_wait3A_183 : memref<25x128xf32, #tpu.memory_space<vmem_shared>>)
      tpu.yield
    }) : () -> ()
    %mul3A_122 = arith.constant 10000 : i32
    %mul3A_123 = arith.muli %arg0, %mul3A_122 : i32
    %add3A_124 = arith.addi %mul3A_123, %mul3A_0 : i32
    %add3A_125 = arith.constant 600 : i32
    %add3A_126 = arith.addi %add3A_124, %add3A_125 : i32
    "tpu.region"() ({
      %run_scoped3A = tpu.sem_alloc : memref<!tpu.dma_semaphore, #tpu.memory_space<semaphore_mem>>
      %dma_start3A = arith.constant 0 : i32
      %dma_start3A_168 = arith.constant 0 : i32
      %dma_start3A_169 = tpu.memref_slice %arg12[%dma_start3A, %dma_start3A_168] : memref<100x64xi32, #tpu.memory_space<vmem>> -> memref<25x64xi32, #tpu.memory_space<vmem>>
      %dma_start3A_170 = arith.constant 0 : i32
      %dma_start3A_171 = tpu.memref_slice %arg6[%add3A_126, %dma_start3A_170] : memref<20000x64xi32, #tpu.memory_space<hbm>> -> memref<25x64xi32, #tpu.memory_space<hbm>>
      %dma_start3A_172 = arith.constant 0 : i32
      %dma_start3A_173 = tpu.memref_slice %arg6[%add3A_126, %dma_start3A_172] : memref<20000x64xi32, #tpu.memory_space<hbm>> -> memref<25x64xi32, #tpu.memory_space<hbm>>
      %dma_start3A_174 = arith.constant 0 : i32
      %dma_start3A_175 = arith.constant 0 : i32
      %dma_start3A_176 = tpu.memref_slice %arg12[%dma_start3A_174, %dma_start3A_175] : memref<100x64xi32, #tpu.memory_space<vmem>> -> memref<25x64xi32, #tpu.memory_space<vmem>>
      tpu.enqueue_dma source(%dma_start3A_176 : memref<25x64xi32, #tpu.memory_space<vmem>>) target(%dma_start3A_173 : memref<25x64xi32, #tpu.memory_space<hbm>>) target_semaphore(%run_scoped3A : memref<!tpu.dma_semaphore, #tpu.memory_space<semaphore_mem>>)
      %dma_wait3A_177 = arith.constant 0 : i32
      %dma_wait3A_178 = arith.constant 0 : i32
      %dma_wait3A_179 = tpu.memref_slice %arg12[%dma_wait3A_177, %dma_wait3A_178] : memref<100x64xi32, #tpu.memory_space<vmem>> -> memref<25x64xi32, #tpu.memory_space<vmem>>
      %dma_wait3A_180 = arith.constant 0 : i32
      %dma_wait3A_181 = tpu.memref_slice %arg6[%add3A_126, %dma_wait3A_180] : memref<20000x64xi32, #tpu.memory_space<hbm>> -> memref<25x64xi32, #tpu.memory_space<hbm>>
      %dma_wait3A_182 = arith.constant 0 : i32
      %dma_wait3A_183 = tpu.memref_slice %arg6[%add3A_126, %dma_wait3A_182] : memref<20000x64xi32, #tpu.memory_space<hbm>> -> memref<25x64xi32, #tpu.memory_space<hbm>>
      %dma_wait3A_184 = arith.constant 0 : i32
      %dma_wait3A_185 = arith.constant 0 : i32
      %dma_wait3A_186 = tpu.memref_slice %arg12[%dma_wait3A_184, %dma_wait3A_185] : memref<100x64xi32, #tpu.memory_space<vmem>> -> memref<25x64xi32, #tpu.memory_space<vmem>>
      tpu.wait_dma2 semaphore(%run_scoped3A : memref<!tpu.dma_semaphore, #tpu.memory_space<semaphore_mem>>) src(%dma_wait3A_186 : memref<25x64xi32, #tpu.memory_space<vmem>>) dst(%dma_wait3A_183 : memref<25x64xi32, #tpu.memory_space<hbm>>)
      tpu.yield
    }) : () -> ()
    %barrier3A = arith.constant 0 : index
    tpu.barrier barrier_id(%barrier3A)
    %lt3A = arith.constant 0 : i32
    %lt3A_127 = arith.constant 200 : i32
    %lt3A_128 = arith.cmpi slt, %lt3A, %lt3A_127 : i32
    %convert_element_type3A = arith.extui %lt3A_128 : i1 to i32
    %cond3A = arith.constant 0 : i32
    %cond3A_129 = arith.constant 0 : i32
    %cond3A_130 = arith.cmpi ne, %convert_element_type3A, %cond3A_129 : i32
    scf.if %cond3A_130 {
      %mul3A_168 = arith.constant 3200 : i32
      %mul3A_169 = arith.muli %arg0, %mul3A_168 : i32
      %add3A_170 = arith.addi %mul3A_169, %mul3A_2 : i32
      %add3A_171 = arith.addi %add3A_170, %cond3A : i32
      %dma_start3A = arith.constant 0 : i32
      %dma_start3A_172 = arith.constant 0 : i32
      %dma_start3A_173 = tpu.memref_slice %arg4[%add3A_171, %dma_start3A, %dma_start3A_172] : memref<6400x2x100xi32, #tpu.memory_space<hbm>> -> memref<1x2x100xi32, #tpu.memory_space<hbm>>
      %dma_start3A_174 = tpu.memref_squeeze %dma_start3A_173 : memref<1x2x100xi32, #tpu.memory_space<hbm>> -> memref<2x100xi32, #tpu.memory_space<hbm>>
      %dma_start3A_175 = arith.constant 0 : i32
      %dma_start3A_176 = arith.constant 0 : i32
      %dma_start3A_177 = tpu.memref_slice %arg4[%add3A_171, %dma_start3A_175, %dma_start3A_176] : memref<6400x2x100xi32, #tpu.memory_space<hbm>> -> memref<1x2x100xi32, #tpu.memory_space<hbm>>
      %dma_start3A_178 = tpu.memref_squeeze %dma_start3A_177 : memref<1x2x100xi32, #tpu.memory_space<hbm>> -> memref<2x100xi32, #tpu.memory_space<hbm>>
      tpu.enqueue_dma source(%dma_start3A_178 : memref<2x100xi32, #tpu.memory_space<hbm>>) target(%arg8 : memref<2x100xi32, #tpu.memory_space<vmem>>) target_semaphore(%arg14 : memref<!tpu.dma_semaphore, #tpu.memory_space<semaphore_mem>>)
    } else {
    }
    %lt3A_131 = arith.constant 1 : i32
    %lt3A_132 = arith.constant 200 : i32
    %lt3A_133 = arith.cmpi slt, %lt3A_131, %lt3A_132 : i32
    %convert_element_type3A_134 = arith.extui %lt3A_133 : i1 to i32
    %cond3A_135 = arith.constant 1 : i32
    %cond3A_136 = arith.constant 0 : i32
    %cond3A_137 = arith.cmpi ne, %convert_element_type3A_134, %cond3A_136 : i32
    scf.if %cond3A_137 {
      %mul3A_168 = arith.constant 3200 : i32
      %mul3A_169 = arith.muli %arg0, %mul3A_168 : i32
      %add3A_170 = arith.addi %mul3A_169, %mul3A_2 : i32
      %add3A_171 = arith.addi %add3A_170, %cond3A_135 : i32
      %dma_start3A = arith.constant 0 : i32
      %dma_start3A_172 = arith.constant 0 : i32
      %dma_start3A_173 = tpu.memref_slice %arg4[%add3A_171, %dma_start3A, %dma_start3A_172] : memref<6400x2x100xi32, #tpu.memory_space<hbm>> -> memref<1x2x100xi32, #tpu.memory_space<hbm>>
      %dma_start3A_174 = tpu.memref_squeeze %dma_start3A_173 : memref<1x2x100xi32, #tpu.memory_space<hbm>> -> memref<2x100xi32, #tpu.memory_space<hbm>>
      %dma_start3A_175 = arith.constant 0 : i32
      %dma_start3A_176 = arith.constant 0 : i32
      %dma_start3A_177 = tpu.memref_slice %arg4[%add3A_171, %dma_start3A_175, %dma_start3A_176] : memref<6400x2x100xi32, #tpu.memory_space<hbm>> -> memref<1x2x100xi32, #tpu.memory_space<hbm>>
      %dma_start3A_178 = tpu.memref_squeeze %dma_start3A_177 : memref<1x2x100xi32, #tpu.memory_space<hbm>> -> memref<2x100xi32, #tpu.memory_space<hbm>>
      tpu.enqueue_dma source(%dma_start3A_178 : memref<2x100xi32, #tpu.memory_space<hbm>>) target(%arg9 : memref<2x100xi32, #tpu.memory_space<vmem>>) target_semaphore(%arg15 : memref<!tpu.dma_semaphore, #tpu.memory_space<semaphore_mem>>)
    } else {
    }
    %lt3A_138 = arith.constant 0 : i32
    %lt3A_139 = arith.constant 200 : i32
    %lt3A_140 = arith.cmpi slt, %lt3A_138, %lt3A_139 : i32
    %convert_element_type3A_141 = arith.extui %lt3A_140 : i1 to i32
    %cond3A_142 = arith.constant 0 : i32
    %cond3A_143 = arith.constant 0 : i32
    %cond3A_144 = arith.cmpi ne, %convert_element_type3A_141, %cond3A_143 : i32
    scf.if %cond3A_144 {
      %add3A_168 = arith.addi %mul3A_2, %cond3A_142 : i32
      %mul3A_169 = arith.constant 100 : i32
      %mul3A_170 = arith.muli %add3A_168, %mul3A_169 : i32
      %mul3A_171 = arith.constant 320000 : i32
      %mul3A_172 = arith.muli %arg0, %mul3A_171 : i32
      %add3A_173 = arith.addi %mul3A_172, %mul3A_170 : i32
      %dma_start3A = arith.constant 0 : i32
      %dma_start3A_174 = tpu.memref_slice %arg3[%add3A_173, %dma_start3A] : memref<640000x128xf32, #tpu.memory_space<hbm>> -> memref<100x128xf32, #tpu.memory_space<hbm>>
      %dma_start3A_175 = arith.constant 0 : i32
      %dma_start3A_176 = tpu.memref_slice %arg3[%add3A_173, %dma_start3A_175] : memref<640000x128xf32, #tpu.memory_space<hbm>> -> memref<100x128xf32, #tpu.memory_space<hbm>>
      tpu.enqueue_dma source(%dma_start3A_176 : memref<100x128xf32, #tpu.memory_space<hbm>>) target(%arg10 : memref<100x128xf32, #tpu.memory_space<vmem>>) target_semaphore(%arg16 : memref<!tpu.dma_semaphore, #tpu.memory_space<semaphore_mem>>)
    } else {
    }
    %lt3A_145 = arith.constant 0 : i32
    %lt3A_146 = arith.constant 200 : i32
    %lt3A_147 = arith.cmpi slt, %lt3A_145, %lt3A_146 : i32
    %convert_element_type3A_148 = arith.extui %lt3A_147 : i1 to i32
    %cond3A_149 = arith.constant 0 : i32
    %cond3A_150 = arith.constant 0 : i32
    %cond3A_151 = arith.cmpi ne, %convert_element_type3A_148, %cond3A_150 : i32
    scf.if %cond3A_151 {
      %mul3A_168 = arith.constant 3200 : i32
      %mul3A_169 = arith.muli %arg0, %mul3A_168 : i32
      %add3A_170 = arith.addi %mul3A_169, %mul3A_2 : i32
      %add3A_171 = arith.addi %add3A_170, %cond3A_149 : i32
      %dma_wait3A_172 = arith.constant 0 : i32
      %dma_wait3A_173 = arith.constant 0 : i32
      %dma_wait3A_174 = tpu.memref_slice %arg4[%add3A_171, %dma_wait3A_172, %dma_wait3A_173] : memref<6400x2x100xi32, #tpu.memory_space<hbm>> -> memref<1x2x100xi32, #tpu.memory_space<hbm>>
      %dma_wait3A_175 = tpu.memref_squeeze %dma_wait3A_174 : memref<1x2x100xi32, #tpu.memory_space<hbm>> -> memref<2x100xi32, #tpu.memory_space<hbm>>
      %dma_wait3A_176 = arith.constant 0 : i32
      %dma_wait3A_177 = arith.constant 0 : i32
      %dma_wait3A_178 = tpu.memref_slice %arg4[%add3A_171, %dma_wait3A_176, %dma_wait3A_177] : memref<6400x2x100xi32, #tpu.memory_space<hbm>> -> memref<1x2x100xi32, #tpu.memory_space<hbm>>
      %dma_wait3A_179 = tpu.memref_squeeze %dma_wait3A_178 : memref<1x2x100xi32, #tpu.memory_space<hbm>> -> memref<2x100xi32, #tpu.memory_space<hbm>>
      tpu.wait_dma2 semaphore(%arg14 : memref<!tpu.dma_semaphore, #tpu.memory_space<semaphore_mem>>) src(%dma_wait3A_179 : memref<2x100xi32, #tpu.memory_space<hbm>>) dst(%arg8 : memref<2x100xi32, #tpu.memory_space<vmem>>)
      %dma_start3A = arith.constant 0 : i32
      %dma_start3A_180 = arith.constant 0 : i32
      %dma_start3A_181 = tpu.memref_slice %arg8[%dma_start3A, %dma_start3A_180] : memref<2x100xi32, #tpu.memory_space<vmem>> -> memref<1x100xi32, #tpu.memory_space<vmem>>
      %dma_start3A_182 = tpu.memref_squeeze %dma_start3A_181 : memref<1x100xi32, #tpu.memory_space<vmem>> -> memref<100xi32, #tpu.memory_space<vmem>>
      %dma_start3A_183 = arith.constant 0 : i32
      %dma_start3A_184 = arith.constant 0 : i32
      %dma_start3A_185 = tpu.memref_slice %arg6[%dma_start3A_183, %dma_start3A_184] : memref<20000x64xi32, #tpu.memory_space<hbm>> -> memref<20000x64xi32, #tpu.memory_space<hbm>>
      tpu.enqueue_indirect_dma source(%dma_start3A_185 : memref<20000x64xi32, #tpu.memory_space<hbm>>) target(%arg12 : memref<100x64xi32, #tpu.memory_space<vmem>>) offsets(%dma_start3A_182 : memref<100xi32, #tpu.memory_space<vmem>>) semaphore(%arg18 : memref<!tpu.dma_semaphore, #tpu.memory_space<semaphore_mem>>)
    } else {
    }
    %scan3A_152 = arith.constant 0 : i32
    %scan3A_153 = arith.constant 0 : i32
    %scan3A_154 = arith.constant 100 : i32
    %scan3A_155 = arith.addi %scan3A_153, %scan3A_154 : i32
    %scan3A_156 = arith.constant 1 : i32
    scf.for %scan3A_168 = %scan3A_153 to %scan3A_155 step %scan3A_156  : i32 {
      %mul3A_169 = arith.constant 2 : i32
      %mul3A_170 = arith.muli %scan3A_168, %mul3A_169 : i32
      %add3A_171 = arith.constant 0 : i32
      %add3A_172 = arith.addi %mul3A_170, %add3A_171 : i32
      %ge3A = arith.constant 1 : i32
      %ge3A_173 = arith.cmpi sge, %add3A_172, %ge3A : i32
      %convert_element_type3A_174 = arith.extui %ge3A_173 : i1 to i32
      %cond3A_175 = arith.constant 0 : i32
      %cond3A_176 = arith.cmpi ne, %convert_element_type3A_174, %cond3A_175 : i32
      scf.if %cond3A_176 {
        %dma_wait3A_280 = arith.constant 1 : i32
        %dma_wait3A_281 = arith.constant 0 : i32
        %dma_wait3A_282 = tpu.memref_slice %arg9[%dma_wait3A_280, %dma_wait3A_281] : memref<2x100xi32, #tpu.memory_space<vmem>> -> memref<1x100xi32, #tpu.memory_space<vmem>>
        %dma_wait3A_283 = tpu.memref_squeeze %dma_wait3A_282 : memref<1x100xi32, #tpu.memory_space<vmem>> -> memref<100xi32, #tpu.memory_space<vmem>>
        %dma_wait3A_284 = arith.constant 0 : i32
        %dma_wait3A_285 = arith.constant 0 : i32
        %dma_wait3A_286 = tpu.memref_slice %arg7[%dma_wait3A_284, %dma_wait3A_285] : memref<10000x128xf32, #tpu.memory_space<vmem_shared>> -> memref<10000x128xf32, #tpu.memory_space<vmem_shared>>
        tpu.wait_indirect_dma semaphore(%arg21 : memref<!tpu.dma_semaphore, #tpu.memory_space<semaphore_mem>>) src(%arg11 : memref<100x128xf32, #tpu.memory_space<vmem>>) dst(%dma_wait3A_286 : memref<10000x128xf32, #tpu.memory_space<vmem_shared>>)
      } else {
      }
      %add3A_177 = arith.constant 1 : i32
      %add3A_178 = arith.addi %add3A_172, %add3A_177 : i32
      %lt3A_179 = arith.constant 200 : i32
      %lt3A_180 = arith.cmpi slt, %add3A_178, %lt3A_179 : i32
      %convert_element_type3A_181 = arith.extui %lt3A_180 : i1 to i32
      %cond3A_182 = arith.constant 0 : i32
      %cond3A_183 = arith.cmpi ne, %convert_element_type3A_181, %cond3A_182 : i32
      scf.if %cond3A_183 {
        %add3A_280 = arith.addi %mul3A_2, %add3A_178 : i32
        %mul3A_281 = arith.constant 100 : i32
        %mul3A_282 = arith.muli %add3A_280, %mul3A_281 : i32
        %mul3A_283 = arith.constant 320000 : i32
        %mul3A_284 = arith.muli %arg0, %mul3A_283 : i32
        %add3A_285 = arith.addi %mul3A_284, %mul3A_282 : i32
        %dma_start3A_286 = arith.constant 0 : i32
        %dma_start3A_287 = tpu.memref_slice %arg3[%add3A_285, %dma_start3A_286] : memref<640000x128xf32, #tpu.memory_space<hbm>> -> memref<100x128xf32, #tpu.memory_space<hbm>>
        %dma_start3A_288 = arith.constant 0 : i32
        %dma_start3A_289 = tpu.memref_slice %arg3[%add3A_285, %dma_start3A_288] : memref<640000x128xf32, #tpu.memory_space<hbm>> -> memref<100x128xf32, #tpu.memory_space<hbm>>
        tpu.enqueue_dma source(%dma_start3A_289 : memref<100x128xf32, #tpu.memory_space<hbm>>) target(%arg11 : memref<100x128xf32, #tpu.memory_space<vmem>>) target_semaphore(%arg17 : memref<!tpu.dma_semaphore, #tpu.memory_space<semaphore_mem>>)
      } else {
      }
      %add3A_184 = arith.constant 1 : i32
      %add3A_185 = arith.addi %add3A_172, %add3A_184 : i32
      %lt3A_186 = arith.constant 200 : i32
      %lt3A_187 = arith.cmpi slt, %add3A_185, %lt3A_186 : i32
      %convert_element_type3A_188 = arith.extui %lt3A_187 : i1 to i32
      %cond3A_189 = arith.constant 0 : i32
      %cond3A_190 = arith.cmpi ne, %convert_element_type3A_188, %cond3A_189 : i32
      scf.if %cond3A_190 {
        %mul3A_280 = arith.constant 3200 : i32
        %mul3A_281 = arith.muli %arg0, %mul3A_280 : i32
        %add3A_282 = arith.addi %mul3A_281, %mul3A_2 : i32
        %add3A_283 = arith.addi %add3A_282, %add3A_185 : i32
        %dma_wait3A_284 = arith.constant 0 : i32
        %dma_wait3A_285 = arith.constant 0 : i32
        %dma_wait3A_286 = tpu.memref_slice %arg4[%add3A_283, %dma_wait3A_284, %dma_wait3A_285] : memref<6400x2x100xi32, #tpu.memory_space<hbm>> -> memref<1x2x100xi32, #tpu.memory_space<hbm>>
        %dma_wait3A_287 = tpu.memref_squeeze %dma_wait3A_286 : memref<1x2x100xi32, #tpu.memory_space<hbm>> -> memref<2x100xi32, #tpu.memory_space<hbm>>
        %dma_wait3A_288 = arith.constant 0 : i32
        %dma_wait3A_289 = arith.constant 0 : i32
        %dma_wait3A_290 = tpu.memref_slice %arg4[%add3A_283, %dma_wait3A_288, %dma_wait3A_289] : memref<6400x2x100xi32, #tpu.memory_space<hbm>> -> memref<1x2x100xi32, #tpu.memory_space<hbm>>
        %dma_wait3A_291 = tpu.memref_squeeze %dma_wait3A_290 : memref<1x2x100xi32, #tpu.memory_space<hbm>> -> memref<2x100xi32, #tpu.memory_space<hbm>>
        tpu.wait_dma2 semaphore(%arg15 : memref<!tpu.dma_semaphore, #tpu.memory_space<semaphore_mem>>) src(%dma_wait3A_291 : memref<2x100xi32, #tpu.memory_space<hbm>>) dst(%arg9 : memref<2x100xi32, #tpu.memory_space<vmem>>)
        %dma_start3A_292 = arith.constant 0 : i32
        %dma_start3A_293 = arith.constant 0 : i32
        %dma_start3A_294 = tpu.memref_slice %arg9[%dma_start3A_292, %dma_start3A_293] : memref<2x100xi32, #tpu.memory_space<vmem>> -> memref<1x100xi32, #tpu.memory_space<vmem>>
        %dma_start3A_295 = tpu.memref_squeeze %dma_start3A_294 : memref<1x100xi32, #tpu.memory_space<vmem>> -> memref<100xi32, #tpu.memory_space<vmem>>
        %dma_start3A_296 = arith.constant 0 : i32
        %dma_start3A_297 = arith.constant 0 : i32
        %dma_start3A_298 = tpu.memref_slice %arg6[%dma_start3A_296, %dma_start3A_297] : memref<20000x64xi32, #tpu.memory_space<hbm>> -> memref<20000x64xi32, #tpu.memory_space<hbm>>
        tpu.enqueue_indirect_dma source(%dma_start3A_298 : memref<20000x64xi32, #tpu.memory_space<hbm>>) target(%arg13 : memref<100x64xi32, #tpu.memory_space<vmem>>) offsets(%dma_start3A_295 : memref<100xi32, #tpu.memory_space<vmem>>) semaphore(%arg19 : memref<!tpu.dma_semaphore, #tpu.memory_space<semaphore_mem>>)
      } else {
      }
      %add3A_191 = arith.addi %mul3A_2, %add3A_172 : i32
      %mul3A_192 = arith.constant 100 : i32
      %mul3A_193 = arith.muli %add3A_191, %mul3A_192 : i32
      %mul3A_194 = arith.constant 320000 : i32
      %mul3A_195 = arith.muli %arg0, %mul3A_194 : i32
      %add3A_196 = arith.addi %mul3A_195, %mul3A_193 : i32
      %dma_wait3A_197 = arith.constant 0 : i32
      %dma_wait3A_198 = tpu.memref_slice %arg3[%add3A_196, %dma_wait3A_197] : memref<640000x128xf32, #tpu.memory_space<hbm>> -> memref<100x128xf32, #tpu.memory_space<hbm>>
      %dma_wait3A_199 = arith.constant 0 : i32
      %dma_wait3A_200 = tpu.memref_slice %arg3[%add3A_196, %dma_wait3A_199] : memref<640000x128xf32, #tpu.memory_space<hbm>> -> memref<100x128xf32, #tpu.memory_space<hbm>>
      tpu.wait_dma2 semaphore(%arg16 : memref<!tpu.dma_semaphore, #tpu.memory_space<semaphore_mem>>) src(%dma_wait3A_200 : memref<100x128xf32, #tpu.memory_space<hbm>>) dst(%arg10 : memref<100x128xf32, #tpu.memory_space<vmem>>)
      %dma_wait3A_201 = arith.constant 0 : i32
      %dma_wait3A_202 = arith.constant 0 : i32
      %dma_wait3A_203 = tpu.memref_slice %arg8[%dma_wait3A_201, %dma_wait3A_202] : memref<2x100xi32, #tpu.memory_space<vmem>> -> memref<1x100xi32, #tpu.memory_space<vmem>>
      %dma_wait3A_204 = tpu.memref_squeeze %dma_wait3A_203 : memref<1x100xi32, #tpu.memory_space<vmem>> -> memref<100xi32, #tpu.memory_space<vmem>>
      %dma_wait3A_205 = arith.constant 0 : i32
      %dma_wait3A_206 = arith.constant 0 : i32
      %dma_wait3A_207 = tpu.memref_slice %arg6[%dma_wait3A_205, %dma_wait3A_206] : memref<20000x64xi32, #tpu.memory_space<hbm>> -> memref<20000x64xi32, #tpu.memory_space<hbm>>
      tpu.wait_indirect_dma semaphore(%arg18 : memref<!tpu.dma_semaphore, #tpu.memory_space<semaphore_mem>>) src(%dma_wait3A_207 : memref<20000x64xi32, #tpu.memory_space<hbm>>) dst(%arg12 : memref<100x64xi32, #tpu.memory_space<vmem>>)
      %parallel_loop3A = arith.constant 0 : i32
      %parallel_loop3A_208 = arith.constant 100 : i32
      %parallel_loop3A_209 = arith.constant 1 : i32
      scf.for %parallel_loop3A_280 = %parallel_loop3A to %parallel_loop3A_208 step %parallel_loop3A_209  : i32 {
        %parallel_loop3A_281 = arith.index_cast %parallel_loop3A_280 : i32 to index
        %parallel_loop3A_282 = arith.constant 0 : index
        %parallel_loop3A_283 = tpu.vector_load %arg12[%parallel_loop3A_281, %parallel_loop3A_282] {strides = array<i32>} : memref<100x64xi32, #tpu.memory_space<vmem>>, vector<16xi32>,
        %parallel_loop3A_284 = arith.constant 16 : i32
        %parallel_loop3A_285 = vector.broadcast %parallel_loop3A_284 : i32 to vector<16xi32>
        %parallel_loop3A_286 = arith.shli %parallel_loop3A_283, %parallel_loop3A_285 : vector<16xi32>
        %parallel_loop3A_287 = vector.bitcast %parallel_loop3A_286 : vector<16xi32> to vector<16xf32>
        %parallel_loop3A_288 = arith.constant -65536 : i32
        %parallel_loop3A_289 = vector.broadcast %parallel_loop3A_288 : i32 to vector<16xi32>
        %parallel_loop3A_290 = arith.andi %parallel_loop3A_283, %parallel_loop3A_289 : vector<16xi32>
        %parallel_loop3A_291 = vector.bitcast %parallel_loop3A_290 : vector<16xi32> to vector<16xf32>
        %parallel_loop3A_292 = arith.index_cast %parallel_loop3A_280 : i32 to index
        %parallel_loop3A_293 = arith.constant 0 : index
        %parallel_loop3A_294 = tpu.vector_load %arg10[%parallel_loop3A_292, %parallel_loop3A_293] {strides = array<i32>} : memref<100x128xf32, #tpu.memory_space<vmem>>, vector<16xf32>,
        %parallel_loop3A_295 = arith.addf %parallel_loop3A_294, %parallel_loop3A_287 : vector<16xf32>
        %parallel_loop3A_296 = arith.constant 0.000000e+00 : f32
        %parallel_loop3A_297 = vector.broadcast %parallel_loop3A_296 : f32 to vector<16xf32>
        %parallel_loop3A_298 = arith.maximumf %parallel_loop3A_295, %parallel_loop3A_297 : vector<16xf32>
        %parallel_loop3A_299 = arith.index_cast %parallel_loop3A_280 : i32 to index
        %parallel_loop3A_300 = arith.constant 0 : index
        %parallel_loop3A_301 = tpu.vector_load %arg10[%parallel_loop3A_299, %parallel_loop3A_300] {strides = array<i32>} : memref<100x128xf32, #tpu.memory_space<vmem>>, vector<16xf32>,
        tpu.vector_store %arg10[%parallel_loop3A_299, %parallel_loop3A_300], %parallel_loop3A_298 {strides = array<i32>} : memref<100x128xf32, #tpu.memory_space<vmem>>, vector<16xf32>,
        %parallel_loop3A_302 = arith.index_cast %parallel_loop3A_280 : i32 to index
        %parallel_loop3A_303 = arith.constant 16 : index
        %parallel_loop3A_304 = tpu.vector_load %arg10[%parallel_loop3A_302, %parallel_loop3A_303] {strides = array<i32>} : memref<100x128xf32, #tpu.memory_space<vmem>>, vector<16xf32>,
        %parallel_loop3A_305 = arith.addf %parallel_loop3A_304, %parallel_loop3A_291 : vector<16xf32>
        %parallel_loop3A_306 = arith.constant 0.000000e+00 : f32
        %parallel_loop3A_307 = vector.broadcast %parallel_loop3A_306 : f32 to vector<16xf32>
        %parallel_loop3A_308 = arith.maximumf %parallel_loop3A_305, %parallel_loop3A_307 : vector<16xf32>
        %parallel_loop3A_309 = arith.index_cast %parallel_loop3A_280 : i32 to index
        %parallel_loop3A_310 = arith.constant 16 : index
        %parallel_loop3A_311 = tpu.vector_load %arg10[%parallel_loop3A_309, %parallel_loop3A_310] {strides = array<i32>} : memref<100x128xf32, #tpu.memory_space<vmem>>, vector<16xf32>,
        tpu.vector_store %arg10[%parallel_loop3A_309, %parallel_loop3A_310], %parallel_loop3A_308 {strides = array<i32>} : memref<100x128xf32, #tpu.memory_space<vmem>>, vector<16xf32>,
        %parallel_loop3A_312 = arith.index_cast %parallel_loop3A_280 : i32 to index
        %parallel_loop3A_313 = arith.constant 16 : index
        %parallel_loop3A_314 = tpu.vector_load %arg12[%parallel_loop3A_312, %parallel_loop3A_313] {strides = array<i32>} : memref<100x64xi32, #tpu.memory_space<vmem>>, vector<16xi32>,
        %parallel_loop3A_315 = arith.constant 16 : i32
        %parallel_loop3A_316 = vector.broadcast %parallel_loop3A_315 : i32 to vector<16xi32>
        %parallel_loop3A_317 = arith.shli %parallel_loop3A_314, %parallel_loop3A_316 : vector<16xi32>
        %parallel_loop3A_318 = vector.bitcast %parallel_loop3A_317 : vector<16xi32> to vector<16xf32>
        %parallel_loop3A_319 = arith.constant -65536 : i32
        %parallel_loop3A_320 = vector.broadcast %parallel_loop3A_319 : i32 to vector<16xi32>
        %parallel_loop3A_321 = arith.andi %parallel_loop3A_314, %parallel_loop3A_320 : vector<16xi32>
        %parallel_loop3A_322 = vector.bitcast %parallel_loop3A_321 : vector<16xi32> to vector<16xf32>
        %parallel_loop3A_323 = arith.index_cast %parallel_loop3A_280 : i32 to index
        %parallel_loop3A_324 = arith.constant 32 : index
        %parallel_loop3A_325 = tpu.vector_load %arg10[%parallel_loop3A_323, %parallel_loop3A_324] {strides = array<i32>} : memref<100x128xf32, #tpu.memory_space<vmem>>, vector<16xf32>,
        %parallel_loop3A_326 = arith.addf %parallel_loop3A_325, %parallel_loop3A_318 : vector<16xf32>
        %parallel_loop3A_327 = arith.constant 0.000000e+00 : f32
        %parallel_loop3A_328 = vector.broadcast %parallel_loop3A_327 : f32 to vector<16xf32>
        %parallel_loop3A_329 = arith.maximumf %parallel_loop3A_326, %parallel_loop3A_328 : vector<16xf32>
        %parallel_loop3A_330 = arith.index_cast %parallel_loop3A_280 : i32 to index
        %parallel_loop3A_331 = arith.constant 32 : index
        %parallel_loop3A_332 = tpu.vector_load %arg10[%parallel_loop3A_330, %parallel_loop3A_331] {strides = array<i32>} : memref<100x128xf32, #tpu.memory_space<vmem>>, vector<16xf32>,
        tpu.vector_store %arg10[%parallel_loop3A_330, %parallel_loop3A_331], %parallel_loop3A_329 {strides = array<i32>} : memref<100x128xf32, #tpu.memory_space<vmem>>, vector<16xf32>,
        %parallel_loop3A_333 = arith.index_cast %parallel_loop3A_280 : i32 to index
        %parallel_loop3A_334 = arith.constant 48 : index
        %parallel_loop3A_335 = tpu.vector_load %arg10[%parallel_loop3A_333, %parallel_loop3A_334] {strides = array<i32>} : memref<100x128xf32, #tpu.memory_space<vmem>>, vector<16xf32>,
        %parallel_loop3A_336 = arith.addf %parallel_loop3A_335, %parallel_loop3A_322 : vector<16xf32>
        %parallel_loop3A_337 = arith.constant 0.000000e+00 : f32
        %parallel_loop3A_338 = vector.broadcast %parallel_loop3A_337 : f32 to vector<16xf32>
        %parallel_loop3A_339 = arith.maximumf %parallel_loop3A_336, %parallel_loop3A_338 : vector<16xf32>
        %parallel_loop3A_340 = arith.index_cast %parallel_loop3A_280 : i32 to index
        %parallel_loop3A_341 = arith.constant 48 : index
        %parallel_loop3A_342 = tpu.vector_load %arg10[%parallel_loop3A_340, %parallel_loop3A_341] {strides = array<i32>} : memref<100x128xf32, #tpu.memory_space<vmem>>, vector<16xf32>,
        tpu.vector_store %arg10[%parallel_loop3A_340, %parallel_loop3A_341], %parallel_loop3A_339 {strides = array<i32>} : memref<100x128xf32, #tpu.memory_space<vmem>>, vector<16xf32>,
        %parallel_loop3A_343 = arith.index_cast %parallel_loop3A_280 : i32 to index
        %parallel_loop3A_344 = arith.constant 32 : index
        %parallel_loop3A_345 = tpu.vector_load %arg12[%parallel_loop3A_343, %parallel_loop3A_344] {strides = array<i32>} : memref<100x64xi32, #tpu.memory_space<vmem>>, vector<16xi32>,
        %parallel_loop3A_346 = arith.constant 16 : i32
        %parallel_loop3A_347 = vector.broadcast %parallel_loop3A_346 : i32 to vector<16xi32>
        %parallel_loop3A_348 = arith.shli %parallel_loop3A_345, %parallel_loop3A_347 : vector<16xi32>
        %parallel_loop3A_349 = vector.bitcast %parallel_loop3A_348 : vector<16xi32> to vector<16xf32>
        %parallel_loop3A_350 = arith.constant -65536 : i32
        %parallel_loop3A_351 = vector.broadcast %parallel_loop3A_350 : i32 to vector<16xi32>
        %parallel_loop3A_352 = arith.andi %parallel_loop3A_345, %parallel_loop3A_351 : vector<16xi32>
        %parallel_loop3A_353 = vector.bitcast %parallel_loop3A_352 : vector<16xi32> to vector<16xf32>
        %parallel_loop3A_354 = arith.index_cast %parallel_loop3A_280 : i32 to index
        %parallel_loop3A_355 = arith.constant 64 : index
        %parallel_loop3A_356 = tpu.vector_load %arg10[%parallel_loop3A_354, %parallel_loop3A_355] {strides = array<i32>} : memref<100x128xf32, #tpu.memory_space<vmem>>, vector<16xf32>,
        %parallel_loop3A_357 = arith.addf %parallel_loop3A_356, %parallel_loop3A_349 : vector<16xf32>
        %parallel_loop3A_358 = arith.constant 0.000000e+00 : f32
        %parallel_loop3A_359 = vector.broadcast %parallel_loop3A_358 : f32 to vector<16xf32>
        %parallel_loop3A_360 = arith.maximumf %parallel_loop3A_357, %parallel_loop3A_359 : vector<16xf32>
        %parallel_loop3A_361 = arith.index_cast %parallel_loop3A_280 : i32 to index
        %parallel_loop3A_362 = arith.constant 64 : index
        %parallel_loop3A_363 = tpu.vector_load %arg10[%parallel_loop3A_361, %parallel_loop3A_362] {strides = array<i32>} : memref<100x128xf32, #tpu.memory_space<vmem>>, vector<16xf32>,
        tpu.vector_store %arg10[%parallel_loop3A_361, %parallel_loop3A_362], %parallel_loop3A_360 {strides = array<i32>} : memref<100x128xf32, #tpu.memory_space<vmem>>, vector<16xf32>,
        %parallel_loop3A_364 = arith.index_cast %parallel_loop3A_280 : i32 to index
        %parallel_loop3A_365 = arith.constant 80 : index
        %parallel_loop3A_366 = tpu.vector_load %arg10[%parallel_loop3A_364, %parallel_loop3A_365] {strides = array<i32>} : memref<100x128xf32, #tpu.memory_space<vmem>>, vector<16xf32>,
        %parallel_loop3A_367 = arith.addf %parallel_loop3A_366, %parallel_loop3A_353 : vector<16xf32>
        %parallel_loop3A_368 = arith.constant 0.000000e+00 : f32
        %parallel_loop3A_369 = vector.broadcast %parallel_loop3A_368 : f32 to vector<16xf32>
        %parallel_loop3A_370 = arith.maximumf %parallel_loop3A_367, %parallel_loop3A_369 : vector<16xf32>
        %parallel_loop3A_371 = arith.index_cast %parallel_loop3A_280 : i32 to index
        %parallel_loop3A_372 = arith.constant 80 : index
        %parallel_loop3A_373 = tpu.vector_load %arg10[%parallel_loop3A_371, %parallel_loop3A_372] {strides = array<i32>} : memref<100x128xf32, #tpu.memory_space<vmem>>, vector<16xf32>,
        tpu.vector_store %arg10[%parallel_loop3A_371, %parallel_loop3A_372], %parallel_loop3A_370 {strides = array<i32>} : memref<100x128xf32, #tpu.memory_space<vmem>>, vector<16xf32>,
        %parallel_loop3A_374 = arith.index_cast %parallel_loop3A_280 : i32 to index
        %parallel_loop3A_375 = arith.constant 48 : index
        %parallel_loop3A_376 = tpu.vector_load %arg12[%parallel_loop3A_374, %parallel_loop3A_375] {strides = array<i32>} : memref<100x64xi32, #tpu.memory_space<vmem>>, vector<16xi32>,
        %parallel_loop3A_377 = arith.constant 16 : i32
        %parallel_loop3A_378 = vector.broadcast %parallel_loop3A_377 : i32 to vector<16xi32>
        %parallel_loop3A_379 = arith.shli %parallel_loop3A_376, %parallel_loop3A_378 : vector<16xi32>
        %parallel_loop3A_380 = vector.bitcast %parallel_loop3A_379 : vector<16xi32> to vector<16xf32>
        %parallel_loop3A_381 = arith.constant -65536 : i32
        %parallel_loop3A_382 = vector.broadcast %parallel_loop3A_381 : i32 to vector<16xi32>
        %parallel_loop3A_383 = arith.andi %parallel_loop3A_376, %parallel_loop3A_382 : vector<16xi32>
        %parallel_loop3A_384 = vector.bitcast %parallel_loop3A_383 : vector<16xi32> to vector<16xf32>
        %parallel_loop3A_385 = arith.index_cast %parallel_loop3A_280 : i32 to index
        %parallel_loop3A_386 = arith.constant 96 : index
        %parallel_loop3A_387 = tpu.vector_load %arg10[%parallel_loop3A_385, %parallel_loop3A_386] {strides = array<i32>} : memref<100x128xf32, #tpu.memory_space<vmem>>, vector<16xf32>,
        %parallel_loop3A_388 = arith.addf %parallel_loop3A_387, %parallel_loop3A_380 : vector<16xf32>
        %parallel_loop3A_389 = arith.constant 0.000000e+00 : f32
        %parallel_loop3A_390 = vector.broadcast %parallel_loop3A_389 : f32 to vector<16xf32>
        %parallel_loop3A_391 = arith.maximumf %parallel_loop3A_388, %parallel_loop3A_390 : vector<16xf32>
        %parallel_loop3A_392 = arith.index_cast %parallel_loop3A_280 : i32 to index
        %parallel_loop3A_393 = arith.constant 96 : index
        %parallel_loop3A_394 = tpu.vector_load %arg10[%parallel_loop3A_392, %parallel_loop3A_393] {strides = array<i32>} : memref<100x128xf32, #tpu.memory_space<vmem>>, vector<16xf32>,
        tpu.vector_store %arg10[%parallel_loop3A_392, %parallel_loop3A_393], %parallel_loop3A_391 {strides = array<i32>} : memref<100x128xf32, #tpu.memory_space<vmem>>, vector<16xf32>,
        %parallel_loop3A_395 = arith.index_cast %parallel_loop3A_280 : i32 to index
        %parallel_loop3A_396 = arith.constant 112 : index
        %parallel_loop3A_397 = tpu.vector_load %arg10[%parallel_loop3A_395, %parallel_loop3A_396] {strides = array<i32>} : memref<100x128xf32, #tpu.memory_space<vmem>>, vector<16xf32>,
        %parallel_loop3A_398 = arith.addf %parallel_loop3A_397, %parallel_loop3A_384 : vector<16xf32>
        %parallel_loop3A_399 = arith.constant 0.000000e+00 : f32
        %parallel_loop3A_400 = vector.broadcast %parallel_loop3A_399 : f32 to vector<16xf32>
        %parallel_loop3A_401 = arith.maximumf %parallel_loop3A_398, %parallel_loop3A_400 : vector<16xf32>
        %parallel_loop3A_402 = arith.index_cast %parallel_loop3A_280 : i32 to index
        %parallel_loop3A_403 = arith.constant 112 : index
        %parallel_loop3A_404 = tpu.vector_load %arg10[%parallel_loop3A_402, %parallel_loop3A_403] {strides = array<i32>} : memref<100x128xf32, #tpu.memory_space<vmem>>, vector<16xf32>,
        tpu.vector_store %arg10[%parallel_loop3A_402, %parallel_loop3A_403], %parallel_loop3A_401 {strides = array<i32>} : memref<100x128xf32, #tpu.memory_space<vmem>>, vector<16xf32>,
      } {sc.loop_unroll_factor = 4 : i64, sc.parallel_access}
      %dma_start3A = arith.constant 1 : i32
      %dma_start3A_210 = arith.constant 0 : i32
      %dma_start3A_211 = tpu.memref_slice %arg8[%dma_start3A, %dma_start3A_210] : memref<2x100xi32, #tpu.memory_space<vmem>> -> memref<1x100xi32, #tpu.memory_space<vmem>>
      %dma_start3A_212 = tpu.memref_squeeze %dma_start3A_211 : memref<1x100xi32, #tpu.memory_space<vmem>> -> memref<100xi32, #tpu.memory_space<vmem>>
      %dma_start3A_213 = arith.constant 0 : i32
      %dma_start3A_214 = arith.constant 0 : i32
      %dma_start3A_215 = tpu.memref_slice %arg7[%dma_start3A_213, %dma_start3A_214] : memref<10000x128xf32, #tpu.memory_space<vmem_shared>> -> memref<10000x128xf32, #tpu.memory_space<vmem_shared>>
      tpu.enqueue_indirect_dma source(%arg10 : memref<100x128xf32, #tpu.memory_space<vmem>>) target(%dma_start3A_215 : memref<10000x128xf32, #tpu.memory_space<vmem_shared>>) offsets(%dma_start3A_212 : memref<100xi32, #tpu.memory_space<vmem>>) semaphore(%arg20 : memref<!tpu.dma_semaphore, #tpu.memory_space<semaphore_mem>>) {add = true}
      %add3A_216 = arith.constant 2 : i32
      %add3A_217 = arith.addi %add3A_172, %add3A_216 : i32
      %lt3A_218 = arith.constant 200 : i32
      %lt3A_219 = arith.cmpi slt, %add3A_217, %lt3A_218 : i32
      %convert_element_type3A_220 = arith.extui %lt3A_219 : i1 to i32
      %cond3A_221 = arith.constant 0 : i32
      %cond3A_222 = arith.cmpi ne, %convert_element_type3A_220, %cond3A_221 : i32
      scf.if %cond3A_222 {
        %mul3A_280 = arith.constant 3200 : i32
        %mul3A_281 = arith.muli %arg0, %mul3A_280 : i32
        %add3A_282 = arith.addi %mul3A_281, %mul3A_2 : i32
        %add3A_283 = arith.addi %add3A_282, %add3A_217 : i32
        %dma_start3A_284 = arith.constant 0 : i32
        %dma_start3A_285 = arith.constant 0 : i32
        %dma_start3A_286 = tpu.memref_slice %arg4[%add3A_283, %dma_start3A_284, %dma_start3A_285] : memref<6400x2x100xi32, #tpu.memory_space<hbm>> -> memref<1x2x100xi32, #tpu.memory_space<hbm>>
        %dma_start3A_287 = tpu.memref_squeeze %dma_start3A_286 : memref<1x2x100xi32, #tpu.memory_space<hbm>> -> memref<2x100xi32, #tpu.memory_space<hbm>>
        %dma_start3A_288 = arith.constant 0 : i32
        %dma_start3A_289 = arith.constant 0 : i32
        %dma_start3A_290 = tpu.memref_slice %arg4[%add3A_283, %dma_start3A_288, %dma_start3A_289] : memref<6400x2x100xi32, #tpu.memory_space<hbm>> -> memref<1x2x100xi32, #tpu.memory_space<hbm>>
        %dma_start3A_291 = tpu.memref_squeeze %dma_start3A_290 : memref<1x2x100xi32, #tpu.memory_space<hbm>> -> memref<2x100xi32, #tpu.memory_space<hbm>>
        tpu.enqueue_dma source(%dma_start3A_291 : memref<2x100xi32, #tpu.memory_space<hbm>>) target(%arg8 : memref<2x100xi32, #tpu.memory_space<vmem>>) target_semaphore(%arg14 : memref<!tpu.dma_semaphore, #tpu.memory_space<semaphore_mem>>)
      } else {
      }
      %mul3A_223 = arith.constant 2 : i32
      %mul3A_224 = arith.muli %scan3A_168, %mul3A_223 : i32
      %add3A_225 = arith.constant 1 : i32
      %add3A_226 = arith.addi %mul3A_224, %add3A_225 : i32
      %ge3A_227 = arith.constant 1 : i32
      %ge3A_228 = arith.cmpi sge, %add3A_226, %ge3A_227 : i32
      %convert_element_type3A_229 = arith.extui %ge3A_228 : i1 to i32
      %cond3A_230 = arith.constant 0 : i32
      %cond3A_231 = arith.cmpi ne, %convert_element_type3A_229, %cond3A_230 : i32
      scf.if %cond3A_231 {
        %dma_wait3A_280 = arith.constant 1 : i32
        %dma_wait3A_281 = arith.constant 0 : i32
        %dma_wait3A_282 = tpu.memref_slice %arg8[%dma_wait3A_280, %dma_wait3A_281] : memref<2x100xi32, #tpu.memory_space<vmem>> -> memref<1x100xi32, #tpu.memory_space<vmem>>
        %dma_wait3A_283 = tpu.memref_squeeze %dma_wait3A_282 : memref<1x100xi32, #tpu.memory_space<vmem>> -> memref<100xi32, #tpu.memory_space<vmem>>
        %dma_wait3A_284 = arith.constant 0 : i32
        %dma_wait3A_285 = arith.constant 0 : i32
        %dma_wait3A_286 = tpu.memref_slice %arg7[%dma_wait3A_284, %dma_wait3A_285] : memref<10000x128xf32, #tpu.memory_space<vmem_shared>> -> memref<10000x128xf32, #tpu.memory_space<vmem_shared>>
        tpu.wait_indirect_dma semaphore(%arg20 : memref<!tpu.dma_semaphore, #tpu.memory_space<semaphore_mem>>) src(%arg10 : memref<100x128xf32, #tpu.memory_space<vmem>>) dst(%dma_wait3A_286 : memref<10000x128xf32, #tpu.memory_space<vmem_shared>>)
      } else {
      }
      %add3A_232 = arith.constant 1 : i32
      %add3A_233 = arith.addi %add3A_226, %add3A_232 : i32
      %lt3A_234 = arith.constant 200 : i32
      %lt3A_235 = arith.cmpi slt, %add3A_233, %lt3A_234 : i32
      %convert_element_type3A_236 = arith.extui %lt3A_235 : i1 to i32
      %cond3A_237 = arith.constant 0 : i32
      %cond3A_238 = arith.cmpi ne, %convert_element_type3A_236, %cond3A_237 : i32
      scf.if %cond3A_238 {
        %add3A_280 = arith.addi %mul3A_2, %add3A_233 : i32
        %mul3A_281 = arith.constant 100 : i32
        %mul3A_282 = arith.muli %add3A_280, %mul3A_281 : i32
        %mul3A_283 = arith.constant 320000 : i32
        %mul3A_284 = arith.muli %arg0, %mul3A_283 : i32
        %add3A_285 = arith.addi %mul3A_284, %mul3A_282 : i32
        %dma_start3A_286 = arith.constant 0 : i32
        %dma_start3A_287 = tpu.memref_slice %arg3[%add3A_285, %dma_start3A_286] : memref<640000x128xf32, #tpu.memory_space<hbm>> -> memref<100x128xf32, #tpu.memory_space<hbm>>
        %dma_start3A_288 = arith.constant 0 : i32
        %dma_start3A_289 = tpu.memref_slice %arg3[%add3A_285, %dma_start3A_288] : memref<640000x128xf32, #tpu.memory_space<hbm>> -> memref<100x128xf32, #tpu.memory_space<hbm>>
        tpu.enqueue_dma source(%dma_start3A_289 : memref<100x128xf32, #tpu.memory_space<hbm>>) target(%arg10 : memref<100x128xf32, #tpu.memory_space<vmem>>) target_semaphore(%arg16 : memref<!tpu.dma_semaphore, #tpu.memory_space<semaphore_mem>>)
      } else {
      }
      %add3A_239 = arith.constant 1 : i32
      %add3A_240 = arith.addi %add3A_226, %add3A_239 : i32
      %lt3A_241 = arith.constant 200 : i32
      %lt3A_242 = arith.cmpi slt, %add3A_240, %lt3A_241 : i32
      %convert_element_type3A_243 = arith.extui %lt3A_242 : i1 to i32
      %cond3A_244 = arith.constant 0 : i32
      %cond3A_245 = arith.cmpi ne, %convert_element_type3A_243, %cond3A_244 : i32
      scf.if %cond3A_245 {
        %mul3A_280 = arith.constant 3200 : i32
        %mul3A_281 = arith.muli %arg0, %mul3A_280 : i32
        %add3A_282 = arith.addi %mul3A_281, %mul3A_2 : i32
        %add3A_283 = arith.addi %add3A_282, %add3A_240 : i32
        %dma_wait3A_284 = arith.constant 0 : i32
        %dma_wait3A_285 = arith.constant 0 : i32
        %dma_wait3A_286 = tpu.memref_slice %arg4[%add3A_283, %dma_wait3A_284, %dma_wait3A_285] : memref<6400x2x100xi32, #tpu.memory_space<hbm>> -> memref<1x2x100xi32, #tpu.memory_space<hbm>>
        %dma_wait3A_287 = tpu.memref_squeeze %dma_wait3A_286 : memref<1x2x100xi32, #tpu.memory_space<hbm>> -> memref<2x100xi32, #tpu.memory_space<hbm>>
        %dma_wait3A_288 = arith.constant 0 : i32
        %dma_wait3A_289 = arith.constant 0 : i32
        %dma_wait3A_290 = tpu.memref_slice %arg4[%add3A_283, %dma_wait3A_288, %dma_wait3A_289] : memref<6400x2x100xi32, #tpu.memory_space<hbm>> -> memref<1x2x100xi32, #tpu.memory_space<hbm>>
        %dma_wait3A_291 = tpu.memref_squeeze %dma_wait3A_290 : memref<1x2x100xi32, #tpu.memory_space<hbm>> -> memref<2x100xi32, #tpu.memory_space<hbm>>
        tpu.wait_dma2 semaphore(%arg14 : memref<!tpu.dma_semaphore, #tpu.memory_space<semaphore_mem>>) src(%dma_wait3A_291 : memref<2x100xi32, #tpu.memory_space<hbm>>) dst(%arg8 : memref<2x100xi32, #tpu.memory_space<vmem>>)
        %dma_start3A_292 = arith.constant 0 : i32
        %dma_start3A_293 = arith.constant 0 : i32
        %dma_start3A_294 = tpu.memref_slice %arg8[%dma_start3A_292, %dma_start3A_293] : memref<2x100xi32, #tpu.memory_space<vmem>> -> memref<1x100xi32, #tpu.memory_space<vmem>>
        %dma_start3A_295 = tpu.memref_squeeze %dma_start3A_294 : memref<1x100xi32, #tpu.memory_space<vmem>> -> memref<100xi32, #tpu.memory_space<vmem>>
        %dma_start3A_296 = arith.constant 0 : i32
        %dma_start3A_297 = arith.constant 0 : i32
        %dma_start3A_298 = tpu.memref_slice %arg6[%dma_start3A_296, %dma_start3A_297] : memref<20000x64xi32, #tpu.memory_space<hbm>> -> memref<20000x64xi32, #tpu.memory_space<hbm>>
        tpu.enqueue_indirect_dma source(%dma_start3A_298 : memref<20000x64xi32, #tpu.memory_space<hbm>>) target(%arg12 : memref<100x64xi32, #tpu.memory_space<vmem>>) offsets(%dma_start3A_295 : memref<100xi32, #tpu.memory_space<vmem>>) semaphore(%arg18 : memref<!tpu.dma_semaphore, #tpu.memory_space<semaphore_mem>>)
      } else {
      }
      %add3A_246 = arith.addi %mul3A_2, %add3A_226 : i32
      %mul3A_247 = arith.constant 100 : i32
      %mul3A_248 = arith.muli %add3A_246, %mul3A_247 : i32
      %mul3A_249 = arith.constant 320000 : i32
      %mul3A_250 = arith.muli %arg0, %mul3A_249 : i32
      %add3A_251 = arith.addi %mul3A_250, %mul3A_248 : i32
      %dma_wait3A_252 = arith.constant 0 : i32
      %dma_wait3A_253 = tpu.memref_slice %arg3[%add3A_251, %dma_wait3A_252] : memref<640000x128xf32, #tpu.memory_space<hbm>> -> memref<100x128xf32, #tpu.memory_space<hbm>>
      %dma_wait3A_254 = arith.constant 0 : i32
      %dma_wait3A_255 = tpu.memref_slice %arg3[%add3A_251, %dma_wait3A_254] : memref<640000x128xf32, #tpu.memory_space<hbm>> -> memref<100x128xf32, #tpu.memory_space<hbm>>
      tpu.wait_dma2 semaphore(%arg17 : memref<!tpu.dma_semaphore, #tpu.memory_space<semaphore_mem>>) src(%dma_wait3A_255 : memref<100x128xf32, #tpu.memory_space<hbm>>) dst(%arg11 : memref<100x128xf32, #tpu.memory_space<vmem>>)
      %dma_wait3A_256 = arith.constant 0 : i32
      %dma_wait3A_257 = arith.constant 0 : i32
      %dma_wait3A_258 = tpu.memref_slice %arg9[%dma_wait3A_256, %dma_wait3A_257] : memref<2x100xi32, #tpu.memory_space<vmem>> -> memref<1x100xi32, #tpu.memory_space<vmem>>
      %dma_wait3A_259 = tpu.memref_squeeze %dma_wait3A_258 : memref<1x100xi32, #tpu.memory_space<vmem>> -> memref<100xi32, #tpu.memory_space<vmem>>
      %dma_wait3A_260 = arith.constant 0 : i32
      %dma_wait3A_261 = arith.constant 0 : i32
      %dma_wait3A_262 = tpu.memref_slice %arg6[%dma_wait3A_260, %dma_wait3A_261] : memref<20000x64xi32, #tpu.memory_space<hbm>> -> memref<20000x64xi32, #tpu.memory_space<hbm>>
      tpu.wait_indirect_dma semaphore(%arg19 : memref<!tpu.dma_semaphore, #tpu.memory_space<semaphore_mem>>) src(%dma_wait3A_262 : memref<20000x64xi32, #tpu.memory_space<hbm>>) dst(%arg13 : memref<100x64xi32, #tpu.memory_space<vmem>>)
      %parallel_loop3A_263 = arith.constant 0 : i32
      %parallel_loop3A_264 = arith.constant 100 : i32
      %parallel_loop3A_265 = arith.constant 1 : i32
      scf.for %parallel_loop3A_280 = %parallel_loop3A_263 to %parallel_loop3A_264 step %parallel_loop3A_265  : i32 {
        %parallel_loop3A_281 = arith.index_cast %parallel_loop3A_280 : i32 to index
        %parallel_loop3A_282 = arith.constant 0 : index
        %parallel_loop3A_283 = tpu.vector_load %arg13[%parallel_loop3A_281, %parallel_loop3A_282] {strides = array<i32>} : memref<100x64xi32, #tpu.memory_space<vmem>>, vector<16xi32>,
        %parallel_loop3A_284 = arith.constant 16 : i32
        %parallel_loop3A_285 = vector.broadcast %parallel_loop3A_284 : i32 to vector<16xi32>
        %parallel_loop3A_286 = arith.shli %parallel_loop3A_283, %parallel_loop3A_285 : vector<16xi32>
        %parallel_loop3A_287 = vector.bitcast %parallel_loop3A_286 : vector<16xi32> to vector<16xf32>
        %parallel_loop3A_288 = arith.constant -65536 : i32
        %parallel_loop3A_289 = vector.broadcast %parallel_loop3A_288 : i32 to vector<16xi32>
        %parallel_loop3A_290 = arith.andi %parallel_loop3A_283, %parallel_loop3A_289 : vector<16xi32>
        %parallel_loop3A_291 = vector.bitcast %parallel_loop3A_290 : vector<16xi32> to vector<16xf32>
        %parallel_loop3A_292 = arith.index_cast %parallel_loop3A_280 : i32 to index
        %parallel_loop3A_293 = arith.constant 0 : index
        %parallel_loop3A_294 = tpu.vector_load %arg11[%parallel_loop3A_292, %parallel_loop3A_293] {strides = array<i32>} : memref<100x128xf32, #tpu.memory_space<vmem>>, vector<16xf32>,
        %parallel_loop3A_295 = arith.addf %parallel_loop3A_294, %parallel_loop3A_287 : vector<16xf32>
        %parallel_loop3A_296 = arith.constant 0.000000e+00 : f32
        %parallel_loop3A_297 = vector.broadcast %parallel_loop3A_296 : f32 to vector<16xf32>
        %parallel_loop3A_298 = arith.maximumf %parallel_loop3A_295, %parallel_loop3A_297 : vector<16xf32>
        %parallel_loop3A_299 = arith.index_cast %parallel_loop3A_280 : i32 to index
        %parallel_loop3A_300 = arith.constant 0 : index
        %parallel_loop3A_301 = tpu.vector_load %arg11[%parallel_loop3A_299, %parallel_loop3A_300] {strides = array<i32>} : memref<100x128xf32, #tpu.memory_space<vmem>>, vector<16xf32>,
        tpu.vector_store %arg11[%parallel_loop3A_299, %parallel_loop3A_300], %parallel_loop3A_298 {strides = array<i32>} : memref<100x128xf32, #tpu.memory_space<vmem>>, vector<16xf32>,
        %parallel_loop3A_302 = arith.index_cast %parallel_loop3A_280 : i32 to index
        %parallel_loop3A_303 = arith.constant 16 : index
        %parallel_loop3A_304 = tpu.vector_load %arg11[%parallel_loop3A_302, %parallel_loop3A_303] {strides = array<i32>} : memref<100x128xf32, #tpu.memory_space<vmem>>, vector<16xf32>,
        %parallel_loop3A_305 = arith.addf %parallel_loop3A_304, %parallel_loop3A_291 : vector<16xf32>
        %parallel_loop3A_306 = arith.constant 0.000000e+00 : f32
        %parallel_loop3A_307 = vector.broadcast %parallel_loop3A_306 : f32 to vector<16xf32>
        %parallel_loop3A_308 = arith.maximumf %parallel_loop3A_305, %parallel_loop3A_307 : vector<16xf32>
        %parallel_loop3A_309 = arith.index_cast %parallel_loop3A_280 : i32 to index
        %parallel_loop3A_310 = arith.constant 16 : index
        %parallel_loop3A_311 = tpu.vector_load %arg11[%parallel_loop3A_309, %parallel_loop3A_310] {strides = array<i32>} : memref<100x128xf32, #tpu.memory_space<vmem>>, vector<16xf32>,
        tpu.vector_store %arg11[%parallel_loop3A_309, %parallel_loop3A_310], %parallel_loop3A_308 {strides = array<i32>} : memref<100x128xf32, #tpu.memory_space<vmem>>, vector<16xf32>,
        %parallel_loop3A_312 = arith.index_cast %parallel_loop3A_280 : i32 to index
        %parallel_loop3A_313 = arith.constant 16 : index
        %parallel_loop3A_314 = tpu.vector_load %arg13[%parallel_loop3A_312, %parallel_loop3A_313] {strides = array<i32>} : memref<100x64xi32, #tpu.memory_space<vmem>>, vector<16xi32>,
        %parallel_loop3A_315 = arith.constant 16 : i32
        %parallel_loop3A_316 = vector.broadcast %parallel_loop3A_315 : i32 to vector<16xi32>
        %parallel_loop3A_317 = arith.shli %parallel_loop3A_314, %parallel_loop3A_316 : vector<16xi32>
        %parallel_loop3A_318 = vector.bitcast %parallel_loop3A_317 : vector<16xi32> to vector<16xf32>
        %parallel_loop3A_319 = arith.constant -65536 : i32
        %parallel_loop3A_320 = vector.broadcast %parallel_loop3A_319 : i32 to vector<16xi32>
        %parallel_loop3A_321 = arith.andi %parallel_loop3A_314, %parallel_loop3A_320 : vector<16xi32>
        %parallel_loop3A_322 = vector.bitcast %parallel_loop3A_321 : vector<16xi32> to vector<16xf32>
        %parallel_loop3A_323 = arith.index_cast %parallel_loop3A_280 : i32 to index
        %parallel_loop3A_324 = arith.constant 32 : index
        %parallel_loop3A_325 = tpu.vector_load %arg11[%parallel_loop3A_323, %parallel_loop3A_324] {strides = array<i32>} : memref<100x128xf32, #tpu.memory_space<vmem>>, vector<16xf32>,
        %parallel_loop3A_326 = arith.addf %parallel_loop3A_325, %parallel_loop3A_318 : vector<16xf32>
        %parallel_loop3A_327 = arith.constant 0.000000e+00 : f32
        %parallel_loop3A_328 = vector.broadcast %parallel_loop3A_327 : f32 to vector<16xf32>
        %parallel_loop3A_329 = arith.maximumf %parallel_loop3A_326, %parallel_loop3A_328 : vector<16xf32>
        %parallel_loop3A_330 = arith.index_cast %parallel_loop3A_280 : i32 to index
        %parallel_loop3A_331 = arith.constant 32 : index
        %parallel_loop3A_332 = tpu.vector_load %arg11[%parallel_loop3A_330, %parallel_loop3A_331] {strides = array<i32>} : memref<100x128xf32, #tpu.memory_space<vmem>>, vector<16xf32>,
        tpu.vector_store %arg11[%parallel_loop3A_330, %parallel_loop3A_331], %parallel_loop3A_329 {strides = array<i32>} : memref<100x128xf32, #tpu.memory_space<vmem>>, vector<16xf32>,
        %parallel_loop3A_333 = arith.index_cast %parallel_loop3A_280 : i32 to index
        %parallel_loop3A_334 = arith.constant 48 : index
        %parallel_loop3A_335 = tpu.vector_load %arg11[%parallel_loop3A_333, %parallel_loop3A_334] {strides = array<i32>} : memref<100x128xf32, #tpu.memory_space<vmem>>, vector<16xf32>,
        %parallel_loop3A_336 = arith.addf %parallel_loop3A_335, %parallel_loop3A_322 : vector<16xf32>
        %parallel_loop3A_337 = arith.constant 0.000000e+00 : f32
        %parallel_loop3A_338 = vector.broadcast %parallel_loop3A_337 : f32 to vector<16xf32>
        %parallel_loop3A_339 = arith.maximumf %parallel_loop3A_336, %parallel_loop3A_338 : vector<16xf32>
        %parallel_loop3A_340 = arith.index_cast %parallel_loop3A_280 : i32 to index
        %parallel_loop3A_341 = arith.constant 48 : index
        %parallel_loop3A_342 = tpu.vector_load %arg11[%parallel_loop3A_340, %parallel_loop3A_341] {strides = array<i32>} : memref<100x128xf32, #tpu.memory_space<vmem>>, vector<16xf32>,
        tpu.vector_store %arg11[%parallel_loop3A_340, %parallel_loop3A_341], %parallel_loop3A_339 {strides = array<i32>} : memref<100x128xf32, #tpu.memory_space<vmem>>, vector<16xf32>,
        %parallel_loop3A_343 = arith.index_cast %parallel_loop3A_280 : i32 to index
        %parallel_loop3A_344 = arith.constant 32 : index
        %parallel_loop3A_345 = tpu.vector_load %arg13[%parallel_loop3A_343, %parallel_loop3A_344] {strides = array<i32>} : memref<100x64xi32, #tpu.memory_space<vmem>>, vector<16xi32>,
        %parallel_loop3A_346 = arith.constant 16 : i32
        %parallel_loop3A_347 = vector.broadcast %parallel_loop3A_346 : i32 to vector<16xi32>
        %parallel_loop3A_348 = arith.shli %parallel_loop3A_345, %parallel_loop3A_347 : vector<16xi32>
        %parallel_loop3A_349 = vector.bitcast %parallel_loop3A_348 : vector<16xi32> to vector<16xf32>
        %parallel_loop3A_350 = arith.constant -65536 : i32
        %parallel_loop3A_351 = vector.broadcast %parallel_loop3A_350 : i32 to vector<16xi32>
        %parallel_loop3A_352 = arith.andi %parallel_loop3A_345, %parallel_loop3A_351 : vector<16xi32>
        %parallel_loop3A_353 = vector.bitcast %parallel_loop3A_352 : vector<16xi32> to vector<16xf32>
        %parallel_loop3A_354 = arith.index_cast %parallel_loop3A_280 : i32 to index
        %parallel_loop3A_355 = arith.constant 64 : index
        %parallel_loop3A_356 = tpu.vector_load %arg11[%parallel_loop3A_354, %parallel_loop3A_355] {strides = array<i32>} : memref<100x128xf32, #tpu.memory_space<vmem>>, vector<16xf32>,
        %parallel_loop3A_357 = arith.addf %parallel_loop3A_356, %parallel_loop3A_349 : vector<16xf32>
        %parallel_loop3A_358 = arith.constant 0.000000e+00 : f32
        %parallel_loop3A_359 = vector.broadcast %parallel_loop3A_358 : f32 to vector<16xf32>
        %parallel_loop3A_360 = arith.maximumf %parallel_loop3A_357, %parallel_loop3A_359 : vector<16xf32>
        %parallel_loop3A_361 = arith.index_cast %parallel_loop3A_280 : i32 to index
        %parallel_loop3A_362 = arith.constant 64 : index
        %parallel_loop3A_363 = tpu.vector_load %arg11[%parallel_loop3A_361, %parallel_loop3A_362] {strides = array<i32>} : memref<100x128xf32, #tpu.memory_space<vmem>>, vector<16xf32>,
        tpu.vector_store %arg11[%parallel_loop3A_361, %parallel_loop3A_362], %parallel_loop3A_360 {strides = array<i32>} : memref<100x128xf32, #tpu.memory_space<vmem>>, vector<16xf32>,
        %parallel_loop3A_364 = arith.index_cast %parallel_loop3A_280 : i32 to index
        %parallel_loop3A_365 = arith.constant 80 : index
        %parallel_loop3A_366 = tpu.vector_load %arg11[%parallel_loop3A_364, %parallel_loop3A_365] {strides = array<i32>} : memref<100x128xf32, #tpu.memory_space<vmem>>, vector<16xf32>,
        %parallel_loop3A_367 = arith.addf %parallel_loop3A_366, %parallel_loop3A_353 : vector<16xf32>
        %parallel_loop3A_368 = arith.constant 0.000000e+00 : f32
        %parallel_loop3A_369 = vector.broadcast %parallel_loop3A_368 : f32 to vector<16xf32>
        %parallel_loop3A_370 = arith.maximumf %parallel_loop3A_367, %parallel_loop3A_369 : vector<16xf32>
        %parallel_loop3A_371 = arith.index_cast %parallel_loop3A_280 : i32 to index
        %parallel_loop3A_372 = arith.constant 80 : index
        %parallel_loop3A_373 = tpu.vector_load %arg11[%parallel_loop3A_371, %parallel_loop3A_372] {strides = array<i32>} : memref<100x128xf32, #tpu.memory_space<vmem>>, vector<16xf32>,
        tpu.vector_store %arg11[%parallel_loop3A_371, %parallel_loop3A_372], %parallel_loop3A_370 {strides = array<i32>} : memref<100x128xf32, #tpu.memory_space<vmem>>, vector<16xf32>,
        %parallel_loop3A_374 = arith.index_cast %parallel_loop3A_280 : i32 to index
        %parallel_loop3A_375 = arith.constant 48 : index
        %parallel_loop3A_376 = tpu.vector_load %arg13[%parallel_loop3A_374, %parallel_loop3A_375] {strides = array<i32>} : memref<100x64xi32, #tpu.memory_space<vmem>>, vector<16xi32>,
        %parallel_loop3A_377 = arith.constant 16 : i32
        %parallel_loop3A_378 = vector.broadcast %parallel_loop3A_377 : i32 to vector<16xi32>
        %parallel_loop3A_379 = arith.shli %parallel_loop3A_376, %parallel_loop3A_378 : vector<16xi32>
        %parallel_loop3A_380 = vector.bitcast %parallel_loop3A_379 : vector<16xi32> to vector<16xf32>
        %parallel_loop3A_381 = arith.constant -65536 : i32
        %parallel_loop3A_382 = vector.broadcast %parallel_loop3A_381 : i32 to vector<16xi32>
        %parallel_loop3A_383 = arith.andi %parallel_loop3A_376, %parallel_loop3A_382 : vector<16xi32>
        %parallel_loop3A_384 = vector.bitcast %parallel_loop3A_383 : vector<16xi32> to vector<16xf32>
        %parallel_loop3A_385 = arith.index_cast %parallel_loop3A_280 : i32 to index
        %parallel_loop3A_386 = arith.constant 96 : index
        %parallel_loop3A_387 = tpu.vector_load %arg11[%parallel_loop3A_385, %parallel_loop3A_386] {strides = array<i32>} : memref<100x128xf32, #tpu.memory_space<vmem>>, vector<16xf32>,
        %parallel_loop3A_388 = arith.addf %parallel_loop3A_387, %parallel_loop3A_380 : vector<16xf32>
        %parallel_loop3A_389 = arith.constant 0.000000e+00 : f32
        %parallel_loop3A_390 = vector.broadcast %parallel_loop3A_389 : f32 to vector<16xf32>
        %parallel_loop3A_391 = arith.maximumf %parallel_loop3A_388, %parallel_loop3A_390 : vector<16xf32>
        %parallel_loop3A_392 = arith.index_cast %parallel_loop3A_280 : i32 to index
        %parallel_loop3A_393 = arith.constant 96 : index
        %parallel_loop3A_394 = tpu.vector_load %arg11[%parallel_loop3A_392, %parallel_loop3A_393] {strides = array<i32>} : memref<100x128xf32, #tpu.memory_space<vmem>>, vector<16xf32>,
        tpu.vector_store %arg11[%parallel_loop3A_392, %parallel_loop3A_393], %parallel_loop3A_391 {strides = array<i32>} : memref<100x128xf32, #tpu.memory_space<vmem>>, vector<16xf32>,
        %parallel_loop3A_395 = arith.index_cast %parallel_loop3A_280 : i32 to index
        %parallel_loop3A_396 = arith.constant 112 : index
        %parallel_loop3A_397 = tpu.vector_load %arg11[%parallel_loop3A_395, %parallel_loop3A_396] {strides = array<i32>} : memref<100x128xf32, #tpu.memory_space<vmem>>, vector<16xf32>,
        %parallel_loop3A_398 = arith.addf %parallel_loop3A_397, %parallel_loop3A_384 : vector<16xf32>
        %parallel_loop3A_399 = arith.constant 0.000000e+00 : f32
        %parallel_loop3A_400 = vector.broadcast %parallel_loop3A_399 : f32 to vector<16xf32>
        %parallel_loop3A_401 = arith.maximumf %parallel_loop3A_398, %parallel_loop3A_400 : vector<16xf32>
        %parallel_loop3A_402 = arith.index_cast %parallel_loop3A_280 : i32 to index
        %parallel_loop3A_403 = arith.constant 112 : index
        %parallel_loop3A_404 = tpu.vector_load %arg11[%parallel_loop3A_402, %parallel_loop3A_403] {strides = array<i32>} : memref<100x128xf32, #tpu.memory_space<vmem>>, vector<16xf32>,
        tpu.vector_store %arg11[%parallel_loop3A_402, %parallel_loop3A_403], %parallel_loop3A_401 {strides = array<i32>} : memref<100x128xf32, #tpu.memory_space<vmem>>, vector<16xf32>,
      } {sc.loop_unroll_factor = 4 : i64, sc.parallel_access}
      %dma_start3A_266 = arith.constant 1 : i32
      %dma_start3A_267 = arith.constant 0 : i32
      %dma_start3A_268 = tpu.memref_slice %arg9[%dma_start3A_266, %dma_start3A_267] : memref<2x100xi32, #tpu.memory_space<vmem>> -> memref<1x100xi32, #tpu.memory_space<vmem>>
      %dma_start3A_269 = tpu.memref_squeeze %dma_start3A_268 : memref<1x100xi32, #tpu.memory_space<vmem>> -> memref<100xi32, #tpu.memory_space<vmem>>
      %dma_start3A_270 = arith.constant 0 : i32
      %dma_start3A_271 = arith.constant 0 : i32
      %dma_start3A_272 = tpu.memref_slice %arg7[%dma_start3A_270, %dma_start3A_271] : memref<10000x128xf32, #tpu.memory_space<vmem_shared>> -> memref<10000x128xf32, #tpu.memory_space<vmem_shared>>
      tpu.enqueue_indirect_dma source(%arg11 : memref<100x128xf32, #tpu.memory_space<vmem>>) target(%dma_start3A_272 : memref<10000x128xf32, #tpu.memory_space<vmem_shared>>) offsets(%dma_start3A_269 : memref<100xi32, #tpu.memory_space<vmem>>) semaphore(%arg21 : memref<!tpu.dma_semaphore, #tpu.memory_space<semaphore_mem>>) {add = true}
      %add3A_273 = arith.constant 2 : i32
      %add3A_274 = arith.addi %add3A_226, %add3A_273 : i32
      %lt3A_275 = arith.constant 200 : i32
      %lt3A_276 = arith.cmpi slt, %add3A_274, %lt3A_275 : i32
      %convert_element_type3A_277 = arith.extui %lt3A_276 : i1 to i32
      %cond3A_278 = arith.constant 0 : i32
      %cond3A_279 = arith.cmpi ne, %convert_element_type3A_277, %cond3A_278 : i32
      scf.if %cond3A_279 {
        %mul3A_280 = arith.constant 3200 : i32
        %mul3A_281 = arith.muli %arg0, %mul3A_280 : i32
        %add3A_282 = arith.addi %mul3A_281, %mul3A_2 : i32
        %add3A_283 = arith.addi %add3A_282, %add3A_274 : i32
        %dma_start3A_284 = arith.constant 0 : i32
        %dma_start3A_285 = arith.constant 0 : i32
        %dma_start3A_286 = tpu.memref_slice %arg4[%add3A_283, %dma_start3A_284, %dma_start3A_285] : memref<6400x2x100xi32, #tpu.memory_space<hbm>> -> memref<1x2x100xi32, #tpu.memory_space<hbm>>
        %dma_start3A_287 = tpu.memref_squeeze %dma_start3A_286 : memref<1x2x100xi32, #tpu.memory_space<hbm>> -> memref<2x100xi32, #tpu.memory_space<hbm>>
        %dma_start3A_288 = arith.constant 0 : i32
        %dma_start3A_289 = arith.constant 0 : i32
        %dma_start3A_290 = tpu.memref_slice %arg4[%add3A_283, %dma_start3A_288, %dma_start3A_289] : memref<6400x2x100xi32, #tpu.memory_space<hbm>> -> memref<1x2x100xi32, #tpu.memory_space<hbm>>
        %dma_start3A_291 = tpu.memref_squeeze %dma_start3A_290 : memref<1x2x100xi32, #tpu.memory_space<hbm>> -> memref<2x100xi32, #tpu.memory_space<hbm>>
        tpu.enqueue_dma source(%dma_start3A_291 : memref<2x100xi32, #tpu.memory_space<hbm>>) target(%arg9 : memref<2x100xi32, #tpu.memory_space<vmem>>) target_semaphore(%arg15 : memref<!tpu.dma_semaphore, #tpu.memory_space<semaphore_mem>>)
      } else {
      }
    }
    %scan3A_157 = arith.constant 100 : i32
    %dma_wait3A = arith.constant 1 : i32
    %dma_wait3A_158 = arith.constant 0 : i32
    %dma_wait3A_159 = tpu.memref_slice %arg9[%dma_wait3A, %dma_wait3A_158] : memref<2x100xi32, #tpu.memory_space<vmem>> -> memref<1x100xi32, #tpu.memory_space<vmem>>
    %dma_wait3A_160 = tpu.memref_squeeze %dma_wait3A_159 : memref<1x100xi32, #tpu.memory_space<vmem>> -> memref<100xi32, #tpu.memory_space<vmem>>
    %dma_wait3A_161 = arith.constant 0 : i32
    %dma_wait3A_162 = arith.constant 0 : i32
    %dma_wait3A_163 = tpu.memref_slice %arg7[%dma_wait3A_161, %dma_wait3A_162] : memref<10000x128xf32, #tpu.memory_space<vmem_shared>> -> memref<10000x128xf32, #tpu.memory_space<vmem_shared>>
    tpu.wait_indirect_dma semaphore(%arg21 : memref<!tpu.dma_semaphore, #tpu.memory_space<semaphore_mem>>) src(%arg11 : memref<100x128xf32, #tpu.memory_space<vmem>>) dst(%dma_wait3A_163 : memref<10000x128xf32, #tpu.memory_space<vmem_shared>>)
    %barrier3A_164 = arith.constant 0 : index
    tpu.barrier barrier_id(%barrier3A_164)
    %mul3A_165 = arith.constant 10000 : i32
    %mul3A_166 = arith.muli %arg0, %mul3A_165 : i32
    %add3A_167 = arith.addi %mul3A_166, %mul3A_0 : i32
    "tpu.region"() ({
      %run_scoped3A = tpu.sem_alloc : memref<!tpu.dma_semaphore, #tpu.memory_space<semaphore_mem>>
      %dma_start3A = arith.constant 0 : i32
      %dma_start3A_168 = tpu.memref_slice %arg5[%add3A_167, %dma_start3A] : memref<20000x128xf32, #tpu.memory_space<hbm>> -> memref<625x128xf32, #tpu.memory_space<hbm>>
      %dma_start3A_169 = arith.constant 0 : i32
      %dma_start3A_170 = tpu.memref_slice %arg7[%mul3A_0, %dma_start3A_169] : memref<10000x128xf32, #tpu.memory_space<vmem_shared>> -> memref<625x128xf32, #tpu.memory_space<vmem_shared>>
      tpu.enqueue_dma source(%dma_start3A_170 : memref<625x128xf32, #tpu.memory_space<vmem_shared>>) target(%dma_start3A_168 : memref<625x128xf32, #tpu.memory_space<hbm>>) target_semaphore(%run_scoped3A : memref<!tpu.dma_semaphore, #tpu.memory_space<semaphore_mem>>)
      %dma_wait3A_171 = arith.constant 0 : i32
      %dma_wait3A_172 = tpu.memref_slice %arg5[%add3A_167, %dma_wait3A_171] : memref<20000x128xf32, #tpu.memory_space<hbm>> -> memref<625x128xf32, #tpu.memory_space<hbm>>
      %dma_wait3A_173 = arith.constant 0 : i32
      %dma_wait3A_174 = tpu.memref_slice %arg7[%mul3A_0, %dma_wait3A_173] : memref<10000x128xf32, #tpu.memory_space<vmem_shared>> -> memref<625x128xf32, #tpu.memory_space<vmem_shared>>
      tpu.wait_dma2 semaphore(%run_scoped3A : memref<!tpu.dma_semaphore, #tpu.memory_space<semaphore_mem>>) src(%dma_wait3A_174 : memref<625x128xf32, #tpu.memory_space<vmem_shared>>) dst(%dma_wait3A_172 : memref<625x128xf32, #tpu.memory_space<hbm>>)
      tpu.yield
    }) : () -> ()
    return
  }
}

#map = affine_map<(d0, d1) -> (0, 0)>
#map1 = affine_map<(d0, d1) -> (0, 0, 0)>
module attributes {stable_mosaic.version = 14 : i64} {
  func.func @_mp_body(%arg0: i32, %arg1: i32, %arg2: memref<20000x128xf32, #tpu.memory_space<hbm>>, %arg3: memref<640000x128xf32, #tpu.memory_space<hbm>>, %arg4: memref<6400x2x100xi32, #tpu.memory_space<hbm>>, %arg5: memref<20000x128xf32, #tpu.memory_space<hbm>>, %arg6: memref<20000x64xi32, #tpu.memory_space<hbm>>, %arg7: memref<10000x128xf32, #tpu.memory_space<vmem_shared>>, %arg8: memref<2x100xi32, #tpu.memory_space<vmem>>, %arg9: memref<2x100xi32, #tpu.memory_space<vmem>>, %arg10: memref<100x128xf32, #tpu.memory_space<vmem>>, %arg11: memref<100x128xf32, #tpu.memory_space<vmem>>, %arg12: memref<100x64xi32, #tpu.memory_space<vmem>>, %arg13: memref<100x64xi32, #tpu.memory_space<vmem>>, %arg14: memref<!tpu.dma_semaphore, #tpu.memory_space<semaphore_mem>>, %arg15: memref<!tpu.dma_semaphore, #tpu.memory_space<semaphore_mem>>, %arg16: memref<!tpu.dma_semaphore, #tpu.memory_space<semaphore_mem>>, %arg17: memref<!tpu.dma_semaphore, #tpu.memory_space<semaphore_mem>>, %arg18: memref<!tpu.dma_semaphore, #tpu.memory_space<semaphore_mem>>, %arg19: memref<!tpu.dma_semaphore, #tpu.memory_space<semaphore_mem>>, %arg20: memref<!tpu.dma_semaphore, #tpu.memory_space<semaphore_mem>>, %arg21: memref<!tpu.dma_semaphore, #tpu.memory_space<semaphore_mem>>) attributes {dimension_semantics = [#tpu.dimension_semantics<core_parallel>, #tpu.dimension_semantics<subcore_parallel>], iteration_bounds = array<i64: 2, 16>, scalar_prefetch = 0 : i64, scratch_operands = 15 : i64, tpu.core_type = #tpu.core_type<sc_vector_subcore>, window_params = [{transform_indices = #map}, {transform_indices = #map}, {transform_indices = #map1}, {transform_indices = #map}, {transform_indices = #map}]} {
    %mul3A = arith.constant 625 : i32
    %mul3A_0 = arith.muli %arg1, %mul3A : i32
    %mul3A_1 = arith.constant 200 : i32
    %mul3A_2 = arith.muli %arg1, %mul3A_1 : i32
    %mul3A_3 = arith.constant 10000 : i32
    %mul3A_4 = arith.muli %arg0, %mul3A_3 : i32
    %add3A = arith.addi %mul3A_4, %mul3A_0 : i32
    %add3A_5 = arith.constant 0 : i32
    %add3A_6 = arith.addi %add3A, %add3A_5 : i32
    "tpu.region"() ({
      %run_scoped3A = tpu.sem_alloc : memref<!tpu.dma_semaphore, #tpu.memory_space<semaphore_mem>>
      %dma_start3A = arith.constant 0 : i32
      %dma_start3A_168 = arith.constant 0 : i32
      %dma_start3A_169 = tpu.memref_slice %arg10[%dma_start3A, %dma_start3A_168] : memref<100x128xf32, #tpu.memory_space<vmem>> -> memref<100x128xf32, #tpu.memory_space<vmem>>
      %dma_start3A_170 = arith.constant 0 : i32
      %dma_start3A_171 = tpu.memref_slice %arg2[%add3A_6, %dma_start3A_170] : memref<20000x128xf32, #tpu.memory_space<hbm>> -> memref<100x128xf32, #tpu.memory_space<hbm>>
      %dma_start3A_172 = arith.constant 0 : i32
      %dma_start3A_173 = arith.constant 0 : i32
      %dma_start3A_174 = tpu.memref_slice %arg10[%dma_start3A_172, %dma_start3A_173] : memref<100x128xf32, #tpu.memory_space<vmem>> -> memref<100x128xf32, #tpu.memory_space<vmem>>
      %dma_start3A_175 = arith.constant 0 : i32
      %dma_start3A_176 = tpu.memref_slice %arg2[%add3A_6, %dma_start3A_175] : memref<20000x128xf32, #tpu.memory_space<hbm>> -> memref<100x128xf32, #tpu.memory_space<hbm>>
      tpu.enqueue_dma source(%dma_start3A_176 : memref<100x128xf32, #tpu.memory_space<hbm>>) target(%dma_start3A_174 : memref<100x128xf32, #tpu.memory_space<vmem>>) target_semaphore(%run_scoped3A : memref<!tpu.dma_semaphore, #tpu.memory_space<semaphore_mem>>)
      %dma_wait3A_177 = arith.constant 0 : i32
      %dma_wait3A_178 = arith.constant 0 : i32
      %dma_wait3A_179 = tpu.memref_slice %arg10[%dma_wait3A_177, %dma_wait3A_178] : memref<100x128xf32, #tpu.memory_space<vmem>> -> memref<100x128xf32, #tpu.memory_space<vmem>>
      %dma_wait3A_180 = arith.constant 0 : i32
      %dma_wait3A_181 = tpu.memref_slice %arg2[%add3A_6, %dma_wait3A_180] : memref<20000x128xf32, #tpu.memory_space<hbm>> -> memref<100x128xf32, #tpu.memory_space<hbm>>
      %dma_wait3A_182 = arith.constant 0 : i32
      %dma_wait3A_183 = arith.constant 0 : i32
      %dma_wait3A_184 = tpu.memref_slice %arg10[%dma_wait3A_182, %dma_wait3A_183] : memref<100x128xf32, #tpu.memory_space<vmem>> -> memref<100x128xf32, #tpu.memory_space<vmem>>
      %dma_wait3A_185 = arith.constant 0 : i32
      %dma_wait3A_186 = tpu.memref_slice %arg2[%add3A_6, %dma_wait3A_185] : memref<20000x128xf32, #tpu.memory_space<hbm>> -> memref<100x128xf32, #tpu.memory_space<hbm>>
      tpu.wait_dma2 semaphore(%run_scoped3A : memref<!tpu.dma_semaphore, #tpu.memory_space<semaphore_mem>>) src(%dma_wait3A_186 : memref<100x128xf32, #tpu.memory_space<hbm>>) dst(%dma_wait3A_184 : memref<100x128xf32, #tpu.memory_space<vmem>>)
      tpu.yield
    }) : () -> ()
    %scan3A = arith.constant 0 : i32
    %scan3A_7 = arith.constant 0 : i32
    %scan3A_8 = arith.constant 100 : i32
    %scan3A_9 = arith.addi %scan3A_7, %scan3A_8 : i32
    %scan3A_10 = arith.constant 1 : i32
    scf.for %scan3A_168 = %scan3A_7 to %scan3A_9 step %scan3A_10  : i32 {
      %get3A = arith.index_cast %scan3A_168 : i32 to index
      %get3A_169 = arith.constant 0 : index
      %get3A_170 = tpu.vector_load %arg10[%get3A, %get3A_169] {strides = array<i32>} : memref<100x128xf32, #tpu.memory_space<vmem>>, vector<16xf32>,
      %get3A_171 = arith.index_cast %scan3A_168 : i32 to index
      %get3A_172 = arith.constant 16 : index
      %get3A_173 = tpu.vector_load %arg10[%get3A_171, %get3A_172] {strides = array<i32>} : memref<100x128xf32, #tpu.memory_space<vmem>>, vector<16xf32>,
      %pack3A = tpu.pack_subelements %get3A_170, %get3A_173 {pack_format = #tpu.pack_format<interleaved>, positions = array<i32: 0, 1>} : vector<16xf32>, vector<16xf32> -> vector<32xbf16>
      %bitcast3A = vector.bitcast %pack3A : vector<32xbf16> to vector<16xi32>
      %swap3A = arith.index_cast %scan3A_168 : i32 to index
      %swap3A_174 = arith.constant 0 : index
      %swap3A_175 = tpu.vector_load %arg12[%swap3A, %swap3A_174] {strides = array<i32>} : memref<100x64xi32, #tpu.memory_space<vmem>>, vector<16xi32>,
      tpu.vector_store %arg12[%swap3A, %swap3A_174], %bitcast3A {strides = array<i32>} : memref<100x64xi32, #tpu.memory_space<vmem>>, vector<16xi32>,
      %get3A_176 = arith.index_cast %scan3A_168 : i32 to index
      %get3A_177 = arith.constant 32 : index
      %get3A_178 = tpu.vector_load %arg10[%get3A_176, %get3A_177] {strides = array<i32>} : memref<100x128xf32, #tpu.memory_space<vmem>>, vector<16xf32>,
      %get3A_179 = arith.index_cast %scan3A_168 : i32 to index
      %get3A_180 = arith.constant 48 : index
      %get3A_181 = tpu.vector_load %arg10[%get3A_179, %get3A_180] {strides = array<i32>} : memref<100x128xf32, #tpu.memory_space<vmem>>, vector<16xf32>,
      %pack3A_182 = tpu.pack_subelements %get3A_178, %get3A_181 {pack_format = #tpu.pack_format<interleaved>, positions = array<i32: 0, 1>} : vector<16xf32>, vector<16xf32> -> vector<32xbf16>
      %bitcast3A_183 = vector.bitcast %pack3A_182 : vector<32xbf16> to vector<16xi32>
      %swap3A_184 = arith.index_cast %scan3A_168 : i32 to index
      %swap3A_185 = arith.constant 16 : index
      %swap3A_186 = tpu.vector_load %arg12[%swap3A_184, %swap3A_185] {strides = array<i32>} : memref<100x64xi32, #tpu.memory_space<vmem>>, vector<16xi32>,
      tpu.vector_store %arg12[%swap3A_184, %swap3A_185], %bitcast3A_183 {strides = array<i32>} : memref<100x64xi32, #tpu.memory_space<vmem>>, vector<16xi32>,
      %get3A_187 = arith.index_cast %scan3A_168 : i32 to index
      %get3A_188 = arith.constant 64 : index
      %get3A_189 = tpu.vector_load %arg10[%get3A_187, %get3A_188] {strides = array<i32>} : memref<100x128xf32, #tpu.memory_space<vmem>>, vector<16xf32>,
      %get3A_190 = arith.index_cast %scan3A_168 : i32 to index
      %get3A_191 = arith.constant 80 : index
      %get3A_192 = tpu.vector_load %arg10[%get3A_190, %get3A_191] {strides = array<i32>} : memref<100x128xf32, #tpu.memory_space<vmem>>, vector<16xf32>,
      %pack3A_193 = tpu.pack_subelements %get3A_189, %get3A_192 {pack_format = #tpu.pack_format<interleaved>, positions = array<i32: 0, 1>} : vector<16xf32>, vector<16xf32> -> vector<32xbf16>
      %bitcast3A_194 = vector.bitcast %pack3A_193 : vector<32xbf16> to vector<16xi32>
      %swap3A_195 = arith.index_cast %scan3A_168 : i32 to index
      %swap3A_196 = arith.constant 32 : index
      %swap3A_197 = tpu.vector_load %arg12[%swap3A_195, %swap3A_196] {strides = array<i32>} : memref<100x64xi32, #tpu.memory_space<vmem>>, vector<16xi32>,
      tpu.vector_store %arg12[%swap3A_195, %swap3A_196], %bitcast3A_194 {strides = array<i32>} : memref<100x64xi32, #tpu.memory_space<vmem>>, vector<16xi32>,
      %get3A_198 = arith.index_cast %scan3A_168 : i32 to index
      %get3A_199 = arith.constant 96 : index
      %get3A_200 = tpu.vector_load %arg10[%get3A_198, %get3A_199] {strides = array<i32>} : memref<100x128xf32, #tpu.memory_space<vmem>>, vector<16xf32>,
      %get3A_201 = arith.index_cast %scan3A_168 : i32 to index
      %get3A_202 = arith.constant 112 : index
      %get3A_203 = tpu.vector_load %arg10[%get3A_201, %get3A_202] {strides = array<i32>} : memref<100x128xf32, #tpu.memory_space<vmem>>, vector<16xf32>,
      %pack3A_204 = tpu.pack_subelements %get3A_200, %get3A_203 {pack_format = #tpu.pack_format<interleaved>, positions = array<i32: 0, 1>} : vector<16xf32>, vector<16xf32> -> vector<32xbf16>
      %bitcast3A_205 = vector.bitcast %pack3A_204 : vector<32xbf16> to vector<16xi32>
      %swap3A_206 = arith.index_cast %scan3A_168 : i32 to index
      %swap3A_207 = arith.constant 48 : index
      %swap3A_208 = tpu.vector_load %arg12[%swap3A_206, %swap3A_207] {strides = array<i32>} : memref<100x64xi32, #tpu.memory_space<vmem>>, vector<16xi32>,
      tpu.vector_store %arg12[%swap3A_206, %swap3A_207], %bitcast3A_205 {strides = array<i32>} : memref<100x64xi32, #tpu.memory_space<vmem>>, vector<16xi32>,
    }
    %scan3A_11 = arith.constant 100 : i32
    %add3A_12 = arith.constant 0 : i32
    %add3A_13 = arith.addi %mul3A_0, %add3A_12 : i32
    "tpu.region"() ({
      %run_scoped3A = tpu.sem_alloc : memref<!tpu.dma_semaphore, #tpu.memory_space<semaphore_mem>>
      %dma_start3A = arith.constant 0 : i32
      %dma_start3A_168 = arith.constant 0 : i32
      %dma_start3A_169 = tpu.memref_slice %arg10[%dma_start3A, %dma_start3A_168] : memref<100x128xf32, #tpu.memory_space<vmem>> -> memref<100x128xf32, #tpu.memory_space<vmem>>
      %dma_start3A_170 = arith.constant 0 : i32
      %dma_start3A_171 = tpu.memref_slice %arg7[%add3A_13, %dma_start3A_170] : memref<10000x128xf32, #tpu.memory_space<vmem_shared>> -> memref<100x128xf32, #tpu.memory_space<vmem_shared>>
      %dma_start3A_172 = arith.constant 0 : i32
      %dma_start3A_173 = tpu.memref_slice %arg7[%add3A_13, %dma_start3A_172] : memref<10000x128xf32, #tpu.memory_space<vmem_shared>> -> memref<100x128xf32, #tpu.memory_space<vmem_shared>>
      %dma_start3A_174 = arith.constant 0 : i32
      %dma_start3A_175 = arith.constant 0 : i32
      %dma_start3A_176 = tpu.memref_slice %arg10[%dma_start3A_174, %dma_start3A_175] : memref<100x128xf32, #tpu.memory_space<vmem>> -> memref<100x128xf32, #tpu.memory_space<vmem>>
      tpu.enqueue_dma source(%dma_start3A_176 : memref<100x128xf32, #tpu.memory_space<vmem>>) target(%dma_start3A_173 : memref<100x128xf32, #tpu.memory_space<vmem_shared>>) target_semaphore(%run_scoped3A : memref<!tpu.dma_semaphore, #tpu.memory_space<semaphore_mem>>)
      %dma_wait3A_177 = arith.constant 0 : i32
      %dma_wait3A_178 = arith.constant 0 : i32
      %dma_wait3A_179 = tpu.memref_slice %arg10[%dma_wait3A_177, %dma_wait3A_178] : memref<100x128xf32, #tpu.memory_space<vmem>> -> memref<100x128xf32, #tpu.memory_space<vmem>>
      %dma_wait3A_180 = arith.constant 0 : i32
      %dma_wait3A_181 = tpu.memref_slice %arg7[%add3A_13, %dma_wait3A_180] : memref<10000x128xf32, #tpu.memory_space<vmem_shared>> -> memref<100x128xf32, #tpu.memory_space<vmem_shared>>
      %dma_wait3A_182 = arith.constant 0 : i32
      %dma_wait3A_183 = tpu.memref_slice %arg7[%add3A_13, %dma_wait3A_182] : memref<10000x128xf32, #tpu.memory_space<vmem_shared>> -> memref<100x128xf32, #tpu.memory_space<vmem_shared>>
      %dma_wait3A_184 = arith.constant 0 : i32
      %dma_wait3A_185 = arith.constant 0 : i32
      %dma_wait3A_186 = tpu.memref_slice %arg10[%dma_wait3A_184, %dma_wait3A_185] : memref<100x128xf32, #tpu.memory_space<vmem>> -> memref<100x128xf32, #tpu.memory_space<vmem>>
      tpu.wait_dma2 semaphore(%run_scoped3A : memref<!tpu.dma_semaphore, #tpu.memory_space<semaphore_mem>>) src(%dma_wait3A_186 : memref<100x128xf32, #tpu.memory_space<vmem>>) dst(%dma_wait3A_183 : memref<100x128xf32, #tpu.memory_space<vmem_shared>>)
      tpu.yield
    }) : () -> ()
    %mul3A_14 = arith.constant 10000 : i32
    %mul3A_15 = arith.muli %arg0, %mul3A_14 : i32
    %add3A_16 = arith.addi %mul3A_15, %mul3A_0 : i32
    %add3A_17 = arith.constant 0 : i32
    %add3A_18 = arith.addi %add3A_16, %add3A_17 : i32
    "tpu.region"() ({
      %run_scoped3A = tpu.sem_alloc : memref<!tpu.dma_semaphore, #tpu.memory_space<semaphore_mem>>
      %dma_start3A = arith.constant 0 : i32
      %dma_start3A_168 = arith.constant 0 : i32
      %dma_start3A_169 = tpu.memref_slice %arg12[%dma_start3A, %dma_start3A_168] : memref<100x64xi32, #tpu.memory_space<vmem>> -> memref<100x64xi32, #tpu.memory_space<vmem>>
      %dma_start3A_170 = arith.constant 0 : i32
      %dma_start3A_171 = tpu.memref_slice %arg6[%add3A_18, %dma_start3A_170] : memref<20000x64xi32, #tpu.memory_space<hbm>> -> memref<100x64xi32, #tpu.memory_space<hbm>>
      %dma_start3A_172 = arith.constant 0 : i32
      %dma_start3A_173 = tpu.memref_slice %arg6[%add3A_18, %dma_start3A_172] : memref<20000x64xi32, #tpu.memory_space<hbm>> -> memref<100x64xi32, #tpu.memory_space<hbm>>
      %dma_start3A_174 = arith.constant 0 : i32
      %dma_start3A_175 = arith.constant 0 : i32
      %dma_start3A_176 = tpu.memref_slice %arg12[%dma_start3A_174, %dma_start3A_175] : memref<100x64xi32, #tpu.memory_space<vmem>> -> memref<100x64xi32, #tpu.memory_space<vmem>>
      tpu.enqueue_dma source(%dma_start3A_176 : memref<100x64xi32, #tpu.memory_space<vmem>>) target(%dma_start3A_173 : memref<100x64xi32, #tpu.memory_space<hbm>>) target_semaphore(%run_scoped3A : memref<!tpu.dma_semaphore, #tpu.memory_space<semaphore_mem>>)
      %dma_wait3A_177 = arith.constant 0 : i32
      %dma_wait3A_178 = arith.constant 0 : i32
      %dma_wait3A_179 = tpu.memref_slice %arg12[%dma_wait3A_177, %dma_wait3A_178] : memref<100x64xi32, #tpu.memory_space<vmem>> -> memref<100x64xi32, #tpu.memory_space<vmem>>
      %dma_wait3A_180 = arith.constant 0 : i32
      %dma_wait3A_181 = tpu.memref_slice %arg6[%add3A_18, %dma_wait3A_180] : memref<20000x64xi32, #tpu.memory_space<hbm>> -> memref<100x64xi32, #tpu.memory_space<hbm>>
      %dma_wait3A_182 = arith.constant 0 : i32
      %dma_wait3A_183 = tpu.memref_slice %arg6[%add3A_18, %dma_wait3A_182] : memref<20000x64xi32, #tpu.memory_space<hbm>> -> memref<100x64xi32, #tpu.memory_space<hbm>>
      %dma_wait3A_184 = arith.constant 0 : i32
      %dma_wait3A_185 = arith.constant 0 : i32
      %dma_wait3A_186 = tpu.memref_slice %arg12[%dma_wait3A_184, %dma_wait3A_185] : memref<100x64xi32, #tpu.memory_space<vmem>> -> memref<100x64xi32, #tpu.memory_space<vmem>>
      tpu.wait_dma2 semaphore(%run_scoped3A : memref<!tpu.dma_semaphore, #tpu.memory_space<semaphore_mem>>) src(%dma_wait3A_186 : memref<100x64xi32, #tpu.memory_space<vmem>>) dst(%dma_wait3A_183 : memref<100x64xi32, #tpu.memory_space<hbm>>)
      tpu.yield
    }) : () -> ()
    %mul3A_19 = arith.constant 10000 : i32
    %mul3A_20 = arith.muli %arg0, %mul3A_19 : i32
    %add3A_21 = arith.addi %mul3A_20, %mul3A_0 : i32
    %add3A_22 = arith.constant 100 : i32
    %add3A_23 = arith.addi %add3A_21, %add3A_22 : i32
    "tpu.region"() ({
      %run_scoped3A = tpu.sem_alloc : memref<!tpu.dma_semaphore, #tpu.memory_space<semaphore_mem>>
      %dma_start3A = arith.constant 0 : i32
      %dma_start3A_168 = arith.constant 0 : i32
      %dma_start3A_169 = tpu.memref_slice %arg10[%dma_start3A, %dma_start3A_168] : memref<100x128xf32, #tpu.memory_space<vmem>> -> memref<100x128xf32, #tpu.memory_space<vmem>>
      %dma_start3A_170 = arith.constant 0 : i32
      %dma_start3A_171 = tpu.memref_slice %arg2[%add3A_23, %dma_start3A_170] : memref<20000x128xf32, #tpu.memory_space<hbm>> -> memref<100x128xf32, #tpu.memory_space<hbm>>
      %dma_start3A_172 = arith.constant 0 : i32
      %dma_start3A_173 = arith.constant 0 : i32
      %dma_start3A_174 = tpu.memref_slice %arg10[%dma_start3A_172, %dma_start3A_173] : memref<100x128xf32, #tpu.memory_space<vmem>> -> memref<100x128xf32, #tpu.memory_space<vmem>>
      %dma_start3A_175 = arith.constant 0 : i32
      %dma_start3A_176 = tpu.memref_slice %arg2[%add3A_23, %dma_start3A_175] : memref<20000x128xf32, #tpu.memory_space<hbm>> -> memref<100x128xf32, #tpu.memory_space<hbm>>
      tpu.enqueue_dma source(%dma_start3A_176 : memref<100x128xf32, #tpu.memory_space<hbm>>) target(%dma_start3A_174 : memref<100x128xf32, #tpu.memory_space<vmem>>) target_semaphore(%run_scoped3A : memref<!tpu.dma_semaphore, #tpu.memory_space<semaphore_mem>>)
      %dma_wait3A_177 = arith.constant 0 : i32
      %dma_wait3A_178 = arith.constant 0 : i32
      %dma_wait3A_179 = tpu.memref_slice %arg10[%dma_wait3A_177, %dma_wait3A_178] : memref<100x128xf32, #tpu.memory_space<vmem>> -> memref<100x128xf32, #tpu.memory_space<vmem>>
      %dma_wait3A_180 = arith.constant 0 : i32
      %dma_wait3A_181 = tpu.memref_slice %arg2[%add3A_23, %dma_wait3A_180] : memref<20000x128xf32, #tpu.memory_space<hbm>> -> memref<100x128xf32, #tpu.memory_space<hbm>>
      %dma_wait3A_182 = arith.constant 0 : i32
      %dma_wait3A_183 = arith.constant 0 : i32
      %dma_wait3A_184 = tpu.memref_slice %arg10[%dma_wait3A_182, %dma_wait3A_183] : memref<100x128xf32, #tpu.memory_space<vmem>> -> memref<100x128xf32, #tpu.memory_space<vmem>>
      %dma_wait3A_185 = arith.constant 0 : i32
      %dma_wait3A_186 = tpu.memref_slice %arg2[%add3A_23, %dma_wait3A_185] : memref<20000x128xf32, #tpu.memory_space<hbm>> -> memref<100x128xf32, #tpu.memory_space<hbm>>
      tpu.wait_dma2 semaphore(%run_scoped3A : memref<!tpu.dma_semaphore, #tpu.memory_space<semaphore_mem>>) src(%dma_wait3A_186 : memref<100x128xf32, #tpu.memory_space<hbm>>) dst(%dma_wait3A_184 : memref<100x128xf32, #tpu.memory_space<vmem>>)
      tpu.yield
    }) : () -> ()
    %scan3A_24 = arith.constant 0 : i32
    %scan3A_25 = arith.constant 0 : i32
    %scan3A_26 = arith.constant 100 : i32
    %scan3A_27 = arith.addi %scan3A_25, %scan3A_26 : i32
    %scan3A_28 = arith.constant 1 : i32
    scf.for %scan3A_168 = %scan3A_25 to %scan3A_27 step %scan3A_28  : i32 {
      %get3A = arith.index_cast %scan3A_168 : i32 to index
      %get3A_169 = arith.constant 0 : index
      %get3A_170 = tpu.vector_load %arg10[%get3A, %get3A_169] {strides = array<i32>} : memref<100x128xf32, #tpu.memory_space<vmem>>, vector<16xf32>,
      %get3A_171 = arith.index_cast %scan3A_168 : i32 to index
      %get3A_172 = arith.constant 16 : index
      %get3A_173 = tpu.vector_load %arg10[%get3A_171, %get3A_172] {strides = array<i32>} : memref<100x128xf32, #tpu.memory_space<vmem>>, vector<16xf32>,
      %pack3A = tpu.pack_subelements %get3A_170, %get3A_173 {pack_format = #tpu.pack_format<interleaved>, positions = array<i32: 0, 1>} : vector<16xf32>, vector<16xf32> -> vector<32xbf16>
      %bitcast3A = vector.bitcast %pack3A : vector<32xbf16> to vector<16xi32>
      %swap3A = arith.index_cast %scan3A_168 : i32 to index
      %swap3A_174 = arith.constant 0 : index
      %swap3A_175 = tpu.vector_load %arg12[%swap3A, %swap3A_174] {strides = array<i32>} : memref<100x64xi32, #tpu.memory_space<vmem>>, vector<16xi32>,
      tpu.vector_store %arg12[%swap3A, %swap3A_174], %bitcast3A {strides = array<i32>} : memref<100x64xi32, #tpu.memory_space<vmem>>, vector<16xi32>,
      %get3A_176 = arith.index_cast %scan3A_168 : i32 to index
      %get3A_177 = arith.constant 32 : index
      %get3A_178 = tpu.vector_load %arg10[%get3A_176, %get3A_177] {strides = array<i32>} : memref<100x128xf32, #tpu.memory_space<vmem>>, vector<16xf32>,
      %get3A_179 = arith.index_cast %scan3A_168 : i32 to index
      %get3A_180 = arith.constant 48 : index
      %get3A_181 = tpu.vector_load %arg10[%get3A_179, %get3A_180] {strides = array<i32>} : memref<100x128xf32, #tpu.memory_space<vmem>>, vector<16xf32>,
      %pack3A_182 = tpu.pack_subelements %get3A_178, %get3A_181 {pack_format = #tpu.pack_format<interleaved>, positions = array<i32: 0, 1>} : vector<16xf32>, vector<16xf32> -> vector<32xbf16>
      %bitcast3A_183 = vector.bitcast %pack3A_182 : vector<32xbf16> to vector<16xi32>
      %swap3A_184 = arith.index_cast %scan3A_168 : i32 to index
      %swap3A_185 = arith.constant 16 : index
      %swap3A_186 = tpu.vector_load %arg12[%swap3A_184, %swap3A_185] {strides = array<i32>} : memref<100x64xi32, #tpu.memory_space<vmem>>, vector<16xi32>,
      tpu.vector_store %arg12[%swap3A_184, %swap3A_185], %bitcast3A_183 {strides = array<i32>} : memref<100x64xi32, #tpu.memory_space<vmem>>, vector<16xi32>,
      %get3A_187 = arith.index_cast %scan3A_168 : i32 to index
      %get3A_188 = arith.constant 64 : index
      %get3A_189 = tpu.vector_load %arg10[%get3A_187, %get3A_188] {strides = array<i32>} : memref<100x128xf32, #tpu.memory_space<vmem>>, vector<16xf32>,
      %get3A_190 = arith.index_cast %scan3A_168 : i32 to index
      %get3A_191 = arith.constant 80 : index
      %get3A_192 = tpu.vector_load %arg10[%get3A_190, %get3A_191] {strides = array<i32>} : memref<100x128xf32, #tpu.memory_space<vmem>>, vector<16xf32>,
      %pack3A_193 = tpu.pack_subelements %get3A_189, %get3A_192 {pack_format = #tpu.pack_format<interleaved>, positions = array<i32: 0, 1>} : vector<16xf32>, vector<16xf32> -> vector<32xbf16>
      %bitcast3A_194 = vector.bitcast %pack3A_193 : vector<32xbf16> to vector<16xi32>
      %swap3A_195 = arith.index_cast %scan3A_168 : i32 to index
      %swap3A_196 = arith.constant 32 : index
      %swap3A_197 = tpu.vector_load %arg12[%swap3A_195, %swap3A_196] {strides = array<i32>} : memref<100x64xi32, #tpu.memory_space<vmem>>, vector<16xi32>,
      tpu.vector_store %arg12[%swap3A_195, %swap3A_196], %bitcast3A_194 {strides = array<i32>} : memref<100x64xi32, #tpu.memory_space<vmem>>, vector<16xi32>,
      %get3A_198 = arith.index_cast %scan3A_168 : i32 to index
      %get3A_199 = arith.constant 96 : index
      %get3A_200 = tpu.vector_load %arg10[%get3A_198, %get3A_199] {strides = array<i32>} : memref<100x128xf32, #tpu.memory_space<vmem>>, vector<16xf32>,
      %get3A_201 = arith.index_cast %scan3A_168 : i32 to index
      %get3A_202 = arith.constant 112 : index
      %get3A_203 = tpu.vector_load %arg10[%get3A_201, %get3A_202] {strides = array<i32>} : memref<100x128xf32, #tpu.memory_space<vmem>>, vector<16xf32>,
      %pack3A_204 = tpu.pack_subelements %get3A_200, %get3A_203 {pack_format = #tpu.pack_format<interleaved>, positions = array<i32: 0, 1>} : vector<16xf32>, vector<16xf32> -> vector<32xbf16>
      %bitcast3A_205 = vector.bitcast %pack3A_204 : vector<32xbf16> to vector<16xi32>
      %swap3A_206 = arith.index_cast %scan3A_168 : i32 to index
      %swap3A_207 = arith.constant 48 : index
      %swap3A_208 = tpu.vector_load %arg12[%swap3A_206, %swap3A_207] {strides = array<i32>} : memref<100x64xi32, #tpu.memory_space<vmem>>, vector<16xi32>,
      tpu.vector_store %arg12[%swap3A_206, %swap3A_207], %bitcast3A_205 {strides = array<i32>} : memref<100x64xi32, #tpu.memory_space<vmem>>, vector<16xi32>,
    }
    %scan3A_29 = arith.constant 100 : i32
    %add3A_30 = arith.constant 100 : i32
    %add3A_31 = arith.addi %mul3A_0, %add3A_30 : i32
    "tpu.region"() ({
      %run_scoped3A = tpu.sem_alloc : memref<!tpu.dma_semaphore, #tpu.memory_space<semaphore_mem>>
      %dma_start3A = arith.constant 0 : i32
      %dma_start3A_168 = arith.constant 0 : i32
      %dma_start3A_169 = tpu.memref_slice %arg10[%dma_start3A, %dma_start3A_168] : memref<100x128xf32, #tpu.memory_space<vmem>> -> memref<100x128xf32, #tpu.memory_space<vmem>>
      %dma_start3A_170 = arith.constant 0 : i32
      %dma_start3A_171 = tpu.memref_slice %arg7[%add3A_31, %dma_start3A_170] : memref<10000x128xf32, #tpu.memory_space<vmem_shared>> -> memref<100x128xf32, #tpu.memory_space<vmem_shared>>
      %dma_start3A_172 = arith.constant 0 : i32
      %dma_start3A_173 = tpu.memref_slice %arg7[%add3A_31, %dma_start3A_172] : memref<10000x128xf32, #tpu.memory_space<vmem_shared>> -> memref<100x128xf32, #tpu.memory_space<vmem_shared>>
      %dma_start3A_174 = arith.constant 0 : i32
      %dma_start3A_175 = arith.constant 0 : i32
      %dma_start3A_176 = tpu.memref_slice %arg10[%dma_start3A_174, %dma_start3A_175] : memref<100x128xf32, #tpu.memory_space<vmem>> -> memref<100x128xf32, #tpu.memory_space<vmem>>
      tpu.enqueue_dma source(%dma_start3A_176 : memref<100x128xf32, #tpu.memory_space<vmem>>) target(%dma_start3A_173 : memref<100x128xf32, #tpu.memory_space<vmem_shared>>) target_semaphore(%run_scoped3A : memref<!tpu.dma_semaphore, #tpu.memory_space<semaphore_mem>>)
      %dma_wait3A_177 = arith.constant 0 : i32
      %dma_wait3A_178 = arith.constant 0 : i32
      %dma_wait3A_179 = tpu.memref_slice %arg10[%dma_wait3A_177, %dma_wait3A_178] : memref<100x128xf32, #tpu.memory_space<vmem>> -> memref<100x128xf32, #tpu.memory_space<vmem>>
      %dma_wait3A_180 = arith.constant 0 : i32
      %dma_wait3A_181 = tpu.memref_slice %arg7[%add3A_31, %dma_wait3A_180] : memref<10000x128xf32, #tpu.memory_space<vmem_shared>> -> memref<100x128xf32, #tpu.memory_space<vmem_shared>>
      %dma_wait3A_182 = arith.constant 0 : i32
      %dma_wait3A_183 = tpu.memref_slice %arg7[%add3A_31, %dma_wait3A_182] : memref<10000x128xf32, #tpu.memory_space<vmem_shared>> -> memref<100x128xf32, #tpu.memory_space<vmem_shared>>
      %dma_wait3A_184 = arith.constant 0 : i32
      %dma_wait3A_185 = arith.constant 0 : i32
      %dma_wait3A_186 = tpu.memref_slice %arg10[%dma_wait3A_184, %dma_wait3A_185] : memref<100x128xf32, #tpu.memory_space<vmem>> -> memref<100x128xf32, #tpu.memory_space<vmem>>
      tpu.wait_dma2 semaphore(%run_scoped3A : memref<!tpu.dma_semaphore, #tpu.memory_space<semaphore_mem>>) src(%dma_wait3A_186 : memref<100x128xf32, #tpu.memory_space<vmem>>) dst(%dma_wait3A_183 : memref<100x128xf32, #tpu.memory_space<vmem_shared>>)
      tpu.yield
    }) : () -> ()
    %mul3A_32 = arith.constant 10000 : i32
    %mul3A_33 = arith.muli %arg0, %mul3A_32 : i32
    %add3A_34 = arith.addi %mul3A_33, %mul3A_0 : i32
    %add3A_35 = arith.constant 100 : i32
    %add3A_36 = arith.addi %add3A_34, %add3A_35 : i32
    "tpu.region"() ({
      %run_scoped3A = tpu.sem_alloc : memref<!tpu.dma_semaphore, #tpu.memory_space<semaphore_mem>>
      %dma_start3A = arith.constant 0 : i32
      %dma_start3A_168 = arith.constant 0 : i32
      %dma_start3A_169 = tpu.memref_slice %arg12[%dma_start3A, %dma_start3A_168] : memref<100x64xi32, #tpu.memory_space<vmem>> -> memref<100x64xi32, #tpu.memory_space<vmem>>
      %dma_start3A_170 = arith.constant 0 : i32
      %dma_start3A_171 = tpu.memref_slice %arg6[%add3A_36, %dma_start3A_170] : memref<20000x64xi32, #tpu.memory_space<hbm>> -> memref<100x64xi32, #tpu.memory_space<hbm>>
      %dma_start3A_172 = arith.constant 0 : i32
      %dma_start3A_173 = tpu.memref_slice %arg6[%add3A_36, %dma_start3A_172] : memref<20000x64xi32, #tpu.memory_space<hbm>> -> memref<100x64xi32, #tpu.memory_space<hbm>>
      %dma_start3A_174 = arith.constant 0 : i32
      %dma_start3A_175 = arith.constant 0 : i32
      %dma_start3A_176 = tpu.memref_slice %arg12[%dma_start3A_174, %dma_start3A_175] : memref<100x64xi32, #tpu.memory_space<vmem>> -> memref<100x64xi32, #tpu.memory_space<vmem>>
      tpu.enqueue_dma source(%dma_start3A_176 : memref<100x64xi32, #tpu.memory_space<vmem>>) target(%dma_start3A_173 : memref<100x64xi32, #tpu.memory_space<hbm>>) target_semaphore(%run_scoped3A : memref<!tpu.dma_semaphore, #tpu.memory_space<semaphore_mem>>)
      %dma_wait3A_177 = arith.constant 0 : i32
      %dma_wait3A_178 = arith.constant 0 : i32
      %dma_wait3A_179 = tpu.memref_slice %arg12[%dma_wait3A_177, %dma_wait3A_178] : memref<100x64xi32, #tpu.memory_space<vmem>> -> memref<100x64xi32, #tpu.memory_space<vmem>>
      %dma_wait3A_180 = arith.constant 0 : i32
      %dma_wait3A_181 = tpu.memref_slice %arg6[%add3A_36, %dma_wait3A_180] : memref<20000x64xi32, #tpu.memory_space<hbm>> -> memref<100x64xi32, #tpu.memory_space<hbm>>
      %dma_wait3A_182 = arith.constant 0 : i32
      %dma_wait3A_183 = tpu.memref_slice %arg6[%add3A_36, %dma_wait3A_182] : memref<20000x64xi32, #tpu.memory_space<hbm>> -> memref<100x64xi32, #tpu.memory_space<hbm>>
      %dma_wait3A_184 = arith.constant 0 : i32
      %dma_wait3A_185 = arith.constant 0 : i32
      %dma_wait3A_186 = tpu.memref_slice %arg12[%dma_wait3A_184, %dma_wait3A_185] : memref<100x64xi32, #tpu.memory_space<vmem>> -> memref<100x64xi32, #tpu.memory_space<vmem>>
      tpu.wait_dma2 semaphore(%run_scoped3A : memref<!tpu.dma_semaphore, #tpu.memory_space<semaphore_mem>>) src(%dma_wait3A_186 : memref<100x64xi32, #tpu.memory_space<vmem>>) dst(%dma_wait3A_183 : memref<100x64xi32, #tpu.memory_space<hbm>>)
      tpu.yield
    }) : () -> ()
    %mul3A_37 = arith.constant 10000 : i32
    %mul3A_38 = arith.muli %arg0, %mul3A_37 : i32
    %add3A_39 = arith.addi %mul3A_38, %mul3A_0 : i32
    %add3A_40 = arith.constant 200 : i32
    %add3A_41 = arith.addi %add3A_39, %add3A_40 : i32
    "tpu.region"() ({
      %run_scoped3A = tpu.sem_alloc : memref<!tpu.dma_semaphore, #tpu.memory_space<semaphore_mem>>
      %dma_start3A = arith.constant 0 : i32
      %dma_start3A_168 = arith.constant 0 : i32
      %dma_start3A_169 = tpu.memref_slice %arg10[%dma_start3A, %dma_start3A_168] : memref<100x128xf32, #tpu.memory_space<vmem>> -> memref<100x128xf32, #tpu.memory_space<vmem>>
      %dma_start3A_170 = arith.constant 0 : i32
      %dma_start3A_171 = tpu.memref_slice %arg2[%add3A_41, %dma_start3A_170] : memref<20000x128xf32, #tpu.memory_space<hbm>> -> memref<100x128xf32, #tpu.memory_space<hbm>>
      %dma_start3A_172 = arith.constant 0 : i32
      %dma_start3A_173 = arith.constant 0 : i32
      %dma_start3A_174 = tpu.memref_slice %arg10[%dma_start3A_172, %dma_start3A_173] : memref<100x128xf32, #tpu.memory_space<vmem>> -> memref<100x128xf32, #tpu.memory_space<vmem>>
      %dma_start3A_175 = arith.constant 0 : i32
      %dma_start3A_176 = tpu.memref_slice %arg2[%add3A_41, %dma_start3A_175] : memref<20000x128xf32, #tpu.memory_space<hbm>> -> memref<100x128xf32, #tpu.memory_space<hbm>>
      tpu.enqueue_dma source(%dma_start3A_176 : memref<100x128xf32, #tpu.memory_space<hbm>>) target(%dma_start3A_174 : memref<100x128xf32, #tpu.memory_space<vmem>>) target_semaphore(%run_scoped3A : memref<!tpu.dma_semaphore, #tpu.memory_space<semaphore_mem>>)
      %dma_wait3A_177 = arith.constant 0 : i32
      %dma_wait3A_178 = arith.constant 0 : i32
      %dma_wait3A_179 = tpu.memref_slice %arg10[%dma_wait3A_177, %dma_wait3A_178] : memref<100x128xf32, #tpu.memory_space<vmem>> -> memref<100x128xf32, #tpu.memory_space<vmem>>
      %dma_wait3A_180 = arith.constant 0 : i32
      %dma_wait3A_181 = tpu.memref_slice %arg2[%add3A_41, %dma_wait3A_180] : memref<20000x128xf32, #tpu.memory_space<hbm>> -> memref<100x128xf32, #tpu.memory_space<hbm>>
      %dma_wait3A_182 = arith.constant 0 : i32
      %dma_wait3A_183 = arith.constant 0 : i32
      %dma_wait3A_184 = tpu.memref_slice %arg10[%dma_wait3A_182, %dma_wait3A_183] : memref<100x128xf32, #tpu.memory_space<vmem>> -> memref<100x128xf32, #tpu.memory_space<vmem>>
      %dma_wait3A_185 = arith.constant 0 : i32
      %dma_wait3A_186 = tpu.memref_slice %arg2[%add3A_41, %dma_wait3A_185] : memref<20000x128xf32, #tpu.memory_space<hbm>> -> memref<100x128xf32, #tpu.memory_space<hbm>>
      tpu.wait_dma2 semaphore(%run_scoped3A : memref<!tpu.dma_semaphore, #tpu.memory_space<semaphore_mem>>) src(%dma_wait3A_186 : memref<100x128xf32, #tpu.memory_space<hbm>>) dst(%dma_wait3A_184 : memref<100x128xf32, #tpu.memory_space<vmem>>)
      tpu.yield
    }) : () -> ()
    %scan3A_42 = arith.constant 0 : i32
    %scan3A_43 = arith.constant 0 : i32
    %scan3A_44 = arith.constant 100 : i32
    %scan3A_45 = arith.addi %scan3A_43, %scan3A_44 : i32
    %scan3A_46 = arith.constant 1 : i32
    scf.for %scan3A_168 = %scan3A_43 to %scan3A_45 step %scan3A_46  : i32 {
      %get3A = arith.index_cast %scan3A_168 : i32 to index
      %get3A_169 = arith.constant 0 : index
      %get3A_170 = tpu.vector_load %arg10[%get3A, %get3A_169] {strides = array<i32>} : memref<100x128xf32, #tpu.memory_space<vmem>>, vector<16xf32>,
      %get3A_171 = arith.index_cast %scan3A_168 : i32 to index
      %get3A_172 = arith.constant 16 : index
      %get3A_173 = tpu.vector_load %arg10[%get3A_171, %get3A_172] {strides = array<i32>} : memref<100x128xf32, #tpu.memory_space<vmem>>, vector<16xf32>,
      %pack3A = tpu.pack_subelements %get3A_170, %get3A_173 {pack_format = #tpu.pack_format<interleaved>, positions = array<i32: 0, 1>} : vector<16xf32>, vector<16xf32> -> vector<32xbf16>
      %bitcast3A = vector.bitcast %pack3A : vector<32xbf16> to vector<16xi32>
      %swap3A = arith.index_cast %scan3A_168 : i32 to index
      %swap3A_174 = arith.constant 0 : index
      %swap3A_175 = tpu.vector_load %arg12[%swap3A, %swap3A_174] {strides = array<i32>} : memref<100x64xi32, #tpu.memory_space<vmem>>, vector<16xi32>,
      tpu.vector_store %arg12[%swap3A, %swap3A_174], %bitcast3A {strides = array<i32>} : memref<100x64xi32, #tpu.memory_space<vmem>>, vector<16xi32>,
      %get3A_176 = arith.index_cast %scan3A_168 : i32 to index
      %get3A_177 = arith.constant 32 : index
      %get3A_178 = tpu.vector_load %arg10[%get3A_176, %get3A_177] {strides = array<i32>} : memref<100x128xf32, #tpu.memory_space<vmem>>, vector<16xf32>,
      %get3A_179 = arith.index_cast %scan3A_168 : i32 to index
      %get3A_180 = arith.constant 48 : index
      %get3A_181 = tpu.vector_load %arg10[%get3A_179, %get3A_180] {strides = array<i32>} : memref<100x128xf32, #tpu.memory_space<vmem>>, vector<16xf32>,
      %pack3A_182 = tpu.pack_subelements %get3A_178, %get3A_181 {pack_format = #tpu.pack_format<interleaved>, positions = array<i32: 0, 1>} : vector<16xf32>, vector<16xf32> -> vector<32xbf16>
      %bitcast3A_183 = vector.bitcast %pack3A_182 : vector<32xbf16> to vector<16xi32>
      %swap3A_184 = arith.index_cast %scan3A_168 : i32 to index
      %swap3A_185 = arith.constant 16 : index
      %swap3A_186 = tpu.vector_load %arg12[%swap3A_184, %swap3A_185] {strides = array<i32>} : memref<100x64xi32, #tpu.memory_space<vmem>>, vector<16xi32>,
      tpu.vector_store %arg12[%swap3A_184, %swap3A_185], %bitcast3A_183 {strides = array<i32>} : memref<100x64xi32, #tpu.memory_space<vmem>>, vector<16xi32>,
      %get3A_187 = arith.index_cast %scan3A_168 : i32 to index
      %get3A_188 = arith.constant 64 : index
      %get3A_189 = tpu.vector_load %arg10[%get3A_187, %get3A_188] {strides = array<i32>} : memref<100x128xf32, #tpu.memory_space<vmem>>, vector<16xf32>,
      %get3A_190 = arith.index_cast %scan3A_168 : i32 to index
      %get3A_191 = arith.constant 80 : index
      %get3A_192 = tpu.vector_load %arg10[%get3A_190, %get3A_191] {strides = array<i32>} : memref<100x128xf32, #tpu.memory_space<vmem>>, vector<16xf32>,
      %pack3A_193 = tpu.pack_subelements %get3A_189, %get3A_192 {pack_format = #tpu.pack_format<interleaved>, positions = array<i32: 0, 1>} : vector<16xf32>, vector<16xf32> -> vector<32xbf16>
      %bitcast3A_194 = vector.bitcast %pack3A_193 : vector<32xbf16> to vector<16xi32>
      %swap3A_195 = arith.index_cast %scan3A_168 : i32 to index
      %swap3A_196 = arith.constant 32 : index
      %swap3A_197 = tpu.vector_load %arg12[%swap3A_195, %swap3A_196] {strides = array<i32>} : memref<100x64xi32, #tpu.memory_space<vmem>>, vector<16xi32>,
      tpu.vector_store %arg12[%swap3A_195, %swap3A_196], %bitcast3A_194 {strides = array<i32>} : memref<100x64xi32, #tpu.memory_space<vmem>>, vector<16xi32>,
      %get3A_198 = arith.index_cast %scan3A_168 : i32 to index
      %get3A_199 = arith.constant 96 : index
      %get3A_200 = tpu.vector_load %arg10[%get3A_198, %get3A_199] {strides = array<i32>} : memref<100x128xf32, #tpu.memory_space<vmem>>, vector<16xf32>,
      %get3A_201 = arith.index_cast %scan3A_168 : i32 to index
      %get3A_202 = arith.constant 112 : index
      %get3A_203 = tpu.vector_load %arg10[%get3A_201, %get3A_202] {strides = array<i32>} : memref<100x128xf32, #tpu.memory_space<vmem>>, vector<16xf32>,
      %pack3A_204 = tpu.pack_subelements %get3A_200, %get3A_203 {pack_format = #tpu.pack_format<interleaved>, positions = array<i32: 0, 1>} : vector<16xf32>, vector<16xf32> -> vector<32xbf16>
      %bitcast3A_205 = vector.bitcast %pack3A_204 : vector<32xbf16> to vector<16xi32>
      %swap3A_206 = arith.index_cast %scan3A_168 : i32 to index
      %swap3A_207 = arith.constant 48 : index
      %swap3A_208 = tpu.vector_load %arg12[%swap3A_206, %swap3A_207] {strides = array<i32>} : memref<100x64xi32, #tpu.memory_space<vmem>>, vector<16xi32>,
      tpu.vector_store %arg12[%swap3A_206, %swap3A_207], %bitcast3A_205 {strides = array<i32>} : memref<100x64xi32, #tpu.memory_space<vmem>>, vector<16xi32>,
    }
    %scan3A_47 = arith.constant 100 : i32
    %add3A_48 = arith.constant 200 : i32
    %add3A_49 = arith.addi %mul3A_0, %add3A_48 : i32
    "tpu.region"() ({
      %run_scoped3A = tpu.sem_alloc : memref<!tpu.dma_semaphore, #tpu.memory_space<semaphore_mem>>
      %dma_start3A = arith.constant 0 : i32
      %dma_start3A_168 = arith.constant 0 : i32
      %dma_start3A_169 = tpu.memref_slice %arg10[%dma_start3A, %dma_start3A_168] : memref<100x128xf32, #tpu.memory_space<vmem>> -> memref<100x128xf32, #tpu.memory_space<vmem>>
      %dma_start3A_170 = arith.constant 0 : i32
      %dma_start3A_171 = tpu.memref_slice %arg7[%add3A_49, %dma_start3A_170] : memref<10000x128xf32, #tpu.memory_space<vmem_shared>> -> memref<100x128xf32, #tpu.memory_space<vmem_shared>>
      %dma_start3A_172 = arith.constant 0 : i32
      %dma_start3A_173 = tpu.memref_slice %arg7[%add3A_49, %dma_start3A_172] : memref<10000x128xf32, #tpu.memory_space<vmem_shared>> -> memref<100x128xf32, #tpu.memory_space<vmem_shared>>
      %dma_start3A_174 = arith.constant 0 : i32
      %dma_start3A_175 = arith.constant 0 : i32
      %dma_start3A_176 = tpu.memref_slice %arg10[%dma_start3A_174, %dma_start3A_175] : memref<100x128xf32, #tpu.memory_space<vmem>> -> memref<100x128xf32, #tpu.memory_space<vmem>>
      tpu.enqueue_dma source(%dma_start3A_176 : memref<100x128xf32, #tpu.memory_space<vmem>>) target(%dma_start3A_173 : memref<100x128xf32, #tpu.memory_space<vmem_shared>>) target_semaphore(%run_scoped3A : memref<!tpu.dma_semaphore, #tpu.memory_space<semaphore_mem>>)
      %dma_wait3A_177 = arith.constant 0 : i32
      %dma_wait3A_178 = arith.constant 0 : i32
      %dma_wait3A_179 = tpu.memref_slice %arg10[%dma_wait3A_177, %dma_wait3A_178] : memref<100x128xf32, #tpu.memory_space<vmem>> -> memref<100x128xf32, #tpu.memory_space<vmem>>
      %dma_wait3A_180 = arith.constant 0 : i32
      %dma_wait3A_181 = tpu.memref_slice %arg7[%add3A_49, %dma_wait3A_180] : memref<10000x128xf32, #tpu.memory_space<vmem_shared>> -> memref<100x128xf32, #tpu.memory_space<vmem_shared>>
      %dma_wait3A_182 = arith.constant 0 : i32
      %dma_wait3A_183 = tpu.memref_slice %arg7[%add3A_49, %dma_wait3A_182] : memref<10000x128xf32, #tpu.memory_space<vmem_shared>> -> memref<100x128xf32, #tpu.memory_space<vmem_shared>>
      %dma_wait3A_184 = arith.constant 0 : i32
      %dma_wait3A_185 = arith.constant 0 : i32
      %dma_wait3A_186 = tpu.memref_slice %arg10[%dma_wait3A_184, %dma_wait3A_185] : memref<100x128xf32, #tpu.memory_space<vmem>> -> memref<100x128xf32, #tpu.memory_space<vmem>>
      tpu.wait_dma2 semaphore(%run_scoped3A : memref<!tpu.dma_semaphore, #tpu.memory_space<semaphore_mem>>) src(%dma_wait3A_186 : memref<100x128xf32, #tpu.memory_space<vmem>>) dst(%dma_wait3A_183 : memref<100x128xf32, #tpu.memory_space<vmem_shared>>)
      tpu.yield
    }) : () -> ()
    %mul3A_50 = arith.constant 10000 : i32
    %mul3A_51 = arith.muli %arg0, %mul3A_50 : i32
    %add3A_52 = arith.addi %mul3A_51, %mul3A_0 : i32
    %add3A_53 = arith.constant 200 : i32
    %add3A_54 = arith.addi %add3A_52, %add3A_53 : i32
    "tpu.region"() ({
      %run_scoped3A = tpu.sem_alloc : memref<!tpu.dma_semaphore, #tpu.memory_space<semaphore_mem>>
      %dma_start3A = arith.constant 0 : i32
      %dma_start3A_168 = arith.constant 0 : i32
      %dma_start3A_169 = tpu.memref_slice %arg12[%dma_start3A, %dma_start3A_168] : memref<100x64xi32, #tpu.memory_space<vmem>> -> memref<100x64xi32, #tpu.memory_space<vmem>>
      %dma_start3A_170 = arith.constant 0 : i32
      %dma_start3A_171 = tpu.memref_slice %arg6[%add3A_54, %dma_start3A_170] : memref<20000x64xi32, #tpu.memory_space<hbm>> -> memref<100x64xi32, #tpu.memory_space<hbm>>
      %dma_start3A_172 = arith.constant 0 : i32
      %dma_start3A_173 = tpu.memref_slice %arg6[%add3A_54, %dma_start3A_172] : memref<20000x64xi32, #tpu.memory_space<hbm>> -> memref<100x64xi32, #tpu.memory_space<hbm>>
      %dma_start3A_174 = arith.constant 0 : i32
      %dma_start3A_175 = arith.constant 0 : i32
      %dma_start3A_176 = tpu.memref_slice %arg12[%dma_start3A_174, %dma_start3A_175] : memref<100x64xi32, #tpu.memory_space<vmem>> -> memref<100x64xi32, #tpu.memory_space<vmem>>
      tpu.enqueue_dma source(%dma_start3A_176 : memref<100x64xi32, #tpu.memory_space<vmem>>) target(%dma_start3A_173 : memref<100x64xi32, #tpu.memory_space<hbm>>) target_semaphore(%run_scoped3A : memref<!tpu.dma_semaphore, #tpu.memory_space<semaphore_mem>>)
      %dma_wait3A_177 = arith.constant 0 : i32
      %dma_wait3A_178 = arith.constant 0 : i32
      %dma_wait3A_179 = tpu.memref_slice %arg12[%dma_wait3A_177, %dma_wait3A_178] : memref<100x64xi32, #tpu.memory_space<vmem>> -> memref<100x64xi32, #tpu.memory_space<vmem>>
      %dma_wait3A_180 = arith.constant 0 : i32
      %dma_wait3A_181 = tpu.memref_slice %arg6[%add3A_54, %dma_wait3A_180] : memref<20000x64xi32, #tpu.memory_space<hbm>> -> memref<100x64xi32, #tpu.memory_space<hbm>>
      %dma_wait3A_182 = arith.constant 0 : i32
      %dma_wait3A_183 = tpu.memref_slice %arg6[%add3A_54, %dma_wait3A_182] : memref<20000x64xi32, #tpu.memory_space<hbm>> -> memref<100x64xi32, #tpu.memory_space<hbm>>
      %dma_wait3A_184 = arith.constant 0 : i32
      %dma_wait3A_185 = arith.constant 0 : i32
      %dma_wait3A_186 = tpu.memref_slice %arg12[%dma_wait3A_184, %dma_wait3A_185] : memref<100x64xi32, #tpu.memory_space<vmem>> -> memref<100x64xi32, #tpu.memory_space<vmem>>
      tpu.wait_dma2 semaphore(%run_scoped3A : memref<!tpu.dma_semaphore, #tpu.memory_space<semaphore_mem>>) src(%dma_wait3A_186 : memref<100x64xi32, #tpu.memory_space<vmem>>) dst(%dma_wait3A_183 : memref<100x64xi32, #tpu.memory_space<hbm>>)
      tpu.yield
    }) : () -> ()
    %mul3A_55 = arith.constant 10000 : i32
    %mul3A_56 = arith.muli %arg0, %mul3A_55 : i32
    %add3A_57 = arith.addi %mul3A_56, %mul3A_0 : i32
    %add3A_58 = arith.constant 300 : i32
    %add3A_59 = arith.addi %add3A_57, %add3A_58 : i32
    "tpu.region"() ({
      %run_scoped3A = tpu.sem_alloc : memref<!tpu.dma_semaphore, #tpu.memory_space<semaphore_mem>>
      %dma_start3A = arith.constant 0 : i32
      %dma_start3A_168 = arith.constant 0 : i32
      %dma_start3A_169 = tpu.memref_slice %arg10[%dma_start3A, %dma_start3A_168] : memref<100x128xf32, #tpu.memory_space<vmem>> -> memref<100x128xf32, #tpu.memory_space<vmem>>
      %dma_start3A_170 = arith.constant 0 : i32
      %dma_start3A_171 = tpu.memref_slice %arg2[%add3A_59, %dma_start3A_170] : memref<20000x128xf32, #tpu.memory_space<hbm>> -> memref<100x128xf32, #tpu.memory_space<hbm>>
      %dma_start3A_172 = arith.constant 0 : i32
      %dma_start3A_173 = arith.constant 0 : i32
      %dma_start3A_174 = tpu.memref_slice %arg10[%dma_start3A_172, %dma_start3A_173] : memref<100x128xf32, #tpu.memory_space<vmem>> -> memref<100x128xf32, #tpu.memory_space<vmem>>
      %dma_start3A_175 = arith.constant 0 : i32
      %dma_start3A_176 = tpu.memref_slice %arg2[%add3A_59, %dma_start3A_175] : memref<20000x128xf32, #tpu.memory_space<hbm>> -> memref<100x128xf32, #tpu.memory_space<hbm>>
      tpu.enqueue_dma source(%dma_start3A_176 : memref<100x128xf32, #tpu.memory_space<hbm>>) target(%dma_start3A_174 : memref<100x128xf32, #tpu.memory_space<vmem>>) target_semaphore(%run_scoped3A : memref<!tpu.dma_semaphore, #tpu.memory_space<semaphore_mem>>)
      %dma_wait3A_177 = arith.constant 0 : i32
      %dma_wait3A_178 = arith.constant 0 : i32
      %dma_wait3A_179 = tpu.memref_slice %arg10[%dma_wait3A_177, %dma_wait3A_178] : memref<100x128xf32, #tpu.memory_space<vmem>> -> memref<100x128xf32, #tpu.memory_space<vmem>>
      %dma_wait3A_180 = arith.constant 0 : i32
      %dma_wait3A_181 = tpu.memref_slice %arg2[%add3A_59, %dma_wait3A_180] : memref<20000x128xf32, #tpu.memory_space<hbm>> -> memref<100x128xf32, #tpu.memory_space<hbm>>
      %dma_wait3A_182 = arith.constant 0 : i32
      %dma_wait3A_183 = arith.constant 0 : i32
      %dma_wait3A_184 = tpu.memref_slice %arg10[%dma_wait3A_182, %dma_wait3A_183] : memref<100x128xf32, #tpu.memory_space<vmem>> -> memref<100x128xf32, #tpu.memory_space<vmem>>
      %dma_wait3A_185 = arith.constant 0 : i32
      %dma_wait3A_186 = tpu.memref_slice %arg2[%add3A_59, %dma_wait3A_185] : memref<20000x128xf32, #tpu.memory_space<hbm>> -> memref<100x128xf32, #tpu.memory_space<hbm>>
      tpu.wait_dma2 semaphore(%run_scoped3A : memref<!tpu.dma_semaphore, #tpu.memory_space<semaphore_mem>>) src(%dma_wait3A_186 : memref<100x128xf32, #tpu.memory_space<hbm>>) dst(%dma_wait3A_184 : memref<100x128xf32, #tpu.memory_space<vmem>>)
      tpu.yield
    }) : () -> ()
    %scan3A_60 = arith.constant 0 : i32
    %scan3A_61 = arith.constant 0 : i32
    %scan3A_62 = arith.constant 100 : i32
    %scan3A_63 = arith.addi %scan3A_61, %scan3A_62 : i32
    %scan3A_64 = arith.constant 1 : i32
    scf.for %scan3A_168 = %scan3A_61 to %scan3A_63 step %scan3A_64  : i32 {
      %get3A = arith.index_cast %scan3A_168 : i32 to index
      %get3A_169 = arith.constant 0 : index
      %get3A_170 = tpu.vector_load %arg10[%get3A, %get3A_169] {strides = array<i32>} : memref<100x128xf32, #tpu.memory_space<vmem>>, vector<16xf32>,
      %get3A_171 = arith.index_cast %scan3A_168 : i32 to index
      %get3A_172 = arith.constant 16 : index
      %get3A_173 = tpu.vector_load %arg10[%get3A_171, %get3A_172] {strides = array<i32>} : memref<100x128xf32, #tpu.memory_space<vmem>>, vector<16xf32>,
      %pack3A = tpu.pack_subelements %get3A_170, %get3A_173 {pack_format = #tpu.pack_format<interleaved>, positions = array<i32: 0, 1>} : vector<16xf32>, vector<16xf32> -> vector<32xbf16>
      %bitcast3A = vector.bitcast %pack3A : vector<32xbf16> to vector<16xi32>
      %swap3A = arith.index_cast %scan3A_168 : i32 to index
      %swap3A_174 = arith.constant 0 : index
      %swap3A_175 = tpu.vector_load %arg12[%swap3A, %swap3A_174] {strides = array<i32>} : memref<100x64xi32, #tpu.memory_space<vmem>>, vector<16xi32>,
      tpu.vector_store %arg12[%swap3A, %swap3A_174], %bitcast3A {strides = array<i32>} : memref<100x64xi32, #tpu.memory_space<vmem>>, vector<16xi32>,
      %get3A_176 = arith.index_cast %scan3A_168 : i32 to index
      %get3A_177 = arith.constant 32 : index
      %get3A_178 = tpu.vector_load %arg10[%get3A_176, %get3A_177] {strides = array<i32>} : memref<100x128xf32, #tpu.memory_space<vmem>>, vector<16xf32>,
      %get3A_179 = arith.index_cast %scan3A_168 : i32 to index
      %get3A_180 = arith.constant 48 : index
      %get3A_181 = tpu.vector_load %arg10[%get3A_179, %get3A_180] {strides = array<i32>} : memref<100x128xf32, #tpu.memory_space<vmem>>, vector<16xf32>,
      %pack3A_182 = tpu.pack_subelements %get3A_178, %get3A_181 {pack_format = #tpu.pack_format<interleaved>, positions = array<i32: 0, 1>} : vector<16xf32>, vector<16xf32> -> vector<32xbf16>
      %bitcast3A_183 = vector.bitcast %pack3A_182 : vector<32xbf16> to vector<16xi32>
      %swap3A_184 = arith.index_cast %scan3A_168 : i32 to index
      %swap3A_185 = arith.constant 16 : index
      %swap3A_186 = tpu.vector_load %arg12[%swap3A_184, %swap3A_185] {strides = array<i32>} : memref<100x64xi32, #tpu.memory_space<vmem>>, vector<16xi32>,
      tpu.vector_store %arg12[%swap3A_184, %swap3A_185], %bitcast3A_183 {strides = array<i32>} : memref<100x64xi32, #tpu.memory_space<vmem>>, vector<16xi32>,
      %get3A_187 = arith.index_cast %scan3A_168 : i32 to index
      %get3A_188 = arith.constant 64 : index
      %get3A_189 = tpu.vector_load %arg10[%get3A_187, %get3A_188] {strides = array<i32>} : memref<100x128xf32, #tpu.memory_space<vmem>>, vector<16xf32>,
      %get3A_190 = arith.index_cast %scan3A_168 : i32 to index
      %get3A_191 = arith.constant 80 : index
      %get3A_192 = tpu.vector_load %arg10[%get3A_190, %get3A_191] {strides = array<i32>} : memref<100x128xf32, #tpu.memory_space<vmem>>, vector<16xf32>,
      %pack3A_193 = tpu.pack_subelements %get3A_189, %get3A_192 {pack_format = #tpu.pack_format<interleaved>, positions = array<i32: 0, 1>} : vector<16xf32>, vector<16xf32> -> vector<32xbf16>
      %bitcast3A_194 = vector.bitcast %pack3A_193 : vector<32xbf16> to vector<16xi32>
      %swap3A_195 = arith.index_cast %scan3A_168 : i32 to index
      %swap3A_196 = arith.constant 32 : index
      %swap3A_197 = tpu.vector_load %arg12[%swap3A_195, %swap3A_196] {strides = array<i32>} : memref<100x64xi32, #tpu.memory_space<vmem>>, vector<16xi32>,
      tpu.vector_store %arg12[%swap3A_195, %swap3A_196], %bitcast3A_194 {strides = array<i32>} : memref<100x64xi32, #tpu.memory_space<vmem>>, vector<16xi32>,
      %get3A_198 = arith.index_cast %scan3A_168 : i32 to index
      %get3A_199 = arith.constant 96 : index
      %get3A_200 = tpu.vector_load %arg10[%get3A_198, %get3A_199] {strides = array<i32>} : memref<100x128xf32, #tpu.memory_space<vmem>>, vector<16xf32>,
      %get3A_201 = arith.index_cast %scan3A_168 : i32 to index
      %get3A_202 = arith.constant 112 : index
      %get3A_203 = tpu.vector_load %arg10[%get3A_201, %get3A_202] {strides = array<i32>} : memref<100x128xf32, #tpu.memory_space<vmem>>, vector<16xf32>,
      %pack3A_204 = tpu.pack_subelements %get3A_200, %get3A_203 {pack_format = #tpu.pack_format<interleaved>, positions = array<i32: 0, 1>} : vector<16xf32>, vector<16xf32> -> vector<32xbf16>
      %bitcast3A_205 = vector.bitcast %pack3A_204 : vector<32xbf16> to vector<16xi32>
      %swap3A_206 = arith.index_cast %scan3A_168 : i32 to index
      %swap3A_207 = arith.constant 48 : index
      %swap3A_208 = tpu.vector_load %arg12[%swap3A_206, %swap3A_207] {strides = array<i32>} : memref<100x64xi32, #tpu.memory_space<vmem>>, vector<16xi32>,
      tpu.vector_store %arg12[%swap3A_206, %swap3A_207], %bitcast3A_205 {strides = array<i32>} : memref<100x64xi32, #tpu.memory_space<vmem>>, vector<16xi32>,
    }
    %scan3A_65 = arith.constant 100 : i32
    %add3A_66 = arith.constant 300 : i32
    %add3A_67 = arith.addi %mul3A_0, %add3A_66 : i32
    "tpu.region"() ({
      %run_scoped3A = tpu.sem_alloc : memref<!tpu.dma_semaphore, #tpu.memory_space<semaphore_mem>>
      %dma_start3A = arith.constant 0 : i32
      %dma_start3A_168 = arith.constant 0 : i32
      %dma_start3A_169 = tpu.memref_slice %arg10[%dma_start3A, %dma_start3A_168] : memref<100x128xf32, #tpu.memory_space<vmem>> -> memref<100x128xf32, #tpu.memory_space<vmem>>
      %dma_start3A_170 = arith.constant 0 : i32
      %dma_start3A_171 = tpu.memref_slice %arg7[%add3A_67, %dma_start3A_170] : memref<10000x128xf32, #tpu.memory_space<vmem_shared>> -> memref<100x128xf32, #tpu.memory_space<vmem_shared>>
      %dma_start3A_172 = arith.constant 0 : i32
      %dma_start3A_173 = tpu.memref_slice %arg7[%add3A_67, %dma_start3A_172] : memref<10000x128xf32, #tpu.memory_space<vmem_shared>> -> memref<100x128xf32, #tpu.memory_space<vmem_shared>>
      %dma_start3A_174 = arith.constant 0 : i32
      %dma_start3A_175 = arith.constant 0 : i32
      %dma_start3A_176 = tpu.memref_slice %arg10[%dma_start3A_174, %dma_start3A_175] : memref<100x128xf32, #tpu.memory_space<vmem>> -> memref<100x128xf32, #tpu.memory_space<vmem>>
      tpu.enqueue_dma source(%dma_start3A_176 : memref<100x128xf32, #tpu.memory_space<vmem>>) target(%dma_start3A_173 : memref<100x128xf32, #tpu.memory_space<vmem_shared>>) target_semaphore(%run_scoped3A : memref<!tpu.dma_semaphore, #tpu.memory_space<semaphore_mem>>)
      %dma_wait3A_177 = arith.constant 0 : i32
      %dma_wait3A_178 = arith.constant 0 : i32
      %dma_wait3A_179 = tpu.memref_slice %arg10[%dma_wait3A_177, %dma_wait3A_178] : memref<100x128xf32, #tpu.memory_space<vmem>> -> memref<100x128xf32, #tpu.memory_space<vmem>>
      %dma_wait3A_180 = arith.constant 0 : i32
      %dma_wait3A_181 = tpu.memref_slice %arg7[%add3A_67, %dma_wait3A_180] : memref<10000x128xf32, #tpu.memory_space<vmem_shared>> -> memref<100x128xf32, #tpu.memory_space<vmem_shared>>
      %dma_wait3A_182 = arith.constant 0 : i32
      %dma_wait3A_183 = tpu.memref_slice %arg7[%add3A_67, %dma_wait3A_182] : memref<10000x128xf32, #tpu.memory_space<vmem_shared>> -> memref<100x128xf32, #tpu.memory_space<vmem_shared>>
      %dma_wait3A_184 = arith.constant 0 : i32
      %dma_wait3A_185 = arith.constant 0 : i32
      %dma_wait3A_186 = tpu.memref_slice %arg10[%dma_wait3A_184, %dma_wait3A_185] : memref<100x128xf32, #tpu.memory_space<vmem>> -> memref<100x128xf32, #tpu.memory_space<vmem>>
      tpu.wait_dma2 semaphore(%run_scoped3A : memref<!tpu.dma_semaphore, #tpu.memory_space<semaphore_mem>>) src(%dma_wait3A_186 : memref<100x128xf32, #tpu.memory_space<vmem>>) dst(%dma_wait3A_183 : memref<100x128xf32, #tpu.memory_space<vmem_shared>>)
      tpu.yield
    }) : () -> ()
    %mul3A_68 = arith.constant 10000 : i32
    %mul3A_69 = arith.muli %arg0, %mul3A_68 : i32
    %add3A_70 = arith.addi %mul3A_69, %mul3A_0 : i32
    %add3A_71 = arith.constant 300 : i32
    %add3A_72 = arith.addi %add3A_70, %add3A_71 : i32
    "tpu.region"() ({
      %run_scoped3A = tpu.sem_alloc : memref<!tpu.dma_semaphore, #tpu.memory_space<semaphore_mem>>
      %dma_start3A = arith.constant 0 : i32
      %dma_start3A_168 = arith.constant 0 : i32
      %dma_start3A_169 = tpu.memref_slice %arg12[%dma_start3A, %dma_start3A_168] : memref<100x64xi32, #tpu.memory_space<vmem>> -> memref<100x64xi32, #tpu.memory_space<vmem>>
      %dma_start3A_170 = arith.constant 0 : i32
      %dma_start3A_171 = tpu.memref_slice %arg6[%add3A_72, %dma_start3A_170] : memref<20000x64xi32, #tpu.memory_space<hbm>> -> memref<100x64xi32, #tpu.memory_space<hbm>>
      %dma_start3A_172 = arith.constant 0 : i32
      %dma_start3A_173 = tpu.memref_slice %arg6[%add3A_72, %dma_start3A_172] : memref<20000x64xi32, #tpu.memory_space<hbm>> -> memref<100x64xi32, #tpu.memory_space<hbm>>
      %dma_start3A_174 = arith.constant 0 : i32
      %dma_start3A_175 = arith.constant 0 : i32
      %dma_start3A_176 = tpu.memref_slice %arg12[%dma_start3A_174, %dma_start3A_175] : memref<100x64xi32, #tpu.memory_space<vmem>> -> memref<100x64xi32, #tpu.memory_space<vmem>>
      tpu.enqueue_dma source(%dma_start3A_176 : memref<100x64xi32, #tpu.memory_space<vmem>>) target(%dma_start3A_173 : memref<100x64xi32, #tpu.memory_space<hbm>>) target_semaphore(%run_scoped3A : memref<!tpu.dma_semaphore, #tpu.memory_space<semaphore_mem>>)
      %dma_wait3A_177 = arith.constant 0 : i32
      %dma_wait3A_178 = arith.constant 0 : i32
      %dma_wait3A_179 = tpu.memref_slice %arg12[%dma_wait3A_177, %dma_wait3A_178] : memref<100x64xi32, #tpu.memory_space<vmem>> -> memref<100x64xi32, #tpu.memory_space<vmem>>
      %dma_wait3A_180 = arith.constant 0 : i32
      %dma_wait3A_181 = tpu.memref_slice %arg6[%add3A_72, %dma_wait3A_180] : memref<20000x64xi32, #tpu.memory_space<hbm>> -> memref<100x64xi32, #tpu.memory_space<hbm>>
      %dma_wait3A_182 = arith.constant 0 : i32
      %dma_wait3A_183 = tpu.memref_slice %arg6[%add3A_72, %dma_wait3A_182] : memref<20000x64xi32, #tpu.memory_space<hbm>> -> memref<100x64xi32, #tpu.memory_space<hbm>>
      %dma_wait3A_184 = arith.constant 0 : i32
      %dma_wait3A_185 = arith.constant 0 : i32
      %dma_wait3A_186 = tpu.memref_slice %arg12[%dma_wait3A_184, %dma_wait3A_185] : memref<100x64xi32, #tpu.memory_space<vmem>> -> memref<100x64xi32, #tpu.memory_space<vmem>>
      tpu.wait_dma2 semaphore(%run_scoped3A : memref<!tpu.dma_semaphore, #tpu.memory_space<semaphore_mem>>) src(%dma_wait3A_186 : memref<100x64xi32, #tpu.memory_space<vmem>>) dst(%dma_wait3A_183 : memref<100x64xi32, #tpu.memory_space<hbm>>)
      tpu.yield
    }) : () -> ()
    %mul3A_73 = arith.constant 10000 : i32
    %mul3A_74 = arith.muli %arg0, %mul3A_73 : i32
    %add3A_75 = arith.addi %mul3A_74, %mul3A_0 : i32
    %add3A_76 = arith.constant 400 : i32
    %add3A_77 = arith.addi %add3A_75, %add3A_76 : i32
    "tpu.region"() ({
      %run_scoped3A = tpu.sem_alloc : memref<!tpu.dma_semaphore, #tpu.memory_space<semaphore_mem>>
      %dma_start3A = arith.constant 0 : i32
      %dma_start3A_168 = arith.constant 0 : i32
      %dma_start3A_169 = tpu.memref_slice %arg10[%dma_start3A, %dma_start3A_168] : memref<100x128xf32, #tpu.memory_space<vmem>> -> memref<100x128xf32, #tpu.memory_space<vmem>>
      %dma_start3A_170 = arith.constant 0 : i32
      %dma_start3A_171 = tpu.memref_slice %arg2[%add3A_77, %dma_start3A_170] : memref<20000x128xf32, #tpu.memory_space<hbm>> -> memref<100x128xf32, #tpu.memory_space<hbm>>
      %dma_start3A_172 = arith.constant 0 : i32
      %dma_start3A_173 = arith.constant 0 : i32
      %dma_start3A_174 = tpu.memref_slice %arg10[%dma_start3A_172, %dma_start3A_173] : memref<100x128xf32, #tpu.memory_space<vmem>> -> memref<100x128xf32, #tpu.memory_space<vmem>>
      %dma_start3A_175 = arith.constant 0 : i32
      %dma_start3A_176 = tpu.memref_slice %arg2[%add3A_77, %dma_start3A_175] : memref<20000x128xf32, #tpu.memory_space<hbm>> -> memref<100x128xf32, #tpu.memory_space<hbm>>
      tpu.enqueue_dma source(%dma_start3A_176 : memref<100x128xf32, #tpu.memory_space<hbm>>) target(%dma_start3A_174 : memref<100x128xf32, #tpu.memory_space<vmem>>) target_semaphore(%run_scoped3A : memref<!tpu.dma_semaphore, #tpu.memory_space<semaphore_mem>>)
      %dma_wait3A_177 = arith.constant 0 : i32
      %dma_wait3A_178 = arith.constant 0 : i32
      %dma_wait3A_179 = tpu.memref_slice %arg10[%dma_wait3A_177, %dma_wait3A_178] : memref<100x128xf32, #tpu.memory_space<vmem>> -> memref<100x128xf32, #tpu.memory_space<vmem>>
      %dma_wait3A_180 = arith.constant 0 : i32
      %dma_wait3A_181 = tpu.memref_slice %arg2[%add3A_77, %dma_wait3A_180] : memref<20000x128xf32, #tpu.memory_space<hbm>> -> memref<100x128xf32, #tpu.memory_space<hbm>>
      %dma_wait3A_182 = arith.constant 0 : i32
      %dma_wait3A_183 = arith.constant 0 : i32
      %dma_wait3A_184 = tpu.memref_slice %arg10[%dma_wait3A_182, %dma_wait3A_183] : memref<100x128xf32, #tpu.memory_space<vmem>> -> memref<100x128xf32, #tpu.memory_space<vmem>>
      %dma_wait3A_185 = arith.constant 0 : i32
      %dma_wait3A_186 = tpu.memref_slice %arg2[%add3A_77, %dma_wait3A_185] : memref<20000x128xf32, #tpu.memory_space<hbm>> -> memref<100x128xf32, #tpu.memory_space<hbm>>
      tpu.wait_dma2 semaphore(%run_scoped3A : memref<!tpu.dma_semaphore, #tpu.memory_space<semaphore_mem>>) src(%dma_wait3A_186 : memref<100x128xf32, #tpu.memory_space<hbm>>) dst(%dma_wait3A_184 : memref<100x128xf32, #tpu.memory_space<vmem>>)
      tpu.yield
    }) : () -> ()
    %scan3A_78 = arith.constant 0 : i32
    %scan3A_79 = arith.constant 0 : i32
    %scan3A_80 = arith.constant 100 : i32
    %scan3A_81 = arith.addi %scan3A_79, %scan3A_80 : i32
    %scan3A_82 = arith.constant 1 : i32
    scf.for %scan3A_168 = %scan3A_79 to %scan3A_81 step %scan3A_82  : i32 {
      %get3A = arith.index_cast %scan3A_168 : i32 to index
      %get3A_169 = arith.constant 0 : index
      %get3A_170 = tpu.vector_load %arg10[%get3A, %get3A_169] {strides = array<i32>} : memref<100x128xf32, #tpu.memory_space<vmem>>, vector<16xf32>,
      %get3A_171 = arith.index_cast %scan3A_168 : i32 to index
      %get3A_172 = arith.constant 16 : index
      %get3A_173 = tpu.vector_load %arg10[%get3A_171, %get3A_172] {strides = array<i32>} : memref<100x128xf32, #tpu.memory_space<vmem>>, vector<16xf32>,
      %pack3A = tpu.pack_subelements %get3A_170, %get3A_173 {pack_format = #tpu.pack_format<interleaved>, positions = array<i32: 0, 1>} : vector<16xf32>, vector<16xf32> -> vector<32xbf16>
      %bitcast3A = vector.bitcast %pack3A : vector<32xbf16> to vector<16xi32>
      %swap3A = arith.index_cast %scan3A_168 : i32 to index
      %swap3A_174 = arith.constant 0 : index
      %swap3A_175 = tpu.vector_load %arg12[%swap3A, %swap3A_174] {strides = array<i32>} : memref<100x64xi32, #tpu.memory_space<vmem>>, vector<16xi32>,
      tpu.vector_store %arg12[%swap3A, %swap3A_174], %bitcast3A {strides = array<i32>} : memref<100x64xi32, #tpu.memory_space<vmem>>, vector<16xi32>,
      %get3A_176 = arith.index_cast %scan3A_168 : i32 to index
      %get3A_177 = arith.constant 32 : index
      %get3A_178 = tpu.vector_load %arg10[%get3A_176, %get3A_177] {strides = array<i32>} : memref<100x128xf32, #tpu.memory_space<vmem>>, vector<16xf32>,
      %get3A_179 = arith.index_cast %scan3A_168 : i32 to index
      %get3A_180 = arith.constant 48 : index
      %get3A_181 = tpu.vector_load %arg10[%get3A_179, %get3A_180] {strides = array<i32>} : memref<100x128xf32, #tpu.memory_space<vmem>>, vector<16xf32>,
      %pack3A_182 = tpu.pack_subelements %get3A_178, %get3A_181 {pack_format = #tpu.pack_format<interleaved>, positions = array<i32: 0, 1>} : vector<16xf32>, vector<16xf32> -> vector<32xbf16>
      %bitcast3A_183 = vector.bitcast %pack3A_182 : vector<32xbf16> to vector<16xi32>
      %swap3A_184 = arith.index_cast %scan3A_168 : i32 to index
      %swap3A_185 = arith.constant 16 : index
      %swap3A_186 = tpu.vector_load %arg12[%swap3A_184, %swap3A_185] {strides = array<i32>} : memref<100x64xi32, #tpu.memory_space<vmem>>, vector<16xi32>,
      tpu.vector_store %arg12[%swap3A_184, %swap3A_185], %bitcast3A_183 {strides = array<i32>} : memref<100x64xi32, #tpu.memory_space<vmem>>, vector<16xi32>,
      %get3A_187 = arith.index_cast %scan3A_168 : i32 to index
      %get3A_188 = arith.constant 64 : index
      %get3A_189 = tpu.vector_load %arg10[%get3A_187, %get3A_188] {strides = array<i32>} : memref<100x128xf32, #tpu.memory_space<vmem>>, vector<16xf32>,
      %get3A_190 = arith.index_cast %scan3A_168 : i32 to index
      %get3A_191 = arith.constant 80 : index
      %get3A_192 = tpu.vector_load %arg10[%get3A_190, %get3A_191] {strides = array<i32>} : memref<100x128xf32, #tpu.memory_space<vmem>>, vector<16xf32>,
      %pack3A_193 = tpu.pack_subelements %get3A_189, %get3A_192 {pack_format = #tpu.pack_format<interleaved>, positions = array<i32: 0, 1>} : vector<16xf32>, vector<16xf32> -> vector<32xbf16>
      %bitcast3A_194 = vector.bitcast %pack3A_193 : vector<32xbf16> to vector<16xi32>
      %swap3A_195 = arith.index_cast %scan3A_168 : i32 to index
      %swap3A_196 = arith.constant 32 : index
      %swap3A_197 = tpu.vector_load %arg12[%swap3A_195, %swap3A_196] {strides = array<i32>} : memref<100x64xi32, #tpu.memory_space<vmem>>, vector<16xi32>,
      tpu.vector_store %arg12[%swap3A_195, %swap3A_196], %bitcast3A_194 {strides = array<i32>} : memref<100x64xi32, #tpu.memory_space<vmem>>, vector<16xi32>,
      %get3A_198 = arith.index_cast %scan3A_168 : i32 to index
      %get3A_199 = arith.constant 96 : index
      %get3A_200 = tpu.vector_load %arg10[%get3A_198, %get3A_199] {strides = array<i32>} : memref<100x128xf32, #tpu.memory_space<vmem>>, vector<16xf32>,
      %get3A_201 = arith.index_cast %scan3A_168 : i32 to index
      %get3A_202 = arith.constant 112 : index
      %get3A_203 = tpu.vector_load %arg10[%get3A_201, %get3A_202] {strides = array<i32>} : memref<100x128xf32, #tpu.memory_space<vmem>>, vector<16xf32>,
      %pack3A_204 = tpu.pack_subelements %get3A_200, %get3A_203 {pack_format = #tpu.pack_format<interleaved>, positions = array<i32: 0, 1>} : vector<16xf32>, vector<16xf32> -> vector<32xbf16>
      %bitcast3A_205 = vector.bitcast %pack3A_204 : vector<32xbf16> to vector<16xi32>
      %swap3A_206 = arith.index_cast %scan3A_168 : i32 to index
      %swap3A_207 = arith.constant 48 : index
      %swap3A_208 = tpu.vector_load %arg12[%swap3A_206, %swap3A_207] {strides = array<i32>} : memref<100x64xi32, #tpu.memory_space<vmem>>, vector<16xi32>,
      tpu.vector_store %arg12[%swap3A_206, %swap3A_207], %bitcast3A_205 {strides = array<i32>} : memref<100x64xi32, #tpu.memory_space<vmem>>, vector<16xi32>,
    }
    %scan3A_83 = arith.constant 100 : i32
    %add3A_84 = arith.constant 400 : i32
    %add3A_85 = arith.addi %mul3A_0, %add3A_84 : i32
    "tpu.region"() ({
      %run_scoped3A = tpu.sem_alloc : memref<!tpu.dma_semaphore, #tpu.memory_space<semaphore_mem>>
      %dma_start3A = arith.constant 0 : i32
      %dma_start3A_168 = arith.constant 0 : i32
      %dma_start3A_169 = tpu.memref_slice %arg10[%dma_start3A, %dma_start3A_168] : memref<100x128xf32, #tpu.memory_space<vmem>> -> memref<100x128xf32, #tpu.memory_space<vmem>>
      %dma_start3A_170 = arith.constant 0 : i32
      %dma_start3A_171 = tpu.memref_slice %arg7[%add3A_85, %dma_start3A_170] : memref<10000x128xf32, #tpu.memory_space<vmem_shared>> -> memref<100x128xf32, #tpu.memory_space<vmem_shared>>
      %dma_start3A_172 = arith.constant 0 : i32
      %dma_start3A_173 = tpu.memref_slice %arg7[%add3A_85, %dma_start3A_172] : memref<10000x128xf32, #tpu.memory_space<vmem_shared>> -> memref<100x128xf32, #tpu.memory_space<vmem_shared>>
      %dma_start3A_174 = arith.constant 0 : i32
      %dma_start3A_175 = arith.constant 0 : i32
      %dma_start3A_176 = tpu.memref_slice %arg10[%dma_start3A_174, %dma_start3A_175] : memref<100x128xf32, #tpu.memory_space<vmem>> -> memref<100x128xf32, #tpu.memory_space<vmem>>
      tpu.enqueue_dma source(%dma_start3A_176 : memref<100x128xf32, #tpu.memory_space<vmem>>) target(%dma_start3A_173 : memref<100x128xf32, #tpu.memory_space<vmem_shared>>) target_semaphore(%run_scoped3A : memref<!tpu.dma_semaphore, #tpu.memory_space<semaphore_mem>>)
      %dma_wait3A_177 = arith.constant 0 : i32
      %dma_wait3A_178 = arith.constant 0 : i32
      %dma_wait3A_179 = tpu.memref_slice %arg10[%dma_wait3A_177, %dma_wait3A_178] : memref<100x128xf32, #tpu.memory_space<vmem>> -> memref<100x128xf32, #tpu.memory_space<vmem>>
      %dma_wait3A_180 = arith.constant 0 : i32
      %dma_wait3A_181 = tpu.memref_slice %arg7[%add3A_85, %dma_wait3A_180] : memref<10000x128xf32, #tpu.memory_space<vmem_shared>> -> memref<100x128xf32, #tpu.memory_space<vmem_shared>>
      %dma_wait3A_182 = arith.constant 0 : i32
      %dma_wait3A_183 = tpu.memref_slice %arg7[%add3A_85, %dma_wait3A_182] : memref<10000x128xf32, #tpu.memory_space<vmem_shared>> -> memref<100x128xf32, #tpu.memory_space<vmem_shared>>
      %dma_wait3A_184 = arith.constant 0 : i32
      %dma_wait3A_185 = arith.constant 0 : i32
      %dma_wait3A_186 = tpu.memref_slice %arg10[%dma_wait3A_184, %dma_wait3A_185] : memref<100x128xf32, #tpu.memory_space<vmem>> -> memref<100x128xf32, #tpu.memory_space<vmem>>
      tpu.wait_dma2 semaphore(%run_scoped3A : memref<!tpu.dma_semaphore, #tpu.memory_space<semaphore_mem>>) src(%dma_wait3A_186 : memref<100x128xf32, #tpu.memory_space<vmem>>) dst(%dma_wait3A_183 : memref<100x128xf32, #tpu.memory_space<vmem_shared>>)
      tpu.yield
    }) : () -> ()
    %mul3A_86 = arith.constant 10000 : i32
    %mul3A_87 = arith.muli %arg0, %mul3A_86 : i32
    %add3A_88 = arith.addi %mul3A_87, %mul3A_0 : i32
    %add3A_89 = arith.constant 400 : i32
    %add3A_90 = arith.addi %add3A_88, %add3A_89 : i32
    "tpu.region"() ({
      %run_scoped3A = tpu.sem_alloc : memref<!tpu.dma_semaphore, #tpu.memory_space<semaphore_mem>>
      %dma_start3A = arith.constant 0 : i32
      %dma_start3A_168 = arith.constant 0 : i32
      %dma_start3A_169 = tpu.memref_slice %arg12[%dma_start3A, %dma_start3A_168] : memref<100x64xi32, #tpu.memory_space<vmem>> -> memref<100x64xi32, #tpu.memory_space<vmem>>
      %dma_start3A_170 = arith.constant 0 : i32
      %dma_start3A_171 = tpu.memref_slice %arg6[%add3A_90, %dma_start3A_170] : memref<20000x64xi32, #tpu.memory_space<hbm>> -> memref<100x64xi32, #tpu.memory_space<hbm>>
      %dma_start3A_172 = arith.constant 0 : i32
      %dma_start3A_173 = tpu.memref_slice %arg6[%add3A_90, %dma_start3A_172] : memref<20000x64xi32, #tpu.memory_space<hbm>> -> memref<100x64xi32, #tpu.memory_space<hbm>>
      %dma_start3A_174 = arith.constant 0 : i32
      %dma_start3A_175 = arith.constant 0 : i32
      %dma_start3A_176 = tpu.memref_slice %arg12[%dma_start3A_174, %dma_start3A_175] : memref<100x64xi32, #tpu.memory_space<vmem>> -> memref<100x64xi32, #tpu.memory_space<vmem>>
      tpu.enqueue_dma source(%dma_start3A_176 : memref<100x64xi32, #tpu.memory_space<vmem>>) target(%dma_start3A_173 : memref<100x64xi32, #tpu.memory_space<hbm>>) target_semaphore(%run_scoped3A : memref<!tpu.dma_semaphore, #tpu.memory_space<semaphore_mem>>)
      %dma_wait3A_177 = arith.constant 0 : i32
      %dma_wait3A_178 = arith.constant 0 : i32
      %dma_wait3A_179 = tpu.memref_slice %arg12[%dma_wait3A_177, %dma_wait3A_178] : memref<100x64xi32, #tpu.memory_space<vmem>> -> memref<100x64xi32, #tpu.memory_space<vmem>>
      %dma_wait3A_180 = arith.constant 0 : i32
      %dma_wait3A_181 = tpu.memref_slice %arg6[%add3A_90, %dma_wait3A_180] : memref<20000x64xi32, #tpu.memory_space<hbm>> -> memref<100x64xi32, #tpu.memory_space<hbm>>
      %dma_wait3A_182 = arith.constant 0 : i32
      %dma_wait3A_183 = tpu.memref_slice %arg6[%add3A_90, %dma_wait3A_182] : memref<20000x64xi32, #tpu.memory_space<hbm>> -> memref<100x64xi32, #tpu.memory_space<hbm>>
      %dma_wait3A_184 = arith.constant 0 : i32
      %dma_wait3A_185 = arith.constant 0 : i32
      %dma_wait3A_186 = tpu.memref_slice %arg12[%dma_wait3A_184, %dma_wait3A_185] : memref<100x64xi32, #tpu.memory_space<vmem>> -> memref<100x64xi32, #tpu.memory_space<vmem>>
      tpu.wait_dma2 semaphore(%run_scoped3A : memref<!tpu.dma_semaphore, #tpu.memory_space<semaphore_mem>>) src(%dma_wait3A_186 : memref<100x64xi32, #tpu.memory_space<vmem>>) dst(%dma_wait3A_183 : memref<100x64xi32, #tpu.memory_space<hbm>>)
      tpu.yield
    }) : () -> ()
    %mul3A_91 = arith.constant 10000 : i32
    %mul3A_92 = arith.muli %arg0, %mul3A_91 : i32
    %add3A_93 = arith.addi %mul3A_92, %mul3A_0 : i32
    %add3A_94 = arith.constant 500 : i32
    %add3A_95 = arith.addi %add3A_93, %add3A_94 : i32
    "tpu.region"() ({
      %run_scoped3A = tpu.sem_alloc : memref<!tpu.dma_semaphore, #tpu.memory_space<semaphore_mem>>
      %dma_start3A = arith.constant 0 : i32
      %dma_start3A_168 = arith.constant 0 : i32
      %dma_start3A_169 = tpu.memref_slice %arg10[%dma_start3A, %dma_start3A_168] : memref<100x128xf32, #tpu.memory_space<vmem>> -> memref<100x128xf32, #tpu.memory_space<vmem>>
      %dma_start3A_170 = arith.constant 0 : i32
      %dma_start3A_171 = tpu.memref_slice %arg2[%add3A_95, %dma_start3A_170] : memref<20000x128xf32, #tpu.memory_space<hbm>> -> memref<100x128xf32, #tpu.memory_space<hbm>>
      %dma_start3A_172 = arith.constant 0 : i32
      %dma_start3A_173 = arith.constant 0 : i32
      %dma_start3A_174 = tpu.memref_slice %arg10[%dma_start3A_172, %dma_start3A_173] : memref<100x128xf32, #tpu.memory_space<vmem>> -> memref<100x128xf32, #tpu.memory_space<vmem>>
      %dma_start3A_175 = arith.constant 0 : i32
      %dma_start3A_176 = tpu.memref_slice %arg2[%add3A_95, %dma_start3A_175] : memref<20000x128xf32, #tpu.memory_space<hbm>> -> memref<100x128xf32, #tpu.memory_space<hbm>>
      tpu.enqueue_dma source(%dma_start3A_176 : memref<100x128xf32, #tpu.memory_space<hbm>>) target(%dma_start3A_174 : memref<100x128xf32, #tpu.memory_space<vmem>>) target_semaphore(%run_scoped3A : memref<!tpu.dma_semaphore, #tpu.memory_space<semaphore_mem>>)
      %dma_wait3A_177 = arith.constant 0 : i32
      %dma_wait3A_178 = arith.constant 0 : i32
      %dma_wait3A_179 = tpu.memref_slice %arg10[%dma_wait3A_177, %dma_wait3A_178] : memref<100x128xf32, #tpu.memory_space<vmem>> -> memref<100x128xf32, #tpu.memory_space<vmem>>
      %dma_wait3A_180 = arith.constant 0 : i32
      %dma_wait3A_181 = tpu.memref_slice %arg2[%add3A_95, %dma_wait3A_180] : memref<20000x128xf32, #tpu.memory_space<hbm>> -> memref<100x128xf32, #tpu.memory_space<hbm>>
      %dma_wait3A_182 = arith.constant 0 : i32
      %dma_wait3A_183 = arith.constant 0 : i32
      %dma_wait3A_184 = tpu.memref_slice %arg10[%dma_wait3A_182, %dma_wait3A_183] : memref<100x128xf32, #tpu.memory_space<vmem>> -> memref<100x128xf32, #tpu.memory_space<vmem>>
      %dma_wait3A_185 = arith.constant 0 : i32
      %dma_wait3A_186 = tpu.memref_slice %arg2[%add3A_95, %dma_wait3A_185] : memref<20000x128xf32, #tpu.memory_space<hbm>> -> memref<100x128xf32, #tpu.memory_space<hbm>>
      tpu.wait_dma2 semaphore(%run_scoped3A : memref<!tpu.dma_semaphore, #tpu.memory_space<semaphore_mem>>) src(%dma_wait3A_186 : memref<100x128xf32, #tpu.memory_space<hbm>>) dst(%dma_wait3A_184 : memref<100x128xf32, #tpu.memory_space<vmem>>)
      tpu.yield
    }) : () -> ()
    %scan3A_96 = arith.constant 0 : i32
    %scan3A_97 = arith.constant 0 : i32
    %scan3A_98 = arith.constant 100 : i32
    %scan3A_99 = arith.addi %scan3A_97, %scan3A_98 : i32
    %scan3A_100 = arith.constant 1 : i32
    scf.for %scan3A_168 = %scan3A_97 to %scan3A_99 step %scan3A_100  : i32 {
      %get3A = arith.index_cast %scan3A_168 : i32 to index
      %get3A_169 = arith.constant 0 : index
      %get3A_170 = tpu.vector_load %arg10[%get3A, %get3A_169] {strides = array<i32>} : memref<100x128xf32, #tpu.memory_space<vmem>>, vector<16xf32>,
      %get3A_171 = arith.index_cast %scan3A_168 : i32 to index
      %get3A_172 = arith.constant 16 : index
      %get3A_173 = tpu.vector_load %arg10[%get3A_171, %get3A_172] {strides = array<i32>} : memref<100x128xf32, #tpu.memory_space<vmem>>, vector<16xf32>,
      %pack3A = tpu.pack_subelements %get3A_170, %get3A_173 {pack_format = #tpu.pack_format<interleaved>, positions = array<i32: 0, 1>} : vector<16xf32>, vector<16xf32> -> vector<32xbf16>
      %bitcast3A = vector.bitcast %pack3A : vector<32xbf16> to vector<16xi32>
      %swap3A = arith.index_cast %scan3A_168 : i32 to index
      %swap3A_174 = arith.constant 0 : index
      %swap3A_175 = tpu.vector_load %arg12[%swap3A, %swap3A_174] {strides = array<i32>} : memref<100x64xi32, #tpu.memory_space<vmem>>, vector<16xi32>,
      tpu.vector_store %arg12[%swap3A, %swap3A_174], %bitcast3A {strides = array<i32>} : memref<100x64xi32, #tpu.memory_space<vmem>>, vector<16xi32>,
      %get3A_176 = arith.index_cast %scan3A_168 : i32 to index
      %get3A_177 = arith.constant 32 : index
      %get3A_178 = tpu.vector_load %arg10[%get3A_176, %get3A_177] {strides = array<i32>} : memref<100x128xf32, #tpu.memory_space<vmem>>, vector<16xf32>,
      %get3A_179 = arith.index_cast %scan3A_168 : i32 to index
      %get3A_180 = arith.constant 48 : index
      %get3A_181 = tpu.vector_load %arg10[%get3A_179, %get3A_180] {strides = array<i32>} : memref<100x128xf32, #tpu.memory_space<vmem>>, vector<16xf32>,
      %pack3A_182 = tpu.pack_subelements %get3A_178, %get3A_181 {pack_format = #tpu.pack_format<interleaved>, positions = array<i32: 0, 1>} : vector<16xf32>, vector<16xf32> -> vector<32xbf16>
      %bitcast3A_183 = vector.bitcast %pack3A_182 : vector<32xbf16> to vector<16xi32>
      %swap3A_184 = arith.index_cast %scan3A_168 : i32 to index
      %swap3A_185 = arith.constant 16 : index
      %swap3A_186 = tpu.vector_load %arg12[%swap3A_184, %swap3A_185] {strides = array<i32>} : memref<100x64xi32, #tpu.memory_space<vmem>>, vector<16xi32>,
      tpu.vector_store %arg12[%swap3A_184, %swap3A_185], %bitcast3A_183 {strides = array<i32>} : memref<100x64xi32, #tpu.memory_space<vmem>>, vector<16xi32>,
      %get3A_187 = arith.index_cast %scan3A_168 : i32 to index
      %get3A_188 = arith.constant 64 : index
      %get3A_189 = tpu.vector_load %arg10[%get3A_187, %get3A_188] {strides = array<i32>} : memref<100x128xf32, #tpu.memory_space<vmem>>, vector<16xf32>,
      %get3A_190 = arith.index_cast %scan3A_168 : i32 to index
      %get3A_191 = arith.constant 80 : index
      %get3A_192 = tpu.vector_load %arg10[%get3A_190, %get3A_191] {strides = array<i32>} : memref<100x128xf32, #tpu.memory_space<vmem>>, vector<16xf32>,
      %pack3A_193 = tpu.pack_subelements %get3A_189, %get3A_192 {pack_format = #tpu.pack_format<interleaved>, positions = array<i32: 0, 1>} : vector<16xf32>, vector<16xf32> -> vector<32xbf16>
      %bitcast3A_194 = vector.bitcast %pack3A_193 : vector<32xbf16> to vector<16xi32>
      %swap3A_195 = arith.index_cast %scan3A_168 : i32 to index
      %swap3A_196 = arith.constant 32 : index
      %swap3A_197 = tpu.vector_load %arg12[%swap3A_195, %swap3A_196] {strides = array<i32>} : memref<100x64xi32, #tpu.memory_space<vmem>>, vector<16xi32>,
      tpu.vector_store %arg12[%swap3A_195, %swap3A_196], %bitcast3A_194 {strides = array<i32>} : memref<100x64xi32, #tpu.memory_space<vmem>>, vector<16xi32>,
      %get3A_198 = arith.index_cast %scan3A_168 : i32 to index
      %get3A_199 = arith.constant 96 : index
      %get3A_200 = tpu.vector_load %arg10[%get3A_198, %get3A_199] {strides = array<i32>} : memref<100x128xf32, #tpu.memory_space<vmem>>, vector<16xf32>,
      %get3A_201 = arith.index_cast %scan3A_168 : i32 to index
      %get3A_202 = arith.constant 112 : index
      %get3A_203 = tpu.vector_load %arg10[%get3A_201, %get3A_202] {strides = array<i32>} : memref<100x128xf32, #tpu.memory_space<vmem>>, vector<16xf32>,
      %pack3A_204 = tpu.pack_subelements %get3A_200, %get3A_203 {pack_format = #tpu.pack_format<interleaved>, positions = array<i32: 0, 1>} : vector<16xf32>, vector<16xf32> -> vector<32xbf16>
      %bitcast3A_205 = vector.bitcast %pack3A_204 : vector<32xbf16> to vector<16xi32>
      %swap3A_206 = arith.index_cast %scan3A_168 : i32 to index
      %swap3A_207 = arith.constant 48 : index
      %swap3A_208 = tpu.vector_load %arg12[%swap3A_206, %swap3A_207] {strides = array<i32>} : memref<100x64xi32, #tpu.memory_space<vmem>>, vector<16xi32>,
      tpu.vector_store %arg12[%swap3A_206, %swap3A_207], %bitcast3A_205 {strides = array<i32>} : memref<100x64xi32, #tpu.memory_space<vmem>>, vector<16xi32>,
    }
    %scan3A_101 = arith.constant 100 : i32
    %add3A_102 = arith.constant 500 : i32
    %add3A_103 = arith.addi %mul3A_0, %add3A_102 : i32
    "tpu.region"() ({
      %run_scoped3A = tpu.sem_alloc : memref<!tpu.dma_semaphore, #tpu.memory_space<semaphore_mem>>
      %dma_start3A = arith.constant 0 : i32
      %dma_start3A_168 = arith.constant 0 : i32
      %dma_start3A_169 = tpu.memref_slice %arg10[%dma_start3A, %dma_start3A_168] : memref<100x128xf32, #tpu.memory_space<vmem>> -> memref<100x128xf32, #tpu.memory_space<vmem>>
      %dma_start3A_170 = arith.constant 0 : i32
      %dma_start3A_171 = tpu.memref_slice %arg7[%add3A_103, %dma_start3A_170] : memref<10000x128xf32, #tpu.memory_space<vmem_shared>> -> memref<100x128xf32, #tpu.memory_space<vmem_shared>>
      %dma_start3A_172 = arith.constant 0 : i32
      %dma_start3A_173 = tpu.memref_slice %arg7[%add3A_103, %dma_start3A_172] : memref<10000x128xf32, #tpu.memory_space<vmem_shared>> -> memref<100x128xf32, #tpu.memory_space<vmem_shared>>
      %dma_start3A_174 = arith.constant 0 : i32
      %dma_start3A_175 = arith.constant 0 : i32
      %dma_start3A_176 = tpu.memref_slice %arg10[%dma_start3A_174, %dma_start3A_175] : memref<100x128xf32, #tpu.memory_space<vmem>> -> memref<100x128xf32, #tpu.memory_space<vmem>>
      tpu.enqueue_dma source(%dma_start3A_176 : memref<100x128xf32, #tpu.memory_space<vmem>>) target(%dma_start3A_173 : memref<100x128xf32, #tpu.memory_space<vmem_shared>>) target_semaphore(%run_scoped3A : memref<!tpu.dma_semaphore, #tpu.memory_space<semaphore_mem>>)
      %dma_wait3A_177 = arith.constant 0 : i32
      %dma_wait3A_178 = arith.constant 0 : i32
      %dma_wait3A_179 = tpu.memref_slice %arg10[%dma_wait3A_177, %dma_wait3A_178] : memref<100x128xf32, #tpu.memory_space<vmem>> -> memref<100x128xf32, #tpu.memory_space<vmem>>
      %dma_wait3A_180 = arith.constant 0 : i32
      %dma_wait3A_181 = tpu.memref_slice %arg7[%add3A_103, %dma_wait3A_180] : memref<10000x128xf32, #tpu.memory_space<vmem_shared>> -> memref<100x128xf32, #tpu.memory_space<vmem_shared>>
      %dma_wait3A_182 = arith.constant 0 : i32
      %dma_wait3A_183 = tpu.memref_slice %arg7[%add3A_103, %dma_wait3A_182] : memref<10000x128xf32, #tpu.memory_space<vmem_shared>> -> memref<100x128xf32, #tpu.memory_space<vmem_shared>>
      %dma_wait3A_184 = arith.constant 0 : i32
      %dma_wait3A_185 = arith.constant 0 : i32
      %dma_wait3A_186 = tpu.memref_slice %arg10[%dma_wait3A_184, %dma_wait3A_185] : memref<100x128xf32, #tpu.memory_space<vmem>> -> memref<100x128xf32, #tpu.memory_space<vmem>>
      tpu.wait_dma2 semaphore(%run_scoped3A : memref<!tpu.dma_semaphore, #tpu.memory_space<semaphore_mem>>) src(%dma_wait3A_186 : memref<100x128xf32, #tpu.memory_space<vmem>>) dst(%dma_wait3A_183 : memref<100x128xf32, #tpu.memory_space<vmem_shared>>)
      tpu.yield
    }) : () -> ()
    %mul3A_104 = arith.constant 10000 : i32
    %mul3A_105 = arith.muli %arg0, %mul3A_104 : i32
    %add3A_106 = arith.addi %mul3A_105, %mul3A_0 : i32
    %add3A_107 = arith.constant 500 : i32
    %add3A_108 = arith.addi %add3A_106, %add3A_107 : i32
    "tpu.region"() ({
      %run_scoped3A = tpu.sem_alloc : memref<!tpu.dma_semaphore, #tpu.memory_space<semaphore_mem>>
      %dma_start3A = arith.constant 0 : i32
      %dma_start3A_168 = arith.constant 0 : i32
      %dma_start3A_169 = tpu.memref_slice %arg12[%dma_start3A, %dma_start3A_168] : memref<100x64xi32, #tpu.memory_space<vmem>> -> memref<100x64xi32, #tpu.memory_space<vmem>>
      %dma_start3A_170 = arith.constant 0 : i32
      %dma_start3A_171 = tpu.memref_slice %arg6[%add3A_108, %dma_start3A_170] : memref<20000x64xi32, #tpu.memory_space<hbm>> -> memref<100x64xi32, #tpu.memory_space<hbm>>
      %dma_start3A_172 = arith.constant 0 : i32
      %dma_start3A_173 = tpu.memref_slice %arg6[%add3A_108, %dma_start3A_172] : memref<20000x64xi32, #tpu.memory_space<hbm>> -> memref<100x64xi32, #tpu.memory_space<hbm>>
      %dma_start3A_174 = arith.constant 0 : i32
      %dma_start3A_175 = arith.constant 0 : i32
      %dma_start3A_176 = tpu.memref_slice %arg12[%dma_start3A_174, %dma_start3A_175] : memref<100x64xi32, #tpu.memory_space<vmem>> -> memref<100x64xi32, #tpu.memory_space<vmem>>
      tpu.enqueue_dma source(%dma_start3A_176 : memref<100x64xi32, #tpu.memory_space<vmem>>) target(%dma_start3A_173 : memref<100x64xi32, #tpu.memory_space<hbm>>) target_semaphore(%run_scoped3A : memref<!tpu.dma_semaphore, #tpu.memory_space<semaphore_mem>>)
      %dma_wait3A_177 = arith.constant 0 : i32
      %dma_wait3A_178 = arith.constant 0 : i32
      %dma_wait3A_179 = tpu.memref_slice %arg12[%dma_wait3A_177, %dma_wait3A_178] : memref<100x64xi32, #tpu.memory_space<vmem>> -> memref<100x64xi32, #tpu.memory_space<vmem>>
      %dma_wait3A_180 = arith.constant 0 : i32
      %dma_wait3A_181 = tpu.memref_slice %arg6[%add3A_108, %dma_wait3A_180] : memref<20000x64xi32, #tpu.memory_space<hbm>> -> memref<100x64xi32, #tpu.memory_space<hbm>>
      %dma_wait3A_182 = arith.constant 0 : i32
      %dma_wait3A_183 = tpu.memref_slice %arg6[%add3A_108, %dma_wait3A_182] : memref<20000x64xi32, #tpu.memory_space<hbm>> -> memref<100x64xi32, #tpu.memory_space<hbm>>
      %dma_wait3A_184 = arith.constant 0 : i32
      %dma_wait3A_185 = arith.constant 0 : i32
      %dma_wait3A_186 = tpu.memref_slice %arg12[%dma_wait3A_184, %dma_wait3A_185] : memref<100x64xi32, #tpu.memory_space<vmem>> -> memref<100x64xi32, #tpu.memory_space<vmem>>
      tpu.wait_dma2 semaphore(%run_scoped3A : memref<!tpu.dma_semaphore, #tpu.memory_space<semaphore_mem>>) src(%dma_wait3A_186 : memref<100x64xi32, #tpu.memory_space<vmem>>) dst(%dma_wait3A_183 : memref<100x64xi32, #tpu.memory_space<hbm>>)
      tpu.yield
    }) : () -> ()
    %mul3A_109 = arith.constant 10000 : i32
    %mul3A_110 = arith.muli %arg0, %mul3A_109 : i32
    %add3A_111 = arith.addi %mul3A_110, %mul3A_0 : i32
    %add3A_112 = arith.constant 600 : i32
    %add3A_113 = arith.addi %add3A_111, %add3A_112 : i32
    "tpu.region"() ({
      %run_scoped3A = tpu.sem_alloc : memref<!tpu.dma_semaphore, #tpu.memory_space<semaphore_mem>>
      %dma_start3A = arith.constant 0 : i32
      %dma_start3A_168 = arith.constant 0 : i32
      %dma_start3A_169 = tpu.memref_slice %arg10[%dma_start3A, %dma_start3A_168] : memref<100x128xf32, #tpu.memory_space<vmem>> -> memref<25x128xf32, #tpu.memory_space<vmem>>
      %dma_start3A_170 = arith.constant 0 : i32
      %dma_start3A_171 = tpu.memref_slice %arg2[%add3A_113, %dma_start3A_170] : memref<20000x128xf32, #tpu.memory_space<hbm>> -> memref<25x128xf32, #tpu.memory_space<hbm>>
      %dma_start3A_172 = arith.constant 0 : i32
      %dma_start3A_173 = arith.constant 0 : i32
      %dma_start3A_174 = tpu.memref_slice %arg10[%dma_start3A_172, %dma_start3A_173] : memref<100x128xf32, #tpu.memory_space<vmem>> -> memref<25x128xf32, #tpu.memory_space<vmem>>
      %dma_start3A_175 = arith.constant 0 : i32
      %dma_start3A_176 = tpu.memref_slice %arg2[%add3A_113, %dma_start3A_175] : memref<20000x128xf32, #tpu.memory_space<hbm>> -> memref<25x128xf32, #tpu.memory_space<hbm>>
      tpu.enqueue_dma source(%dma_start3A_176 : memref<25x128xf32, #tpu.memory_space<hbm>>) target(%dma_start3A_174 : memref<25x128xf32, #tpu.memory_space<vmem>>) target_semaphore(%run_scoped3A : memref<!tpu.dma_semaphore, #tpu.memory_space<semaphore_mem>>)
      %dma_wait3A_177 = arith.constant 0 : i32
      %dma_wait3A_178 = arith.constant 0 : i32
      %dma_wait3A_179 = tpu.memref_slice %arg10[%dma_wait3A_177, %dma_wait3A_178] : memref<100x128xf32, #tpu.memory_space<vmem>> -> memref<25x128xf32, #tpu.memory_space<vmem>>
      %dma_wait3A_180 = arith.constant 0 : i32
      %dma_wait3A_181 = tpu.memref_slice %arg2[%add3A_113, %dma_wait3A_180] : memref<20000x128xf32, #tpu.memory_space<hbm>> -> memref<25x128xf32, #tpu.memory_space<hbm>>
      %dma_wait3A_182 = arith.constant 0 : i32
      %dma_wait3A_183 = arith.constant 0 : i32
      %dma_wait3A_184 = tpu.memref_slice %arg10[%dma_wait3A_182, %dma_wait3A_183] : memref<100x128xf32, #tpu.memory_space<vmem>> -> memref<25x128xf32, #tpu.memory_space<vmem>>
      %dma_wait3A_185 = arith.constant 0 : i32
      %dma_wait3A_186 = tpu.memref_slice %arg2[%add3A_113, %dma_wait3A_185] : memref<20000x128xf32, #tpu.memory_space<hbm>> -> memref<25x128xf32, #tpu.memory_space<hbm>>
      tpu.wait_dma2 semaphore(%run_scoped3A : memref<!tpu.dma_semaphore, #tpu.memory_space<semaphore_mem>>) src(%dma_wait3A_186 : memref<25x128xf32, #tpu.memory_space<hbm>>) dst(%dma_wait3A_184 : memref<25x128xf32, #tpu.memory_space<vmem>>)
      tpu.yield
    }) : () -> ()
    %scan3A_114 = arith.constant 0 : i32
    %scan3A_115 = arith.constant 0 : i32
    %scan3A_116 = arith.constant 25 : i32
    %scan3A_117 = arith.addi %scan3A_115, %scan3A_116 : i32
    %scan3A_118 = arith.constant 1 : i32
    scf.for %scan3A_168 = %scan3A_115 to %scan3A_117 step %scan3A_118  : i32 {
      %get3A = arith.index_cast %scan3A_168 : i32 to index
      %get3A_169 = arith.constant 0 : index
      %get3A_170 = tpu.vector_load %arg10[%get3A, %get3A_169] {strides = array<i32>} : memref<100x128xf32, #tpu.memory_space<vmem>>, vector<16xf32>,
      %get3A_171 = arith.index_cast %scan3A_168 : i32 to index
      %get3A_172 = arith.constant 16 : index
      %get3A_173 = tpu.vector_load %arg10[%get3A_171, %get3A_172] {strides = array<i32>} : memref<100x128xf32, #tpu.memory_space<vmem>>, vector<16xf32>,
      %pack3A = tpu.pack_subelements %get3A_170, %get3A_173 {pack_format = #tpu.pack_format<interleaved>, positions = array<i32: 0, 1>} : vector<16xf32>, vector<16xf32> -> vector<32xbf16>
      %bitcast3A = vector.bitcast %pack3A : vector<32xbf16> to vector<16xi32>
      %swap3A = arith.index_cast %scan3A_168 : i32 to index
      %swap3A_174 = arith.constant 0 : index
      %swap3A_175 = tpu.vector_load %arg12[%swap3A, %swap3A_174] {strides = array<i32>} : memref<100x64xi32, #tpu.memory_space<vmem>>, vector<16xi32>,
      tpu.vector_store %arg12[%swap3A, %swap3A_174], %bitcast3A {strides = array<i32>} : memref<100x64xi32, #tpu.memory_space<vmem>>, vector<16xi32>,
      %get3A_176 = arith.index_cast %scan3A_168 : i32 to index
      %get3A_177 = arith.constant 32 : index
      %get3A_178 = tpu.vector_load %arg10[%get3A_176, %get3A_177] {strides = array<i32>} : memref<100x128xf32, #tpu.memory_space<vmem>>, vector<16xf32>,
      %get3A_179 = arith.index_cast %scan3A_168 : i32 to index
      %get3A_180 = arith.constant 48 : index
      %get3A_181 = tpu.vector_load %arg10[%get3A_179, %get3A_180] {strides = array<i32>} : memref<100x128xf32, #tpu.memory_space<vmem>>, vector<16xf32>,
      %pack3A_182 = tpu.pack_subelements %get3A_178, %get3A_181 {pack_format = #tpu.pack_format<interleaved>, positions = array<i32: 0, 1>} : vector<16xf32>, vector<16xf32> -> vector<32xbf16>
      %bitcast3A_183 = vector.bitcast %pack3A_182 : vector<32xbf16> to vector<16xi32>
      %swap3A_184 = arith.index_cast %scan3A_168 : i32 to index
      %swap3A_185 = arith.constant 16 : index
      %swap3A_186 = tpu.vector_load %arg12[%swap3A_184, %swap3A_185] {strides = array<i32>} : memref<100x64xi32, #tpu.memory_space<vmem>>, vector<16xi32>,
      tpu.vector_store %arg12[%swap3A_184, %swap3A_185], %bitcast3A_183 {strides = array<i32>} : memref<100x64xi32, #tpu.memory_space<vmem>>, vector<16xi32>,
      %get3A_187 = arith.index_cast %scan3A_168 : i32 to index
      %get3A_188 = arith.constant 64 : index
      %get3A_189 = tpu.vector_load %arg10[%get3A_187, %get3A_188] {strides = array<i32>} : memref<100x128xf32, #tpu.memory_space<vmem>>, vector<16xf32>,
      %get3A_190 = arith.index_cast %scan3A_168 : i32 to index
      %get3A_191 = arith.constant 80 : index
      %get3A_192 = tpu.vector_load %arg10[%get3A_190, %get3A_191] {strides = array<i32>} : memref<100x128xf32, #tpu.memory_space<vmem>>, vector<16xf32>,
      %pack3A_193 = tpu.pack_subelements %get3A_189, %get3A_192 {pack_format = #tpu.pack_format<interleaved>, positions = array<i32: 0, 1>} : vector<16xf32>, vector<16xf32> -> vector<32xbf16>
      %bitcast3A_194 = vector.bitcast %pack3A_193 : vector<32xbf16> to vector<16xi32>
      %swap3A_195 = arith.index_cast %scan3A_168 : i32 to index
      %swap3A_196 = arith.constant 32 : index
      %swap3A_197 = tpu.vector_load %arg12[%swap3A_195, %swap3A_196] {strides = array<i32>} : memref<100x64xi32, #tpu.memory_space<vmem>>, vector<16xi32>,
      tpu.vector_store %arg12[%swap3A_195, %swap3A_196], %bitcast3A_194 {strides = array<i32>} : memref<100x64xi32, #tpu.memory_space<vmem>>, vector<16xi32>,
      %get3A_198 = arith.index_cast %scan3A_168 : i32 to index
      %get3A_199 = arith.constant 96 : index
      %get3A_200 = tpu.vector_load %arg10[%get3A_198, %get3A_199] {strides = array<i32>} : memref<100x128xf32, #tpu.memory_space<vmem>>, vector<16xf32>,
      %get3A_201 = arith.index_cast %scan3A_168 : i32 to index
      %get3A_202 = arith.constant 112 : index
      %get3A_203 = tpu.vector_load %arg10[%get3A_201, %get3A_202] {strides = array<i32>} : memref<100x128xf32, #tpu.memory_space<vmem>>, vector<16xf32>,
      %pack3A_204 = tpu.pack_subelements %get3A_200, %get3A_203 {pack_format = #tpu.pack_format<interleaved>, positions = array<i32: 0, 1>} : vector<16xf32>, vector<16xf32> -> vector<32xbf16>
      %bitcast3A_205 = vector.bitcast %pack3A_204 : vector<32xbf16> to vector<16xi32>
      %swap3A_206 = arith.index_cast %scan3A_168 : i32 to index
      %swap3A_207 = arith.constant 48 : index
      %swap3A_208 = tpu.vector_load %arg12[%swap3A_206, %swap3A_207] {strides = array<i32>} : memref<100x64xi32, #tpu.memory_space<vmem>>, vector<16xi32>,
      tpu.vector_store %arg12[%swap3A_206, %swap3A_207], %bitcast3A_205 {strides = array<i32>} : memref<100x64xi32, #tpu.memory_space<vmem>>, vector<16xi32>,
    }
    %scan3A_119 = arith.constant 25 : i32
    %add3A_120 = arith.constant 600 : i32
    %add3A_121 = arith.addi %mul3A_0, %add3A_120 : i32
    "tpu.region"() ({
      %run_scoped3A = tpu.sem_alloc : memref<!tpu.dma_semaphore, #tpu.memory_space<semaphore_mem>>
      %dma_start3A = arith.constant 0 : i32
      %dma_start3A_168 = arith.constant 0 : i32
      %dma_start3A_169 = tpu.memref_slice %arg10[%dma_start3A, %dma_start3A_168] : memref<100x128xf32, #tpu.memory_space<vmem>> -> memref<25x128xf32, #tpu.memory_space<vmem>>
      %dma_start3A_170 = arith.constant 0 : i32
      %dma_start3A_171 = tpu.memref_slice %arg7[%add3A_121, %dma_start3A_170] : memref<10000x128xf32, #tpu.memory_space<vmem_shared>> -> memref<25x128xf32, #tpu.memory_space<vmem_shared>>
      %dma_start3A_172 = arith.constant 0 : i32
      %dma_start3A_173 = tpu.memref_slice %arg7[%add3A_121, %dma_start3A_172] : memref<10000x128xf32, #tpu.memory_space<vmem_shared>> -> memref<25x128xf32, #tpu.memory_space<vmem_shared>>
      %dma_start3A_174 = arith.constant 0 : i32
      %dma_start3A_175 = arith.constant 0 : i32
      %dma_start3A_176 = tpu.memref_slice %arg10[%dma_start3A_174, %dma_start3A_175] : memref<100x128xf32, #tpu.memory_space<vmem>> -> memref<25x128xf32, #tpu.memory_space<vmem>>
      tpu.enqueue_dma source(%dma_start3A_176 : memref<25x128xf32, #tpu.memory_space<vmem>>) target(%dma_start3A_173 : memref<25x128xf32, #tpu.memory_space<vmem_shared>>) target_semaphore(%run_scoped3A : memref<!tpu.dma_semaphore, #tpu.memory_space<semaphore_mem>>)
      %dma_wait3A_177 = arith.constant 0 : i32
      %dma_wait3A_178 = arith.constant 0 : i32
      %dma_wait3A_179 = tpu.memref_slice %arg10[%dma_wait3A_177, %dma_wait3A_178] : memref<100x128xf32, #tpu.memory_space<vmem>> -> memref<25x128xf32, #tpu.memory_space<vmem>>
      %dma_wait3A_180 = arith.constant 0 : i32
      %dma_wait3A_181 = tpu.memref_slice %arg7[%add3A_121, %dma_wait3A_180] : memref<10000x128xf32, #tpu.memory_space<vmem_shared>> -> memref<25x128xf32, #tpu.memory_space<vmem_shared>>
      %dma_wait3A_182 = arith.constant 0 : i32
      %dma_wait3A_183 = tpu.memref_slice %arg7[%add3A_121, %dma_wait3A_182] : memref<10000x128xf32, #tpu.memory_space<vmem_shared>> -> memref<25x128xf32, #tpu.memory_space<vmem_shared>>
      %dma_wait3A_184 = arith.constant 0 : i32
      %dma_wait3A_185 = arith.constant 0 : i32
      %dma_wait3A_186 = tpu.memref_slice %arg10[%dma_wait3A_184, %dma_wait3A_185] : memref<100x128xf32, #tpu.memory_space<vmem>> -> memref<25x128xf32, #tpu.memory_space<vmem>>
      tpu.wait_dma2 semaphore(%run_scoped3A : memref<!tpu.dma_semaphore, #tpu.memory_space<semaphore_mem>>) src(%dma_wait3A_186 : memref<25x128xf32, #tpu.memory_space<vmem>>) dst(%dma_wait3A_183 : memref<25x128xf32, #tpu.memory_space<vmem_shared>>)
      tpu.yield
    }) : () -> ()
    %mul3A_122 = arith.constant 10000 : i32
    %mul3A_123 = arith.muli %arg0, %mul3A_122 : i32
    %add3A_124 = arith.addi %mul3A_123, %mul3A_0 : i32
    %add3A_125 = arith.constant 600 : i32
    %add3A_126 = arith.addi %add3A_124, %add3A_125 : i32
    "tpu.region"() ({
      %run_scoped3A = tpu.sem_alloc : memref<!tpu.dma_semaphore, #tpu.memory_space<semaphore_mem>>
      %dma_start3A = arith.constant 0 : i32
      %dma_start3A_168 = arith.constant 0 : i32
      %dma_start3A_169 = tpu.memref_slice %arg12[%dma_start3A, %dma_start3A_168] : memref<100x64xi32, #tpu.memory_space<vmem>> -> memref<25x64xi32, #tpu.memory_space<vmem>>
      %dma_start3A_170 = arith.constant 0 : i32
      %dma_start3A_171 = tpu.memref_slice %arg6[%add3A_126, %dma_start3A_170] : memref<20000x64xi32, #tpu.memory_space<hbm>> -> memref<25x64xi32, #tpu.memory_space<hbm>>
      %dma_start3A_172 = arith.constant 0 : i32
      %dma_start3A_173 = tpu.memref_slice %arg6[%add3A_126, %dma_start3A_172] : memref<20000x64xi32, #tpu.memory_space<hbm>> -> memref<25x64xi32, #tpu.memory_space<hbm>>
      %dma_start3A_174 = arith.constant 0 : i32
      %dma_start3A_175 = arith.constant 0 : i32
      %dma_start3A_176 = tpu.memref_slice %arg12[%dma_start3A_174, %dma_start3A_175] : memref<100x64xi32, #tpu.memory_space<vmem>> -> memref<25x64xi32, #tpu.memory_space<vmem>>
      tpu.enqueue_dma source(%dma_start3A_176 : memref<25x64xi32, #tpu.memory_space<vmem>>) target(%dma_start3A_173 : memref<25x64xi32, #tpu.memory_space<hbm>>) target_semaphore(%run_scoped3A : memref<!tpu.dma_semaphore, #tpu.memory_space<semaphore_mem>>)
      %dma_wait3A_177 = arith.constant 0 : i32
      %dma_wait3A_178 = arith.constant 0 : i32
      %dma_wait3A_179 = tpu.memref_slice %arg12[%dma_wait3A_177, %dma_wait3A_178] : memref<100x64xi32, #tpu.memory_space<vmem>> -> memref<25x64xi32, #tpu.memory_space<vmem>>
      %dma_wait3A_180 = arith.constant 0 : i32
      %dma_wait3A_181 = tpu.memref_slice %arg6[%add3A_126, %dma_wait3A_180] : memref<20000x64xi32, #tpu.memory_space<hbm>> -> memref<25x64xi32, #tpu.memory_space<hbm>>
      %dma_wait3A_182 = arith.constant 0 : i32
      %dma_wait3A_183 = tpu.memref_slice %arg6[%add3A_126, %dma_wait3A_182] : memref<20000x64xi32, #tpu.memory_space<hbm>> -> memref<25x64xi32, #tpu.memory_space<hbm>>
      %dma_wait3A_184 = arith.constant 0 : i32
      %dma_wait3A_185 = arith.constant 0 : i32
      %dma_wait3A_186 = tpu.memref_slice %arg12[%dma_wait3A_184, %dma_wait3A_185] : memref<100x64xi32, #tpu.memory_space<vmem>> -> memref<25x64xi32, #tpu.memory_space<vmem>>
      tpu.wait_dma2 semaphore(%run_scoped3A : memref<!tpu.dma_semaphore, #tpu.memory_space<semaphore_mem>>) src(%dma_wait3A_186 : memref<25x64xi32, #tpu.memory_space<vmem>>) dst(%dma_wait3A_183 : memref<25x64xi32, #tpu.memory_space<hbm>>)
      tpu.yield
    }) : () -> ()
    %barrier3A = arith.constant 0 : index
    tpu.barrier barrier_id(%barrier3A)
    %lt3A = arith.constant 0 : i32
    %lt3A_127 = arith.constant 200 : i32
    %lt3A_128 = arith.cmpi slt, %lt3A, %lt3A_127 : i32
    %convert_element_type3A = arith.extui %lt3A_128 : i1 to i32
    %cond3A = arith.constant 0 : i32
    %cond3A_129 = arith.constant 0 : i32
    %cond3A_130 = arith.cmpi ne, %convert_element_type3A, %cond3A_129 : i32
    scf.if %cond3A_130 {
      %mul3A_168 = arith.constant 3200 : i32
      %mul3A_169 = arith.muli %arg0, %mul3A_168 : i32
      %add3A_170 = arith.addi %mul3A_169, %mul3A_2 : i32
      %add3A_171 = arith.addi %add3A_170, %cond3A : i32
      %dma_start3A = arith.constant 0 : i32
      %dma_start3A_172 = arith.constant 0 : i32
      %dma_start3A_173 = tpu.memref_slice %arg4[%add3A_171, %dma_start3A, %dma_start3A_172] : memref<6400x2x100xi32, #tpu.memory_space<hbm>> -> memref<1x2x100xi32, #tpu.memory_space<hbm>>
      %dma_start3A_174 = tpu.memref_squeeze %dma_start3A_173 : memref<1x2x100xi32, #tpu.memory_space<hbm>> -> memref<2x100xi32, #tpu.memory_space<hbm>>
      %dma_start3A_175 = arith.constant 0 : i32
      %dma_start3A_176 = arith.constant 0 : i32
      %dma_start3A_177 = tpu.memref_slice %arg4[%add3A_171, %dma_start3A_175, %dma_start3A_176] : memref<6400x2x100xi32, #tpu.memory_space<hbm>> -> memref<1x2x100xi32, #tpu.memory_space<hbm>>
      %dma_start3A_178 = tpu.memref_squeeze %dma_start3A_177 : memref<1x2x100xi32, #tpu.memory_space<hbm>> -> memref<2x100xi32, #tpu.memory_space<hbm>>
      tpu.enqueue_dma source(%dma_start3A_178 : memref<2x100xi32, #tpu.memory_space<hbm>>) target(%arg8 : memref<2x100xi32, #tpu.memory_space<vmem>>) target_semaphore(%arg14 : memref<!tpu.dma_semaphore, #tpu.memory_space<semaphore_mem>>)
    } else {
    }
    %lt3A_131 = arith.constant 1 : i32
    %lt3A_132 = arith.constant 200 : i32
    %lt3A_133 = arith.cmpi slt, %lt3A_131, %lt3A_132 : i32
    %convert_element_type3A_134 = arith.extui %lt3A_133 : i1 to i32
    %cond3A_135 = arith.constant 1 : i32
    %cond3A_136 = arith.constant 0 : i32
    %cond3A_137 = arith.cmpi ne, %convert_element_type3A_134, %cond3A_136 : i32
    scf.if %cond3A_137 {
      %mul3A_168 = arith.constant 3200 : i32
      %mul3A_169 = arith.muli %arg0, %mul3A_168 : i32
      %add3A_170 = arith.addi %mul3A_169, %mul3A_2 : i32
      %add3A_171 = arith.addi %add3A_170, %cond3A_135 : i32
      %dma_start3A = arith.constant 0 : i32
      %dma_start3A_172 = arith.constant 0 : i32
      %dma_start3A_173 = tpu.memref_slice %arg4[%add3A_171, %dma_start3A, %dma_start3A_172] : memref<6400x2x100xi32, #tpu.memory_space<hbm>> -> memref<1x2x100xi32, #tpu.memory_space<hbm>>
      %dma_start3A_174 = tpu.memref_squeeze %dma_start3A_173 : memref<1x2x100xi32, #tpu.memory_space<hbm>> -> memref<2x100xi32, #tpu.memory_space<hbm>>
      %dma_start3A_175 = arith.constant 0 : i32
      %dma_start3A_176 = arith.constant 0 : i32
      %dma_start3A_177 = tpu.memref_slice %arg4[%add3A_171, %dma_start3A_175, %dma_start3A_176] : memref<6400x2x100xi32, #tpu.memory_space<hbm>> -> memref<1x2x100xi32, #tpu.memory_space<hbm>>
      %dma_start3A_178 = tpu.memref_squeeze %dma_start3A_177 : memref<1x2x100xi32, #tpu.memory_space<hbm>> -> memref<2x100xi32, #tpu.memory_space<hbm>>
      tpu.enqueue_dma source(%dma_start3A_178 : memref<2x100xi32, #tpu.memory_space<hbm>>) target(%arg9 : memref<2x100xi32, #tpu.memory_space<vmem>>) target_semaphore(%arg15 : memref<!tpu.dma_semaphore, #tpu.memory_space<semaphore_mem>>)
    } else {
    }
    %lt3A_138 = arith.constant 0 : i32
    %lt3A_139 = arith.constant 200 : i32
    %lt3A_140 = arith.cmpi slt, %lt3A_138, %lt3A_139 : i32
    %convert_element_type3A_141 = arith.extui %lt3A_140 : i1 to i32
    %cond3A_142 = arith.constant 0 : i32
    %cond3A_143 = arith.constant 0 : i32
    %cond3A_144 = arith.cmpi ne, %convert_element_type3A_141, %cond3A_143 : i32
    scf.if %cond3A_144 {
      %add3A_168 = arith.addi %mul3A_2, %cond3A_142 : i32
      %mul3A_169 = arith.constant 100 : i32
      %mul3A_170 = arith.muli %add3A_168, %mul3A_169 : i32
      %mul3A_171 = arith.constant 320000 : i32
      %mul3A_172 = arith.muli %arg0, %mul3A_171 : i32
      %add3A_173 = arith.addi %mul3A_172, %mul3A_170 : i32
      %dma_start3A = arith.constant 0 : i32
      %dma_start3A_174 = tpu.memref_slice %arg3[%add3A_173, %dma_start3A] : memref<640000x128xf32, #tpu.memory_space<hbm>> -> memref<100x128xf32, #tpu.memory_space<hbm>>
      %dma_start3A_175 = arith.constant 0 : i32
      %dma_start3A_176 = tpu.memref_slice %arg3[%add3A_173, %dma_start3A_175] : memref<640000x128xf32, #tpu.memory_space<hbm>> -> memref<100x128xf32, #tpu.memory_space<hbm>>
      tpu.enqueue_dma source(%dma_start3A_176 : memref<100x128xf32, #tpu.memory_space<hbm>>) target(%arg10 : memref<100x128xf32, #tpu.memory_space<vmem>>) target_semaphore(%arg16 : memref<!tpu.dma_semaphore, #tpu.memory_space<semaphore_mem>>)
    } else {
    }
    %lt3A_145 = arith.constant 0 : i32
    %lt3A_146 = arith.constant 200 : i32
    %lt3A_147 = arith.cmpi slt, %lt3A_145, %lt3A_146 : i32
    %convert_element_type3A_148 = arith.extui %lt3A_147 : i1 to i32
    %cond3A_149 = arith.constant 0 : i32
    %cond3A_150 = arith.constant 0 : i32
    %cond3A_151 = arith.cmpi ne, %convert_element_type3A_148, %cond3A_150 : i32
    scf.if %cond3A_151 {
      %mul3A_168 = arith.constant 3200 : i32
      %mul3A_169 = arith.muli %arg0, %mul3A_168 : i32
      %add3A_170 = arith.addi %mul3A_169, %mul3A_2 : i32
      %add3A_171 = arith.addi %add3A_170, %cond3A_149 : i32
      %dma_wait3A_172 = arith.constant 0 : i32
      %dma_wait3A_173 = arith.constant 0 : i32
      %dma_wait3A_174 = tpu.memref_slice %arg4[%add3A_171, %dma_wait3A_172, %dma_wait3A_173] : memref<6400x2x100xi32, #tpu.memory_space<hbm>> -> memref<1x2x100xi32, #tpu.memory_space<hbm>>
      %dma_wait3A_175 = tpu.memref_squeeze %dma_wait3A_174 : memref<1x2x100xi32, #tpu.memory_space<hbm>> -> memref<2x100xi32, #tpu.memory_space<hbm>>
      %dma_wait3A_176 = arith.constant 0 : i32
      %dma_wait3A_177 = arith.constant 0 : i32
      %dma_wait3A_178 = tpu.memref_slice %arg4[%add3A_171, %dma_wait3A_176, %dma_wait3A_177] : memref<6400x2x100xi32, #tpu.memory_space<hbm>> -> memref<1x2x100xi32, #tpu.memory_space<hbm>>
      %dma_wait3A_179 = tpu.memref_squeeze %dma_wait3A_178 : memref<1x2x100xi32, #tpu.memory_space<hbm>> -> memref<2x100xi32, #tpu.memory_space<hbm>>
      tpu.wait_dma2 semaphore(%arg14 : memref<!tpu.dma_semaphore, #tpu.memory_space<semaphore_mem>>) src(%dma_wait3A_179 : memref<2x100xi32, #tpu.memory_space<hbm>>) dst(%arg8 : memref<2x100xi32, #tpu.memory_space<vmem>>)
      %dma_start3A = arith.constant 0 : i32
      %dma_start3A_180 = arith.constant 0 : i32
      %dma_start3A_181 = tpu.memref_slice %arg8[%dma_start3A, %dma_start3A_180] : memref<2x100xi32, #tpu.memory_space<vmem>> -> memref<1x100xi32, #tpu.memory_space<vmem>>
      %dma_start3A_182 = tpu.memref_squeeze %dma_start3A_181 : memref<1x100xi32, #tpu.memory_space<vmem>> -> memref<100xi32, #tpu.memory_space<vmem>>
      %dma_start3A_183 = arith.constant 0 : i32
      %dma_start3A_184 = arith.constant 0 : i32
      %dma_start3A_185 = tpu.memref_slice %arg6[%dma_start3A_183, %dma_start3A_184] : memref<20000x64xi32, #tpu.memory_space<hbm>> -> memref<20000x64xi32, #tpu.memory_space<hbm>>
      tpu.enqueue_indirect_dma source(%dma_start3A_185 : memref<20000x64xi32, #tpu.memory_space<hbm>>) target(%arg12 : memref<100x64xi32, #tpu.memory_space<vmem>>) offsets(%dma_start3A_182 : memref<100xi32, #tpu.memory_space<vmem>>) semaphore(%arg18 : memref<!tpu.dma_semaphore, #tpu.memory_space<semaphore_mem>>)
    } else {
    }
    %scan3A_152 = arith.constant 0 : i32
    %scan3A_153 = arith.constant 0 : i32
    %scan3A_154 = arith.constant 100 : i32
    %scan3A_155 = arith.addi %scan3A_153, %scan3A_154 : i32
    %scan3A_156 = arith.constant 1 : i32
    scf.for %scan3A_168 = %scan3A_153 to %scan3A_155 step %scan3A_156  : i32 {
      %mul3A_169 = arith.constant 2 : i32
      %mul3A_170 = arith.muli %scan3A_168, %mul3A_169 : i32
      %add3A_171 = arith.constant 0 : i32
      %add3A_172 = arith.addi %mul3A_170, %add3A_171 : i32
      %ge3A = arith.constant 1 : i32
      %ge3A_173 = arith.cmpi sge, %add3A_172, %ge3A : i32
      %convert_element_type3A_174 = arith.extui %ge3A_173 : i1 to i32
      %cond3A_175 = arith.constant 0 : i32
      %cond3A_176 = arith.cmpi ne, %convert_element_type3A_174, %cond3A_175 : i32
      scf.if %cond3A_176 {
        %dma_wait3A_280 = arith.constant 1 : i32
        %dma_wait3A_281 = arith.constant 0 : i32
        %dma_wait3A_282 = tpu.memref_slice %arg9[%dma_wait3A_280, %dma_wait3A_281] : memref<2x100xi32, #tpu.memory_space<vmem>> -> memref<1x100xi32, #tpu.memory_space<vmem>>
        %dma_wait3A_283 = tpu.memref_squeeze %dma_wait3A_282 : memref<1x100xi32, #tpu.memory_space<vmem>> -> memref<100xi32, #tpu.memory_space<vmem>>
        %dma_wait3A_284 = arith.constant 0 : i32
        %dma_wait3A_285 = arith.constant 0 : i32
        %dma_wait3A_286 = tpu.memref_slice %arg7[%dma_wait3A_284, %dma_wait3A_285] : memref<10000x128xf32, #tpu.memory_space<vmem_shared>> -> memref<10000x128xf32, #tpu.memory_space<vmem_shared>>
        tpu.wait_indirect_dma semaphore(%arg21 : memref<!tpu.dma_semaphore, #tpu.memory_space<semaphore_mem>>) src(%arg11 : memref<100x128xf32, #tpu.memory_space<vmem>>) dst(%dma_wait3A_286 : memref<10000x128xf32, #tpu.memory_space<vmem_shared>>)
      } else {
      }
      %add3A_177 = arith.constant 1 : i32
      %add3A_178 = arith.addi %add3A_172, %add3A_177 : i32
      %lt3A_179 = arith.constant 200 : i32
      %lt3A_180 = arith.cmpi slt, %add3A_178, %lt3A_179 : i32
      %convert_element_type3A_181 = arith.extui %lt3A_180 : i1 to i32
      %cond3A_182 = arith.constant 0 : i32
      %cond3A_183 = arith.cmpi ne, %convert_element_type3A_181, %cond3A_182 : i32
      scf.if %cond3A_183 {
        %add3A_280 = arith.addi %mul3A_2, %add3A_178 : i32
        %mul3A_281 = arith.constant 100 : i32
        %mul3A_282 = arith.muli %add3A_280, %mul3A_281 : i32
        %mul3A_283 = arith.constant 320000 : i32
        %mul3A_284 = arith.muli %arg0, %mul3A_283 : i32
        %add3A_285 = arith.addi %mul3A_284, %mul3A_282 : i32
        %dma_start3A_286 = arith.constant 0 : i32
        %dma_start3A_287 = tpu.memref_slice %arg3[%add3A_285, %dma_start3A_286] : memref<640000x128xf32, #tpu.memory_space<hbm>> -> memref<100x128xf32, #tpu.memory_space<hbm>>
        %dma_start3A_288 = arith.constant 0 : i32
        %dma_start3A_289 = tpu.memref_slice %arg3[%add3A_285, %dma_start3A_288] : memref<640000x128xf32, #tpu.memory_space<hbm>> -> memref<100x128xf32, #tpu.memory_space<hbm>>
        tpu.enqueue_dma source(%dma_start3A_289 : memref<100x128xf32, #tpu.memory_space<hbm>>) target(%arg11 : memref<100x128xf32, #tpu.memory_space<vmem>>) target_semaphore(%arg17 : memref<!tpu.dma_semaphore, #tpu.memory_space<semaphore_mem>>)
      } else {
      }
      %add3A_184 = arith.constant 1 : i32
      %add3A_185 = arith.addi %add3A_172, %add3A_184 : i32
      %lt3A_186 = arith.constant 200 : i32
      %lt3A_187 = arith.cmpi slt, %add3A_185, %lt3A_186 : i32
      %convert_element_type3A_188 = arith.extui %lt3A_187 : i1 to i32
      %cond3A_189 = arith.constant 0 : i32
      %cond3A_190 = arith.cmpi ne, %convert_element_type3A_188, %cond3A_189 : i32
      scf.if %cond3A_190 {
        %mul3A_280 = arith.constant 3200 : i32
        %mul3A_281 = arith.muli %arg0, %mul3A_280 : i32
        %add3A_282 = arith.addi %mul3A_281, %mul3A_2 : i32
        %add3A_283 = arith.addi %add3A_282, %add3A_185 : i32
        %dma_wait3A_284 = arith.constant 0 : i32
        %dma_wait3A_285 = arith.constant 0 : i32
        %dma_wait3A_286 = tpu.memref_slice %arg4[%add3A_283, %dma_wait3A_284, %dma_wait3A_285] : memref<6400x2x100xi32, #tpu.memory_space<hbm>> -> memref<1x2x100xi32, #tpu.memory_space<hbm>>
        %dma_wait3A_287 = tpu.memref_squeeze %dma_wait3A_286 : memref<1x2x100xi32, #tpu.memory_space<hbm>> -> memref<2x100xi32, #tpu.memory_space<hbm>>
        %dma_wait3A_288 = arith.constant 0 : i32
        %dma_wait3A_289 = arith.constant 0 : i32
        %dma_wait3A_290 = tpu.memref_slice %arg4[%add3A_283, %dma_wait3A_288, %dma_wait3A_289] : memref<6400x2x100xi32, #tpu.memory_space<hbm>> -> memref<1x2x100xi32, #tpu.memory_space<hbm>>
        %dma_wait3A_291 = tpu.memref_squeeze %dma_wait3A_290 : memref<1x2x100xi32, #tpu.memory_space<hbm>> -> memref<2x100xi32, #tpu.memory_space<hbm>>
        tpu.wait_dma2 semaphore(%arg15 : memref<!tpu.dma_semaphore, #tpu.memory_space<semaphore_mem>>) src(%dma_wait3A_291 : memref<2x100xi32, #tpu.memory_space<hbm>>) dst(%arg9 : memref<2x100xi32, #tpu.memory_space<vmem>>)
        %dma_start3A_292 = arith.constant 0 : i32
        %dma_start3A_293 = arith.constant 0 : i32
        %dma_start3A_294 = tpu.memref_slice %arg9[%dma_start3A_292, %dma_start3A_293] : memref<2x100xi32, #tpu.memory_space<vmem>> -> memref<1x100xi32, #tpu.memory_space<vmem>>
        %dma_start3A_295 = tpu.memref_squeeze %dma_start3A_294 : memref<1x100xi32, #tpu.memory_space<vmem>> -> memref<100xi32, #tpu.memory_space<vmem>>
        %dma_start3A_296 = arith.constant 0 : i32
        %dma_start3A_297 = arith.constant 0 : i32
        %dma_start3A_298 = tpu.memref_slice %arg6[%dma_start3A_296, %dma_start3A_297] : memref<20000x64xi32, #tpu.memory_space<hbm>> -> memref<20000x64xi32, #tpu.memory_space<hbm>>
        tpu.enqueue_indirect_dma source(%dma_start3A_298 : memref<20000x64xi32, #tpu.memory_space<hbm>>) target(%arg13 : memref<100x64xi32, #tpu.memory_space<vmem>>) offsets(%dma_start3A_295 : memref<100xi32, #tpu.memory_space<vmem>>) semaphore(%arg19 : memref<!tpu.dma_semaphore, #tpu.memory_space<semaphore_mem>>)
      } else {
      }
      %add3A_191 = arith.addi %mul3A_2, %add3A_172 : i32
      %mul3A_192 = arith.constant 100 : i32
      %mul3A_193 = arith.muli %add3A_191, %mul3A_192 : i32
      %mul3A_194 = arith.constant 320000 : i32
      %mul3A_195 = arith.muli %arg0, %mul3A_194 : i32
      %add3A_196 = arith.addi %mul3A_195, %mul3A_193 : i32
      %dma_wait3A_197 = arith.constant 0 : i32
      %dma_wait3A_198 = tpu.memref_slice %arg3[%add3A_196, %dma_wait3A_197] : memref<640000x128xf32, #tpu.memory_space<hbm>> -> memref<100x128xf32, #tpu.memory_space<hbm>>
      %dma_wait3A_199 = arith.constant 0 : i32
      %dma_wait3A_200 = tpu.memref_slice %arg3[%add3A_196, %dma_wait3A_199] : memref<640000x128xf32, #tpu.memory_space<hbm>> -> memref<100x128xf32, #tpu.memory_space<hbm>>
      tpu.wait_dma2 semaphore(%arg16 : memref<!tpu.dma_semaphore, #tpu.memory_space<semaphore_mem>>) src(%dma_wait3A_200 : memref<100x128xf32, #tpu.memory_space<hbm>>) dst(%arg10 : memref<100x128xf32, #tpu.memory_space<vmem>>)
      %dma_wait3A_201 = arith.constant 0 : i32
      %dma_wait3A_202 = arith.constant 0 : i32
      %dma_wait3A_203 = tpu.memref_slice %arg8[%dma_wait3A_201, %dma_wait3A_202] : memref<2x100xi32, #tpu.memory_space<vmem>> -> memref<1x100xi32, #tpu.memory_space<vmem>>
      %dma_wait3A_204 = tpu.memref_squeeze %dma_wait3A_203 : memref<1x100xi32, #tpu.memory_space<vmem>> -> memref<100xi32, #tpu.memory_space<vmem>>
      %dma_wait3A_205 = arith.constant 0 : i32
      %dma_wait3A_206 = arith.constant 0 : i32
      %dma_wait3A_207 = tpu.memref_slice %arg6[%dma_wait3A_205, %dma_wait3A_206] : memref<20000x64xi32, #tpu.memory_space<hbm>> -> memref<20000x64xi32, #tpu.memory_space<hbm>>
      tpu.wait_indirect_dma semaphore(%arg18 : memref<!tpu.dma_semaphore, #tpu.memory_space<semaphore_mem>>) src(%dma_wait3A_207 : memref<20000x64xi32, #tpu.memory_space<hbm>>) dst(%arg12 : memref<100x64xi32, #tpu.memory_space<vmem>>)
      %parallel_loop3A = arith.constant 0 : i32
      %parallel_loop3A_208 = arith.constant 100 : i32
      %parallel_loop3A_209 = arith.constant 1 : i32
      scf.for %parallel_loop3A_280 = %parallel_loop3A to %parallel_loop3A_208 step %parallel_loop3A_209  : i32 {
        %parallel_loop3A_281 = arith.index_cast %parallel_loop3A_280 : i32 to index
        %parallel_loop3A_282 = arith.constant 0 : index
        %parallel_loop3A_283 = tpu.vector_load %arg12[%parallel_loop3A_281, %parallel_loop3A_282] {strides = array<i32>} : memref<100x64xi32, #tpu.memory_space<vmem>>, vector<16xi32>,
        %parallel_loop3A_284 = arith.constant 16 : i32
        %parallel_loop3A_285 = vector.broadcast %parallel_loop3A_284 : i32 to vector<16xi32>
        %parallel_loop3A_286 = arith.shli %parallel_loop3A_283, %parallel_loop3A_285 : vector<16xi32>
        %parallel_loop3A_287 = vector.bitcast %parallel_loop3A_286 : vector<16xi32> to vector<16xf32>
        %parallel_loop3A_288 = arith.constant -65536 : i32
        %parallel_loop3A_289 = vector.broadcast %parallel_loop3A_288 : i32 to vector<16xi32>
        %parallel_loop3A_290 = arith.andi %parallel_loop3A_283, %parallel_loop3A_289 : vector<16xi32>
        %parallel_loop3A_291 = vector.bitcast %parallel_loop3A_290 : vector<16xi32> to vector<16xf32>
        %parallel_loop3A_292 = arith.index_cast %parallel_loop3A_280 : i32 to index
        %parallel_loop3A_293 = arith.constant 0 : index
        %parallel_loop3A_294 = tpu.vector_load %arg10[%parallel_loop3A_292, %parallel_loop3A_293] {strides = array<i32>} : memref<100x128xf32, #tpu.memory_space<vmem>>, vector<16xf32>,
        %parallel_loop3A_295 = arith.addf %parallel_loop3A_294, %parallel_loop3A_287 : vector<16xf32>
        %parallel_loop3A_296 = arith.constant 0.000000e+00 : f32
        %parallel_loop3A_297 = vector.broadcast %parallel_loop3A_296 : f32 to vector<16xf32>
        %parallel_loop3A_298 = arith.maximumf %parallel_loop3A_295, %parallel_loop3A_297 : vector<16xf32>
        %parallel_loop3A_299 = arith.index_cast %parallel_loop3A_280 : i32 to index
        %parallel_loop3A_300 = arith.constant 0 : index
        %parallel_loop3A_301 = tpu.vector_load %arg10[%parallel_loop3A_299, %parallel_loop3A_300] {strides = array<i32>} : memref<100x128xf32, #tpu.memory_space<vmem>>, vector<16xf32>,
        tpu.vector_store %arg10[%parallel_loop3A_299, %parallel_loop3A_300], %parallel_loop3A_298 {strides = array<i32>} : memref<100x128xf32, #tpu.memory_space<vmem>>, vector<16xf32>,
        %parallel_loop3A_302 = arith.index_cast %parallel_loop3A_280 : i32 to index
        %parallel_loop3A_303 = arith.constant 16 : index
        %parallel_loop3A_304 = tpu.vector_load %arg10[%parallel_loop3A_302, %parallel_loop3A_303] {strides = array<i32>} : memref<100x128xf32, #tpu.memory_space<vmem>>, vector<16xf32>,
        %parallel_loop3A_305 = arith.addf %parallel_loop3A_304, %parallel_loop3A_291 : vector<16xf32>
        %parallel_loop3A_306 = arith.constant 0.000000e+00 : f32
        %parallel_loop3A_307 = vector.broadcast %parallel_loop3A_306 : f32 to vector<16xf32>
        %parallel_loop3A_308 = arith.maximumf %parallel_loop3A_305, %parallel_loop3A_307 : vector<16xf32>
        %parallel_loop3A_309 = arith.index_cast %parallel_loop3A_280 : i32 to index
        %parallel_loop3A_310 = arith.constant 16 : index
        %parallel_loop3A_311 = tpu.vector_load %arg10[%parallel_loop3A_309, %parallel_loop3A_310] {strides = array<i32>} : memref<100x128xf32, #tpu.memory_space<vmem>>, vector<16xf32>,
        tpu.vector_store %arg10[%parallel_loop3A_309, %parallel_loop3A_310], %parallel_loop3A_308 {strides = array<i32>} : memref<100x128xf32, #tpu.memory_space<vmem>>, vector<16xf32>,
        %parallel_loop3A_312 = arith.index_cast %parallel_loop3A_280 : i32 to index
        %parallel_loop3A_313 = arith.constant 16 : index
        %parallel_loop3A_314 = tpu.vector_load %arg12[%parallel_loop3A_312, %parallel_loop3A_313] {strides = array<i32>} : memref<100x64xi32, #tpu.memory_space<vmem>>, vector<16xi32>,
        %parallel_loop3A_315 = arith.constant 16 : i32
        %parallel_loop3A_316 = vector.broadcast %parallel_loop3A_315 : i32 to vector<16xi32>
        %parallel_loop3A_317 = arith.shli %parallel_loop3A_314, %parallel_loop3A_316 : vector<16xi32>
        %parallel_loop3A_318 = vector.bitcast %parallel_loop3A_317 : vector<16xi32> to vector<16xf32>
        %parallel_loop3A_319 = arith.constant -65536 : i32
        %parallel_loop3A_320 = vector.broadcast %parallel_loop3A_319 : i32 to vector<16xi32>
        %parallel_loop3A_321 = arith.andi %parallel_loop3A_314, %parallel_loop3A_320 : vector<16xi32>
        %parallel_loop3A_322 = vector.bitcast %parallel_loop3A_321 : vector<16xi32> to vector<16xf32>
        %parallel_loop3A_323 = arith.index_cast %parallel_loop3A_280 : i32 to index
        %parallel_loop3A_324 = arith.constant 32 : index
        %parallel_loop3A_325 = tpu.vector_load %arg10[%parallel_loop3A_323, %parallel_loop3A_324] {strides = array<i32>} : memref<100x128xf32, #tpu.memory_space<vmem>>, vector<16xf32>,
        %parallel_loop3A_326 = arith.addf %parallel_loop3A_325, %parallel_loop3A_318 : vector<16xf32>
        %parallel_loop3A_327 = arith.constant 0.000000e+00 : f32
        %parallel_loop3A_328 = vector.broadcast %parallel_loop3A_327 : f32 to vector<16xf32>
        %parallel_loop3A_329 = arith.maximumf %parallel_loop3A_326, %parallel_loop3A_328 : vector<16xf32>
        %parallel_loop3A_330 = arith.index_cast %parallel_loop3A_280 : i32 to index
        %parallel_loop3A_331 = arith.constant 32 : index
        %parallel_loop3A_332 = tpu.vector_load %arg10[%parallel_loop3A_330, %parallel_loop3A_331] {strides = array<i32>} : memref<100x128xf32, #tpu.memory_space<vmem>>, vector<16xf32>,
        tpu.vector_store %arg10[%parallel_loop3A_330, %parallel_loop3A_331], %parallel_loop3A_329 {strides = array<i32>} : memref<100x128xf32, #tpu.memory_space<vmem>>, vector<16xf32>,
        %parallel_loop3A_333 = arith.index_cast %parallel_loop3A_280 : i32 to index
        %parallel_loop3A_334 = arith.constant 48 : index
        %parallel_loop3A_335 = tpu.vector_load %arg10[%parallel_loop3A_333, %parallel_loop3A_334] {strides = array<i32>} : memref<100x128xf32, #tpu.memory_space<vmem>>, vector<16xf32>,
        %parallel_loop3A_336 = arith.addf %parallel_loop3A_335, %parallel_loop3A_322 : vector<16xf32>
        %parallel_loop3A_337 = arith.constant 0.000000e+00 : f32
        %parallel_loop3A_338 = vector.broadcast %parallel_loop3A_337 : f32 to vector<16xf32>
        %parallel_loop3A_339 = arith.maximumf %parallel_loop3A_336, %parallel_loop3A_338 : vector<16xf32>
        %parallel_loop3A_340 = arith.index_cast %parallel_loop3A_280 : i32 to index
        %parallel_loop3A_341 = arith.constant 48 : index
        %parallel_loop3A_342 = tpu.vector_load %arg10[%parallel_loop3A_340, %parallel_loop3A_341] {strides = array<i32>} : memref<100x128xf32, #tpu.memory_space<vmem>>, vector<16xf32>,
        tpu.vector_store %arg10[%parallel_loop3A_340, %parallel_loop3A_341], %parallel_loop3A_339 {strides = array<i32>} : memref<100x128xf32, #tpu.memory_space<vmem>>, vector<16xf32>,
        %parallel_loop3A_343 = arith.index_cast %parallel_loop3A_280 : i32 to index
        %parallel_loop3A_344 = arith.constant 32 : index
        %parallel_loop3A_345 = tpu.vector_load %arg12[%parallel_loop3A_343, %parallel_loop3A_344] {strides = array<i32>} : memref<100x64xi32, #tpu.memory_space<vmem>>, vector<16xi32>,
        %parallel_loop3A_346 = arith.constant 16 : i32
        %parallel_loop3A_347 = vector.broadcast %parallel_loop3A_346 : i32 to vector<16xi32>
        %parallel_loop3A_348 = arith.shli %parallel_loop3A_345, %parallel_loop3A_347 : vector<16xi32>
        %parallel_loop3A_349 = vector.bitcast %parallel_loop3A_348 : vector<16xi32> to vector<16xf32>
        %parallel_loop3A_350 = arith.constant -65536 : i32
        %parallel_loop3A_351 = vector.broadcast %parallel_loop3A_350 : i32 to vector<16xi32>
        %parallel_loop3A_352 = arith.andi %parallel_loop3A_345, %parallel_loop3A_351 : vector<16xi32>
        %parallel_loop3A_353 = vector.bitcast %parallel_loop3A_352 : vector<16xi32> to vector<16xf32>
        %parallel_loop3A_354 = arith.index_cast %parallel_loop3A_280 : i32 to index
        %parallel_loop3A_355 = arith.constant 64 : index
        %parallel_loop3A_356 = tpu.vector_load %arg10[%parallel_loop3A_354, %parallel_loop3A_355] {strides = array<i32>} : memref<100x128xf32, #tpu.memory_space<vmem>>, vector<16xf32>,
        %parallel_loop3A_357 = arith.addf %parallel_loop3A_356, %parallel_loop3A_349 : vector<16xf32>
        %parallel_loop3A_358 = arith.constant 0.000000e+00 : f32
        %parallel_loop3A_359 = vector.broadcast %parallel_loop3A_358 : f32 to vector<16xf32>
        %parallel_loop3A_360 = arith.maximumf %parallel_loop3A_357, %parallel_loop3A_359 : vector<16xf32>
        %parallel_loop3A_361 = arith.index_cast %parallel_loop3A_280 : i32 to index
        %parallel_loop3A_362 = arith.constant 64 : index
        %parallel_loop3A_363 = tpu.vector_load %arg10[%parallel_loop3A_361, %parallel_loop3A_362] {strides = array<i32>} : memref<100x128xf32, #tpu.memory_space<vmem>>, vector<16xf32>,
        tpu.vector_store %arg10[%parallel_loop3A_361, %parallel_loop3A_362], %parallel_loop3A_360 {strides = array<i32>} : memref<100x128xf32, #tpu.memory_space<vmem>>, vector<16xf32>,
        %parallel_loop3A_364 = arith.index_cast %parallel_loop3A_280 : i32 to index
        %parallel_loop3A_365 = arith.constant 80 : index
        %parallel_loop3A_366 = tpu.vector_load %arg10[%parallel_loop3A_364, %parallel_loop3A_365] {strides = array<i32>} : memref<100x128xf32, #tpu.memory_space<vmem>>, vector<16xf32>,
        %parallel_loop3A_367 = arith.addf %parallel_loop3A_366, %parallel_loop3A_353 : vector<16xf32>
        %parallel_loop3A_368 = arith.constant 0.000000e+00 : f32
        %parallel_loop3A_369 = vector.broadcast %parallel_loop3A_368 : f32 to vector<16xf32>
        %parallel_loop3A_370 = arith.maximumf %parallel_loop3A_367, %parallel_loop3A_369 : vector<16xf32>
        %parallel_loop3A_371 = arith.index_cast %parallel_loop3A_280 : i32 to index
        %parallel_loop3A_372 = arith.constant 80 : index
        %parallel_loop3A_373 = tpu.vector_load %arg10[%parallel_loop3A_371, %parallel_loop3A_372] {strides = array<i32>} : memref<100x128xf32, #tpu.memory_space<vmem>>, vector<16xf32>,
        tpu.vector_store %arg10[%parallel_loop3A_371, %parallel_loop3A_372], %parallel_loop3A_370 {strides = array<i32>} : memref<100x128xf32, #tpu.memory_space<vmem>>, vector<16xf32>,
        %parallel_loop3A_374 = arith.index_cast %parallel_loop3A_280 : i32 to index
        %parallel_loop3A_375 = arith.constant 48 : index
        %parallel_loop3A_376 = tpu.vector_load %arg12[%parallel_loop3A_374, %parallel_loop3A_375] {strides = array<i32>} : memref<100x64xi32, #tpu.memory_space<vmem>>, vector<16xi32>,
        %parallel_loop3A_377 = arith.constant 16 : i32
        %parallel_loop3A_378 = vector.broadcast %parallel_loop3A_377 : i32 to vector<16xi32>
        %parallel_loop3A_379 = arith.shli %parallel_loop3A_376, %parallel_loop3A_378 : vector<16xi32>
        %parallel_loop3A_380 = vector.bitcast %parallel_loop3A_379 : vector<16xi32> to vector<16xf32>
        %parallel_loop3A_381 = arith.constant -65536 : i32
        %parallel_loop3A_382 = vector.broadcast %parallel_loop3A_381 : i32 to vector<16xi32>
        %parallel_loop3A_383 = arith.andi %parallel_loop3A_376, %parallel_loop3A_382 : vector<16xi32>
        %parallel_loop3A_384 = vector.bitcast %parallel_loop3A_383 : vector<16xi32> to vector<16xf32>
        %parallel_loop3A_385 = arith.index_cast %parallel_loop3A_280 : i32 to index
        %parallel_loop3A_386 = arith.constant 96 : index
        %parallel_loop3A_387 = tpu.vector_load %arg10[%parallel_loop3A_385, %parallel_loop3A_386] {strides = array<i32>} : memref<100x128xf32, #tpu.memory_space<vmem>>, vector<16xf32>,
        %parallel_loop3A_388 = arith.addf %parallel_loop3A_387, %parallel_loop3A_380 : vector<16xf32>
        %parallel_loop3A_389 = arith.constant 0.000000e+00 : f32
        %parallel_loop3A_390 = vector.broadcast %parallel_loop3A_389 : f32 to vector<16xf32>
        %parallel_loop3A_391 = arith.maximumf %parallel_loop3A_388, %parallel_loop3A_390 : vector<16xf32>
        %parallel_loop3A_392 = arith.index_cast %parallel_loop3A_280 : i32 to index
        %parallel_loop3A_393 = arith.constant 96 : index
        %parallel_loop3A_394 = tpu.vector_load %arg10[%parallel_loop3A_392, %parallel_loop3A_393] {strides = array<i32>} : memref<100x128xf32, #tpu.memory_space<vmem>>, vector<16xf32>,
        tpu.vector_store %arg10[%parallel_loop3A_392, %parallel_loop3A_393], %parallel_loop3A_391 {strides = array<i32>} : memref<100x128xf32, #tpu.memory_space<vmem>>, vector<16xf32>,
        %parallel_loop3A_395 = arith.index_cast %parallel_loop3A_280 : i32 to index
        %parallel_loop3A_396 = arith.constant 112 : index
        %parallel_loop3A_397 = tpu.vector_load %arg10[%parallel_loop3A_395, %parallel_loop3A_396] {strides = array<i32>} : memref<100x128xf32, #tpu.memory_space<vmem>>, vector<16xf32>,
        %parallel_loop3A_398 = arith.addf %parallel_loop3A_397, %parallel_loop3A_384 : vector<16xf32>
        %parallel_loop3A_399 = arith.constant 0.000000e+00 : f32
        %parallel_loop3A_400 = vector.broadcast %parallel_loop3A_399 : f32 to vector<16xf32>
        %parallel_loop3A_401 = arith.maximumf %parallel_loop3A_398, %parallel_loop3A_400 : vector<16xf32>
        %parallel_loop3A_402 = arith.index_cast %parallel_loop3A_280 : i32 to index
        %parallel_loop3A_403 = arith.constant 112 : index
        %parallel_loop3A_404 = tpu.vector_load %arg10[%parallel_loop3A_402, %parallel_loop3A_403] {strides = array<i32>} : memref<100x128xf32, #tpu.memory_space<vmem>>, vector<16xf32>,
        tpu.vector_store %arg10[%parallel_loop3A_402, %parallel_loop3A_403], %parallel_loop3A_401 {strides = array<i32>} : memref<100x128xf32, #tpu.memory_space<vmem>>, vector<16xf32>,
      } {sc.loop_unroll_factor = 4 : i64, sc.parallel_access}
      %dma_start3A = arith.constant 1 : i32
      %dma_start3A_210 = arith.constant 0 : i32
      %dma_start3A_211 = tpu.memref_slice %arg8[%dma_start3A, %dma_start3A_210] : memref<2x100xi32, #tpu.memory_space<vmem>> -> memref<1x100xi32, #tpu.memory_space<vmem>>
      %dma_start3A_212 = tpu.memref_squeeze %dma_start3A_211 : memref<1x100xi32, #tpu.memory_space<vmem>> -> memref<100xi32, #tpu.memory_space<vmem>>
      %dma_start3A_213 = arith.constant 0 : i32
      %dma_start3A_214 = arith.constant 0 : i32
      %dma_start3A_215 = tpu.memref_slice %arg7[%dma_start3A_213, %dma_start3A_214] : memref<10000x128xf32, #tpu.memory_space<vmem_shared>> -> memref<10000x128xf32, #tpu.memory_space<vmem_shared>>
      tpu.enqueue_indirect_dma source(%arg10 : memref<100x128xf32, #tpu.memory_space<vmem>>) target(%dma_start3A_215 : memref<10000x128xf32, #tpu.memory_space<vmem_shared>>) offsets(%dma_start3A_212 : memref<100xi32, #tpu.memory_space<vmem>>) semaphore(%arg20 : memref<!tpu.dma_semaphore, #tpu.memory_space<semaphore_mem>>) {add = true}
      %add3A_216 = arith.constant 2 : i32
      %add3A_217 = arith.addi %add3A_172, %add3A_216 : i32
      %lt3A_218 = arith.constant 200 : i32
      %lt3A_219 = arith.cmpi slt, %add3A_217, %lt3A_218 : i32
      %convert_element_type3A_220 = arith.extui %lt3A_219 : i1 to i32
      %cond3A_221 = arith.constant 0 : i32
      %cond3A_222 = arith.cmpi ne, %convert_element_type3A_220, %cond3A_221 : i32
      scf.if %cond3A_222 {
        %mul3A_280 = arith.constant 3200 : i32
        %mul3A_281 = arith.muli %arg0, %mul3A_280 : i32
        %add3A_282 = arith.addi %mul3A_281, %mul3A_2 : i32
        %add3A_283 = arith.addi %add3A_282, %add3A_217 : i32
        %dma_start3A_284 = arith.constant 0 : i32
        %dma_start3A_285 = arith.constant 0 : i32
        %dma_start3A_286 = tpu.memref_slice %arg4[%add3A_283, %dma_start3A_284, %dma_start3A_285] : memref<6400x2x100xi32, #tpu.memory_space<hbm>> -> memref<1x2x100xi32, #tpu.memory_space<hbm>>
        %dma_start3A_287 = tpu.memref_squeeze %dma_start3A_286 : memref<1x2x100xi32, #tpu.memory_space<hbm>> -> memref<2x100xi32, #tpu.memory_space<hbm>>
        %dma_start3A_288 = arith.constant 0 : i32
        %dma_start3A_289 = arith.constant 0 : i32
        %dma_start3A_290 = tpu.memref_slice %arg4[%add3A_283, %dma_start3A_288, %dma_start3A_289] : memref<6400x2x100xi32, #tpu.memory_space<hbm>> -> memref<1x2x100xi32, #tpu.memory_space<hbm>>
        %dma_start3A_291 = tpu.memref_squeeze %dma_start3A_290 : memref<1x2x100xi32, #tpu.memory_space<hbm>> -> memref<2x100xi32, #tpu.memory_space<hbm>>
        tpu.enqueue_dma source(%dma_start3A_291 : memref<2x100xi32, #tpu.memory_space<hbm>>) target(%arg8 : memref<2x100xi32, #tpu.memory_space<vmem>>) target_semaphore(%arg14 : memref<!tpu.dma_semaphore, #tpu.memory_space<semaphore_mem>>)
      } else {
      }
      %mul3A_223 = arith.constant 2 : i32
      %mul3A_224 = arith.muli %scan3A_168, %mul3A_223 : i32
      %add3A_225 = arith.constant 1 : i32
      %add3A_226 = arith.addi %mul3A_224, %add3A_225 : i32
      %ge3A_227 = arith.constant 1 : i32
      %ge3A_228 = arith.cmpi sge, %add3A_226, %ge3A_227 : i32
      %convert_element_type3A_229 = arith.extui %ge3A_228 : i1 to i32
      %cond3A_230 = arith.constant 0 : i32
      %cond3A_231 = arith.cmpi ne, %convert_element_type3A_229, %cond3A_230 : i32
      scf.if %cond3A_231 {
        %dma_wait3A_280 = arith.constant 1 : i32
        %dma_wait3A_281 = arith.constant 0 : i32
        %dma_wait3A_282 = tpu.memref_slice %arg8[%dma_wait3A_280, %dma_wait3A_281] : memref<2x100xi32, #tpu.memory_space<vmem>> -> memref<1x100xi32, #tpu.memory_space<vmem>>
        %dma_wait3A_283 = tpu.memref_squeeze %dma_wait3A_282 : memref<1x100xi32, #tpu.memory_space<vmem>> -> memref<100xi32, #tpu.memory_space<vmem>>
        %dma_wait3A_284 = arith.constant 0 : i32
        %dma_wait3A_285 = arith.constant 0 : i32
        %dma_wait3A_286 = tpu.memref_slice %arg7[%dma_wait3A_284, %dma_wait3A_285] : memref<10000x128xf32, #tpu.memory_space<vmem_shared>> -> memref<10000x128xf32, #tpu.memory_space<vmem_shared>>
        tpu.wait_indirect_dma semaphore(%arg20 : memref<!tpu.dma_semaphore, #tpu.memory_space<semaphore_mem>>) src(%arg10 : memref<100x128xf32, #tpu.memory_space<vmem>>) dst(%dma_wait3A_286 : memref<10000x128xf32, #tpu.memory_space<vmem_shared>>)
      } else {
      }
      %add3A_232 = arith.constant 1 : i32
      %add3A_233 = arith.addi %add3A_226, %add3A_232 : i32
      %lt3A_234 = arith.constant 200 : i32
      %lt3A_235 = arith.cmpi slt, %add3A_233, %lt3A_234 : i32
      %convert_element_type3A_236 = arith.extui %lt3A_235 : i1 to i32
      %cond3A_237 = arith.constant 0 : i32
      %cond3A_238 = arith.cmpi ne, %convert_element_type3A_236, %cond3A_237 : i32
      scf.if %cond3A_238 {
        %add3A_280 = arith.addi %mul3A_2, %add3A_233 : i32
        %mul3A_281 = arith.constant 100 : i32
        %mul3A_282 = arith.muli %add3A_280, %mul3A_281 : i32
        %mul3A_283 = arith.constant 320000 : i32
        %mul3A_284 = arith.muli %arg0, %mul3A_283 : i32
        %add3A_285 = arith.addi %mul3A_284, %mul3A_282 : i32
        %dma_start3A_286 = arith.constant 0 : i32
        %dma_start3A_287 = tpu.memref_slice %arg3[%add3A_285, %dma_start3A_286] : memref<640000x128xf32, #tpu.memory_space<hbm>> -> memref<100x128xf32, #tpu.memory_space<hbm>>
        %dma_start3A_288 = arith.constant 0 : i32
        %dma_start3A_289 = tpu.memref_slice %arg3[%add3A_285, %dma_start3A_288] : memref<640000x128xf32, #tpu.memory_space<hbm>> -> memref<100x128xf32, #tpu.memory_space<hbm>>
        tpu.enqueue_dma source(%dma_start3A_289 : memref<100x128xf32, #tpu.memory_space<hbm>>) target(%arg10 : memref<100x128xf32, #tpu.memory_space<vmem>>) target_semaphore(%arg16 : memref<!tpu.dma_semaphore, #tpu.memory_space<semaphore_mem>>)
      } else {
      }
      %add3A_239 = arith.constant 1 : i32
      %add3A_240 = arith.addi %add3A_226, %add3A_239 : i32
      %lt3A_241 = arith.constant 200 : i32
      %lt3A_242 = arith.cmpi slt, %add3A_240, %lt3A_241 : i32
      %convert_element_type3A_243 = arith.extui %lt3A_242 : i1 to i32
      %cond3A_244 = arith.constant 0 : i32
      %cond3A_245 = arith.cmpi ne, %convert_element_type3A_243, %cond3A_244 : i32
      scf.if %cond3A_245 {
        %mul3A_280 = arith.constant 3200 : i32
        %mul3A_281 = arith.muli %arg0, %mul3A_280 : i32
        %add3A_282 = arith.addi %mul3A_281, %mul3A_2 : i32
        %add3A_283 = arith.addi %add3A_282, %add3A_240 : i32
        %dma_wait3A_284 = arith.constant 0 : i32
        %dma_wait3A_285 = arith.constant 0 : i32
        %dma_wait3A_286 = tpu.memref_slice %arg4[%add3A_283, %dma_wait3A_284, %dma_wait3A_285] : memref<6400x2x100xi32, #tpu.memory_space<hbm>> -> memref<1x2x100xi32, #tpu.memory_space<hbm>>
        %dma_wait3A_287 = tpu.memref_squeeze %dma_wait3A_286 : memref<1x2x100xi32, #tpu.memory_space<hbm>> -> memref<2x100xi32, #tpu.memory_space<hbm>>
        %dma_wait3A_288 = arith.constant 0 : i32
        %dma_wait3A_289 = arith.constant 0 : i32
        %dma_wait3A_290 = tpu.memref_slice %arg4[%add3A_283, %dma_wait3A_288, %dma_wait3A_289] : memref<6400x2x100xi32, #tpu.memory_space<hbm>> -> memref<1x2x100xi32, #tpu.memory_space<hbm>>
        %dma_wait3A_291 = tpu.memref_squeeze %dma_wait3A_290 : memref<1x2x100xi32, #tpu.memory_space<hbm>> -> memref<2x100xi32, #tpu.memory_space<hbm>>
        tpu.wait_dma2 semaphore(%arg14 : memref<!tpu.dma_semaphore, #tpu.memory_space<semaphore_mem>>) src(%dma_wait3A_291 : memref<2x100xi32, #tpu.memory_space<hbm>>) dst(%arg8 : memref<2x100xi32, #tpu.memory_space<vmem>>)
        %dma_start3A_292 = arith.constant 0 : i32
        %dma_start3A_293 = arith.constant 0 : i32
        %dma_start3A_294 = tpu.memref_slice %arg8[%dma_start3A_292, %dma_start3A_293] : memref<2x100xi32, #tpu.memory_space<vmem>> -> memref<1x100xi32, #tpu.memory_space<vmem>>
        %dma_start3A_295 = tpu.memref_squeeze %dma_start3A_294 : memref<1x100xi32, #tpu.memory_space<vmem>> -> memref<100xi32, #tpu.memory_space<vmem>>
        %dma_start3A_296 = arith.constant 0 : i32
        %dma_start3A_297 = arith.constant 0 : i32
        %dma_start3A_298 = tpu.memref_slice %arg6[%dma_start3A_296, %dma_start3A_297] : memref<20000x64xi32, #tpu.memory_space<hbm>> -> memref<20000x64xi32, #tpu.memory_space<hbm>>
        tpu.enqueue_indirect_dma source(%dma_start3A_298 : memref<20000x64xi32, #tpu.memory_space<hbm>>) target(%arg12 : memref<100x64xi32, #tpu.memory_space<vmem>>) offsets(%dma_start3A_295 : memref<100xi32, #tpu.memory_space<vmem>>) semaphore(%arg18 : memref<!tpu.dma_semaphore, #tpu.memory_space<semaphore_mem>>)
      } else {
      }
      %add3A_246 = arith.addi %mul3A_2, %add3A_226 : i32
      %mul3A_247 = arith.constant 100 : i32
      %mul3A_248 = arith.muli %add3A_246, %mul3A_247 : i32
      %mul3A_249 = arith.constant 320000 : i32
      %mul3A_250 = arith.muli %arg0, %mul3A_249 : i32
      %add3A_251 = arith.addi %mul3A_250, %mul3A_248 : i32
      %dma_wait3A_252 = arith.constant 0 : i32
      %dma_wait3A_253 = tpu.memref_slice %arg3[%add3A_251, %dma_wait3A_252] : memref<640000x128xf32, #tpu.memory_space<hbm>> -> memref<100x128xf32, #tpu.memory_space<hbm>>
      %dma_wait3A_254 = arith.constant 0 : i32
      %dma_wait3A_255 = tpu.memref_slice %arg3[%add3A_251, %dma_wait3A_254] : memref<640000x128xf32, #tpu.memory_space<hbm>> -> memref<100x128xf32, #tpu.memory_space<hbm>>
      tpu.wait_dma2 semaphore(%arg17 : memref<!tpu.dma_semaphore, #tpu.memory_space<semaphore_mem>>) src(%dma_wait3A_255 : memref<100x128xf32, #tpu.memory_space<hbm>>) dst(%arg11 : memref<100x128xf32, #tpu.memory_space<vmem>>)
      %dma_wait3A_256 = arith.constant 0 : i32
      %dma_wait3A_257 = arith.constant 0 : i32
      %dma_wait3A_258 = tpu.memref_slice %arg9[%dma_wait3A_256, %dma_wait3A_257] : memref<2x100xi32, #tpu.memory_space<vmem>> -> memref<1x100xi32, #tpu.memory_space<vmem>>
      %dma_wait3A_259 = tpu.memref_squeeze %dma_wait3A_258 : memref<1x100xi32, #tpu.memory_space<vmem>> -> memref<100xi32, #tpu.memory_space<vmem>>
      %dma_wait3A_260 = arith.constant 0 : i32
      %dma_wait3A_261 = arith.constant 0 : i32
      %dma_wait3A_262 = tpu.memref_slice %arg6[%dma_wait3A_260, %dma_wait3A_261] : memref<20000x64xi32, #tpu.memory_space<hbm>> -> memref<20000x64xi32, #tpu.memory_space<hbm>>
      tpu.wait_indirect_dma semaphore(%arg19 : memref<!tpu.dma_semaphore, #tpu.memory_space<semaphore_mem>>) src(%dma_wait3A_262 : memref<20000x64xi32, #tpu.memory_space<hbm>>) dst(%arg13 : memref<100x64xi32, #tpu.memory_space<vmem>>)
      %parallel_loop3A_263 = arith.constant 0 : i32
      %parallel_loop3A_264 = arith.constant 100 : i32
      %parallel_loop3A_265 = arith.constant 1 : i32
      scf.for %parallel_loop3A_280 = %parallel_loop3A_263 to %parallel_loop3A_264 step %parallel_loop3A_265  : i32 {
        %parallel_loop3A_281 = arith.index_cast %parallel_loop3A_280 : i32 to index
        %parallel_loop3A_282 = arith.constant 0 : index
        %parallel_loop3A_283 = tpu.vector_load %arg13[%parallel_loop3A_281, %parallel_loop3A_282] {strides = array<i32>} : memref<100x64xi32, #tpu.memory_space<vmem>>, vector<16xi32>,
        %parallel_loop3A_284 = arith.constant 16 : i32
        %parallel_loop3A_285 = vector.broadcast %parallel_loop3A_284 : i32 to vector<16xi32>
        %parallel_loop3A_286 = arith.shli %parallel_loop3A_283, %parallel_loop3A_285 : vector<16xi32>
        %parallel_loop3A_287 = vector.bitcast %parallel_loop3A_286 : vector<16xi32> to vector<16xf32>
        %parallel_loop3A_288 = arith.constant -65536 : i32
        %parallel_loop3A_289 = vector.broadcast %parallel_loop3A_288 : i32 to vector<16xi32>
        %parallel_loop3A_290 = arith.andi %parallel_loop3A_283, %parallel_loop3A_289 : vector<16xi32>
        %parallel_loop3A_291 = vector.bitcast %parallel_loop3A_290 : vector<16xi32> to vector<16xf32>
        %parallel_loop3A_292 = arith.index_cast %parallel_loop3A_280 : i32 to index
        %parallel_loop3A_293 = arith.constant 0 : index
        %parallel_loop3A_294 = tpu.vector_load %arg11[%parallel_loop3A_292, %parallel_loop3A_293] {strides = array<i32>} : memref<100x128xf32, #tpu.memory_space<vmem>>, vector<16xf32>,
        %parallel_loop3A_295 = arith.addf %parallel_loop3A_294, %parallel_loop3A_287 : vector<16xf32>
        %parallel_loop3A_296 = arith.constant 0.000000e+00 : f32
        %parallel_loop3A_297 = vector.broadcast %parallel_loop3A_296 : f32 to vector<16xf32>
        %parallel_loop3A_298 = arith.maximumf %parallel_loop3A_295, %parallel_loop3A_297 : vector<16xf32>
        %parallel_loop3A_299 = arith.index_cast %parallel_loop3A_280 : i32 to index
        %parallel_loop3A_300 = arith.constant 0 : index
        %parallel_loop3A_301 = tpu.vector_load %arg11[%parallel_loop3A_299, %parallel_loop3A_300] {strides = array<i32>} : memref<100x128xf32, #tpu.memory_space<vmem>>, vector<16xf32>,
        tpu.vector_store %arg11[%parallel_loop3A_299, %parallel_loop3A_300], %parallel_loop3A_298 {strides = array<i32>} : memref<100x128xf32, #tpu.memory_space<vmem>>, vector<16xf32>,
        %parallel_loop3A_302 = arith.index_cast %parallel_loop3A_280 : i32 to index
        %parallel_loop3A_303 = arith.constant 16 : index
        %parallel_loop3A_304 = tpu.vector_load %arg11[%parallel_loop3A_302, %parallel_loop3A_303] {strides = array<i32>} : memref<100x128xf32, #tpu.memory_space<vmem>>, vector<16xf32>,
        %parallel_loop3A_305 = arith.addf %parallel_loop3A_304, %parallel_loop3A_291 : vector<16xf32>
        %parallel_loop3A_306 = arith.constant 0.000000e+00 : f32
        %parallel_loop3A_307 = vector.broadcast %parallel_loop3A_306 : f32 to vector<16xf32>
        %parallel_loop3A_308 = arith.maximumf %parallel_loop3A_305, %parallel_loop3A_307 : vector<16xf32>
        %parallel_loop3A_309 = arith.index_cast %parallel_loop3A_280 : i32 to index
        %parallel_loop3A_310 = arith.constant 16 : index
        %parallel_loop3A_311 = tpu.vector_load %arg11[%parallel_loop3A_309, %parallel_loop3A_310] {strides = array<i32>} : memref<100x128xf32, #tpu.memory_space<vmem>>, vector<16xf32>,
        tpu.vector_store %arg11[%parallel_loop3A_309, %parallel_loop3A_310], %parallel_loop3A_308 {strides = array<i32>} : memref<100x128xf32, #tpu.memory_space<vmem>>, vector<16xf32>,
        %parallel_loop3A_312 = arith.index_cast %parallel_loop3A_280 : i32 to index
        %parallel_loop3A_313 = arith.constant 16 : index
        %parallel_loop3A_314 = tpu.vector_load %arg13[%parallel_loop3A_312, %parallel_loop3A_313] {strides = array<i32>} : memref<100x64xi32, #tpu.memory_space<vmem>>, vector<16xi32>,
        %parallel_loop3A_315 = arith.constant 16 : i32
        %parallel_loop3A_316 = vector.broadcast %parallel_loop3A_315 : i32 to vector<16xi32>
        %parallel_loop3A_317 = arith.shli %parallel_loop3A_314, %parallel_loop3A_316 : vector<16xi32>
        %parallel_loop3A_318 = vector.bitcast %parallel_loop3A_317 : vector<16xi32> to vector<16xf32>
        %parallel_loop3A_319 = arith.constant -65536 : i32
        %parallel_loop3A_320 = vector.broadcast %parallel_loop3A_319 : i32 to vector<16xi32>
        %parallel_loop3A_321 = arith.andi %parallel_loop3A_314, %parallel_loop3A_320 : vector<16xi32>
        %parallel_loop3A_322 = vector.bitcast %parallel_loop3A_321 : vector<16xi32> to vector<16xf32>
        %parallel_loop3A_323 = arith.index_cast %parallel_loop3A_280 : i32 to index
        %parallel_loop3A_324 = arith.constant 32 : index
        %parallel_loop3A_325 = tpu.vector_load %arg11[%parallel_loop3A_323, %parallel_loop3A_324] {strides = array<i32>} : memref<100x128xf32, #tpu.memory_space<vmem>>, vector<16xf32>,
        %parallel_loop3A_326 = arith.addf %parallel_loop3A_325, %parallel_loop3A_318 : vector<16xf32>
        %parallel_loop3A_327 = arith.constant 0.000000e+00 : f32
        %parallel_loop3A_328 = vector.broadcast %parallel_loop3A_327 : f32 to vector<16xf32>
        %parallel_loop3A_329 = arith.maximumf %parallel_loop3A_326, %parallel_loop3A_328 : vector<16xf32>
        %parallel_loop3A_330 = arith.index_cast %parallel_loop3A_280 : i32 to index
        %parallel_loop3A_331 = arith.constant 32 : index
        %parallel_loop3A_332 = tpu.vector_load %arg11[%parallel_loop3A_330, %parallel_loop3A_331] {strides = array<i32>} : memref<100x128xf32, #tpu.memory_space<vmem>>, vector<16xf32>,
        tpu.vector_store %arg11[%parallel_loop3A_330, %parallel_loop3A_331], %parallel_loop3A_329 {strides = array<i32>} : memref<100x128xf32, #tpu.memory_space<vmem>>, vector<16xf32>,
        %parallel_loop3A_333 = arith.index_cast %parallel_loop3A_280 : i32 to index
        %parallel_loop3A_334 = arith.constant 48 : index
        %parallel_loop3A_335 = tpu.vector_load %arg11[%parallel_loop3A_333, %parallel_loop3A_334] {strides = array<i32>} : memref<100x128xf32, #tpu.memory_space<vmem>>, vector<16xf32>,
        %parallel_loop3A_336 = arith.addf %parallel_loop3A_335, %parallel_loop3A_322 : vector<16xf32>
        %parallel_loop3A_337 = arith.constant 0.000000e+00 : f32
        %parallel_loop3A_338 = vector.broadcast %parallel_loop3A_337 : f32 to vector<16xf32>
        %parallel_loop3A_339 = arith.maximumf %parallel_loop3A_336, %parallel_loop3A_338 : vector<16xf32>
        %parallel_loop3A_340 = arith.index_cast %parallel_loop3A_280 : i32 to index
        %parallel_loop3A_341 = arith.constant 48 : index
        %parallel_loop3A_342 = tpu.vector_load %arg11[%parallel_loop3A_340, %parallel_loop3A_341] {strides = array<i32>} : memref<100x128xf32, #tpu.memory_space<vmem>>, vector<16xf32>,
        tpu.vector_store %arg11[%parallel_loop3A_340, %parallel_loop3A_341], %parallel_loop3A_339 {strides = array<i32>} : memref<100x128xf32, #tpu.memory_space<vmem>>, vector<16xf32>,
        %parallel_loop3A_343 = arith.index_cast %parallel_loop3A_280 : i32 to index
        %parallel_loop3A_344 = arith.constant 32 : index
        %parallel_loop3A_345 = tpu.vector_load %arg13[%parallel_loop3A_343, %parallel_loop3A_344] {strides = array<i32>} : memref<100x64xi32, #tpu.memory_space<vmem>>, vector<16xi32>,
        %parallel_loop3A_346 = arith.constant 16 : i32
        %parallel_loop3A_347 = vector.broadcast %parallel_loop3A_346 : i32 to vector<16xi32>
        %parallel_loop3A_348 = arith.shli %parallel_loop3A_345, %parallel_loop3A_347 : vector<16xi32>
        %parallel_loop3A_349 = vector.bitcast %parallel_loop3A_348 : vector<16xi32> to vector<16xf32>
        %parallel_loop3A_350 = arith.constant -65536 : i32
        %parallel_loop3A_351 = vector.broadcast %parallel_loop3A_350 : i32 to vector<16xi32>
        %parallel_loop3A_352 = arith.andi %parallel_loop3A_345, %parallel_loop3A_351 : vector<16xi32>
        %parallel_loop3A_353 = vector.bitcast %parallel_loop3A_352 : vector<16xi32> to vector<16xf32>
        %parallel_loop3A_354 = arith.index_cast %parallel_loop3A_280 : i32 to index
        %parallel_loop3A_355 = arith.constant 64 : index
        %parallel_loop3A_356 = tpu.vector_load %arg11[%parallel_loop3A_354, %parallel_loop3A_355] {strides = array<i32>} : memref<100x128xf32, #tpu.memory_space<vmem>>, vector<16xf32>,
        %parallel_loop3A_357 = arith.addf %parallel_loop3A_356, %parallel_loop3A_349 : vector<16xf32>
        %parallel_loop3A_358 = arith.constant 0.000000e+00 : f32
        %parallel_loop3A_359 = vector.broadcast %parallel_loop3A_358 : f32 to vector<16xf32>
        %parallel_loop3A_360 = arith.maximumf %parallel_loop3A_357, %parallel_loop3A_359 : vector<16xf32>
        %parallel_loop3A_361 = arith.index_cast %parallel_loop3A_280 : i32 to index
        %parallel_loop3A_362 = arith.constant 64 : index
        %parallel_loop3A_363 = tpu.vector_load %arg11[%parallel_loop3A_361, %parallel_loop3A_362] {strides = array<i32>} : memref<100x128xf32, #tpu.memory_space<vmem>>, vector<16xf32>,
        tpu.vector_store %arg11[%parallel_loop3A_361, %parallel_loop3A_362], %parallel_loop3A_360 {strides = array<i32>} : memref<100x128xf32, #tpu.memory_space<vmem>>, vector<16xf32>,
        %parallel_loop3A_364 = arith.index_cast %parallel_loop3A_280 : i32 to index
        %parallel_loop3A_365 = arith.constant 80 : index
        %parallel_loop3A_366 = tpu.vector_load %arg11[%parallel_loop3A_364, %parallel_loop3A_365] {strides = array<i32>} : memref<100x128xf32, #tpu.memory_space<vmem>>, vector<16xf32>,
        %parallel_loop3A_367 = arith.addf %parallel_loop3A_366, %parallel_loop3A_353 : vector<16xf32>
        %parallel_loop3A_368 = arith.constant 0.000000e+00 : f32
        %parallel_loop3A_369 = vector.broadcast %parallel_loop3A_368 : f32 to vector<16xf32>
        %parallel_loop3A_370 = arith.maximumf %parallel_loop3A_367, %parallel_loop3A_369 : vector<16xf32>
        %parallel_loop3A_371 = arith.index_cast %parallel_loop3A_280 : i32 to index
        %parallel_loop3A_372 = arith.constant 80 : index
        %parallel_loop3A_373 = tpu.vector_load %arg11[%parallel_loop3A_371, %parallel_loop3A_372] {strides = array<i32>} : memref<100x128xf32, #tpu.memory_space<vmem>>, vector<16xf32>,
        tpu.vector_store %arg11[%parallel_loop3A_371, %parallel_loop3A_372], %parallel_loop3A_370 {strides = array<i32>} : memref<100x128xf32, #tpu.memory_space<vmem>>, vector<16xf32>,
        %parallel_loop3A_374 = arith.index_cast %parallel_loop3A_280 : i32 to index
        %parallel_loop3A_375 = arith.constant 48 : index
        %parallel_loop3A_376 = tpu.vector_load %arg13[%parallel_loop3A_374, %parallel_loop3A_375] {strides = array<i32>} : memref<100x64xi32, #tpu.memory_space<vmem>>, vector<16xi32>,
        %parallel_loop3A_377 = arith.constant 16 : i32
        %parallel_loop3A_378 = vector.broadcast %parallel_loop3A_377 : i32 to vector<16xi32>
        %parallel_loop3A_379 = arith.shli %parallel_loop3A_376, %parallel_loop3A_378 : vector<16xi32>
        %parallel_loop3A_380 = vector.bitcast %parallel_loop3A_379 : vector<16xi32> to vector<16xf32>
        %parallel_loop3A_381 = arith.constant -65536 : i32
        %parallel_loop3A_382 = vector.broadcast %parallel_loop3A_381 : i32 to vector<16xi32>
        %parallel_loop3A_383 = arith.andi %parallel_loop3A_376, %parallel_loop3A_382 : vector<16xi32>
        %parallel_loop3A_384 = vector.bitcast %parallel_loop3A_383 : vector<16xi32> to vector<16xf32>
        %parallel_loop3A_385 = arith.index_cast %parallel_loop3A_280 : i32 to index
        %parallel_loop3A_386 = arith.constant 96 : index
        %parallel_loop3A_387 = tpu.vector_load %arg11[%parallel_loop3A_385, %parallel_loop3A_386] {strides = array<i32>} : memref<100x128xf32, #tpu.memory_space<vmem>>, vector<16xf32>,
        %parallel_loop3A_388 = arith.addf %parallel_loop3A_387, %parallel_loop3A_380 : vector<16xf32>
        %parallel_loop3A_389 = arith.constant 0.000000e+00 : f32
        %parallel_loop3A_390 = vector.broadcast %parallel_loop3A_389 : f32 to vector<16xf32>
        %parallel_loop3A_391 = arith.maximumf %parallel_loop3A_388, %parallel_loop3A_390 : vector<16xf32>
        %parallel_loop3A_392 = arith.index_cast %parallel_loop3A_280 : i32 to index
        %parallel_loop3A_393 = arith.constant 96 : index
        %parallel_loop3A_394 = tpu.vector_load %arg11[%parallel_loop3A_392, %parallel_loop3A_393] {strides = array<i32>} : memref<100x128xf32, #tpu.memory_space<vmem>>, vector<16xf32>,
        tpu.vector_store %arg11[%parallel_loop3A_392, %parallel_loop3A_393], %parallel_loop3A_391 {strides = array<i32>} : memref<100x128xf32, #tpu.memory_space<vmem>>, vector<16xf32>,
        %parallel_loop3A_395 = arith.index_cast %parallel_loop3A_280 : i32 to index
        %parallel_loop3A_396 = arith.constant 112 : index
        %parallel_loop3A_397 = tpu.vector_load %arg11[%parallel_loop3A_395, %parallel_loop3A_396] {strides = array<i32>} : memref<100x128xf32, #tpu.memory_space<vmem>>, vector<16xf32>,
        %parallel_loop3A_398 = arith.addf %parallel_loop3A_397, %parallel_loop3A_384 : vector<16xf32>
        %parallel_loop3A_399 = arith.constant 0.000000e+00 : f32
        %parallel_loop3A_400 = vector.broadcast %parallel_loop3A_399 : f32 to vector<16xf32>
        %parallel_loop3A_401 = arith.maximumf %parallel_loop3A_398, %parallel_loop3A_400 : vector<16xf32>
        %parallel_loop3A_402 = arith.index_cast %parallel_loop3A_280 : i32 to index
        %parallel_loop3A_403 = arith.constant 112 : index
        %parallel_loop3A_404 = tpu.vector_load %arg11[%parallel_loop3A_402, %parallel_loop3A_403] {strides = array<i32>} : memref<100x128xf32, #tpu.memory_space<vmem>>, vector<16xf32>,
        tpu.vector_store %arg11[%parallel_loop3A_402, %parallel_loop3A_403], %parallel_loop3A_401 {strides = array<i32>} : memref<100x128xf32, #tpu.memory_space<vmem>>, vector<16xf32>,
      } {sc.loop_unroll_factor = 4 : i64, sc.parallel_access}
      %dma_start3A_266 = arith.constant 1 : i32
      %dma_start3A_267 = arith.constant 0 : i32
      %dma_start3A_268 = tpu.memref_slice %arg9[%dma_start3A_266, %dma_start3A_267] : memref<2x100xi32, #tpu.memory_space<vmem>> -> memref<1x100xi32, #tpu.memory_space<vmem>>
      %dma_start3A_269 = tpu.memref_squeeze %dma_start3A_268 : memref<1x100xi32, #tpu.memory_space<vmem>> -> memref<100xi32, #tpu.memory_space<vmem>>
      %dma_start3A_270 = arith.constant 0 : i32
      %dma_start3A_271 = arith.constant 0 : i32
      %dma_start3A_272 = tpu.memref_slice %arg7[%dma_start3A_270, %dma_start3A_271] : memref<10000x128xf32, #tpu.memory_space<vmem_shared>> -> memref<10000x128xf32, #tpu.memory_space<vmem_shared>>
      tpu.enqueue_indirect_dma source(%arg11 : memref<100x128xf32, #tpu.memory_space<vmem>>) target(%dma_start3A_272 : memref<10000x128xf32, #tpu.memory_space<vmem_shared>>) offsets(%dma_start3A_269 : memref<100xi32, #tpu.memory_space<vmem>>) semaphore(%arg21 : memref<!tpu.dma_semaphore, #tpu.memory_space<semaphore_mem>>) {add = true}
      %add3A_273 = arith.constant 2 : i32
      %add3A_274 = arith.addi %add3A_226, %add3A_273 : i32
      %lt3A_275 = arith.constant 200 : i32
      %lt3A_276 = arith.cmpi slt, %add3A_274, %lt3A_275 : i32
      %convert_element_type3A_277 = arith.extui %lt3A_276 : i1 to i32
      %cond3A_278 = arith.constant 0 : i32
      %cond3A_279 = arith.cmpi ne, %convert_element_type3A_277, %cond3A_278 : i32
      scf.if %cond3A_279 {
        %mul3A_280 = arith.constant 3200 : i32
        %mul3A_281 = arith.muli %arg0, %mul3A_280 : i32
        %add3A_282 = arith.addi %mul3A_281, %mul3A_2 : i32
        %add3A_283 = arith.addi %add3A_282, %add3A_274 : i32
        %dma_start3A_284 = arith.constant 0 : i32
        %dma_start3A_285 = arith.constant 0 : i32
        %dma_start3A_286 = tpu.memref_slice %arg4[%add3A_283, %dma_start3A_284, %dma_start3A_285] : memref<6400x2x100xi32, #tpu.memory_space<hbm>> -> memref<1x2x100xi32, #tpu.memory_space<hbm>>
        %dma_start3A_287 = tpu.memref_squeeze %dma_start3A_286 : memref<1x2x100xi32, #tpu.memory_space<hbm>> -> memref<2x100xi32, #tpu.memory_space<hbm>>
        %dma_start3A_288 = arith.constant 0 : i32
        %dma_start3A_289 = arith.constant 0 : i32
        %dma_start3A_290 = tpu.memref_slice %arg4[%add3A_283, %dma_start3A_288, %dma_start3A_289] : memref<6400x2x100xi32, #tpu.memory_space<hbm>> -> memref<1x2x100xi32, #tpu.memory_space<hbm>>
        %dma_start3A_291 = tpu.memref_squeeze %dma_start3A_290 : memref<1x2x100xi32, #tpu.memory_space<hbm>> -> memref<2x100xi32, #tpu.memory_space<hbm>>
        tpu.enqueue_dma source(%dma_start3A_291 : memref<2x100xi32, #tpu.memory_space<hbm>>) target(%arg9 : memref<2x100xi32, #tpu.memory_space<vmem>>) target_semaphore(%arg15 : memref<!tpu.dma_semaphore, #tpu.memory_space<semaphore_mem>>)
      } else {
      }
    }
    %scan3A_157 = arith.constant 100 : i32
    %dma_wait3A = arith.constant 1 : i32
    %dma_wait3A_158 = arith.constant 0 : i32
    %dma_wait3A_159 = tpu.memref_slice %arg9[%dma_wait3A, %dma_wait3A_158] : memref<2x100xi32, #tpu.memory_space<vmem>> -> memref<1x100xi32, #tpu.memory_space<vmem>>
    %dma_wait3A_160 = tpu.memref_squeeze %dma_wait3A_159 : memref<1x100xi32, #tpu.memory_space<vmem>> -> memref<100xi32, #tpu.memory_space<vmem>>
    %dma_wait3A_161 = arith.constant 0 : i32
    %dma_wait3A_162 = arith.constant 0 : i32
    %dma_wait3A_163 = tpu.memref_slice %arg7[%dma_wait3A_161, %dma_wait3A_162] : memref<10000x128xf32, #tpu.memory_space<vmem_shared>> -> memref<10000x128xf32, #tpu.memory_space<vmem_shared>>
    tpu.wait_indirect_dma semaphore(%arg21 : memref<!tpu.dma_semaphore, #tpu.memory_space<semaphore_mem>>) src(%arg11 : memref<100x128xf32, #tpu.memory_space<vmem>>) dst(%dma_wait3A_163 : memref<10000x128xf32, #tpu.memory_space<vmem_shared>>)
    %barrier3A_164 = arith.constant 0 : index
    tpu.barrier barrier_id(%barrier3A_164)
    %mul3A_165 = arith.constant 10000 : i32
    %mul3A_166 = arith.muli %arg0, %mul3A_165 : i32
    %add3A_167 = arith.addi %mul3A_166, %mul3A_0 : i32
    "tpu.region"() ({
      %run_scoped3A = tpu.sem_alloc : memref<!tpu.dma_semaphore, #tpu.memory_space<semaphore_mem>>
      %dma_start3A = arith.constant 0 : i32
      %dma_start3A_168 = tpu.memref_slice %arg5[%add3A_167, %dma_start3A] : memref<20000x128xf32, #tpu.memory_space<hbm>> -> memref<625x128xf32, #tpu.memory_space<hbm>>
      %dma_start3A_169 = arith.constant 0 : i32
      %dma_start3A_170 = tpu.memref_slice %arg7[%mul3A_0, %dma_start3A_169] : memref<10000x128xf32, #tpu.memory_space<vmem_shared>> -> memref<625x128xf32, #tpu.memory_space<vmem_shared>>
      tpu.enqueue_dma source(%dma_start3A_170 : memref<625x128xf32, #tpu.memory_space<vmem_shared>>) target(%dma_start3A_168 : memref<625x128xf32, #tpu.memory_space<hbm>>) target_semaphore(%run_scoped3A : memref<!tpu.dma_semaphore, #tpu.memory_space<semaphore_mem>>)
      %dma_wait3A_171 = arith.constant 0 : i32
      %dma_wait3A_172 = tpu.memref_slice %arg5[%add3A_167, %dma_wait3A_171] : memref<20000x128xf32, #tpu.memory_space<hbm>> -> memref<625x128xf32, #tpu.memory_space<hbm>>
      %dma_wait3A_173 = arith.constant 0 : i32
      %dma_wait3A_174 = tpu.memref_slice %arg7[%mul3A_0, %dma_wait3A_173] : memref<10000x128xf32, #tpu.memory_space<vmem_shared>> -> memref<625x128xf32, #tpu.memory_space<vmem_shared>>
      tpu.wait_dma2 semaphore(%run_scoped3A : memref<!tpu.dma_semaphore, #tpu.memory_space<semaphore_mem>>) src(%dma_wait3A_174 : memref<625x128xf32, #tpu.memory_space<vmem_shared>>) dst(%dma_wait3A_172 : memref<625x128xf32, #tpu.memory_space<hbm>>)
      tpu.yield
    }) : () -> ()
    return
  }
}

module attributes {stable_mosaic.version = 14 : i64} {
  func.func @_proj_body(%arg0: i32, %arg1: i32, %arg2: memref<2000x16xf32, #tpu.memory_space<vmem>>, %arg3: memref<16x128xf32, #tpu.memory_space<vmem>>, %arg4: memref<1x1x128xf32, #tpu.memory_space<vmem>>, %arg5: memref<2000x128xf32, #tpu.memory_space<vmem>>) attributes {dimension_semantics = [#tpu.dimension_semantics<arbitrary>, #tpu.dimension_semantics<arbitrary>], iteration_bounds = array<i64: 160, 2>, scalar_prefetch = 0 : i64, scratch_operands = 0 : i64, tpu.core_type = #tpu.core_type<tc>, window_params = [{transform_indices = @transform_0, window_bounds = array<i64: 2000, 16>}, {transform_indices = @transform_1, window_bounds = array<i64: 16, 128>}, {transform_indices = @transform_2, window_bounds = array<i64: 1, 1, 128>}, {transform_indices = @transform_3, window_bounds = array<i64: 2000, 128>}]} {
    %get3A = arith.constant 0 : index
    %get3A_0 = arith.constant 0 : index
    %get3A_1 = vector.load %arg2[%get3A, %get3A_0] : memref<2000x16xf32, #tpu.memory_space<vmem>>, vector<2000x16xf32>
    %get3A_2 = arith.constant 0 : index
    %get3A_3 = arith.constant 0 : index
    %get3A_4 = vector.load %arg3[%get3A_2, %get3A_3] : memref<16x128xf32, #tpu.memory_space<vmem>>, vector<16x128xf32>
    %dot_general3A = arith.constant dense<0.000000e+00> : vector<2000x128xf32>
    %dot_general3A_5 = tpu.matmul %get3A_1, %get3A_4, %dot_general3A {dimension_numbers = #tpu.dot_dimension_numbers<[1], [0], [0], [1], [0, 0, 1, 1], [], []>, transpose_lhs_hint = false} : vector<2000x16xf32>, vector<16x128xf32>, vector<2000x128xf32> -> vector<2000x128xf32>
    %get3A_6 = arith.constant 0 : index
    %get3A_7 = arith.constant 0 : index
    %get3A_8 = arith.constant 0 : index
    %get3A_9 = vector.load %arg4[%get3A_6, %get3A_7, %get3A_8] : memref<1x1x128xf32, #tpu.memory_space<vmem>>, vector<1x1x128xf32>
    %get3A_10 = vector.shape_cast %get3A_9 : vector<1x1x128xf32> to vector<1x128xf32>
    %add3A = vector.broadcast %get3A_10 : vector<1x128xf32> to vector<2000x128xf32>
    %add3A_11 = arith.addf %dot_general3A_5, %add3A : vector<2000x128xf32>
    %swap3A = arith.constant 0 : index
    %swap3A_12 = arith.constant 0 : index
    %swap3A_13 = vector.load %arg5[%swap3A, %swap3A_12] : memref<2000x128xf32, #tpu.memory_space<vmem>>, vector<2000x128xf32>
    tpu.vector_store %arg5[%swap3A, %swap3A_12], %add3A_11 {strides = array<i32>} : memref<2000x128xf32, #tpu.memory_space<vmem>>, vector<2000x128xf32>,
    return
  }
  func.func @transform_0(%arg0: i32, %arg1: i32) -> (i32, i32) {
    %c0_i32 = arith.constant 0 : i32
    %c0_i32_0 = arith.constant 0 : i32
    return %arg0, %c0_i32 : i32, i32
  }
  func.func @transform_1(%arg0: i32, %arg1: i32) -> (i32, i32) {
    %c0_i32 = arith.constant 0 : i32
    %c0_i32_0 = arith.constant 0 : i32
    return %c0_i32, %arg1 : i32, i32
  }
  func.func @transform_2(%arg0: i32, %arg1: i32) -> (i32, i32, i32) {
    %c0_i32 = arith.constant 0 : i32
    %c0_i32_0 = arith.constant 0 : i32
    %c0_i32_1 = arith.constant 0 : i32
    return %arg1, %c0_i32, %c0_i32_0 : i32, i32, i32
  }
  func.func @transform_3(%arg0: i32, %arg1: i32) -> (i32, i32) {
    %mul3A = arith.constant 160 : i32
    %mul3A_0 = arith.muli %arg1, %mul3A : i32
    %add3A = arith.addi %mul3A_0, %arg0 : i32
    %c0_i32 = arith.constant 0 : i32
    %c0_i32_1 = arith.constant 0 : i32
    return %add3A, %c0_i32 : i32, i32
  }
}

module attributes {stable_mosaic.version = 14 : i64} {
  func.func @_proj_body(%arg0: i32, %arg1: i32, %arg2: memref<400x128xf32, #tpu.memory_space<vmem>>, %arg3: memref<128x128xf32, #tpu.memory_space<vmem>>, %arg4: memref<1x1x128xf32, #tpu.memory_space<vmem>>, %arg5: memref<400x128xf32, #tpu.memory_space<vmem>>) attributes {dimension_semantics = [#tpu.dimension_semantics<arbitrary>, #tpu.dimension_semantics<arbitrary>], iteration_bounds = array<i64: 25, 2>, scalar_prefetch = 0 : i64, scratch_operands = 0 : i64, tpu.core_type = #tpu.core_type<tc>, window_params = [{transform_indices = @transform_0, window_bounds = array<i64: 400, 128>}, {transform_indices = @transform_1, window_bounds = array<i64: 128, 128>}, {transform_indices = @transform_2, window_bounds = array<i64: 1, 1, 128>}, {transform_indices = @transform_3, window_bounds = array<i64: 400, 128>}]} {
    %get3A = arith.constant 0 : index
    %get3A_0 = arith.constant 0 : index
    %get3A_1 = vector.load %arg2[%get3A, %get3A_0] : memref<400x128xf32, #tpu.memory_space<vmem>>, vector<400x128xf32>
    %get3A_2 = arith.constant 0 : index
    %get3A_3 = arith.constant 0 : index
    %get3A_4 = vector.load %arg3[%get3A_2, %get3A_3] : memref<128x128xf32, #tpu.memory_space<vmem>>, vector<128x128xf32>
    %dot_general3A = arith.constant dense<0.000000e+00> : vector<400x128xf32>
    %dot_general3A_5 = tpu.matmul %get3A_1, %get3A_4, %dot_general3A {dimension_numbers = #tpu.dot_dimension_numbers<[1], [0], [0], [1], [0, 0, 1, 1], [], []>, transpose_lhs_hint = false} : vector<400x128xf32>, vector<128x128xf32>, vector<400x128xf32> -> vector<400x128xf32>
    %get3A_6 = arith.constant 0 : index
    %get3A_7 = arith.constant 0 : index
    %get3A_8 = arith.constant 0 : index
    %get3A_9 = vector.load %arg4[%get3A_6, %get3A_7, %get3A_8] : memref<1x1x128xf32, #tpu.memory_space<vmem>>, vector<1x1x128xf32>
    %get3A_10 = vector.shape_cast %get3A_9 : vector<1x1x128xf32> to vector<1x128xf32>
    %add3A = vector.broadcast %get3A_10 : vector<1x128xf32> to vector<400x128xf32>
    %add3A_11 = arith.addf %dot_general3A_5, %add3A : vector<400x128xf32>
    %swap3A = arith.constant 0 : index
    %swap3A_12 = arith.constant 0 : index
    %swap3A_13 = vector.load %arg5[%swap3A, %swap3A_12] : memref<400x128xf32, #tpu.memory_space<vmem>>, vector<400x128xf32>
    tpu.vector_store %arg5[%swap3A, %swap3A_12], %add3A_11 {strides = array<i32>} : memref<400x128xf32, #tpu.memory_space<vmem>>, vector<400x128xf32>,
    return
  }
  func.func @transform_0(%arg0: i32, %arg1: i32) -> (i32, i32) {
    %c0_i32 = arith.constant 0 : i32
    %c0_i32_0 = arith.constant 0 : i32
    return %arg0, %c0_i32 : i32, i32
  }
  func.func @transform_1(%arg0: i32, %arg1: i32) -> (i32, i32) {
    %c0_i32 = arith.constant 0 : i32
    %c0_i32_0 = arith.constant 0 : i32
    return %c0_i32, %arg1 : i32, i32
  }
  func.func @transform_2(%arg0: i32, %arg1: i32) -> (i32, i32, i32) {
    %c0_i32 = arith.constant 0 : i32
    %c0_i32_0 = arith.constant 0 : i32
    %c0_i32_1 = arith.constant 0 : i32
    return %arg1, %c0_i32, %c0_i32_0 : i32, i32, i32
  }
  func.func @transform_3(%arg0: i32, %arg1: i32) -> (i32, i32) {
    %mul3A = arith.constant 25 : i32
    %mul3A_0 = arith.muli %arg1, %mul3A : i32
    %add3A = arith.addi %mul3A_0, %arg0 : i32
    %c0_i32 = arith.constant 0 : i32
    %c0_i32_1 = arith.constant 0 : i32
    return %add3A, %c0_i32 : i32, i32
  }
}

module attributes {stable_mosaic.version = 14 : i64} {
  func.func @_mlp_body(%arg0: i32, %arg1: memref<400x128xf32, #tpu.memory_space<vmem>>, %arg2: memref<400x128xf32, #tpu.memory_space<vmem>>, %arg3: memref<256x512xf32, #tpu.memory_space<vmem>>, %arg4: memref<1x512xf32, #tpu.memory_space<vmem>>, %arg5: memref<512x256xf32, #tpu.memory_space<vmem>>, %arg6: memref<1x256xf32, #tpu.memory_space<vmem>>, %arg7: memref<2x400x128xf32, #tpu.memory_space<vmem>>) attributes {dimension_semantics = [#tpu.dimension_semantics<arbitrary>], iteration_bounds = array<i64: 25>, scalar_prefetch = 0 : i64, scratch_operands = 0 : i64, tpu.core_type = #tpu.core_type<tc>, window_params = [{transform_indices = @transform_0, window_bounds = array<i64: 400, 128>}, {transform_indices = @transform_1, window_bounds = array<i64: 400, 128>}, {pipeline_mode = #tpu.pipeline_mode<synchronous>, transform_indices = @transform_2, window_bounds = array<i64: 256, 512>}, {pipeline_mode = #tpu.pipeline_mode<synchronous>, transform_indices = @transform_3, window_bounds = array<i64: 1, 512>}, {pipeline_mode = #tpu.pipeline_mode<synchronous>, transform_indices = @transform_4, window_bounds = array<i64: 512, 256>}, {pipeline_mode = #tpu.pipeline_mode<synchronous>, transform_indices = @transform_5, window_bounds = array<i64: 1, 256>}, {transform_indices = @transform_6, window_bounds = array<i64: 2, 400, 128>}]} {
    %get3A = arith.constant 0 : index
    %get3A_0 = arith.constant 0 : index
    %get3A_1 = vector.load %arg3[%get3A, %get3A_0] : memref<256x512xf32, #tpu.memory_space<vmem>>, vector<256x512xf32>
    %get3A_2 = arith.constant 0 : index
    %get3A_3 = arith.constant 0 : index
    %get3A_4 = vector.load %arg1[%get3A_2, %get3A_3] : memref<400x128xf32, #tpu.memory_space<vmem>>, vector<400x128xf32>
    %slice3A = vector.extract_strided_slice %get3A_1 {offsets = [0, 0], sizes = [128, 512], strides = [1, 1]} : vector<256x512xf32> to vector<128x512xf32>
    %dot_general3A = arith.constant dense<0.000000e+00> : vector<400x512xf32>
    %dot_general3A_5 = tpu.matmul %get3A_4, %slice3A, %dot_general3A {dimension_numbers = #tpu.dot_dimension_numbers<[1], [0], [0], [1], [0, 0, 1, 1], [], []>, transpose_lhs_hint = false} : vector<400x128xf32>, vector<128x512xf32>, vector<400x512xf32> -> vector<400x512xf32>
    %get3A_6 = arith.constant 0 : index
    %get3A_7 = arith.constant 0 : index
    %get3A_8 = vector.load %arg2[%get3A_6, %get3A_7] : memref<400x128xf32, #tpu.memory_space<vmem>>, vector<400x128xf32>
    %slice3A_9 = vector.extract_strided_slice %get3A_1 {offsets = [128, 0], sizes = [128, 512], strides = [1, 1]} : vector<256x512xf32> to vector<128x512xf32>
    %dot_general3A_10 = arith.constant dense<0.000000e+00> : vector<400x512xf32>
    %dot_general3A_11 = tpu.matmul %get3A_8, %slice3A_9, %dot_general3A_10 {dimension_numbers = #tpu.dot_dimension_numbers<[1], [0], [0], [1], [0, 0, 1, 1], [], []>, transpose_lhs_hint = false} : vector<400x128xf32>, vector<128x512xf32>, vector<400x512xf32> -> vector<400x512xf32>
    %add3A = arith.addf %dot_general3A_5, %dot_general3A_11 : vector<400x512xf32>
    %get3A_12 = arith.constant 0 : index
    %get3A_13 = arith.constant 0 : index
    %get3A_14 = vector.load %arg4[%get3A_12, %get3A_13] : memref<1x512xf32, #tpu.memory_space<vmem>>, vector<1x512xf32>
    %add3A_15 = vector.broadcast %get3A_14 : vector<1x512xf32> to vector<400x512xf32>
    %add3A_16 = arith.addf %add3A, %add3A_15 : vector<400x512xf32>
    %max3A = arith.constant 0.000000e+00 : f32
    %max3A_17 = vector.broadcast %max3A : f32 to vector<400x512xf32>
    %max3A_18 = arith.maximumf %add3A_16, %max3A_17 : vector<400x512xf32>
    %get3A_19 = arith.constant 0 : index
    %get3A_20 = arith.constant 0 : index
    %get3A_21 = vector.load %arg5[%get3A_19, %get3A_20] : memref<512x256xf32, #tpu.memory_space<vmem>>, vector<512x256xf32>
    %dot_general3A_22 = arith.constant dense<0.000000e+00> : vector<400x256xf32>
    %dot_general3A_23 = tpu.matmul %max3A_18, %get3A_21, %dot_general3A_22 {dimension_numbers = #tpu.dot_dimension_numbers<[1], [0], [0], [1], [0, 0, 1, 1], [], []>, transpose_lhs_hint = false} : vector<400x512xf32>, vector<512x256xf32>, vector<400x256xf32> -> vector<400x256xf32>
    %get3A_24 = arith.constant 0 : index
    %get3A_25 = arith.constant 0 : index
    %get3A_26 = vector.load %arg6[%get3A_24, %get3A_25] : memref<1x256xf32, #tpu.memory_space<vmem>>, vector<1x256xf32>
    %add3A_27 = vector.broadcast %get3A_26 : vector<1x256xf32> to vector<400x256xf32>
    %add3A_28 = arith.addf %dot_general3A_23, %add3A_27 : vector<400x256xf32>
    %max3A_29 = arith.constant 0.000000e+00 : f32
    %max3A_30 = vector.broadcast %max3A_29 : f32 to vector<400x256xf32>
    %max3A_31 = arith.maximumf %add3A_28, %max3A_30 : vector<400x256xf32>
    %slice3A_32 = vector.extract_strided_slice %max3A_31 {offsets = [0, 0], sizes = [400, 128], strides = [1, 1]} : vector<400x256xf32> to vector<400x128xf32>
    %swap3A = arith.constant 0 : index
    %swap3A_33 = arith.constant 0 : index
    %swap3A_34 = arith.constant 0 : index
    %swap3A_35 = vector.load %arg7[%swap3A, %swap3A_33, %swap3A_34] : memref<2x400x128xf32, #tpu.memory_space<vmem>>, vector<1x400x128xf32>
    %swap3A_36 = vector.shape_cast %swap3A_35 : vector<1x400x128xf32> to vector<400x128xf32>
    %swap3A_37 = vector.shape_cast %slice3A_32 : vector<400x128xf32> to vector<1x400x128xf32>
    tpu.vector_store %arg7[%swap3A, %swap3A_33, %swap3A_34], %swap3A_37 {strides = array<i32>} : memref<2x400x128xf32, #tpu.memory_space<vmem>>, vector<1x400x128xf32>,
    %slice3A_38 = vector.extract_strided_slice %max3A_31 {offsets = [0, 128], sizes = [400, 128], strides = [1, 1]} : vector<400x256xf32> to vector<400x128xf32>
    %swap3A_39 = arith.constant 1 : index
    %swap3A_40 = arith.constant 0 : index
    %swap3A_41 = arith.constant 0 : index
    %swap3A_42 = vector.load %arg7[%swap3A_39, %swap3A_40, %swap3A_41] : memref<2x400x128xf32, #tpu.memory_space<vmem>>, vector<1x400x128xf32>
    %swap3A_43 = vector.shape_cast %swap3A_42 : vector<1x400x128xf32> to vector<400x128xf32>
    %swap3A_44 = vector.shape_cast %slice3A_38 : vector<400x128xf32> to vector<1x400x128xf32>
    tpu.vector_store %arg7[%swap3A_39, %swap3A_40, %swap3A_41], %swap3A_44 {strides = array<i32>} : memref<2x400x128xf32, #tpu.memory_space<vmem>>, vector<1x400x128xf32>,
    return
  }
  func.func @transform_0(%arg0: i32) -> (i32, i32) {
    %c0_i32 = arith.constant 0 : i32
    %c0_i32_0 = arith.constant 0 : i32
    return %arg0, %c0_i32 : i32, i32
  }
  func.func @transform_1(%arg0: i32) -> (i32, i32) {
    %add3A = arith.constant 25 : i32
    %add3A_0 = arith.addi %add3A, %arg0 : i32
    %c0_i32 = arith.constant 0 : i32
    %c0_i32_1 = arith.constant 0 : i32
    return %add3A_0, %c0_i32 : i32, i32
  }
  func.func @transform_2(%arg0: i32) -> (i32, i32) {
    %c0_i32 = arith.constant 0 : i32
    %c0_i32_0 = arith.constant 0 : i32
    %c0_i32_1 = arith.constant 0 : i32
    return %c0_i32, %c0_i32_0 : i32, i32
  }
  func.func @transform_3(%arg0: i32) -> (i32, i32) {
    %c0_i32 = arith.constant 0 : i32
    %c0_i32_0 = arith.constant 0 : i32
    %c0_i32_1 = arith.constant 0 : i32
    return %c0_i32, %c0_i32_0 : i32, i32
  }
  func.func @transform_4(%arg0: i32) -> (i32, i32) {
    %c0_i32 = arith.constant 0 : i32
    %c0_i32_0 = arith.constant 0 : i32
    %c0_i32_1 = arith.constant 0 : i32
    return %c0_i32, %c0_i32_0 : i32, i32
  }
  func.func @transform_5(%arg0: i32) -> (i32, i32) {
    %c0_i32 = arith.constant 0 : i32
    %c0_i32_0 = arith.constant 0 : i32
    %c0_i32_1 = arith.constant 0 : i32
    return %c0_i32, %c0_i32_0 : i32, i32
  }
  func.func @transform_6(%arg0: i32) -> (i32, i32, i32) {
    %c0_i32 = arith.constant 0 : i32
    %c0_i32_0 = arith.constant 0 : i32
    %c0_i32_1 = arith.constant 0 : i32
    return %c0_i32, %arg0, %c0_i32_0 : i32, i32, i32
  }
}

module attributes {stable_mosaic.version = 14 : i64} {
  func.func @_pool_head_body(%arg0: i32, %arg1: memref<1x1x400xi32, #tpu.memory_space<vmem>>, %arg2: memref<400x128xf32, #tpu.memory_space<vmem>>, %arg3: memref<400x128xf32, #tpu.memory_space<vmem>>, %arg4: memref<256x128xf32, #tpu.memory_space<vmem>>, %arg5: memref<1x128xf32, #tpu.memory_space<vmem>>, %arg6: memref<128x15xf32, #tpu.memory_space<vmem>>, %arg7: memref<1x15xf32, #tpu.memory_space<vmem>>, %arg8: memref<64x15xf32, #tpu.memory_space<vmem>>, %arg9: memref<2x64x128xf32, #tpu.memory_space<vmem>>, %arg10: memref<64x128xf32, #tpu.memory_space<vmem>>) attributes {dimension_semantics = [#tpu.dimension_semantics<arbitrary>], iteration_bounds = array<i64: 25>, scalar_prefetch = 0 : i64, scratch_operands = 2 : i64, tpu.core_type = #tpu.core_type<tc>, window_params = [{transform_indices = @transform_0, window_bounds = array<i64: 1, 1, 400>}, {transform_indices = @transform_1, window_bounds = array<i64: 400, 128>}, {transform_indices = @transform_2, window_bounds = array<i64: 400, 128>}, {pipeline_mode = #tpu.pipeline_mode<synchronous>, transform_indices = @transform_3, window_bounds = array<i64: 256, 128>}, {pipeline_mode = #tpu.pipeline_mode<synchronous>, transform_indices = @transform_4, window_bounds = array<i64: 1, 128>}, {pipeline_mode = #tpu.pipeline_mode<synchronous>, transform_indices = @transform_5, window_bounds = array<i64: 128, 15>}, {pipeline_mode = #tpu.pipeline_mode<synchronous>, transform_indices = @transform_6, window_bounds = array<i64: 1, 15>}, {pipeline_mode = #tpu.pipeline_mode<synchronous>, transform_indices = @transform_7, window_bounds = array<i64: 64, 15>}]} {
    %eq3A = arith.constant 0 : i32
    %eq3A_0 = arith.cmpi eq, %arg0, %eq3A : i32
    %convert_element_type3A = arith.extui %eq3A_0 : i1 to i32
    %cond3A = arith.constant 0 : i32
    %cond3A_1 = arith.cmpi ne, %convert_element_type3A, %cond3A : i32
    scf.if %cond3A_1 {
      %broadcast_in_dim3A_56 = arith.constant 0.000000e+00 : f32
      %broadcast_in_dim3A_57 = vector.broadcast %broadcast_in_dim3A_56 : f32 to vector<2x64x128xf32>
      %swap3A_58 = arith.constant 0 : index
      %swap3A_59 = arith.constant 0 : index
      %swap3A_60 = arith.constant 0 : index
      %swap3A_61 = vector.load %arg9[%swap3A_58, %swap3A_59, %swap3A_60] : memref<2x64x128xf32, #tpu.memory_space<vmem>>, vector<2x64x128xf32>
      tpu.vector_store %arg9[%swap3A_58, %swap3A_59, %swap3A_60], %broadcast_in_dim3A_57 {strides = array<i32>} : memref<2x64x128xf32, #tpu.memory_space<vmem>>, vector<2x64x128xf32>,
      %broadcast_in_dim3A_62 = arith.constant 0.000000e+00 : f32
      %broadcast_in_dim3A_63 = vector.broadcast %broadcast_in_dim3A_62 : f32 to vector<64x128xf32>
      %swap3A_64 = arith.constant 0 : index
      %swap3A_65 = arith.constant 0 : index
      %swap3A_66 = vector.load %arg10[%swap3A_64, %swap3A_65] : memref<64x128xf32, #tpu.memory_space<vmem>>, vector<64x128xf32>
      tpu.vector_store %arg10[%swap3A_64, %swap3A_65], %broadcast_in_dim3A_63 {strides = array<i32>} : memref<64x128xf32, #tpu.memory_space<vmem>>, vector<64x128xf32>,
    } else {
    }
    %get3A = arith.constant 0 : index
    %get3A_2 = arith.constant 0 : index
    %get3A_3 = arith.constant 0 : index
    %get3A_4 = vector.load %arg1[%get3A, %get3A_2, %get3A_3] : memref<1x1x400xi32, #tpu.memory_space<vmem>>, vector<1x1x400xi32>
    %get3A_5 = vector.shape_cast %get3A_4 : vector<1x1x400xi32> to vector<1x400xi32>
    %iota3A = tpu.iota {dimensions = array<i32: 0>} : vector<64x400xi32>
    %eq3A_6 = vector.broadcast %get3A_5 : vector<1x400xi32> to vector<64x400xi32>
    %eq3A_7 = arith.cmpi eq, %eq3A_6, %iota3A : vector<64x400xi32>
    %convert_element_type3A_8 = arith.extui %eq3A_7 : vector<64x400xi1> to vector<64x400xi32>
    %convert_element_type3A_9 = arith.sitofp %convert_element_type3A_8 : vector<64x400xi32> to vector<64x400xf32>
    %get3A_10 = arith.constant 0 : index
    %get3A_11 = arith.constant 0 : index
    %get3A_12 = arith.constant 0 : index
    %get3A_13 = vector.load %arg9[%get3A_10, %get3A_11, %get3A_12] : memref<2x64x128xf32, #tpu.memory_space<vmem>>, vector<1x64x128xf32>
    %get3A_14 = vector.shape_cast %get3A_13 : vector<1x64x128xf32> to vector<64x128xf32>
    %get3A_15 = arith.constant 0 : index
    %get3A_16 = arith.constant 0 : index
    %get3A_17 = vector.load %arg2[%get3A_15, %get3A_16] : memref<400x128xf32, #tpu.memory_space<vmem>>, vector<400x128xf32>
    %dot_general3A = arith.constant dense<0.000000e+00> : vector<64x128xf32>
    %dot_general3A_18 = tpu.matmul %convert_element_type3A_9, %get3A_17, %dot_general3A {dimension_numbers = #tpu.dot_dimension_numbers<[1], [0], [0], [1], [0, 0, 1, 1], [], []>, transpose_lhs_hint = false} : vector<64x400xf32>, vector<400x128xf32>, vector<64x128xf32> -> vector<64x128xf32>
    %add3A = arith.addf %get3A_14, %dot_general3A_18 : vector<64x128xf32>
    %swap3A = arith.constant 0 : index
    %swap3A_19 = arith.constant 0 : index
    %swap3A_20 = arith.constant 0 : index
    %swap3A_21 = vector.load %arg9[%swap3A, %swap3A_19, %swap3A_20] : memref<2x64x128xf32, #tpu.memory_space<vmem>>, vector<1x64x128xf32>
    %swap3A_22 = vector.shape_cast %swap3A_21 : vector<1x64x128xf32> to vector<64x128xf32>
    %swap3A_23 = vector.shape_cast %add3A : vector<64x128xf32> to vector<1x64x128xf32>
    tpu.vector_store %arg9[%swap3A, %swap3A_19, %swap3A_20], %swap3A_23 {strides = array<i32>} : memref<2x64x128xf32, #tpu.memory_space<vmem>>, vector<1x64x128xf32>,
    %get3A_24 = arith.constant 1 : index
    %get3A_25 = arith.constant 0 : index
    %get3A_26 = arith.constant 0 : index
    %get3A_27 = vector.load %arg9[%get3A_24, %get3A_25, %get3A_26] : memref<2x64x128xf32, #tpu.memory_space<vmem>>, vector<1x64x128xf32>
    %get3A_28 = vector.shape_cast %get3A_27 : vector<1x64x128xf32> to vector<64x128xf32>
    %get3A_29 = arith.constant 0 : index
    %get3A_30 = arith.constant 0 : index
    %get3A_31 = vector.load %arg3[%get3A_29, %get3A_30] : memref<400x128xf32, #tpu.memory_space<vmem>>, vector<400x128xf32>
    %dot_general3A_32 = arith.constant dense<0.000000e+00> : vector<64x128xf32>
    %dot_general3A_33 = tpu.matmul %convert_element_type3A_9, %get3A_31, %dot_general3A_32 {dimension_numbers = #tpu.dot_dimension_numbers<[1], [0], [0], [1], [0, 0, 1, 1], [], []>, transpose_lhs_hint = false} : vector<64x400xf32>, vector<400x128xf32>, vector<64x128xf32> -> vector<64x128xf32>
    %add3A_34 = arith.addf %get3A_28, %dot_general3A_33 : vector<64x128xf32>
    %swap3A_35 = arith.constant 1 : index
    %swap3A_36 = arith.constant 0 : index
    %swap3A_37 = arith.constant 0 : index
    %swap3A_38 = vector.load %arg9[%swap3A_35, %swap3A_36, %swap3A_37] : memref<2x64x128xf32, #tpu.memory_space<vmem>>, vector<1x64x128xf32>
    %swap3A_39 = vector.shape_cast %swap3A_38 : vector<1x64x128xf32> to vector<64x128xf32>
    %swap3A_40 = vector.shape_cast %add3A_34 : vector<64x128xf32> to vector<1x64x128xf32>
    tpu.vector_store %arg9[%swap3A_35, %swap3A_36, %swap3A_37], %swap3A_40 {strides = array<i32>} : memref<2x64x128xf32, #tpu.memory_space<vmem>>, vector<1x64x128xf32>,
    %get3A_41 = arith.constant 0 : index
    %get3A_42 = arith.constant 0 : index
    %get3A_43 = vector.load %arg10[%get3A_41, %get3A_42] : memref<64x128xf32, #tpu.memory_space<vmem>>, vector<64x128xf32>
    %reduce_sum3A = arith.constant dense<0.000000e+00> : vector<64xf32>
    %reduce_sum3A_44 = vector.multi_reduction <add>, %convert_element_type3A_9, %reduce_sum3A [1] : vector<64x400xf32> to vector<64xf32>
    %broadcast_in_dim3A = vector.shape_cast %reduce_sum3A_44 : vector<64xf32> to vector<64x1xf32>
    %broadcast_in_dim3A_45 = vector.shape_cast %broadcast_in_dim3A : vector<64x1xf32> to vector<64x1xf32>
    %broadcast_in_dim3A_46 = vector.broadcast %broadcast_in_dim3A_45 : vector<64x1xf32> to vector<64x128xf32>
    %add3A_47 = arith.addf %get3A_43, %broadcast_in_dim3A_46 : vector<64x128xf32>
    %swap3A_48 = arith.constant 0 : index
    %swap3A_49 = arith.constant 0 : index
    %swap3A_50 = vector.load %arg10[%swap3A_48, %swap3A_49] : memref<64x128xf32, #tpu.memory_space<vmem>>, vector<64x128xf32>
    tpu.vector_store %arg10[%swap3A_48, %swap3A_49], %add3A_47 {strides = array<i32>} : memref<64x128xf32, #tpu.memory_space<vmem>>, vector<64x128xf32>,
    %eq3A_51 = arith.constant 24 : i32
    %eq3A_52 = arith.cmpi eq, %arg0, %eq3A_51 : i32
    %convert_element_type3A_53 = arith.extui %eq3A_52 : i1 to i32
    %cond3A_54 = arith.constant 0 : i32
    %cond3A_55 = arith.cmpi ne, %convert_element_type3A_53, %cond3A_54 : i32
    scf.if %cond3A_55 {
      %get3A_56 = arith.constant 0 : index
      %get3A_57 = arith.constant 0 : index
      %get3A_58 = vector.load %arg10[%get3A_56, %get3A_57] : memref<64x128xf32, #tpu.memory_space<vmem>>, vector<64x128xf32>
      %max3A = arith.constant 1.000000e+00 : f32
      %max3A_59 = vector.broadcast %max3A : f32 to vector<64x128xf32>
      %max3A_60 = arith.maximumf %get3A_58, %max3A_59 : vector<64x128xf32>
      %get3A_61 = arith.constant 0 : index
      %get3A_62 = arith.constant 0 : index
      %get3A_63 = arith.constant 0 : index
      %get3A_64 = vector.load %arg9[%get3A_61, %get3A_62, %get3A_63] : memref<2x64x128xf32, #tpu.memory_space<vmem>>, vector<1x64x128xf32>
      %get3A_65 = vector.shape_cast %get3A_64 : vector<1x64x128xf32> to vector<64x128xf32>
      %div3A = arith.divf %get3A_65, %max3A_60 : vector<64x128xf32>
      %get3A_66 = arith.constant 1 : index
      %get3A_67 = arith.constant 0 : index
      %get3A_68 = arith.constant 0 : index
      %get3A_69 = vector.load %arg9[%get3A_66, %get3A_67, %get3A_68] : memref<2x64x128xf32, #tpu.memory_space<vmem>>, vector<1x64x128xf32>
      %get3A_70 = vector.shape_cast %get3A_69 : vector<1x64x128xf32> to vector<64x128xf32>
      %div3A_71 = arith.divf %get3A_70, %max3A_60 : vector<64x128xf32>
      %get3A_72 = arith.constant 0 : index
      %get3A_73 = arith.constant 0 : index
      %get3A_74 = vector.load %arg4[%get3A_72, %get3A_73] : memref<256x128xf32, #tpu.memory_space<vmem>>, vector<256x128xf32>
      %slice3A = vector.extract_strided_slice %get3A_74 {offsets = [0, 0], sizes = [128, 128], strides = [1, 1]} : vector<256x128xf32> to vector<128x128xf32>
      %dot_general3A_75 = arith.constant dense<0.000000e+00> : vector<64x128xf32>
      %dot_general3A_76 = tpu.matmul %div3A, %slice3A, %dot_general3A_75 {dimension_numbers = #tpu.dot_dimension_numbers<[1], [0], [0], [1], [0, 0, 1, 1], [], []>, transpose_lhs_hint = false} : vector<64x128xf32>, vector<128x128xf32>, vector<64x128xf32> -> vector<64x128xf32>
      %slice3A_77 = vector.extract_strided_slice %get3A_74 {offsets = [128, 0], sizes = [128, 128], strides = [1, 1]} : vector<256x128xf32> to vector<128x128xf32>
      %dot_general3A_78 = arith.constant dense<0.000000e+00> : vector<64x128xf32>
      %dot_general3A_79 = tpu.matmul %div3A_71, %slice3A_77, %dot_general3A_78 {dimension_numbers = #tpu.dot_dimension_numbers<[1], [0], [0], [1], [0, 0, 1, 1], [], []>, transpose_lhs_hint = false} : vector<64x128xf32>, vector<128x128xf32>, vector<64x128xf32> -> vector<64x128xf32>
      %add3A_80 = arith.addf %dot_general3A_76, %dot_general3A_79 : vector<64x128xf32>
      %get3A_81 = arith.constant 0 : index
      %get3A_82 = arith.constant 0 : index
      %get3A_83 = vector.load %arg5[%get3A_81, %get3A_82] : memref<1x128xf32, #tpu.memory_space<vmem>>, vector<1x128xf32>
      %add3A_84 = vector.broadcast %get3A_83 : vector<1x128xf32> to vector<64x128xf32>
      %add3A_85 = arith.addf %add3A_80, %add3A_84 : vector<64x128xf32>
      %max3A_86 = arith.constant 0.000000e+00 : f32
      %max3A_87 = vector.broadcast %max3A_86 : f32 to vector<64x128xf32>
      %max3A_88 = arith.maximumf %add3A_85, %max3A_87 : vector<64x128xf32>
      %get3A_89 = arith.constant 0 : index
      %get3A_90 = arith.constant 0 : index
      %get3A_91 = vector.load %arg6[%get3A_89, %get3A_90] : memref<128x15xf32, #tpu.memory_space<vmem>>, vector<128x15xf32>
      %dot_general3A_92 = arith.constant dense<0.000000e+00> : vector<64x15xf32>
      %dot_general3A_93 = tpu.matmul %max3A_88, %get3A_91, %dot_general3A_92 {dimension_numbers = #tpu.dot_dimension_numbers<[1], [0], [0], [1], [0, 0, 1, 1], [], []>, transpose_lhs_hint = false} : vector<64x128xf32>, vector<128x15xf32>, vector<64x15xf32> -> vector<64x15xf32>
      %get3A_94 = arith.constant 0 : index
      %get3A_95 = arith.constant 0 : index
      %get3A_96 = vector.load %arg7[%get3A_94, %get3A_95] : memref<1x15xf32, #tpu.memory_space<vmem>>, vector<1x15xf32>
      %add3A_97 = vector.broadcast %get3A_96 : vector<1x15xf32> to vector<64x15xf32>
      %add3A_98 = arith.addf %dot_general3A_93, %add3A_97 : vector<64x15xf32>
      %swap3A_99 = arith.constant 0 : index
      %swap3A_100 = arith.constant 0 : index
      %swap3A_101 = vector.load %arg8[%swap3A_99, %swap3A_100] : memref<64x15xf32, #tpu.memory_space<vmem>>, vector<64x15xf32>
      tpu.vector_store %arg8[%swap3A_99, %swap3A_100], %add3A_98 {strides = array<i32>} : memref<64x15xf32, #tpu.memory_space<vmem>>, vector<64x15xf32>,
    } else {
    }
    return
  }
  func.func @transform_0(%arg0: i32) -> (i32, i32, i32) {
    %c0_i32 = arith.constant 0 : i32
    %c0_i32_0 = arith.constant 0 : i32
    %c0_i32_1 = arith.constant 0 : i32
    return %arg0, %c0_i32, %c0_i32_0 : i32, i32, i32
  }
  func.func @transform_1(%arg0: i32) -> (i32, i32) {
    %c0_i32 = arith.constant 0 : i32
    %c0_i32_0 = arith.constant 0 : i32
    return %arg0, %c0_i32 : i32, i32
  }
  func.func @transform_2(%arg0: i32) -> (i32, i32) {
    %add3A = arith.constant 25 : i32
    %add3A_0 = arith.addi %add3A, %arg0 : i32
    %c0_i32 = arith.constant 0 : i32
    %c0_i32_1 = arith.constant 0 : i32
    return %add3A_0, %c0_i32 : i32, i32
  }
  func.func @transform_3(%arg0: i32) -> (i32, i32) {
    %c0_i32 = arith.constant 0 : i32
    %c0_i32_0 = arith.constant 0 : i32
    %c0_i32_1 = arith.constant 0 : i32
    return %c0_i32, %c0_i32_0 : i32, i32
  }
  func.func @transform_4(%arg0: i32) -> (i32, i32) {
    %c0_i32 = arith.constant 0 : i32
    %c0_i32_0 = arith.constant 0 : i32
    %c0_i32_1 = arith.constant 0 : i32
    return %c0_i32, %c0_i32_0 : i32, i32
  }
  func.func @transform_5(%arg0: i32) -> (i32, i32) {
    %c0_i32 = arith.constant 0 : i32
    %c0_i32_0 = arith.constant 0 : i32
    %c0_i32_1 = arith.constant 0 : i32
    return %c0_i32, %c0_i32_0 : i32, i32
  }
  func.func @transform_6(%arg0: i32) -> (i32, i32) {
    %c0_i32 = arith.constant 0 : i32
    %c0_i32_0 = arith.constant 0 : i32
    %c0_i32_1 = arith.constant 0 : i32
    return %c0_i32, %c0_i32_0 : i32, i32
  }
  func.func @transform_7(%arg0: i32) -> (i32, i32) {
    %c0_i32 = arith.constant 0 : i32
    %c0_i32_0 = arith.constant 0 : i32
    %c0_i32_1 = arith.constant 0 : i32
    return %c0_i32, %c0_i32_0 : i32, i32
  }
}

</mosaic_0001>

<sc_bundles>
// kernel: kernel.10.cloned.1.call-start
scs
__scs_entry_jumppad:
0x0: {  	(pc) =	sbr.rel $0x88, $3  }
0x1: {  	(tag) =	ssettag $0x0;
	lr =	simm.s32 $0x1  }
0x2: {  	[smem:$0x3F8B] =	sst lr;
	_ =	strace $0xD0000000  }
0x3: {  	_ = 	snop  }
0x4: {  	_ = 	snop  }
0x5: {  	_ = 	snop  }
0x6: {  	_ = 	snop  }
0x7: {  	_ = 	snop  }
__scs_overlays_trampoline_lowered:
0x8: {  	[smem:$0x3F9A] =	sst s0  }
0x9: {  	[smem:$0x3F9B] =	sst s1  }
0xa: {  	[smem:$0x3F9C] =	sst s2  }
0xb: {  	[smem:$0x3F9D] =	sst s3  }
0xc: {  	[smem:$0x3F9E] =	sst s4  }
0xd: {  	[smem:$0x3F9F] =	sst s5  }
0xe: {  	[smem:$0x3FA0] =	sst s6  }
0xf: {  	[smem:$0x3FA1] =	sst s7  }
0x10: {  	[smem:$0x3FA2] =	sst s8  }
0x11: {  	[smem:$0x3FA3] =	sst s9;
	s0 =	simm.s32 @!p0 $0x0  }
0x12: {  	s1 =	sld [smem:$0x3F89];
	s0 =	simm.s32 @p0 $0x1  }
0x13: {  	[smem:$0x3FA4] =	sst s0;
	s0 =	simm.s32 @!p1 $0x0  }
0x14: {  	s2 =	sld [smem:$0x3F88];
	s0 =	simm.s32 @p1 $0x1  }
0x15: {  	[smem:$0x3FA5] =	sst s0;
	s0 =	simm.s32 @!p2 $0x0  }
0x16: {  	s3 =	sld [smem:$0x3FDB];
	s0 =	simm.s32 @p2 $0x1  }
0x17: {  	s4 =	simm.s32 $0x1BF5;
	[smem:$0x3FA7] =	sst s0  }
0x18: {  	s0 =	sld [smem:$0x3F8A];
	_ =	swait.ge [sflag:s4], $0x0  }
0x19: {  	s7 =	sld [smem:$0x3F8B]  }
0x1a: {  	s8 =	sadd.s32 $0xFFFFE003, lr  }
0x1b: {  	s9 =	sadd.s32 $0xFFFFFEF7, lr;
	s5 =	simm.s32 $0xFFFFFFFF;
	p2 =	slt.u32 s8, $0xFFFFF086  }
0x1c: {  	p1 =	slt.u32 s9, $0xF7A;
	s5 =	simm.s32 @!p2 $0x0  }
0x1d: {  	s5 =	simm.s32 @p1 $0x1;
	p0 =	seq.s32 s7, s2  }
0x1e: {  	s7 =	smul.u32 @!p0 $0xF7A, s2;
	p2 =	seq.s32 @!p0 s5, $0x0  }
0x1f: {  	s9 =	smul.u32 $0xF7A, s1;
	s8 =	simm.s32 @!p0 $0x1BF5;
	p2 =	por !p2, p0  }
0x20: {  	[sflag:s8] =	ssyncset.s32 @!p0 $0xFFFFF086;
	s6 =	sadd.s32 @!p0 s3, s7;
	s7 =	simm.s32 @!p0 $0x108  }
0x21: {  	s3 =	sadd.s32 s3, s9;
	s6 =	sadd.s32 @!p0 $0x88, s6;
	s7 =	simm.s32 @p2 $0x1082  }
0x22: {  	[simem:s7], [sflag:s8] =	dma.local @!p0 [hbm:s6], $0xF7A  }
0x23: {  	s9 =	sor.u32 $0xD0000000, s2;
	s6 =	simm.s32 $0x108;
	_ =	swait.ge @!p0 [sflag:s8], $0x0  }
0x24: {  	s3 =	sadd.s32 $0x88, s3;
	s6 =	simm.s32 @!p1 $0x1082;
	[sflag:s4] =	ssyncset.s32 $0xFFFFF086  }
0x25: {  	[simem:s6], [sflag:s4] =	dma.local [hbm:s3], $0xF7A  }
0x26: {  	[smem:$0x3F8B] =	sst s1;
	(tag) =	ssettag s2;
	_ =	strace s9  }
0x27: {  	s1 =	sld [smem:$0x3F9B]  }
0x28: {  	s2 =	sld [smem:$0x3F9C]  }
0x29: {  	s4 =	sld [smem:$0x3F9E]  }
0x2a: {  	p0 =	seq.s32 s5, $0x0;
	s5 =	sld [smem:$0x3F9F]  }
0x2b: {  	s6 =	sld [smem:$0x3FA0]  }
0x2c: {  	s7 =	sld [smem:$0x3FA1]  }
0x2d: {  	s3 =	simm.s32 $0x108;
	s8 =	sld [smem:$0x3FA2]  }
0x2e: {  	s3 =	simm.s32 @!p0 $0x1082;
	s9 =	sld [smem:$0x3FA3]  }
0x2f: {  	lr =	sadd.s32 s0, s3;
	s0 =	sld [smem:$0x3F9A]  }
0x30: {  	s3 =	sld [smem:$0x3F9D]  }
0x31: {  	[smem:$0x3FA6] =	sst s10  }
0x32: {  	s10 =	sld [smem:$0x3FA4];
	_ =	sdelay $0x3  }
0x33: {  	p0 =	seq.s32 s10, $0x1;
	s10 =	sld [smem:$0x3FA6];
	_ =	sdelay $0x3  }
0x34: {  	[smem:$0x3FA6] =	sst s10  }
0x35: {  	s10 =	sld [smem:$0x3FA5];
	_ =	sdelay $0x3  }
0x36: {  	p1 =	seq.s32 s10, $0x1;
	s10 =	sld [smem:$0x3FA6];
	_ =	sdelay $0x3  }
0x37: {  	[smem:$0x3FA6] =	sst s10  }
0x38: {  	s10 =	sld [smem:$0x3FA7]  }
0x39: {  	_ = 	snop;
	(pc) =	sbr.ind lr, $3  }
0x3a: {  	_ = 	snop  }
0x3b: {  	_ = 	snop  }
0x3c: {  	p2 =	seq.s32 s10, $0x1;
	s10 =	sld [smem:$0x3FA6]  }
0x3d: {  	_ =	shalt  }
0x3e: {  	_ =	shalt  }
0x3f: {  	_ =	shalt  }
0x40: {  	_ =	shalt  }
0x41: {  	_ =	shalt  }
0x42: {  	_ =	shalt  }
0x43: {  	_ =	shalt  }
0x44: {  	_ =	shalt  }
0x45: {  	_ =	shalt  }
0x46: {  	_ =	shalt  }
0x47: {  	_ =	shalt  }
0x48: {  	_ =	shalt  }
0x49: {  	_ =	shalt  }
0x4a: {  	_ =	shalt  }
0x4b: {  	_ =	shalt  }
0x4c: {  	_ =	shalt  }
0x4d: {  	_ =	shalt  }
0x4e: {  	_ =	shalt  }
0x4f: {  	_ =	shalt  }
0x50: {  	_ =	shalt  }
0x51: {  	_ =	shalt  }
0x52: {  	_ =	shalt  }
0x53: {  	_ =	shalt  }
0x54: {  	_ =	shalt  }
0x55: {  	_ =	shalt  }
0x56: {  	_ =	shalt  }
0x57: {  	_ =	shalt  }
0x58: {  	_ =	shalt  }
0x59: {  	_ =	shalt  }
0x5a: {  	_ =	shalt  }
0x5b: {  	_ =	shalt  }
0x5c: {  	_ =	shalt  }
0x5d: {  	_ =	shalt  }
0x5e: {  	_ =	shalt  }
0x5f: {  	_ =	shalt  }
0x60: {  	_ =	shalt  }
0x61: {  	_ =	shalt  }
0x62: {  	_ =	shalt  }
0x63: {  	_ =	shalt  }
0x64: {  	_ =	shalt  }
0x65: {  	_ =	shalt  }
0x66: {  	_ =	shalt  }
0x67: {  	_ =	shalt  }
0x68: {  	_ =	shalt  }
0x69: {  	_ =	shalt  }
0x6a: {  	_ =	shalt  }
0x6b: {  	_ =	shalt  }
0x6c: {  	_ =	shalt  }
0x6d: {  	_ =	shalt  }
0x6e: {  	_ =	shalt  }
0x6f: {  	_ =	shalt  }
0x70: {  	_ =	shalt  }
0x71: {  	_ =	shalt  }
0x72: {  	_ =	shalt  }
0x73: {  	_ =	shalt  }
0x74: {  	_ =	shalt  }
0x75: {  	_ =	shalt  }
0x76: {  	_ =	shalt  }
0x77: {  	_ =	shalt  }
0x78: {  	_ =	shalt  }
0x79: {  	_ =	shalt  }
0x7a: {  	_ =	shalt  }
0x7b: {  	_ =	shalt  }
0x7c: {  	_ =	shalt  }
0x7d: {  	_ =	shalt  }
0x7e: {  	_ =	shalt  }
0x7f: {  	_ =	shalt  }
0x80: {  	_ =	shalt  }
0x81: {  	_ =	shalt  }
0x82: {  	_ =	shalt  }
0x83: {  	_ =	shalt  }
0x84: {  	_ =	shalt  }
0x85: {  	_ =	shalt  }
0x86: {  	_ =	shalt  }
0x87: {  	_ =	shalt  }
.Lfunc_end0:
.L_simem_size_0:
called_computation_lowered:
.L_overlay_start_0:
0x88: {  	s2 =	sld [smem:$0x3FD9]  }
0x89: {  	s3 =	sld [smem:$0x3FFE];
	_ =	sdelay $0x1  }
0x8a: {  	s1 =	srdreg.scid  }
0x8b: {  	s0 =	sand.u32 $0x1, s1  }
0x8c: {  	s16 =	sshll.u32 s0, $0xA;
	s2 =	sadd.s32 s3, s2  }
0x8d: {  	s2 =	sadd.s32 s2, s16  }
0x8e: {  	[smem:$0x3FB2] =	sst s2  }
0x8f: {  	_ = 	snop  }
0x90: {  	(tm) =	ssettm $0x1  }
0x91: {  	s17 =	sld [smem:$0x3FFB];
	_ =	sdelay $0x3  }
0x92: {  	_ =	strace s17  }
0x93: {  	s2 =	sld [smem:$0x3FFC];
	_ =	sdelay $0x3  }
0x94: {  	_ =	strace s2  }
0x95: {  	s2 =	sld [smem:$0x3FFD];
	_ =	sdelay $0x3  }
0x96: {  	_ =	strace s2  }
0x97: {  	_ =	strace $0x8FFFFFFF  }
0x98: {  	s18 =	sld [smem:$0x3FDB];
	_ =	sdelay $0x1  }
0x99: {  	s19 =	simm.s32 $_scs_section_size  }
0x9a: {  	s4 =	simm.s32 $_size__tile_overlayer_lowered;
	s5 =	simm.s32 $_tile_overlayer_lowered  }
0x9b: {  	s22 =	simm.s32 $0x1BFF;
	s21 =	sshll.u32 s5, $0x1;
	s2 =	sadd.s32 s19, s18  }
0x9c: {  	s6 =	simm.s32 $0x0;
	s20 =	sshll.u32 s4, $0x1;
	s4 =	sadd.s32 s21, s2  }
0x9d: {  	[timem:s6], [sflag:s22] =	dma.local [hbm:s4], s20  }
0x9e: {  	_ =	swait.ge [sflag:s22], s20  }
0x9f: {  	s3 =	ssub.s32 $0x0, s20;
	[sflag:s22] =	ssyncset.done $0x0  }
0xa0: {  	[sflag:s22] =	ssyncadd.s32 s3;
	_ =	sdelay $0x1  }
0xa1: {  	s23 =	simm.s32 $0x1B8B  }
0xa2: {  	_ =	swait.ge [sflag:s23], $0x1  }
0xa3: {  	[sflag:s23] =	ssyncset.done $0x0  }
0xa4: {  	s25 =	simm.s32 $0x1B8E;
	s24 =	sld [smem:$0x3FFE];
	[sflag:s23] =	ssyncadd.s32 $0xFFFFFFFF  }
0xa5: {  	s26 =	simm.s32 $execute0_lowered;
	[smem:$0x3FD2] =	sst s25  }
0xa6: {  	s4 =	sshll.u32 s26, $0x1;
	_ =	strace $0x80000046;
	[dreg:$0x1] =	wrdreg $0xFFFFFFFF  }
0xa7: {  	s28 =	simm.s32 $_size_execute0_lowered;
	s2 =	sadd.s32 s2, s4;
	[dreg:$0x0] =	wrdreg $0x0  }
0xa8: {  	s4 =	sshll.u32 s28, $0x1;
	[dreg:$0x2] =	wrdreg s2  }
0xa9: {  	[dreg:$0x3] =	wrdreg s4  }
0xaa: {  	[dreg:$0x4] =	wrdreg $0xC0  }
0xab: {  	_ =	task [dreg:s6], $0x5FFFF  }
0xac: {  	[dreg:$0x1] =	wrdreg $0xFFFFFFFF  }
0xad: {  	[dreg:$0x0] =	wrdreg $0x60  }
0xae: {  	[dreg:$0x2] =	wrdreg s24  }
0xaf: {  	[dreg:$0x3] =	wrdreg $0x0  }
0xb0: {  	[dreg:$0x4] =	wrdreg $0x9  }
0xb1: {  	_ =	task.clear_ibuf [dreg:s6], $0x5FFFF;
	_ =	strace $0x90000046  }
0xb2: {  	s29 =	simm.s32 $0x9;
	_ =	strace $0x80000048  }
0xb3: {  	_ =	swait.ge [sflag:s29], $0x1  }
0xb4: {  	[sflag:s29] =	ssyncadd.s32 $0xFFFFFFFF  }
0xb5: {  	_ =	strace $0x90000048  }
0xb6: {  	_ =	sfence  }
0xb7: {  	s30 =	sld [smem:$0x0];
	_ =	sdelay $0x2  }
0xb8: {  	s31 =	sshll.u32 s1, $0xD;
	s1 =	sshrl.u32 s1, $0x2  }
0xb9: {  	s3 =	sand.u32 $0x4000, s31;
	s1 =	sadd.s32 s1, s30  }
0xba: {  	s0 =	sor.u32 s3, s0;
	s1 =	sshll.u32 s1, $0x11  }
0xbb: {  	s0 =	sor.u32 s1, s0  }
0xbc: {  	s0 =	sadd.s32 $0x8F2B, s0  }
0xbd: {  	[sflag:s0] =	ssyncadd.remote.s32 $0x1  }
0xbe: {  	_ =	sfence.sel $0xFFFF  }
0xbf: {  	[dreg:$0x0] =	wrdreg $0xFFFFFFFF;
	(pc) =	sbr.abs _section_cstart, $3  }
0xc0: {  	[dreg:$0x1] =	wrdreg $0xFFFFFFFF  }
0xc1: {  	_ =	task.clear_ibuf [dreg:s6], $0x2FFFF;
	_ =	strace $0x9FFFFFFF  }
0xc2: {  	(tm) =	ssettm $0x7FFFFFFF  }
0xc3: {  	_ =	shalt  }
tec
execute0_lowered:
.L_overlay_start_1:
0x0: {  	(tag) =	ssettag $0x1  }
0x1: {  	s0 =	rddreg [dreg:$0x0]  }
0x2: {  	s2 =	rddreg [dreg:$0x1]  }
0x3: {  	s1 =	srdreg.scid;
	s21 =	stileid.u32;
	s3 =	simm.s32 $0x0  }
0x4: {  	s28 =	simm.s32 $0x138E8;
	s29 =	simm.s32 $0x4;
	s30 =	simm.s32 $0x6  }
0x5: {  	s31 =	simm.s32 $0x139B8;
	s1 =	sand.u32 $0x1, s1;
	s6 =	smul.u32 $0x271, s21  }
0x6: {  	[smem:$0x7FF] =	sst s3;
	s8 =	sadd.s32 $0xED3400, s0;
	s11 =	smul.u32 $0x4E200, s21  }
0x7: {  	s4 =	sadd.s32 $0x50F400, s0;
	s7 =	smul.u32 $0x2710, s1;
	s10 =	ssub.s32 $0x2, s1  }
0x8: {  	s5 =	sadd.s32 $0x4E6A00, s0;
	_ =	strace $0x80000047;
	s23 =	sshrl.u32 s10, $0x1  }
0x9: {  	s24 =	sshrl.u32 s11, $0x2;
	s7 =	sadd.s32 s6, s7;
	s6 =	sadd.s32 $0xF21600, s0  }
0xa: {  	s9 =	sshll.u32 s7, $0x4;
	s25 =	sadd.s32 $0x64, s7;
	s26 =	sadd.s32 $0xC8, s7  }
0xb: {  	s13 =	sadd.s32 $0x12C, s7;
	s17 =	sadd.s32 $0x258, s7;
	s12 =	sadd.s32 s9, s0  }
0xc: {  	s0 =	ssub.s32 s10, s23;
	s9 =	sadd.s32 s8, s9;
	s14 =	sshll.u32 s25, $0x4  }
0xd: {  	s15 =	sshll.u32 s26, $0x4;
	s16 =	sshll.u32 s13, $0x4;
	s13 =	sshll.u32 s13, $0x3  }
0xe: {  	[dreg:$0x3] =	wrdreg s9;
	s14 =	sadd.s32 s8, s14;
	s19 =	sadd.s32 s8, s15  }
0xf: {  	s20 =	sadd.s32 s8, s16;
	s15 =	sadd.s32 $0x190, s7;
	[dreg:$0x4] =	wrdreg s14  }
0x10: {  	s16 =	sadd.s32 $0x1F4, s7;
	s7 =	sshll.u32 s7, $0x3;
	[dreg:$0x5] =	wrdreg s19  }
0x11: {  	s9 =	sshll.u32 s17, $0x3;
	s0 =	smax.u32 s0, $0x1;
	[dreg:$0x6] =	wrdreg s20  }
0x12: {  	s22 =	sshll.u32 s15, $0x4;
	s18 =	sshll.u32 s16, $0x4;
	s19 =	sshll.u32 s17, $0x4  }
0x13: {  	s7 =	sadd.s32 s6, s7;
	s20 =	smul.u32 $0x4E200, s1;
	[dreg:$0x16] =	wrdreg s0  }
0x14: {  	s17 =	sadd.s32 $0xF48800, s12;
	s12 =	simm.s32 $0x13A20;
	[dreg:$0xb] =	wrdreg s7  }
0x15: {  	s14 =	sadd.s32 s8, s22;
	s23 =	sadd.s32 s8, s18;
	[dreg:$0x15] =	wrdreg s17  }
0x16: {  	s8 =	sadd.s32 s8, s19;
	s18 =	sadd.s32 s24, s2;
	[dreg:$0x7] =	wrdreg s14  }
0x17: {  	s24 =	sshll.u32 s25, $0x3;
	s25 =	sshll.u32 s26, $0x3;
	[dreg:$0x8] =	wrdreg s23  }
0x18: {  	s26 =	smul.u32 $0xC80, s1;
	s22 =	sadd.s32 s6, s13;
	[dreg:$0x9] =	wrdreg s8  }
0x19: {  	s17 =	simm.s32 $0x16C20;
	s14 =	smul.u32 $0xC8, s21;
	[dreg:$0xe] =	wrdreg s22  }
0x1a: {  	s8 =	sadd.s32 s6, s24;
	s11 =	sadd.s32 s6, s25;
	[dreg:$0xa] =	wrdreg s18  }
0x1b: {  	s23 =	sshll.u32 s15, $0x3;
	s25 =	sshll.u32 s16, $0x3;
	[dreg:$0xc] =	wrdreg s8  }
0x1c: {  	s22 =	sadd.s32 $0x6400, s18;
	[dreg:$0xd] =	wrdreg s11;
	s1 =	sadd.s32 s6, s23  }
0x1d: {  	[dreg:$0x18] =	wrdreg s22;
	s23 =	sadd.s32 $0x9600, s18;
	s22 =	simm.s32 $0x64  }
0x1e: {  	s19 =	sadd.s32 s14, s26;
	[dreg:$0xf] =	wrdreg s1;
	s26 =	smul.u32 $0x4E20, s21  }
0x1f: {  	s1 =	sadd.s32 s6, s25;
	s21 =	sadd.s32 $0x3200, s18;
	[dreg:$0x19] =	wrdreg s23  }
0x20: {  	s25 =	sadd.s32 $0xFA00, s18;
	s24 =	smul.u32 $0xD0, s19;
	[dreg:$0x10] =	wrdreg s1  }
0x21: {  	s23 =	simm.s32 $0x2;
	s10 =	smul.u32 $0x1A, s19;
	[dreg:$0x17] =	wrdreg s21  }
0x22: {  	s1 =	sadd.s32 s6, s9;
	[dreg:$0x1b] =	wrdreg s25;
	s25 =	simm.s32 $0x3  }
0x23: {  	[dreg:$0x11] =	wrdreg s1;
	s13 =	sadd.s32 s26, s20;
	s26 =	sadd.s32 $0x12C00, s18  }
0x24: {  	s11 =	sshrl.u32 s24, $0x3;
	s15 =	sadd.s32 s5, s10;
	s7 =	sshll.u32 s13, $0x4  }
0x25: {  	s24 =	sadd.s32 $0xC800, s18;
	[dreg:$0x1c] =	wrdreg s26;
	s10 =	sor.u32 $0x1, s14  }
.Ltmp0:
0x26: {  	s13 =	simm.s32 $0x9;
	s18 =	simm.s32 $0x13950;
	(pc) =	sbr.rel .LBB2_1-.Ltmp0, $4  }
0x27: {  	s26 =	simm.s32 $0x5;
	[dreg:$0x12] =	wrdreg s15;
	s1 =	sadd.s32 s5, s11  }
0x28: {  	s16 =	sadd.s32 s4, s7;
	[dreg:$0x1a] =	wrdreg s24;
	s11 =	sor.u32 $0x3, s19  }
0x29: {  	s24 =	simm.s32 $0x1B720;
	s1 =	sadd.s32 $0x1A, s1;
	[dreg:$0x14] =	wrdreg s16  }
0x2a: {  	s16 =	simm.s32 $0x19E20;
	[dreg:$0x13] =	wrdreg s1;
	s1 =	simm.s32 $0x0  }
.LBB2_22:
0x2b: {  	s0 =	simm.s32 $0x8  }
0x2c: {  	_ =	swait.ge [sflag:s0], $0x3200  }
0x2d: {  	[sflag:s0] =	ssyncset.done $0x0  }
0x2e: {  	[sflag:s0] =	ssyncadd.s32 $0xFFFFCE00  }
0x2f: {  	s15 =	stileid.u32;
	[bflag:$0x0] =	sbarrier.arrive $0xFFFF  }
0x30: {  	s0 =	sshll.u32 s15, $0x6;
	s7 =	rddreg [dreg:$0xa]  }
0x31: {  	s0 =	sor.u32 $0x1C09, s0;
	s8 =	rddreg [dreg:$0x15];
	s7 =	sshrl.u32 s7, $0x3  }
0x32: {  	[hbm:s8], [sflag:s0] =	dma.local [spmem:s7], $0x2710  }
0x33: {  	_ =	swait.ge [sflag:s13], $0x2710  }
0x34: {  	s1 =	sadd.s32 $0x1, s1;
	s21 =	rddreg [dreg:$0x16]  }
0x35: {  	p0 =	sne.s32 s1, s21  }
.Ltmp1:
0x36: {  	_ = 	snop;
	(pc) =	sbr.rel @!p0 .LBB2_23-.Ltmp1, $3  }
0x37: {  	_ =	sdelay $0x1  }
0x38: {  	[sflag:s13] =	ssyncset.done $0x0  }
0x39: {  	[sflag:s13] =	ssyncadd.s32 $0xFFFFD8F0  }
.LBB2_1:
0x3a: {  	s0 =	rddreg [dreg:$0x3]  }
0x3b: {  	[tilespmem:s12], [sflag:$0x9] =	stream.linear.gather [hbm4b:s0+s3], $0x3200, $0x38;
	[tilespmem:$0x1D020] =	vst v63  }
0x3c: {  	_ =	swait.ge [sflag:s13], $0x3200  }
0x3d: {  	[sflag:s13] =	ssyncset.done $0x0  }
0x3e: {  	s0 =	simm.s32 $0x13A60;
	[sflag:s13] =	ssyncadd.s32 $0xFFFFCE00  }
0x3f: {  	v0 =	vld [tilespmem:s0+$0xFFFFFFC0]  }
0x40: {  	v1 =	vld [tilespmem:s0+$0xFFFFFFD0];
	_ =	sdelay $0x4  }
0x41: {  	s7 =	simm.s32 $0x0;
	v0 =	vpack.i.f32.bf16 v1, v0  }
0x42: {  	[tilespmem:s7+$0x19E20] =	vst v0  }
0x43: {  	v0 =	vld [tilespmem:s0+$0xFFFFFFE0]  }
0x44: {  	v1 =	vld [tilespmem:s0+$0xFFFFFFF0];
	_ =	sdelay $0x4  }
0x45: {  	v0 =	vpack.i.f32.bf16 v1, v0  }
0x46: {  	[tilespmem:s7+$0x19E30] =	vst v0  }
0x47: {  	v0 =	vld [tilespmem:s0+$0x0]  }
0x48: {  	v1 =	vld [tilespmem:s0+$0x10];
	_ =	sdelay $0x4  }
0x49: {  	v0 =	vpack.i.f32.bf16 v1, v0  }
0x4a: {  	[tilespmem:s7+$0x19E40] =	vst v0  }
0x4b: {  	v0 =	vld [tilespmem:s0+$0x20]  }
0x4c: {  	s8 =	simm.s32 $0x100;
	v1 =	vld [tilespmem:s0+$0x30]  }
.LBB2_2:
0x4d: {  	_ = 	snop  }
0x4e: {  	p0 =	sne.s32 s8, $0x6300  }
0x4f: {  	s0 =	sadd.s32 $0x80, s0;
	s9 =	smov.u32 s8;
	s8 =	sadd.s32 $0x100, s8  }
0x50: {  	_ = 	snop  }
0x51: {  	v0 =	vpack.i.f32.bf16 v1, v0  }
0x52: {  	[tilespmem:s7+$0x19E50] =	vst v0  }
0x53: {  	v0 =	vld [tilespmem:s0+$0xFFFFFFC0]  }
0x54: {  	v1 =	vld [tilespmem:s0+$0xFFFFFFD0];
	_ =	sdelay $0x4  }
0x55: {  	s7 =	sshra.s32 s9, $0x2;
	v0 =	vpack.i.f32.bf16 v1, v0  }
0x56: {  	[tilespmem:s7+$0x19E20] =	vst v0  }
0x57: {  	v0 =	vld [tilespmem:s0+$0xFFFFFFE0]  }
0x58: {  	v1 =	vld [tilespmem:s0+$0xFFFFFFF0];
	_ =	sdelay $0x4  }
0x59: {  	v0 =	vpack.i.f32.bf16 v1, v0  }
0x5a: {  	[tilespmem:s7+$0x19E30] =	vst v0  }
0x5b: {  	v0 =	vld [tilespmem:s0+$0x0]  }
0x5c: {  	v1 =	vld [tilespmem:s0+$0x10];
	_ =	sdelay $0x3  }
.Ltmp2:
0x5d: {  	(pc) =	sbr.rel @p0 .LBB2_2-.Ltmp2, $4  }
0x5e: {  	v0 =	vpack.i.f32.bf16 v1, v0  }
0x5f: {  	[tilespmem:s7+$0x19E40] =	vst v0  }
0x60: {  	v0 =	vld [tilespmem:s0+$0x20]  }
0x61: {  	v1 =	vld [tilespmem:s0+$0x30]  }
0x62: {  	_ =	sdelay $0x3  }
0x63: {  	v0 =	vpack.i.f32.bf16 v1, v0  }
0x64: {  	s0 =	rddreg [dreg:$0xa];
	[tilespmem:s7+$0x19E50] =	vst v0  }
0x65: {  	[spmem:s0] =	stream.linear.scatter [tilespmem:s12], [sflag:$0x9], $0x3200, $0x38;
	[tilespmem:$0x1D020] =	vst v63  }
0x66: {  	_ =	swait.ge [sflag:s13], $0x3200  }
0x67: {  	[sflag:s13] =	ssyncset.done $0x0  }
0x68: {  	s9 =	simm.s32 $0x0;
	s15 =	rddreg [dreg:$0xb];
	[sflag:s13] =	ssyncadd.s32 $0xFFFFCE00  }
0x69: {  	[hbm4b:s15+s9] =	stream.linear.scatter [tilespmem:s16], [sflag:$0x9], $0x1900, $0x38;
	[tilespmem:$0x1D020] =	vst v63  }
0x6a: {  	_ =	swait.ge [sflag:s13], $0x1900  }
0x6b: {  	[sflag:s13] =	ssyncset.done $0x0  }
0x6c: {  	s21 =	rddreg [dreg:$0x4];
	[sflag:s13] =	ssyncadd.s32 $0xFFFFE700  }
0x6d: {  	[tilespmem:s12], [sflag:$0x9] =	stream.linear.gather [hbm4b:s21+s9], $0x3200, $0x38;
	[tilespmem:$0x1D020] =	vst v63  }
0x6e: {  	_ =	swait.ge [sflag:s13], $0x3200  }
0x6f: {  	[sflag:s13] =	ssyncset.done $0x0  }
0x70: {  	s0 =	simm.s32 $0x13A60;
	[sflag:s13] =	ssyncadd.s32 $0xFFFFCE00  }
0x71: {  	v0 =	vld [tilespmem:s0+$0xFFFFFFC0]  }
0x72: {  	v1 =	vld [tilespmem:s0+$0xFFFFFFD0];
	_ =	sdelay $0x4  }
0x73: {  	s7 =	simm.s32 $0x0;
	v0 =	vpack.i.f32.bf16 v1, v0  }
0x74: {  	[tilespmem:s7+$0x19E20] =	vst v0  }
0x75: {  	v0 =	vld [tilespmem:s0+$0xFFFFFFE0]  }
0x76: {  	v1 =	vld [tilespmem:s0+$0xFFFFFFF0];
	_ =	sdelay $0x4  }
0x77: {  	v0 =	vpack.i.f32.bf16 v1, v0  }
0x78: {  	[tilespmem:s7+$0x19E30] =	vst v0  }
0x79: {  	v0 =	vld [tilespmem:s0+$0x0]  }
0x7a: {  	v1 =	vld [tilespmem:s0+$0x10];
	_ =	sdelay $0x4  }
0x7b: {  	v0 =	vpack.i.f32.bf16 v1, v0  }
0x7c: {  	[tilespmem:s7+$0x19E40] =	vst v0  }
0x7d: {  	v0 =	vld [tilespmem:s0+$0x20]  }
0x7e: {  	s8 =	simm.s32 $0x100;
	v1 =	vld [tilespmem:s0+$0x30]  }
.LBB2_4:
0x7f: {  	_ = 	snop  }
0x80: {  	p0 =	sne.s32 s8, $0x6300  }
0x81: {  	s0 =	sadd.s32 $0x80, s0;
	s9 =	smov.u32 s8;
	s8 =	sadd.s32 $0x100, s8  }
0x82: {  	_ = 	snop  }
0x83: {  	v0 =	vpack.i.f32.bf16 v1, v0  }
0x84: {  	[tilespmem:s7+$0x19E50] =	vst v0  }
0x85: {  	v0 =	vld [tilespmem:s0+$0xFFFFFFC0]  }
0x86: {  	v1 =	vld [tilespmem:s0+$0xFFFFFFD0];
	_ =	sdelay $0x4  }
0x87: {  	s7 =	sshra.s32 s9, $0x2;
	v0 =	vpack.i.f32.bf16 v1, v0  }
0x88: {  	[tilespmem:s7+$0x19E20] =	vst v0  }
0x89: {  	v0 =	vld [tilespmem:s0+$0xFFFFFFE0]  }
0x8a: {  	v1 =	vld [tilespmem:s0+$0xFFFFFFF0];
	_ =	sdelay $0x4  }
0x8b: {  	v0 =	vpack.i.f32.bf16 v1, v0  }
0x8c: {  	[tilespmem:s7+$0x19E30] =	vst v0  }
0x8d: {  	v0 =	vld [tilespmem:s0+$0x0]  }
0x8e: {  	v1 =	vld [tilespmem:s0+$0x10];
	_ =	sdelay $0x3  }
.Ltmp3:
0x8f: {  	(pc) =	sbr.rel @p0 .LBB2_4-.Ltmp3, $4  }
0x90: {  	v0 =	vpack.i.f32.bf16 v1, v0  }
0x91: {  	[tilespmem:s7+$0x19E40] =	vst v0  }
0x92: {  	v0 =	vld [tilespmem:s0+$0x20]  }
0x93: {  	v1 =	vld [tilespmem:s0+$0x30]  }
0x94: {  	_ =	sdelay $0x3  }
0x95: {  	v0 =	vpack.i.f32.bf16 v1, v0  }
0x96: {  	s0 =	rddreg [dreg:$0x17];
	[tilespmem:s7+$0x19E50] =	vst v0  }
0x97: {  	[spmem:s0] =	stream.linear.scatter [tilespmem:s12], [sflag:$0x9], $0x3200, $0x38;
	[tilespmem:$0x1D020] =	vst v63  }
0x98: {  	_ =	swait.ge [sflag:s13], $0x3200  }
0x99: {  	[sflag:s13] =	ssyncset.done $0x0  }
0x9a: {  	s9 =	simm.s32 $0x0;
	s15 =	rddreg [dreg:$0xc];
	[sflag:s13] =	ssyncadd.s32 $0xFFFFCE00  }
0x9b: {  	[hbm4b:s15+s9] =	stream.linear.scatter [tilespmem:s16], [sflag:$0x9], $0x1900, $0x38;
	[tilespmem:$0x1D020] =	vst v63  }
0x9c: {  	_ =	swait.ge [sflag:s13], $0x1900  }
0x9d: {  	[sflag:s13] =	ssyncset.done $0x0  }
0x9e: {  	s21 =	rddreg [dreg:$0x5];
	[sflag:s13] =	ssyncadd.s32 $0xFFFFE700  }
0x9f: {  	[tilespmem:s12], [sflag:$0x9] =	stream.linear.gather [hbm4b:s21+s9], $0x3200, $0x38;
	[tilespmem:$0x1D020] =	vst v63  }
0xa0: {  	_ =	swait.ge [sflag:s13], $0x3200  }
0xa1: {  	[sflag:s13] =	ssyncset.done $0x0  }
0xa2: {  	s0 =	simm.s32 $0x13A60;
	[sflag:s13] =	ssyncadd.s32 $0xFFFFCE00  }
0xa3: {  	v0 =	vld [tilespmem:s0+$0xFFFFFFC0]  }
0xa4: {  	v1 =	vld [tilespmem:s0+$0xFFFFFFD0];
	_ =	sdelay $0x4  }
0xa5: {  	s7 =	simm.s32 $0x0;
	v0 =	vpack.i.f32.bf16 v1, v0  }
0xa6: {  	[tilespmem:s7+$0x19E20] =	vst v0  }
0xa7: {  	v0 =	vld [tilespmem:s0+$0xFFFFFFE0]  }
0xa8: {  	v1 =	vld [tilespmem:s0+$0xFFFFFFF0];
	_ =	sdelay $0x4  }
0xa9: {  	v0 =	vpack.i.f32.bf16 v1, v0  }
0xaa: {  	[tilespmem:s7+$0x19E30] =	vst v0  }
0xab: {  	v0 =	vld [tilespmem:s0+$0x0]  }
0xac: {  	v1 =	vld [tilespmem:s0+$0x10];
	_ =	sdelay $0x4  }
0xad: {  	v0 =	vpack.i.f32.bf16 v1, v0  }
0xae: {  	[tilespmem:s7+$0x19E40] =	vst v0  }
0xaf: {  	v0 =	vld [tilespmem:s0+$0x20]  }
0xb0: {  	s8 =	simm.s32 $0x100;
	v1 =	vld [tilespmem:s0+$0x30]  }
.LBB2_6:
0xb1: {  	_ = 	snop  }
0xb2: {  	p0 =	sne.s32 s8, $0x6300  }
0xb3: {  	s0 =	sadd.s32 $0x80, s0;
	s9 =	smov.u32 s8;
	s8 =	sadd.s32 $0x100, s8  }
0xb4: {  	_ = 	snop  }
0xb5: {  	v0 =	vpack.i.f32.bf16 v1, v0  }
0xb6: {  	[tilespmem:s7+$0x19E50] =	vst v0  }
0xb7: {  	v0 =	vld [tilespmem:s0+$0xFFFFFFC0]  }
0xb8: {  	v1 =	vld [tilespmem:s0+$0xFFFFFFD0];
	_ =	sdelay $0x4  }
0xb9: {  	s7 =	sshra.s32 s9, $0x2;
	v0 =	vpack.i.f32.bf16 v1, v0  }
0xba: {  	[tilespmem:s7+$0x19E20] =	vst v0  }
0xbb: {  	v0 =	vld [tilespmem:s0+$0xFFFFFFE0]  }
0xbc: {  	v1 =	vld [tilespmem:s0+$0xFFFFFFF0];
	_ =	sdelay $0x4  }
0xbd: {  	v0 =	vpack.i.f32.bf16 v1, v0  }
0xbe: {  	[tilespmem:s7+$0x19E30] =	vst v0  }
0xbf: {  	v0 =	vld [tilespmem:s0+$0x0]  }
0xc0: {  	v1 =	vld [tilespmem:s0+$0x10];
	_ =	sdelay $0x3  }
.Ltmp4:
0xc1: {  	(pc) =	sbr.rel @p0 .LBB2_6-.Ltmp4, $4  }
0xc2: {  	v0 =	vpack.i.f32.bf16 v1, v0  }
0xc3: {  	[tilespmem:s7+$0x19E40] =	vst v0  }
0xc4: {  	v0 =	vld [tilespmem:s0+$0x20]  }
0xc5: {  	v1 =	vld [tilespmem:s0+$0x30]  }
0xc6: {  	_ =	sdelay $0x3  }
0xc7: {  	v0 =	vpack.i.f32.bf16 v1, v0  }
0xc8: {  	s0 =	rddreg [dreg:$0x18];
	[tilespmem:s7+$0x19E50] =	vst v0  }
0xc9: {  	[spmem:s0] =	stream.linear.scatter [tilespmem:s12], [sflag:$0x9], $0x3200, $0x38;
	[tilespmem:$0x1D020] =	vst v63  }
0xca: {  	_ =	swait.ge [sflag:s13], $0x3200  }
0xcb: {  	[sflag:s13] =	ssyncset.done $0x0  }
0xcc: {  	s9 =	simm.s32 $0x0;
	s15 =	rddreg [dreg:$0xd];
	[sflag:s13] =	ssyncadd.s32 $0xFFFFCE00  }
0xcd: {  	[hbm4b:s15+s9] =	stream.linear.scatter [tilespmem:s16], [sflag:$0x9], $0x1900, $0x38;
	[tilespmem:$0x1D020] =	vst v63  }
0xce: {  	_ =	swait.ge [sflag:s13], $0x1900  }
0xcf: {  	[sflag:s13] =	ssyncset.done $0x0  }
0xd0: {  	s21 =	rddreg [dreg:$0x6];
	[sflag:s13] =	ssyncadd.s32 $0xFFFFE700  }
0xd1: {  	[tilespmem:s12], [sflag:$0x9] =	stream.linear.gather [hbm4b:s21+s9], $0x3200, $0x38;
	[tilespmem:$0x1D020] =	vst v63  }
0xd2: {  	_ =	swait.ge [sflag:s13], $0x3200  }
0xd3: {  	[sflag:s13] =	ssyncset.done $0x0  }
0xd4: {  	s0 =	simm.s32 $0x13A60;
	[sflag:s13] =	ssyncadd.s32 $0xFFFFCE00  }
0xd5: {  	v0 =	vld [tilespmem:s0+$0xFFFFFFC0]  }
0xd6: {  	v1 =	vld [tilespmem:s0+$0xFFFFFFD0];
	_ =	sdelay $0x4  }
0xd7: {  	s7 =	simm.s32 $0x0;
	v0 =	vpack.i.f32.bf16 v1, v0  }
0xd8: {  	[tilespmem:s7+$0x19E20] =	vst v0  }
0xd9: {  	v0 =	vld [tilespmem:s0+$0xFFFFFFE0]  }
0xda: {  	v1 =	vld [tilespmem:s0+$0xFFFFFFF0];
	_ =	sdelay $0x4  }
0xdb: {  	v0 =	vpack.i.f32.bf16 v1, v0  }
0xdc: {  	[tilespmem:s7+$0x19E30] =	vst v0  }
0xdd: {  	v0 =	vld [tilespmem:s0+$0x0]  }
0xde: {  	v1 =	vld [tilespmem:s0+$0x10];
	_ =	sdelay $0x4  }
0xdf: {  	v0 =	vpack.i.f32.bf16 v1, v0  }
0xe0: {  	[tilespmem:s7+$0x19E40] =	vst v0  }
0xe1: {  	v0 =	vld [tilespmem:s0+$0x20]  }
0xe2: {  	s8 =	simm.s32 $0x100;
	v1 =	vld [tilespmem:s0+$0x30]  }
.LBB2_8:
0xe3: {  	_ = 	snop  }
0xe4: {  	p0 =	sne.s32 s8, $0x6300  }
0xe5: {  	s0 =	sadd.s32 $0x80, s0;
	s9 =	smov.u32 s8;
	s8 =	sadd.s32 $0x100, s8  }
0xe6: {  	_ = 	snop  }
0xe7: {  	v0 =	vpack.i.f32.bf16 v1, v0  }
0xe8: {  	[tilespmem:s7+$0x19E50] =	vst v0  }
0xe9: {  	v0 =	vld [tilespmem:s0+$0xFFFFFFC0]  }
0xea: {  	v1 =	vld [tilespmem:s0+$0xFFFFFFD0];
	_ =	sdelay $0x4  }
0xeb: {  	s7 =	sshra.s32 s9, $0x2;
	v0 =	vpack.i.f32.bf16 v1, v0  }
0xec: {  	[tilespmem:s7+$0x19E20] =	vst v0  }
0xed: {  	v0 =	vld [tilespmem:s0+$0xFFFFFFE0]  }
0xee: {  	v1 =	vld [tilespmem:s0+$0xFFFFFFF0];
	_ =	sdelay $0x4  }
0xef: {  	v0 =	vpack.i.f32.bf16 v1, v0  }
0xf0: {  	[tilespmem:s7+$0x19E30] =	vst v0  }
0xf1: {  	v0 =	vld [tilespmem:s0+$0x0]  }
0xf2: {  	v1 =	vld [tilespmem:s0+$0x10];
	_ =	sdelay $0x3  }
.Ltmp5:
0xf3: {  	(pc) =	sbr.rel @p0 .LBB2_8-.Ltmp5, $4  }
0xf4: {  	v0 =	vpack.i.f32.bf16 v1, v0  }
0xf5: {  	[tilespmem:s7+$0x19E40] =	vst v0  }
0xf6: {  	v0 =	vld [tilespmem:s0+$0x20]  }
0xf7: {  	v1 =	vld [tilespmem:s0+$0x30]  }
0xf8: {  	_ =	sdelay $0x3  }
0xf9: {  	v0 =	vpack.i.f32.bf16 v1, v0  }
0xfa: {  	s0 =	rddreg [dreg:$0x19];
	[tilespmem:s7+$0x19E50] =	vst v0  }
0xfb: {  	[spmem:s0] =	stream.linear.scatter [tilespmem:s12], [sflag:$0x9], $0x3200, $0x38;
	[tilespmem:$0x1D020] =	vst v63  }
0xfc: {  	_ =	swait.ge [sflag:s13], $0x3200  }
0xfd: {  	[sflag:s13] =	ssyncset.done $0x0  }
0xfe: {  	s9 =	simm.s32 $0x0;
	s15 =	rddreg [dreg:$0xe];
	[sflag:s13] =	ssyncadd.s32 $0xFFFFCE00  }
0xff: {  	[hbm4b:s15+s9] =	stream.linear.scatter [tilespmem:s16], [sflag:$0x9], $0x1900, $0x38;
	[tilespmem:$0x1D020] =	vst v63  }
0x100: {  	_ =	swait.ge [sflag:s13], $0x1900  }
0x101: {  	[sflag:s13] =	ssyncset.done $0x0  }
0x102: {  	s21 =	rddreg [dreg:$0x7];
	[sflag:s13] =	ssyncadd.s32 $0xFFFFE700  }
0x103: {  	[tilespmem:s12], [sflag:$0x9] =	stream.linear.gather [hbm4b:s21+s9], $0x3200, $0x38;
	[tilespmem:$0x1D020] =	vst v63  }
0x104: {  	_ =	swait.ge [sflag:s13], $0x3200  }
0x105: {  	[sflag:s13] =	ssyncset.done $0x0  }
0x106: {  	s0 =	simm.s32 $0x13A60;
	[sflag:s13] =	ssyncadd.s32 $0xFFFFCE00  }
0x107: {  	v0 =	vld [tilespmem:s0+$0xFFFFFFC0]  }
0x108: {  	v1 =	vld [tilespmem:s0+$0xFFFFFFD0];
	_ =	sdelay $0x4  }
0x109: {  	s7 =	simm.s32 $0x0;
	v0 =	vpack.i.f32.bf16 v1, v0  }
0x10a: {  	[tilespmem:s7+$0x19E20] =	vst v0  }
0x10b: {  	v0 =	vld [tilespmem:s0+$0xFFFFFFE0]  }
0x10c: {  	v1 =	vld [tilespmem:s0+$0xFFFFFFF0];
	_ =	sdelay $0x4  }
0x10d: {  	v0 =	vpack.i.f32.bf16 v1, v0  }
0x10e: {  	[tilespmem:s7+$0x19E30] =	vst v0  }
0x10f: {  	v0 =	vld [tilespmem:s0+$0x0]  }
0x110: {  	v1 =	vld [tilespmem:s0+$0x10];
	_ =	sdelay $0x4  }
0x111: {  	v0 =	vpack.i.f32.bf16 v1, v0  }
0x112: {  	[tilespmem:s7+$0x19E40] =	vst v0  }
0x113: {  	v0 =	vld [tilespmem:s0+$0x20]  }
0x114: {  	s8 =	simm.s32 $0x100;
	v1 =	vld [tilespmem:s0+$0x30]  }
.LBB2_10:
0x115: {  	_ = 	snop  }
0x116: {  	p0 =	sne.s32 s8, $0x6300  }
0x117: {  	s0 =	sadd.s32 $0x80, s0;
	s9 =	smov.u32 s8;
	s8 =	sadd.s32 $0x100, s8  }
0x118: {  	_ = 	snop  }
0x119: {  	v0 =	vpack.i.f32.bf16 v1, v0  }
0x11a: {  	[tilespmem:s7+$0x19E50] =	vst v0  }
0x11b: {  	v0 =	vld [tilespmem:s0+$0xFFFFFFC0]  }
0x11c: {  	v1 =	vld [tilespmem:s0+$0xFFFFFFD0];
	_ =	sdelay $0x4  }
0x11d: {  	s7 =	sshra.s32 s9, $0x2;
	v0 =	vpack.i.f32.bf16 v1, v0  }
0x11e: {  	[tilespmem:s7+$0x19E20] =	vst v0  }
0x11f: {  	v0 =	vld [tilespmem:s0+$0xFFFFFFE0]  }
0x120: {  	v1 =	vld [tilespmem:s0+$0xFFFFFFF0];
	_ =	sdelay $0x4  }
0x121: {  	v0 =	vpack.i.f32.bf16 v1, v0  }
0x122: {  	[tilespmem:s7+$0x19E30] =	vst v0  }
0x123: {  	v0 =	vld [tilespmem:s0+$0x0]  }
0x124: {  	v1 =	vld [tilespmem:s0+$0x10];
	_ =	sdelay $0x3  }
.Ltmp6:
0x125: {  	(pc) =	sbr.rel @p0 .LBB2_10-.Ltmp6, $4  }
0x126: {  	v0 =	vpack.i.f32.bf16 v1, v0  }
0x127: {  	[tilespmem:s7+$0x19E40] =	vst v0  }
0x128: {  	v0 =	vld [tilespmem:s0+$0x20]  }
0x129: {  	v1 =	vld [tilespmem:s0+$0x30]  }
0x12a: {  	_ =	sdelay $0x3  }
0x12b: {  	v0 =	vpack.i.f32.bf16 v1, v0  }
0x12c: {  	s0 =	rddreg [dreg:$0x1a];
	[tilespmem:s7+$0x19E50] =	vst v0  }
0x12d: {  	[spmem:s0] =	stream.linear.scatter [tilespmem:s12], [sflag:$0x9], $0x3200, $0x38;
	[tilespmem:$0x1D020] =	vst v63  }
0x12e: {  	_ =	swait.ge [sflag:s13], $0x3200  }
0x12f: {  	[sflag:s13] =	ssyncset.done $0x0  }
0x130: {  	s9 =	simm.s32 $0x0;
	s15 =	rddreg [dreg:$0xf];
	[sflag:s13] =	ssyncadd.s32 $0xFFFFCE00  }
0x131: {  	[hbm4b:s15+s9] =	stream.linear.scatter [tilespmem:s16], [sflag:$0x9], $0x1900, $0x38;
	[tilespmem:$0x1D020] =	vst v63  }
0x132: {  	_ =	swait.ge [sflag:s13], $0x1900  }
0x133: {  	[sflag:s13] =	ssyncset.done $0x0  }
0x134: {  	s21 =	rddreg [dreg:$0x8];
	[sflag:s13] =	ssyncadd.s32 $0xFFFFE700  }
0x135: {  	[tilespmem:s12], [sflag:$0x9] =	stream.linear.gather [hbm4b:s21+s9], $0x3200, $0x38;
	[tilespmem:$0x1D020] =	vst v63  }
0x136: {  	_ =	swait.ge [sflag:s13], $0x3200  }
0x137: {  	[sflag:s13] =	ssyncset.done $0x0  }
0x138: {  	s0 =	simm.s32 $0x13A60;
	[sflag:s13] =	ssyncadd.s32 $0xFFFFCE00  }
0x139: {  	v0 =	vld [tilespmem:s0+$0xFFFFFFC0]  }
0x13a: {  	v1 =	vld [tilespmem:s0+$0xFFFFFFD0];
	_ =	sdelay $0x4  }
0x13b: {  	s7 =	simm.s32 $0x0;
	v0 =	vpack.i.f32.bf16 v1, v0  }
0x13c: {  	[tilespmem:s7+$0x19E20] =	vst v0  }
0x13d: {  	v0 =	vld [tilespmem:s0+$0xFFFFFFE0]  }
0x13e: {  	v1 =	vld [tilespmem:s0+$0xFFFFFFF0];
	_ =	sdelay $0x4  }
0x13f: {  	v0 =	vpack.i.f32.bf16 v1, v0  }
0x140: {  	[tilespmem:s7+$0x19E30] =	vst v0  }
0x141: {  	v0 =	vld [tilespmem:s0+$0x0]  }
0x142: {  	v1 =	vld [tilespmem:s0+$0x10];
	_ =	sdelay $0x4  }
0x143: {  	v0 =	vpack.i.f32.bf16 v1, v0  }
0x144: {  	[tilespmem:s7+$0x19E40] =	vst v0  }
0x145: {  	v0 =	vld [tilespmem:s0+$0x20]  }
0x146: {  	s8 =	simm.s32 $0x100;
	v1 =	vld [tilespmem:s0+$0x30]  }
.LBB2_12:
0x147: {  	_ = 	snop  }
0x148: {  	p0 =	sne.s32 s8, $0x6300  }
0x149: {  	s0 =	sadd.s32 $0x80, s0;
	s9 =	smov.u32 s8;
	s8 =	sadd.s32 $0x100, s8  }
0x14a: {  	_ = 	snop  }
0x14b: {  	v0 =	vpack.i.f32.bf16 v1, v0  }
0x14c: {  	[tilespmem:s7+$0x19E50] =	vst v0  }
0x14d: {  	v0 =	vld [tilespmem:s0+$0xFFFFFFC0]  }
0x14e: {  	v1 =	vld [tilespmem:s0+$0xFFFFFFD0];
	_ =	sdelay $0x4  }
0x14f: {  	s7 =	sshra.s32 s9, $0x2;
	v0 =	vpack.i.f32.bf16 v1, v0  }
0x150: {  	[tilespmem:s7+$0x19E20] =	vst v0  }
0x151: {  	v0 =	vld [tilespmem:s0+$0xFFFFFFE0]  }
0x152: {  	v1 =	vld [tilespmem:s0+$0xFFFFFFF0];
	_ =	sdelay $0x4  }
0x153: {  	v0 =	vpack.i.f32.bf16 v1, v0  }
0x154: {  	[tilespmem:s7+$0x19E30] =	vst v0  }
0x155: {  	v0 =	vld [tilespmem:s0+$0x0]  }
0x156: {  	v1 =	vld [tilespmem:s0+$0x10];
	_ =	sdelay $0x3  }
.Ltmp7:
0x157: {  	(pc) =	sbr.rel @p0 .LBB2_12-.Ltmp7, $4  }
0x158: {  	v0 =	vpack.i.f32.bf16 v1, v0  }
0x159: {  	[tilespmem:s7+$0x19E40] =	vst v0  }
0x15a: {  	v0 =	vld [tilespmem:s0+$0x20]  }
0x15b: {  	v1 =	vld [tilespmem:s0+$0x30]  }
0x15c: {  	_ =	sdelay $0x3  }
0x15d: {  	v0 =	vpack.i.f32.bf16 v1, v0  }
0x15e: {  	s0 =	rddreg [dreg:$0x1b];
	[tilespmem:s7+$0x19E50] =	vst v0  }
0x15f: {  	[spmem:s0] =	stream.linear.scatter [tilespmem:s12], [sflag:$0x9], $0x3200, $0x38;
	[tilespmem:$0x1D020] =	vst v63  }
0x160: {  	_ =	swait.ge [sflag:s13], $0x3200  }
0x161: {  	[sflag:s13] =	ssyncset.done $0x0  }
0x162: {  	s9 =	simm.s32 $0x0;
	s15 =	rddreg [dreg:$0x10];
	[sflag:s13] =	ssyncadd.s32 $0xFFFFCE00  }
0x163: {  	[hbm4b:s15+s9] =	stream.linear.scatter [tilespmem:s16], [sflag:$0x9], $0x1900, $0x38;
	[tilespmem:$0x1D020] =	vst v63  }
0x164: {  	_ =	swait.ge [sflag:s13], $0x1900  }
0x165: {  	[sflag:s13] =	ssyncset.done $0x0  }
0x166: {  	s21 =	rddreg [dreg:$0x9];
	[sflag:s13] =	ssyncadd.s32 $0xFFFFE700  }
0x167: {  	[tilespmem:s12], [sflag:$0x9] =	stream.linear.gather [hbm4b:s21+s9], $0xC80, $0x38;
	[tilespmem:$0x1D020] =	vst v63  }
0x168: {  	_ =	swait.ge [sflag:s13], $0xC80  }
0x169: {  	[sflag:s13] =	ssyncset.done $0x0  }
0x16a: {  	s0 =	simm.s32 $0x13A60;
	[sflag:s13] =	ssyncadd.s32 $0xFFFFF380  }
0x16b: {  	v0 =	vld [tilespmem:s0+$0xFFFFFFC0]  }
0x16c: {  	v1 =	vld [tilespmem:s0+$0xFFFFFFD0];
	_ =	sdelay $0x4  }
0x16d: {  	s7 =	simm.s32 $0x0;
	v0 =	vpack.i.f32.bf16 v1, v0  }
0x16e: {  	[tilespmem:s7+$0x19E20] =	vst v0  }
0x16f: {  	v0 =	vld [tilespmem:s0+$0xFFFFFFE0]  }
0x170: {  	v1 =	vld [tilespmem:s0+$0xFFFFFFF0];
	_ =	sdelay $0x4  }
0x171: {  	v0 =	vpack.i.f32.bf16 v1, v0  }
0x172: {  	[tilespmem:s7+$0x19E30] =	vst v0  }
0x173: {  	v0 =	vld [tilespmem:s0+$0x0]  }
0x174: {  	v1 =	vld [tilespmem:s0+$0x10];
	_ =	sdelay $0x4  }
0x175: {  	v0 =	vpack.i.f32.bf16 v1, v0  }
0x176: {  	[tilespmem:s7+$0x19E40] =	vst v0  }
0x177: {  	v0 =	vld [tilespmem:s0+$0x20]  }
0x178: {  	s8 =	simm.s32 $0x100;
	v1 =	vld [tilespmem:s0+$0x30]  }
.LBB2_14:
0x179: {  	_ = 	snop  }
0x17a: {  	p0 =	sne.s32 s8, $0x1800  }
0x17b: {  	s0 =	sadd.s32 $0x80, s0;
	s9 =	smov.u32 s8;
	s8 =	sadd.s32 $0x100, s8  }
0x17c: {  	_ = 	snop  }
0x17d: {  	v0 =	vpack.i.f32.bf16 v1, v0  }
0x17e: {  	[tilespmem:s7+$0x19E50] =	vst v0  }
0x17f: {  	v0 =	vld [tilespmem:s0+$0xFFFFFFC0]  }
0x180: {  	v1 =	vld [tilespmem:s0+$0xFFFFFFD0];
	_ =	sdelay $0x4  }
0x181: {  	s7 =	sshra.s32 s9, $0x2;
	v0 =	vpack.i.f32.bf16 v1, v0  }
0x182: {  	[tilespmem:s7+$0x19E20] =	vst v0  }
0x183: {  	v0 =	vld [tilespmem:s0+$0xFFFFFFE0]  }
0x184: {  	v1 =	vld [tilespmem:s0+$0xFFFFFFF0];
	_ =	sdelay $0x4  }
0x185: {  	v0 =	vpack.i.f32.bf16 v1, v0  }
0x186: {  	[tilespmem:s7+$0x19E30] =	vst v0  }
0x187: {  	v0 =	vld [tilespmem:s0+$0x0]  }
0x188: {  	v1 =	vld [tilespmem:s0+$0x10];
	_ =	sdelay $0x3  }
.Ltmp8:
0x189: {  	(pc) =	sbr.rel @p0 .LBB2_14-.Ltmp8, $4  }
0x18a: {  	v0 =	vpack.i.f32.bf16 v1, v0  }
0x18b: {  	[tilespmem:s7+$0x19E40] =	vst v0  }
0x18c: {  	v0 =	vld [tilespmem:s0+$0x20]  }
0x18d: {  	v1 =	vld [tilespmem:s0+$0x30]  }
0x18e: {  	_ =	sdelay $0x3  }
0x18f: {  	v0 =	vpack.i.f32.bf16 v1, v0  }
0x190: {  	s0 =	rddreg [dreg:$0x1c];
	[tilespmem:s7+$0x19E50] =	vst v0  }
0x191: {  	[spmem:s0] =	stream.linear.scatter [tilespmem:s12], [sflag:$0x9], $0xC80, $0x38;
	[tilespmem:$0x1D020] =	vst v63  }
0x192: {  	_ =	swait.ge [sflag:s13], $0xC80  }
0x193: {  	[sflag:s13] =	ssyncset.done $0x0  }
0x194: {  	s7 =	simm.s32 $0x0;
	s15 =	rddreg [dreg:$0x11];
	[sflag:s13] =	ssyncadd.s32 $0xFFFFF380  }
0x195: {  	[hbm4b:s15+s7] =	stream.linear.scatter [tilespmem:s16], [sflag:$0x9], $0x640, $0x38;
	[tilespmem:$0x1D020] =	vst v63  }
0x196: {  	_ =	swait.ge [sflag:s13], $0x640  }
0x197: {  	[sflag:s13] =	ssyncset.done $0x0  }
0x198: {  	[sflag:s13] =	ssyncadd.s32 $0xFFFFF9C0  }
0x199: {  	[bflag:$0x0] =	sbarrier.arrive $0xFFFF  }
0x19a: {  	s8 =	simm.s32 $0x13880;
	s21 =	rddreg [dreg:$0x12]  }
0x19b: {  	[tilespmem:s8], [sflag:$0x1] =	stream.linear.gather [hbm4b:s21+s7], $0xD0, $0x38;
	[tilespmem:$0x1D020] =	vst v63  }
0x19c: {  	s9 =	rddreg [dreg:$0x13]  }
0x19d: {  	[tilespmem:s18], [sflag:$0x2] =	stream.linear.gather [hbm4b:s9+s7], $0xD0, $0x38;
	[tilespmem:$0x1D020] =	vst v63  }
0x19e: {  	s15 =	rddreg [dreg:$0x14];
	s21 =	simm.s32 $0x1  }
0x19f: {  	[tilespmem:s12], [sflag:$0x3] =	stream.linear.gather [hbm4b:s15+s7], $0x3200, $0x38;
	[tilespmem:$0x1D020] =	vst v63  }
0x1a0: {  	_ =	swait.ge [sflag:s21], $0xD0  }
0x1a1: {  	[sflag:s21] =	ssyncset.done $0x0  }
0x1a2: {  	[sflag:s21] =	ssyncadd.s32 $0xFFFFFF30  }
0x1a3: {  	[tilespmem:s16], [sflag:$0x5] =	stream.indirect.gather [hbm4b:s6+s22], $0x40, s8, s22, $0xb8;
	[tilespmem:$0x1D020] =	vst v63  }
.LBB2_16:
0x1a4: {  	s8 =	sshll.u32 s7, $0x1  }
0x1a5: {  	s0 =	sadd.s32 s8, s10  }
0x1a6: {  	s0 =	smul.u32 $0x64, s0  }
0x1a7: {  	p0 =	seq.s32 s7, $0x0  }
0x1a8: {  	s9 =	simm.s32 @!p0 $0x8;
	s0 =	sadd.s32 s20, s0  }
0x1a9: {  	_ =	swait.ge @!p0 [sflag:s9], $0x3200;
	s0 =	sshll.u32 s0, $0x4  }
0x1aa: {  	[sflag:s9] =	ssyncset.done @!p0 $0x0;
	s0 =	sand.u32 $0x1FFFFFC0, s0  }
0x1ab: {  	[sflag:s9] =	ssyncadd.s32 @!p0 $0xFFFFCE00;
	s0 =	sadd.s32 s4, s0  }
0x1ac: {  	[tilespmem:s17], [sflag:$0x4] =	stream.linear.gather [hbm4b:s0+s3], $0x3200, $0x38;
	[tilespmem:$0x1D020] =	vst v63  }
0x1ad: {  	_ =	swait.ge [sflag:s23], $0xD0  }
0x1ae: {  	[sflag:s23] =	ssyncset.done $0x0  }
0x1af: {  	[sflag:s23] =	ssyncadd.s32 $0xFFFFFF30  }
0x1b0: {  	[tilespmem:s24], [sflag:$0x6] =	stream.indirect.gather [hbm4b:s6+s22], $0x40, s18, s22, $0xb8;
	[tilespmem:$0x1D020] =	vst v63  }
0x1b1: {  	_ =	swait.ge [sflag:s25], $0x3200  }
0x1b2: {  	[sflag:s25] =	ssyncset.done $0x0  }
0x1b3: {  	[sflag:s25] =	ssyncadd.s32 $0xFFFFCE00  }
0x1b4: {  	_ =	swait.ge [sflag:s26], $0x1900  }
0x1b5: {  	[sflag:s26] =	ssyncset.done $0x0  }
0x1b6: {  	s15 =	simm.s32 $0x19EA0;
	[sflag:s26] =	ssyncadd.s32 $0xFFFFE700  }
0x1b7: {  	s9 =	simm.s32 $0x13B20;
	v0 =	vld [tilespmem:s15+$0x40]  }
0x1b8: {  	v1 =	vld [tilespmem:s9+$0x80]  }
0x1b9: {  	v2 =	vld [tilespmem:s9+$0x90]  }
0x1ba: {  	v3 =	vld [tilespmem:s15+$0xFFFFFFC0]  }
0x1bb: {  	v4 =	vld [tilespmem:s15+$0xFFFFFF80]  }
0x1bc: {  	v6 =	vld [tilespmem:s9+$0xFFFFFF00];
	v5 =	vshll.u32 v0, $0x10  }
0x1bd: {  	v7 =	vld [tilespmem:s15+$0x0];
	v0 =	vand.u32 $0xFFFF0000, v0;
	v1 =	vadd.f32 v5, v1  }
0x1be: {  	v5 =	vld [tilespmem:s9+$0xFFFFFF10];
	v0 =	vadd.f32 v0, v2  }
0x1bf: {  	v2 =	vld [tilespmem:s9+$0xFFFFFF80];
	v1 =	vmax.f32 v1, $0.0e+00  }
0x1c0: {  	v8 =	vld [tilespmem:s9+$0xFFFFFF90];
	v0 =	vmax.f32 v0, $0.0e+00;
	[tilespmem:s9+$0x80] =	vst v1  }
0x1c1: {  	v9 =	vld [tilespmem:s9+$0x0];
	v1 =	vshll.u32 v4, $0x10;
	[tilespmem:s9+$0x90] =	vst v0  }
0x1c2: {  	v4 =	vand.u32 $0xFFFF0000, v4;
	v0 =	vadd.f32 v1, v6;
	v1 =	vld [tilespmem:s15+$0x50]  }
0x1c3: {  	v6 =	vld [tilespmem:s9+$0xA0];
	v4 =	vadd.f32 v4, v5;
	v5 =	vshll.u32 v3, $0x10  }
0x1c4: {  	v3 =	vand.u32 $0xFFFF0000, v3;
	v0 =	vmax.f32 v0, $0.0e+00;
	v2 =	vadd.f32 v5, v2;
	v5 =	vld [tilespmem:s9+$0xB0]  }
0x1c5: {  	v3 =	vadd.f32 v3, v8;
	[tilespmem:s9+$0xFFFFFF00] =	vst v0;
	v0 =	vmax.f32 v4, $0.0e+00  }
0x1c6: {  	v10 =	vld [tilespmem:s9+$0xFFFFFF30];
	[tilespmem:s9+$0xFFFFFF10] =	vst v0;
	v0 =	vshll.u32 v7, $0x10;
	v2 =	vmax.f32 v2, $0.0e+00  }
0x1c7: {  	v4 =	vld [tilespmem:s9+$0x10];
	v0 =	vadd.f32 v0, v9;
	[tilespmem:s9+$0xFFFFFF80] =	vst v2;
	v2 =	vmax.f32 v3, $0.0e+00;
	v3 =	vshll.u32 v1, $0x10  }
0x1c8: {  	v9 =	vld [tilespmem:s15+$0xFFFFFF90];
	v1 =	vand.u32 $0xFFFF0000, v1;
	[tilespmem:s9+$0xFFFFFF90] =	vst v2;
	v2 =	vadd.f32 v3, v6  }
0x1c9: {  	v8 =	vld [tilespmem:s9+$0xFFFFFF20];
	v0 =	vmax.f32 v0, $0.0e+00;
	v1 =	vadd.f32 v1, v5  }
0x1ca: {  	v6 =	vld [tilespmem:s9+$0xFFFFFFB0];
	[tilespmem:s9+$0x0] =	vst v0;
	v2 =	vmax.f32 v2, $0.0e+00  }
0x1cb: {  	v3 =	vld [tilespmem:s15+$0xFFFFFFD0];
	v5 =	vand.u32 $0xFFFF0000, v7;
	[tilespmem:s9+$0xA0] =	vst v2;
	v1 =	vmax.f32 v1, $0.0e+00  }
0x1cc: {  	v0 =	vld [tilespmem:s9+$0xFFFFFFA0];
	v2 =	vadd.f32 v5, v4;
	[tilespmem:s9+$0xB0] =	vst v1  }
0x1cd: {  	v1 =	vshll.u32 v9, $0x10;
	v5 =	vld [tilespmem:s15+$0x60]  }
0x1ce: {  	v7 =	vand.u32 $0xFFFF0000, v9;
	v2 =	vmax.f32 v2, $0.0e+00;
	v1 =	vadd.f32 v1, v8;
	v8 =	vld [tilespmem:s9+$0xC0]  }
0x1cf: {  	v7 =	vadd.f32 v7, v10;
	[tilespmem:s9+$0x10] =	vst v2;
	v2 =	vld [tilespmem:s9+$0xD0]  }
0x1d0: {  	v9 =	vshll.u32 v3, $0x10;
	v1 =	vmax.f32 v1, $0.0e+00;
	v10 =	vld [tilespmem:s15+$0x10]  }
0x1d1: {  	v4 =	vld [tilespmem:s9+$0x20];
	v3 =	vand.u32 $0xFFFF0000, v3;
	v7 =	vmax.f32 v7, $0.0e+00;
	v0 =	vadd.f32 v9, v0;
	[tilespmem:s9+$0xFFFFFF20] =	vst v1  }
0x1d2: {  	v1 =	vadd.f32 v3, v6;
	[tilespmem:s9+$0xFFFFFF30] =	vst v7;
	v3 =	vld [tilespmem:s9+$0x30]  }
0x1d3: {  	v0 =	vmax.f32 v0, $0.0e+00;
	v6 =	vld [tilespmem:s15+$0xFFFFFFA0];
	v7 =	vshll.u32 v5, $0x10  }
0x1d4: {  	[tilespmem:s9+$0xFFFFFFA0] =	vst v0;
	v0 =	vmax.f32 v1, $0.0e+00;
	v1 =	vld [tilespmem:s9+$0xFFFFFF40];
	v5 =	vand.u32 $0xFFFF0000, v5;
	v7 =	vadd.f32 v7, v8  }
0x1d5: {  	[tilespmem:s9+$0xFFFFFFB0] =	vst v0;
	v0 =	vadd.f32 v5, v2;
	v2 =	vld [tilespmem:s9+$0xFFFFFF50];
	v5 =	vshll.u32 v10, $0x10  }
0x1d6: {  	v8 =	vld [tilespmem:s15+$0xFFFFFFE0];
	v9 =	vand.u32 $0xFFFF0000, v10;
	v7 =	vmax.f32 v7, $0.0e+00;
	v4 =	vadd.f32 v5, v4  }
0x1d7: {  	v5 =	vld [tilespmem:s9+$0xFFFFFFC0];
	v3 =	vadd.f32 v9, v3;
	v0 =	vmax.f32 v0, $0.0e+00;
	[tilespmem:s9+$0xC0] =	vst v7  }
0x1d8: {  	v9 =	vld [tilespmem:s9+$0xFFFFFFD0];
	v7 =	vshll.u32 v6, $0x10;
	[tilespmem:s9+$0xD0] =	vst v0;
	v0 =	vmax.f32 v4, $0.0e+00  }
0x1d9: {  	v4 =	vand.u32 $0xFFFF0000, v6;
	v1 =	vadd.f32 v7, v1;
	v3 =	vmax.f32 v3, $0.0e+00;
	v6 =	vld [tilespmem:s15+$0x70];
	[tilespmem:s9+$0x20] =	vst v0  }
0x1da: {  	v0 =	vld [tilespmem:s9+$0xF0];
	[tilespmem:s9+$0x30] =	vst v3  }
0x1db: {  	v2 =	vadd.f32 v4, v2;
	v3 =	vshll.u32 v8, $0x10;
	v1 =	vmax.f32 v1, $0.0e+00;
	v4 =	vld [tilespmem:s15+$0x20]  }
0x1dc: {  	v7 =	vand.u32 $0xFFFF0000, v8;
	v8 =	vld [tilespmem:s9+$0x40];
	[tilespmem:s9+$0xFFFFFF40] =	vst v1;
	v1 =	vadd.f32 v3, v5  }
0x1dd: {  	v2 =	vmax.f32 v2, $0.0e+00;
	v3 =	vadd.f32 v7, v9;
	v5 =	vld [tilespmem:s9+$0x50]  }
0x1de: {  	v9 =	vld [tilespmem:s9+$0xFFFFFF70];
	[tilespmem:s9+$0xFFFFFF50] =	vst v2;
	v1 =	vmax.f32 v1, $0.0e+00  }
0x1df: {  	v7 =	vld [tilespmem:s15+$0xFFFFFFB0];
	[tilespmem:s9+$0xFFFFFFC0] =	vst v1;
	v1 =	vmax.f32 v3, $0.0e+00  }
0x1e0: {  	v2 =	vld [tilespmem:s9+$0xFFFFFF60];
	v3 =	vand.u32 $0xFFFF0000, v6;
	[tilespmem:s9+$0xFFFFFFD0] =	vst v1  }
0x1e1: {  	v1 =	vshll.u32 v4, $0x10;
	v0 =	vadd.f32 v3, v0;
	v10 =	vld [tilespmem:s15+$0xFFFFFFF0]  }
0x1e2: {  	v3 =	vand.u32 $0xFFFF0000, v4;
	v1 =	vadd.f32 v1, v8;
	v8 =	vld [tilespmem:s9+$0xFFFFFFE0]  }
0x1e3: {  	v4 =	vadd.f32 v3, v5;
	v3 =	vld [tilespmem:s9+$0xFFFFFFF0];
	v0 =	vmax.f32 v0, $0.0e+00  }
0x1e4: {  	v5 =	vmax.f32 v1, $0.0e+00;
	v1 =	vld [tilespmem:s9+$0x60];
	v11 =	vshll.u32 v7, $0x10;
	[tilespmem:s9+$0xF0] =	vst v0  }
0x1e5: {  	v4 =	vmax.f32 v4, $0.0e+00;
	[tilespmem:s9+$0x40] =	vst v5;
	v5 =	vand.u32 $0xFFFF0000, v7;
	v11 =	vadd.f32 v11, v2;
	v2 =	vld [tilespmem:s9+$0x70]  }
0x1e6: {  	v0 =	vshll.u32 v6, $0x10;
	[tilespmem:s9+$0x50] =	vst v4;
	v4 =	vld [tilespmem:s9+$0xE0];
	v6 =	vadd.f32 v5, v9;
	v5 =	vshll.u32 v10, $0x10  }
0x1e7: {  	s21 =	simm.s32 $0x0;
	s0 =	simm.s32 $0x19FA0;
	v7 =	vand.u32 $0xFFFF0000, v10;
	v9 =	vmax.f32 v11, $0.0e+00;
	v8 =	vadd.f32 v5, v8;
	v5 =	vld [tilespmem:s15+$0x30];
	s15 =	simm.s32 $0x13B20  }
.LBB2_17:
0x1e8: {  	v10 =	vld [tilespmem:s0+$0x40];
	[tilespmem:s9+$0xFFFFFF60] =	vst v9;
	v6 =	vmax.f32 v6, $0.0e+00;
	v3 =	vadd.f32 v7, v3;
	s15 =	sadd.s32 $0x200, s15  }
0x1e9: {  	v7 =	vld [tilespmem:s15+$0x80];
	[tilespmem:s9+$0xFFFFFF70] =	vst v6;
	v6 =	vmax.f32 v8, $0.0e+00  }
0x1ea: {  	v8 =	vld [tilespmem:s15+$0x90];
	[tilespmem:s9+$0xFFFFFFE0] =	vst v6;
	v3 =	vmax.f32 v3, $0.0e+00  }
0x1eb: {  	s21 =	sadd.s32 $0x4, s21;
	v6 =	vld [tilespmem:s0+$0xFFFFFFC0];
	[tilespmem:s9+$0xFFFFFFF0] =	vst v3;
	v0 =	vadd.f32 v0, v4  }
0x1ec: {  	p0 =	slt.u32 s21, $0x60;
	v3 =	vld [tilespmem:s0+$0x0];
	v4 =	vshll.u32 v5, $0x10;
	v5 =	vand.u32 $0xFFFF0000, v5  }
0x1ed: {  	v9 =	vld [tilespmem:s0+$0xFFFFFF80];
	v11 =	vshll.u32 v10, $0x10;
	v1 =	vadd.f32 v4, v1;
	v2 =	vadd.f32 v5, v2  }
0x1ee: {  	v5 =	vand.u32 $0xFFFF0000, v10;
	v0 =	vmax.f32 v0, $0.0e+00;
	v4 =	vld [tilespmem:s15+$0xFFFFFF00];
	v7 =	vadd.f32 v11, v7  }
0x1ef: {  	v10 =	vld [tilespmem:s15+$0xFFFFFF10];
	v5 =	vadd.f32 v5, v8;
	v1 =	vmax.f32 v1, $0.0e+00;
	v2 =	vmax.f32 v2, $0.0e+00;
	[tilespmem:s9+$0xE0] =	vst v0  }
0x1f0: {  	v0 =	vshll.u32 v6, $0x10;
	v6 =	vand.u32 $0xFFFF0000, v6;
	v8 =	vld [tilespmem:s15+$0xFFFFFF80];
	v7 =	vmax.f32 v7, $0.0e+00;
	[tilespmem:s9+$0x60] =	vst v1  }
0x1f1: {  	v1 =	vld [tilespmem:s15+$0xFFFFFF90];
	v11 =	vshll.u32 v3, $0x10;
	v3 =	vand.u32 $0xFFFF0000, v3;
	[tilespmem:s15+$0x80] =	vst v7;
	v5 =	vmax.f32 v5, $0.0e+00  }
0x1f2: {  	v7 =	vshll.u32 v9, $0x10;
	v9 =	vand.u32 $0xFFFF0000, v9;
	v12 =	vld [tilespmem:s15+$0x0];
	[tilespmem:s15+$0x90] =	vst v5  }
0x1f3: {  	v4 =	vadd.f32 v7, v4;
	v5 =	vld [tilespmem:s0+$0x50];
	[tilespmem:s9+$0x70] =	vst v2;
	s9 =	smov.u32 s15  }
0x1f4: {  	v2 =	vadd.f32 v9, v10;
	v7 =	vld [tilespmem:s15+$0xA0]  }
0x1f5: {  	v4 =	vmax.f32 v4, $0.0e+00;
	v0 =	vadd.f32 v0, v8;
	v8 =	vld [tilespmem:s15+$0xB0]  }
0x1f6: {  	[tilespmem:s15+$0xFFFFFF00] =	vst v4;
	v2 =	vmax.f32 v2, $0.0e+00;
	v1 =	vadd.f32 v6, v1;
	v4 =	vld [tilespmem:s15+$0x10]  }
0x1f7: {  	[tilespmem:s15+$0xFFFFFF10] =	vst v2;
	v2 =	vld [tilespmem:s15+$0xFFFFFF20];
	v0 =	vmax.f32 v0, $0.0e+00;
	v6 =	vadd.f32 v11, v12  }
0x1f8: {  	v9 =	vld [tilespmem:s0+$0xFFFFFF90];
	[tilespmem:s15+$0xFFFFFF80] =	vst v0;
	v0 =	vmax.f32 v1, $0.0e+00;
	v1 =	vshll.u32 v5, $0x10  }
0x1f9: {  	v5 =	vand.u32 $0xFFFF0000, v5;
	v10 =	vld [tilespmem:s15+$0xFFFFFF30];
	[tilespmem:s15+$0xFFFFFF90] =	vst v0;
	v0 =	vmax.f32 v6, $0.0e+00;
	v1 =	vadd.f32 v1, v7  }
0x1fa: {  	v6 =	vld [tilespmem:s0+$0xFFFFFFD0];
	[tilespmem:s15+$0x0] =	vst v0;
	v0 =	vadd.f32 v5, v8  }
0x1fb: {  	v5 =	vld [tilespmem:s15+$0xFFFFFFA0];
	v3 =	vadd.f32 v3, v4;
	v1 =	vmax.f32 v1, $0.0e+00  }
0x1fc: {  	v4 =	vld [tilespmem:s15+$0xFFFFFFB0];
	[tilespmem:s15+$0xA0] =	vst v1;
	v0 =	vmax.f32 v0, $0.0e+00  }
0x1fd: {  	v1 =	vshll.u32 v9, $0x10;
	v7 =	vand.u32 $0xFFFF0000, v9;
	v3 =	vmax.f32 v3, $0.0e+00;
	v8 =	vld [tilespmem:s15+$0x20];
	[tilespmem:s15+$0xB0] =	vst v0  }
0x1fe: {  	v0 =	vadd.f32 v1, v2;
	v1 =	vadd.f32 v7, v10;
	[tilespmem:s15+$0x10] =	vst v3;
	v2 =	vld [tilespmem:s0+$0x60]  }
0x1ff: {  	v3 =	vshll.u32 v6, $0x10;
	v6 =	vand.u32 $0xFFFF0000, v6;
	v7 =	vld [tilespmem:s15+$0xC0]  }
0x200: {  	v0 =	vmax.f32 v0, $0.0e+00;
	v1 =	vmax.f32 v1, $0.0e+00;
	v3 =	vadd.f32 v3, v5;
	v5 =	vld [tilespmem:s15+$0xD0]  }
0x201: {  	[tilespmem:s15+$0xFFFFFF20] =	vst v0;
	v0 =	vadd.f32 v6, v4;
	v4 =	vld [tilespmem:s0+$0x10]  }
0x202: {  	[tilespmem:s15+$0xFFFFFF30] =	vst v1;
	v1 =	vmax.f32 v3, $0.0e+00;
	v3 =	vld [tilespmem:s15+$0x30]  }
0x203: {  	v6 =	vld [tilespmem:s0+$0xFFFFFFA0];
	[tilespmem:s15+$0xFFFFFFA0] =	vst v1;
	v0 =	vmax.f32 v0, $0.0e+00;
	v1 =	vshll.u32 v2, $0x10  }
0x204: {  	v9 =	vld [tilespmem:s15+$0xFFFFFF40];
	[tilespmem:s15+$0xFFFFFFB0] =	vst v0;
	v0 =	vand.u32 $0xFFFF0000, v2;
	v1 =	vadd.f32 v1, v7  }
0x205: {  	v2 =	vld [tilespmem:s0+$0xFFFFFFE0];
	v0 =	vadd.f32 v0, v5  }
0x206: {  	v5 =	vld [tilespmem:s15+$0xFFFFFF50];
	v7 =	vshll.u32 v4, $0x10;
	v4 =	vand.u32 $0xFFFF0000, v4;
	v1 =	vmax.f32 v1, $0.0e+00  }
0x207: {  	v10 =	vld [tilespmem:s15+$0xFFFFFFC0];
	v7 =	vadd.f32 v7, v8;
	v3 =	vadd.f32 v4, v3;
	[tilespmem:s15+$0xC0] =	vst v1;
	v0 =	vmax.f32 v0, $0.0e+00  }
0x208: {  	v1 =	vshll.u32 v6, $0x10;
	v4 =	vand.u32 $0xFFFF0000, v6;
	v6 =	vld [tilespmem:s15+$0xFFFFFFD0];
	[tilespmem:s15+$0xD0] =	vst v0  }
0x209: {  	v0 =	vadd.f32 v1, v9;
	v1 =	vmax.f32 v7, $0.0e+00;
	v3 =	vmax.f32 v3, $0.0e+00;
	v7 =	vld [tilespmem:s0+$0x70]  }
0x20a: {  	v8 =	vshll.u32 v2, $0x10;
	v2 =	vand.u32 $0xFFFF0000, v2;
	[tilespmem:s15+$0x20] =	vst v1;
	v1 =	vld [tilespmem:s15+$0xF0]  }
0x20b: {  	v0 =	vmax.f32 v0, $0.0e+00;
	v4 =	vadd.f32 v4, v5;
	[tilespmem:s15+$0x30] =	vst v3;
	v3 =	vld [tilespmem:s15+$0x40]  }
0x20c: {  	[tilespmem:s15+$0xFFFFFF40] =	vst v0;
	v0 =	vadd.f32 v8, v10;
	v5 =	vld [tilespmem:s0+$0x20]  }
0x20d: {  	v4 =	vmax.f32 v4, $0.0e+00;
	v2 =	vadd.f32 v2, v6;
	v6 =	vld [tilespmem:s15+$0x50]  }
0x20e: {  	[tilespmem:s15+$0xFFFFFF50] =	vst v4;
	v4 =	vld [tilespmem:s15+$0xFFFFFF60];
	v8 =	vmax.f32 v0, $0.0e+00;
	v0 =	vshll.u32 v7, $0x10;
	v7 =	vand.u32 $0xFFFF0000, v7  }
0x20f: {  	v9 =	vld [tilespmem:s0+$0xFFFFFFB0];
	[tilespmem:s15+$0xFFFFFFC0] =	vst v8;
	v2 =	vmax.f32 v2, $0.0e+00;
	v1 =	vadd.f32 v7, v1  }
0x210: {  	v7 =	vld [tilespmem:s15+$0xFFFFFF70];
	[tilespmem:s15+$0xFFFFFFD0] =	vst v2  }
0x211: {  	v8 =	vld [tilespmem:s0+$0xFFFFFFF0];
	v2 =	vshll.u32 v5, $0x10;
	v5 =	vand.u32 $0xFFFF0000, v5;
	v1 =	vmax.f32 v1, $0.0e+00  }
0x212: {  	v10 =	vld [tilespmem:s15+$0xFFFFFFE0];
	v2 =	vadd.f32 v2, v3;
	v5 =	vadd.f32 v5, v6;
	[tilespmem:s15+$0xF0] =	vst v1  }
.Ltmp9:
0x213: {  	v3 =	vld [tilespmem:s15+$0xFFFFFFF0];
	(pc) =	sbr.rel @p0 .LBB2_17-.Ltmp9, $4  }
0x214: {  	v6 =	vshll.u32 v9, $0x10;
	v2 =	vmax.f32 v2, $0.0e+00;
	v5 =	vmax.f32 v5, $0.0e+00;
	v1 =	vld [tilespmem:s15+$0x60]  }
0x215: {  	v9 =	vand.u32 $0xFFFF0000, v9;
	v11 =	vadd.f32 v6, v4;
	[tilespmem:s15+$0x40] =	vst v2;
	v2 =	vld [tilespmem:s15+$0x70]  }
0x216: {  	v6 =	vadd.f32 v9, v7;
	v12 =	vshll.u32 v8, $0x10;
	v7 =	vand.u32 $0xFFFF0000, v8;
	[tilespmem:s15+$0x50] =	vst v5;
	v4 =	vld [tilespmem:s15+$0xE0]  }
0x217: {  	v9 =	vmax.f32 v11, $0.0e+00;
	v8 =	vadd.f32 v12, v10;
	v5 =	vld [tilespmem:s0+$0x30];
	s0 =	sadd.s32 $0x100, s0  }
0x218: {  	_ =	sdelay $0x2  }
0x219: {  	[tilespmem:s9+$0xFFFFFF60] =	vst v9;
	v6 =	vmax.f32 v6, $0.0e+00;
	v3 =	vadd.f32 v7, v3  }
0x21a: {  	[tilespmem:s9+$0xFFFFFF70] =	vst v6;
	v6 =	vmax.f32 v8, $0.0e+00;
	v0 =	vadd.f32 v0, v4;
	v4 =	vshll.u32 v5, $0x10  }
0x21b: {  	[tilespmem:s9+$0xFFFFFFE0] =	vst v6;
	v3 =	vmax.f32 v3, $0.0e+00;
	v5 =	vand.u32 $0xFFFF0000, v5;
	v1 =	vadd.f32 v4, v1  }
0x21c: {  	[tilespmem:s9+$0xFFFFFFF0] =	vst v3;
	v2 =	vadd.f32 v5, v2;
	v0 =	vmax.f32 v0, $0.0e+00  }
0x21d: {  	p0 =	seq.s32 s7, $0x63;
	[tilespmem:s9+$0xE0] =	vst v0;
	v1 =	vmax.f32 v1, $0.0e+00  }
0x21e: {  	s0 =	sadd.s32 @!p0 $0x2, s8;
	v0 =	vmax.f32 v2, $0.0e+00;
	[tilespmem:s9+$0x60] =	vst v1  }
0x21f: {  	s15 =	sadd.s32 @!p0 s19, s0;
	[tilespmem:s9+$0x70] =	vst v0;
	s9 =	simm.s32 @p0 $0x7  }
0x220: {  	[spmem:s2] =	stream.indirect.scatter.add.f32 [tilespmem:s12], [sflag:$0x7], $0x80, s28, s22, $0xb8;
	[tilespmem:$0x1D020] =	vst v63  }
0x221: {  	s0 =	sadd.s32 @!p0 s14, s0;
	s15 =	smul.u32 @!p0 $0x1A, s15;
	_ =	swait.ge @p0 [sflag:s9], $0x3200  }
0x222: {  	s21 =	simm.s32 @!p0 $0x13880;
	s0 =	smul.u32 @!p0 $0x64, s0;
	[sflag:s9] =	ssyncset.done @p0 $0x0  }
0x223: {  	[sflag:s9] =	ssyncadd.s32 @p0 $0xFFFFCE00;
	s9 =	sadd.s32 @!p0 s5, s15;
	s15 =	simm.s32 @!p0 $0x0  }
0x224: {  	[tilespmem:s21], [sflag:$0x1] =	stream.linear.gather @!p0 [hbm4b:s9+s15], $0xD0, $0x38;
	[tilespmem:$0x1D020] =	vst v63  }
0x225: {  	s0 =	sadd.s32 @!p0 s20, s0;
	s9 =	simm.s32 @!p0 $0x7  }
0x226: {  	s0 =	sshll.u32 @!p0 s0, $0x4;
	_ =	swait.ge @!p0 [sflag:s9], $0x3200  }
0x227: {  	s0 =	sand.u32 @!p0 $0x1FFFFFC0, s0;
	[sflag:s9] =	ssyncset.done @!p0 $0x0  }
0x228: {  	s0 =	sadd.s32 @!p0 s4, s0;
	[sflag:s9] =	ssyncadd.s32 @!p0 $0xFFFFCE00;
	s9 =	simm.s32 @!p0 $0x13A20  }
0x229: {  	[tilespmem:s9], [sflag:$0x3] =	stream.linear.gather @!p0 [hbm4b:s0+s15], $0x3200, $0x38;
	[tilespmem:$0x1D020] =	vst v63  }
0x22a: {  	s0 =	simm.s32 @!p0 $0x1  }
0x22b: {  	_ =	swait.ge @!p0 [sflag:s0], $0xD0  }
0x22c: {  	[sflag:s0] =	ssyncset.done @!p0 $0x0  }
0x22d: {  	s9 =	simm.s32 @!p0 $0x19E20;
	[sflag:s0] =	ssyncadd.s32 @!p0 $0xFFFFFF30;
	s0 =	simm.s32 @!p0 $0x64  }
0x22e: {  	[tilespmem:s9], [sflag:$0x5] =	stream.indirect.gather @!p0 [hbm4b:s6+s0], $0x40, s21, s0, $0xb8;
	[tilespmem:$0x1D020] =	vst v63  }
0x22f: {  	_ =	swait.ge [sflag:s29], $0x3200  }
0x230: {  	[sflag:s29] =	ssyncset.done $0x0  }
0x231: {  	[sflag:s29] =	ssyncadd.s32 $0xFFFFCE00  }
0x232: {  	_ =	swait.ge [sflag:s30], $0x1900  }
0x233: {  	[sflag:s30] =	ssyncset.done $0x0  }
0x234: {  	s15 =	simm.s32 $0x1B7A0;
	[sflag:s30] =	ssyncadd.s32 $0xFFFFE700  }
0x235: {  	s9 =	simm.s32 $0x16D20;
	v0 =	vld [tilespmem:s15+$0x40]  }
0x236: {  	v1 =	vld [tilespmem:s9+$0x80]  }
0x237: {  	v2 =	vld [tilespmem:s9+$0x90]  }
0x238: {  	v3 =	vld [tilespmem:s15+$0xFFFFFFC0]  }
0x239: {  	v4 =	vld [tilespmem:s15+$0xFFFFFF80]  }
0x23a: {  	v6 =	vld [tilespmem:s9+$0xFFFFFF00];
	v5 =	vshll.u32 v0, $0x10  }
0x23b: {  	v7 =	vld [tilespmem:s15+$0x0];
	v0 =	vand.u32 $0xFFFF0000, v0;
	v1 =	vadd.f32 v5, v1  }
0x23c: {  	v5 =	vld [tilespmem:s9+$0xFFFFFF10];
	v0 =	vadd.f32 v0, v2  }
0x23d: {  	v2 =	vld [tilespmem:s9+$0xFFFFFF80];
	v1 =	vmax.f32 v1, $0.0e+00  }
0x23e: {  	v8 =	vld [tilespmem:s9+$0xFFFFFF90];
	v0 =	vmax.f32 v0, $0.0e+00;
	[tilespmem:s9+$0x80] =	vst v1  }
0x23f: {  	v9 =	vld [tilespmem:s9+$0x0];
	v1 =	vshll.u32 v4, $0x10;
	[tilespmem:s9+$0x90] =	vst v0  }
0x240: {  	v4 =	vand.u32 $0xFFFF0000, v4;
	v0 =	vadd.f32 v1, v6;
	v1 =	vld [tilespmem:s15+$0x50]  }
0x241: {  	v6 =	vld [tilespmem:s9+$0xA0];
	v4 =	vadd.f32 v4, v5;
	v5 =	vshll.u32 v3, $0x10  }
0x242: {  	v3 =	vand.u32 $0xFFFF0000, v3;
	v0 =	vmax.f32 v0, $0.0e+00;
	v2 =	vadd.f32 v5, v2;
	v5 =	vld [tilespmem:s9+$0xB0]  }
0x243: {  	v3 =	vadd.f32 v3, v8;
	[tilespmem:s9+$0xFFFFFF00] =	vst v0;
	v0 =	vmax.f32 v4, $0.0e+00  }
0x244: {  	v10 =	vld [tilespmem:s9+$0xFFFFFF30];
	[tilespmem:s9+$0xFFFFFF10] =	vst v0;
	v0 =	vshll.u32 v7, $0x10;
	v2 =	vmax.f32 v2, $0.0e+00  }
0x245: {  	v4 =	vld [tilespmem:s9+$0x10];
	v0 =	vadd.f32 v0, v9;
	[tilespmem:s9+$0xFFFFFF80] =	vst v2;
	v2 =	vmax.f32 v3, $0.0e+00;
	v3 =	vshll.u32 v1, $0x10  }
0x246: {  	v9 =	vld [tilespmem:s15+$0xFFFFFF90];
	v1 =	vand.u32 $0xFFFF0000, v1;
	[tilespmem:s9+$0xFFFFFF90] =	vst v2;
	v2 =	vadd.f32 v3, v6  }
0x247: {  	v8 =	vld [tilespmem:s9+$0xFFFFFF20];
	v0 =	vmax.f32 v0, $0.0e+00;
	v1 =	vadd.f32 v1, v5  }
0x248: {  	v6 =	vld [tilespmem:s9+$0xFFFFFFB0];
	[tilespmem:s9+$0x0] =	vst v0;
	v2 =	vmax.f32 v2, $0.0e+00  }
0x249: {  	v3 =	vld [tilespmem:s15+$0xFFFFFFD0];
	v5 =	vand.u32 $0xFFFF0000, v7;
	[tilespmem:s9+$0xA0] =	vst v2;
	v1 =	vmax.f32 v1, $0.0e+00  }
0x24a: {  	v0 =	vld [tilespmem:s9+$0xFFFFFFA0];
	v2 =	vadd.f32 v5, v4;
	[tilespmem:s9+$0xB0] =	vst v1  }
0x24b: {  	v1 =	vshll.u32 v9, $0x10;
	v5 =	vld [tilespmem:s15+$0x60]  }
0x24c: {  	v7 =	vand.u32 $0xFFFF0000, v9;
	v2 =	vmax.f32 v2, $0.0e+00;
	v1 =	vadd.f32 v1, v8;
	v8 =	vld [tilespmem:s9+$0xC0]  }
0x24d: {  	v7 =	vadd.f32 v7, v10;
	[tilespmem:s9+$0x10] =	vst v2;
	v2 =	vld [tilespmem:s9+$0xD0]  }
0x24e: {  	v9 =	vshll.u32 v3, $0x10;
	v1 =	vmax.f32 v1, $0.0e+00;
	v10 =	vld [tilespmem:s15+$0x10]  }
0x24f: {  	v4 =	vld [tilespmem:s9+$0x20];
	v3 =	vand.u32 $0xFFFF0000, v3;
	v7 =	vmax.f32 v7, $0.0e+00;
	v0 =	vadd.f32 v9, v0;
	[tilespmem:s9+$0xFFFFFF20] =	vst v1  }
0x250: {  	v1 =	vadd.f32 v3, v6;
	[tilespmem:s9+$0xFFFFFF30] =	vst v7;
	v3 =	vld [tilespmem:s9+$0x30]  }
0x251: {  	v0 =	vmax.f32 v0, $0.0e+00;
	v6 =	vld [tilespmem:s15+$0xFFFFFFA0];
	v7 =	vshll.u32 v5, $0x10  }
0x252: {  	[tilespmem:s9+$0xFFFFFFA0] =	vst v0;
	v0 =	vmax.f32 v1, $0.0e+00;
	v1 =	vld [tilespmem:s9+$0xFFFFFF40];
	v5 =	vand.u32 $0xFFFF0000, v5;
	v7 =	vadd.f32 v7, v8  }
0x253: {  	[tilespmem:s9+$0xFFFFFFB0] =	vst v0;
	v0 =	vadd.f32 v5, v2;
	v2 =	vld [tilespmem:s9+$0xFFFFFF50];
	v5 =	vshll.u32 v10, $0x10  }
0x254: {  	v8 =	vld [tilespmem:s15+$0xFFFFFFE0];
	v9 =	vand.u32 $0xFFFF0000, v10;
	v7 =	vmax.f32 v7, $0.0e+00;
	v4 =	vadd.f32 v5, v4  }
0x255: {  	v5 =	vld [tilespmem:s9+$0xFFFFFFC0];
	v3 =	vadd.f32 v9, v3;
	v0 =	vmax.f32 v0, $0.0e+00;
	[tilespmem:s9+$0xC0] =	vst v7  }
0x256: {  	v9 =	vld [tilespmem:s9+$0xFFFFFFD0];
	v7 =	vshll.u32 v6, $0x10;
	[tilespmem:s9+$0xD0] =	vst v0;
	v0 =	vmax.f32 v4, $0.0e+00  }
0x257: {  	v4 =	vand.u32 $0xFFFF0000, v6;
	v1 =	vadd.f32 v7, v1;
	v3 =	vmax.f32 v3, $0.0e+00;
	v6 =	vld [tilespmem:s15+$0x70];
	[tilespmem:s9+$0x20] =	vst v0  }
0x258: {  	v0 =	vld [tilespmem:s9+$0xF0];
	[tilespmem:s9+$0x30] =	vst v3  }
0x259: {  	v2 =	vadd.f32 v4, v2;
	v3 =	vshll.u32 v8, $0x10;
	v1 =	vmax.f32 v1, $0.0e+00;
	v4 =	vld [tilespmem:s15+$0x20]  }
0x25a: {  	v7 =	vand.u32 $0xFFFF0000, v8;
	v8 =	vld [tilespmem:s9+$0x40];
	[tilespmem:s9+$0xFFFFFF40] =	vst v1;
	v1 =	vadd.f32 v3, v5  }
0x25b: {  	v2 =	vmax.f32 v2, $0.0e+00;
	v3 =	vadd.f32 v7, v9;
	v5 =	vld [tilespmem:s9+$0x50]  }
0x25c: {  	v9 =	vld [tilespmem:s9+$0xFFFFFF70];
	[tilespmem:s9+$0xFFFFFF50] =	vst v2;
	v1 =	vmax.f32 v1, $0.0e+00  }
0x25d: {  	v7 =	vld [tilespmem:s15+$0xFFFFFFB0];
	[tilespmem:s9+$0xFFFFFFC0] =	vst v1;
	v1 =	vmax.f32 v3, $0.0e+00  }
0x25e: {  	v2 =	vld [tilespmem:s9+$0xFFFFFF60];
	v3 =	vand.u32 $0xFFFF0000, v6;
	[tilespmem:s9+$0xFFFFFFD0] =	vst v1  }
0x25f: {  	v1 =	vshll.u32 v4, $0x10;
	v0 =	vadd.f32 v3, v0;
	v10 =	vld [tilespmem:s15+$0xFFFFFFF0]  }
0x260: {  	v3 =	vand.u32 $0xFFFF0000, v4;
	v1 =	vadd.f32 v1, v8;
	v8 =	vld [tilespmem:s9+$0xFFFFFFE0]  }
0x261: {  	v4 =	vadd.f32 v3, v5;
	v3 =	vld [tilespmem:s9+$0xFFFFFFF0];
	v0 =	vmax.f32 v0, $0.0e+00  }
0x262: {  	v5 =	vmax.f32 v1, $0.0e+00;
	v1 =	vld [tilespmem:s9+$0x60];
	v11 =	vshll.u32 v7, $0x10;
	[tilespmem:s9+$0xF0] =	vst v0  }
0x263: {  	v4 =	vmax.f32 v4, $0.0e+00;
	[tilespmem:s9+$0x40] =	vst v5;
	v5 =	vand.u32 $0xFFFF0000, v7;
	v11 =	vadd.f32 v11, v2;
	v2 =	vld [tilespmem:s9+$0x70]  }
0x264: {  	v0 =	vshll.u32 v6, $0x10;
	[tilespmem:s9+$0x50] =	vst v4;
	v4 =	vld [tilespmem:s9+$0xE0];
	v6 =	vadd.f32 v5, v9;
	v5 =	vshll.u32 v10, $0x10  }
0x265: {  	s21 =	simm.s32 $0x0;
	s0 =	simm.s32 $0x1B8A0;
	v7 =	vand.u32 $0xFFFF0000, v10;
	v9 =	vmax.f32 v11, $0.0e+00;
	v8 =	vadd.f32 v5, v8;
	v5 =	vld [tilespmem:s15+$0x30];
	s15 =	simm.s32 $0x16D20  }
.LBB2_19:
0x266: {  	v10 =	vld [tilespmem:s0+$0x40];
	[tilespmem:s9+$0xFFFFFF60] =	vst v9;
	v6 =	vmax.f32 v6, $0.0e+00;
	v3 =	vadd.f32 v7, v3;
	s15 =	sadd.s32 $0x200, s15  }
0x267: {  	v7 =	vld [tilespmem:s15+$0x80];
	[tilespmem:s9+$0xFFFFFF70] =	vst v6;
	v6 =	vmax.f32 v8, $0.0e+00  }
0x268: {  	v8 =	vld [tilespmem:s15+$0x90];
	[tilespmem:s9+$0xFFFFFFE0] =	vst v6;
	v3 =	vmax.f32 v3, $0.0e+00  }
0x269: {  	s21 =	sadd.s32 $0x4, s21;
	v6 =	vld [tilespmem:s0+$0xFFFFFFC0];
	[tilespmem:s9+$0xFFFFFFF0] =	vst v3;
	v0 =	vadd.f32 v0, v4  }
0x26a: {  	p1 =	slt.u32 s21, $0x60;
	v3 =	vld [tilespmem:s0+$0x0];
	v4 =	vshll.u32 v5, $0x10;
	v5 =	vand.u32 $0xFFFF0000, v5  }
0x26b: {  	v9 =	vld [tilespmem:s0+$0xFFFFFF80];
	v11 =	vshll.u32 v10, $0x10;
	v1 =	vadd.f32 v4, v1;
	v2 =	vadd.f32 v5, v2  }
0x26c: {  	v5 =	vand.u32 $0xFFFF0000, v10;
	v0 =	vmax.f32 v0, $0.0e+00;
	v4 =	vld [tilespmem:s15+$0xFFFFFF00];
	v7 =	vadd.f32 v11, v7  }
0x26d: {  	v10 =	vld [tilespmem:s15+$0xFFFFFF10];
	v5 =	vadd.f32 v5, v8;
	v1 =	vmax.f32 v1, $0.0e+00;
	v2 =	vmax.f32 v2, $0.0e+00;
	[tilespmem:s9+$0xE0] =	vst v0  }
0x26e: {  	v0 =	vshll.u32 v6, $0x10;
	v6 =	vand.u32 $0xFFFF0000, v6;
	v8 =	vld [tilespmem:s15+$0xFFFFFF80];
	v7 =	vmax.f32 v7, $0.0e+00;
	[tilespmem:s9+$0x60] =	vst v1  }
0x26f: {  	v1 =	vld [tilespmem:s15+$0xFFFFFF90];
	v11 =	vshll.u32 v3, $0x10;
	v3 =	vand.u32 $0xFFFF0000, v3;
	[tilespmem:s15+$0x80] =	vst v7;
	v5 =	vmax.f32 v5, $0.0e+00  }
0x270: {  	v7 =	vshll.u32 v9, $0x10;
	v9 =	vand.u32 $0xFFFF0000, v9;
	v12 =	vld [tilespmem:s15+$0x0];
	[tilespmem:s15+$0x90] =	vst v5  }
0x271: {  	v4 =	vadd.f32 v7, v4;
	v5 =	vld [tilespmem:s0+$0x50];
	[tilespmem:s9+$0x70] =	vst v2;
	s9 =	smov.u32 s15  }
0x272: {  	v2 =	vadd.f32 v9, v10;
	v7 =	vld [tilespmem:s15+$0xA0]  }
0x273: {  	v4 =	vmax.f32 v4, $0.0e+00;
	v0 =	vadd.f32 v0, v8;
	v8 =	vld [tilespmem:s15+$0xB0]  }
0x274: {  	[tilespmem:s15+$0xFFFFFF00] =	vst v4;
	v2 =	vmax.f32 v2, $0.0e+00;
	v1 =	vadd.f32 v6, v1;
	v4 =	vld [tilespmem:s15+$0x10]  }
0x275: {  	[tilespmem:s15+$0xFFFFFF10] =	vst v2;
	v2 =	vld [tilespmem:s15+$0xFFFFFF20];
	v0 =	vmax.f32 v0, $0.0e+00;
	v6 =	vadd.f32 v11, v12  }
0x276: {  	v9 =	vld [tilespmem:s0+$0xFFFFFF90];
	[tilespmem:s15+$0xFFFFFF80] =	vst v0;
	v0 =	vmax.f32 v1, $0.0e+00;
	v1 =	vshll.u32 v5, $0x10  }
0x277: {  	v5 =	vand.u32 $0xFFFF0000, v5;
	v10 =	vld [tilespmem:s15+$0xFFFFFF30];
	[tilespmem:s15+$0xFFFFFF90] =	vst v0;
	v0 =	vmax.f32 v6, $0.0e+00;
	v1 =	vadd.f32 v1, v7  }
0x278: {  	v6 =	vld [tilespmem:s0+$0xFFFFFFD0];
	[tilespmem:s15+$0x0] =	vst v0;
	v0 =	vadd.f32 v5, v8  }
0x279: {  	v5 =	vld [tilespmem:s15+$0xFFFFFFA0];
	v3 =	vadd.f32 v3, v4;
	v1 =	vmax.f32 v1, $0.0e+00  }
0x27a: {  	v4 =	vld [tilespmem:s15+$0xFFFFFFB0];
	[tilespmem:s15+$0xA0] =	vst v1;
	v0 =	vmax.f32 v0, $0.0e+00  }
0x27b: {  	v1 =	vshll.u32 v9, $0x10;
	v7 =	vand.u32 $0xFFFF0000, v9;
	v3 =	vmax.f32 v3, $0.0e+00;
	v8 =	vld [tilespmem:s15+$0x20];
	[tilespmem:s15+$0xB0] =	vst v0  }
0x27c: {  	v0 =	vadd.f32 v1, v2;
	v1 =	vadd.f32 v7, v10;
	[tilespmem:s15+$0x10] =	vst v3;
	v2 =	vld [tilespmem:s0+$0x60]  }
0x27d: {  	v3 =	vshll.u32 v6, $0x10;
	v6 =	vand.u32 $0xFFFF0000, v6;
	v7 =	vld [tilespmem:s15+$0xC0]  }
0x27e: {  	v0 =	vmax.f32 v0, $0.0e+00;
	v1 =	vmax.f32 v1, $0.0e+00;
	v3 =	vadd.f32 v3, v5;
	v5 =	vld [tilespmem:s15+$0xD0]  }
0x27f: {  	[tilespmem:s15+$0xFFFFFF20] =	vst v0;
	v0 =	vadd.f32 v6, v4;
	v4 =	vld [tilespmem:s0+$0x10]  }
0x280: {  	[tilespmem:s15+$0xFFFFFF30] =	vst v1;
	v1 =	vmax.f32 v3, $0.0e+00;
	v3 =	vld [tilespmem:s15+$0x30]  }
0x281: {  	v6 =	vld [tilespmem:s0+$0xFFFFFFA0];
	[tilespmem:s15+$0xFFFFFFA0] =	vst v1;
	v0 =	vmax.f32 v0, $0.0e+00;
	v1 =	vshll.u32 v2, $0x10  }
0x282: {  	v9 =	vld [tilespmem:s15+$0xFFFFFF40];
	[tilespmem:s15+$0xFFFFFFB0] =	vst v0;
	v0 =	vand.u32 $0xFFFF0000, v2;
	v1 =	vadd.f32 v1, v7  }
0x283: {  	v2 =	vld [tilespmem:s0+$0xFFFFFFE0];
	v0 =	vadd.f32 v0, v5  }
0x284: {  	v5 =	vld [tilespmem:s15+$0xFFFFFF50];
	v7 =	vshll.u32 v4, $0x10;
	v4 =	vand.u32 $0xFFFF0000, v4;
	v1 =	vmax.f32 v1, $0.0e+00  }
0x285: {  	v10 =	vld [tilespmem:s15+$0xFFFFFFC0];
	v7 =	vadd.f32 v7, v8;
	v3 =	vadd.f32 v4, v3;
	[tilespmem:s15+$0xC0] =	vst v1;
	v0 =	vmax.f32 v0, $0.0e+00  }
0x286: {  	v1 =	vshll.u32 v6, $0x10;
	v4 =	vand.u32 $0xFFFF0000, v6;
	v6 =	vld [tilespmem:s15+$0xFFFFFFD0];
	[tilespmem:s15+$0xD0] =	vst v0  }
0x287: {  	v0 =	vadd.f32 v1, v9;
	v1 =	vmax.f32 v7, $0.0e+00;
	v3 =	vmax.f32 v3, $0.0e+00;
	v7 =	vld [tilespmem:s0+$0x70]  }
0x288: {  	v8 =	vshll.u32 v2, $0x10;
	v2 =	vand.u32 $0xFFFF0000, v2;
	[tilespmem:s15+$0x20] =	vst v1;
	v1 =	vld [tilespmem:s15+$0xF0]  }
0x289: {  	v0 =	vmax.f32 v0, $0.0e+00;
	v4 =	vadd.f32 v4, v5;
	[tilespmem:s15+$0x30] =	vst v3;
	v3 =	vld [tilespmem:s15+$0x40]  }
0x28a: {  	[tilespmem:s15+$0xFFFFFF40] =	vst v0;
	v0 =	vadd.f32 v8, v10;
	v5 =	vld [tilespmem:s0+$0x20]  }
0x28b: {  	v4 =	vmax.f32 v4, $0.0e+00;
	v2 =	vadd.f32 v2, v6;
	v6 =	vld [tilespmem:s15+$0x50]  }
0x28c: {  	[tilespmem:s15+$0xFFFFFF50] =	vst v4;
	v4 =	vld [tilespmem:s15+$0xFFFFFF60];
	v8 =	vmax.f32 v0, $0.0e+00;
	v0 =	vshll.u32 v7, $0x10;
	v7 =	vand.u32 $0xFFFF0000, v7  }
0x28d: {  	v9 =	vld [tilespmem:s0+$0xFFFFFFB0];
	[tilespmem:s15+$0xFFFFFFC0] =	vst v8;
	v2 =	vmax.f32 v2, $0.0e+00;
	v1 =	vadd.f32 v7, v1  }
0x28e: {  	v7 =	vld [tilespmem:s15+$0xFFFFFF70];
	[tilespmem:s15+$0xFFFFFFD0] =	vst v2  }
0x28f: {  	v8 =	vld [tilespmem:s0+$0xFFFFFFF0];
	v2 =	vshll.u32 v5, $0x10;
	v5 =	vand.u32 $0xFFFF0000, v5;
	v1 =	vmax.f32 v1, $0.0e+00  }
0x290: {  	v10 =	vld [tilespmem:s15+$0xFFFFFFE0];
	v2 =	vadd.f32 v2, v3;
	v5 =	vadd.f32 v5, v6;
	[tilespmem:s15+$0xF0] =	vst v1  }
.Ltmp10:
0x291: {  	v3 =	vld [tilespmem:s15+$0xFFFFFFF0];
	(pc) =	sbr.rel @p1 .LBB2_19-.Ltmp10, $4  }
0x292: {  	v6 =	vshll.u32 v9, $0x10;
	v2 =	vmax.f32 v2, $0.0e+00;
	v5 =	vmax.f32 v5, $0.0e+00;
	v1 =	vld [tilespmem:s15+$0x60]  }
0x293: {  	v9 =	vand.u32 $0xFFFF0000, v9;
	v11 =	vadd.f32 v6, v4;
	[tilespmem:s15+$0x40] =	vst v2;
	v2 =	vld [tilespmem:s15+$0x70]  }
0x294: {  	v6 =	vadd.f32 v9, v7;
	v12 =	vshll.u32 v8, $0x10;
	v7 =	vand.u32 $0xFFFF0000, v8;
	[tilespmem:s15+$0x50] =	vst v5;
	v4 =	vld [tilespmem:s15+$0xE0]  }
0x295: {  	v9 =	vmax.f32 v11, $0.0e+00;
	v8 =	vadd.f32 v12, v10;
	v5 =	vld [tilespmem:s0+$0x30];
	s0 =	sadd.s32 $0x100, s0  }
0x296: {  	_ =	sdelay $0x2  }
0x297: {  	[tilespmem:s9+$0xFFFFFF60] =	vst v9;
	v6 =	vmax.f32 v6, $0.0e+00;
	v3 =	vadd.f32 v7, v3  }
0x298: {  	[tilespmem:s9+$0xFFFFFF70] =	vst v6;
	v60 =	vmax.f32 v8, $0.0e+00;
	v0 =	vadd.f32 v0, v4;
	v61 =	vshll.u32 v5, $0x10  }
0x299: {  	[tilespmem:s9+$0xFFFFFFE0] =	vst v60;
	v3 =	vmax.f32 v3, $0.0e+00;
	v62 =	vand.u32 $0xFFFF0000, v5;
	v1 =	vadd.f32 v61, v1  }
.Ltmp11:
0x29a: {  	[tilespmem:s9+$0xFFFFFFF0] =	vst v3;
	v2 =	vadd.f32 v62, v2;
	v0 =	vmax.f32 v0, $0.0e+00;
	(pc) =	sbr.rel @p0 .LBB2_22-.Ltmp11, $4  }
0x29b: {  	[tilespmem:s9+$0xE0] =	vst v0;
	v1 =	vmax.f32 v1, $0.0e+00  }
0x29c: {  	v63 =	vmax.f32 v2, $0.0e+00;
	[tilespmem:s9+$0x60] =	vst v1  }
0x29d: {  	[tilespmem:s9+$0x70] =	vst v63  }
0x29e: {  	[spmem:s2] =	stream.indirect.scatter.add.f32 [tilespmem:s17], [sflag:$0x8], $0x80, s31, s22, $0xb8;
	[tilespmem:$0x1D020] =	vst v63  }
.Ltmp12:
0x29f: {  	s0 =	sadd.s32 s8, s11;
	(pc) =	sbr.rel .LBB2_16-.Ltmp12, $3  }
0x2a0: {  	s0 =	smul.u32 $0x1A, s0;
	_ =	sdelay $0x1  }
0x2a1: {  	s7 =	sadd.s32 $0x1, s7;
	s0 =	sadd.s32 s5, s0  }
0x2a2: {  	[tilespmem:s18], [sflag:$0x2] =	stream.linear.gather [hbm4b:s0+s3], $0xD0, $0x38;
	[tilespmem:$0x1D020] =	vst v63  }
.LBB2_23:
0x2a3: {  	_ =	sfence.sel $0x180000  }
0x2a4: {  	[bflag:$0x0] =	sbarrier.arrive $0xFFFF  }
0x2a5: {  	_ =	strace $0x90000047  }
0x2a6: {  	s0 =	stileid.u32;
	[bflag:$0x2] =	sbarrier.arrive $0xFFFF  }
0x2a7: {  	p0 =	sne.s32 s0, $0x0;
	s0 =	rddreg [dreg:$0x2]  }
0x2a8: {  	s0 =	sadd.s32 @!p0 $0x100000, s0  }
0x2a9: {  	[sflag:s0] =	ssyncadd.tile.s32 @!p0 $0x1;
	_ =	shalt  }
.Lfunc_end2:
_tile_overlayer_lowered:
.L_overlay_start_2:
0x2aa: {  	(tag) =	ssettag $0x2  }
0x2ab: {  	s0 =	rddreg [dreg:$0x0];
	s2 =	stileid.u32  }
0x2ac: {  	s1 =	rddreg [dreg:$0x1];
	p0 =	sne.s32 s2, $0x0  }
0x2ad: {  	s3 =	rddreg [dreg:$0x2];
	[bflag:$0x3] =	sbarrier.arrive $0xFFFF;
	s2 =	simm.s32 @!p0 $0x1C09  }
0x2ae: {  	[timem:s3], [sflag:s2] =	dma.local @!p0 [hbm:s0], s1  }
0x2af: {  	s0 =	simm.s32 @!p0 $0x9  }
0x2b0: {  	_ =	swait.ge @!p0 [sflag:s0], s1  }
0x2b1: {  	s1 =	ssub.s32 @!p0 $0x0, s1;
	[sflag:s0] =	ssyncset.done @!p0 $0x0  }
0x2b2: {  	[sflag:s0] =	ssyncadd.s32 @!p0 s1  }
0x2b3: {  	[bflag:$0x3] =	sbarrier.arrive $0xFFFF  }
0x2b4: {  	_ =	shalt  }

// kernel: kernel.13.cloned.1.call-start
scs
__scs_entry_jumppad:
0x0: {  	(pc) =	sbr.rel $0x88, $3  }
0x1: {  	(tag) =	ssettag $0x0;
	lr =	simm.s32 $0x1  }
0x2: {  	[smem:$0x3F8B] =	sst lr;
	_ =	strace $0xD0000000  }
0x3: {  	_ = 	snop  }
0x4: {  	_ = 	snop  }
0x5: {  	_ = 	snop  }
0x6: {  	_ = 	snop  }
0x7: {  	_ = 	snop  }
__scs_overlays_trampoline_lowered:
0x8: {  	[smem:$0x3F9A] =	sst s0  }
0x9: {  	[smem:$0x3F9B] =	sst s1  }
0xa: {  	[smem:$0x3F9C] =	sst s2  }
0xb: {  	[smem:$0x3F9D] =	sst s3  }
0xc: {  	[smem:$0x3F9E] =	sst s4  }
0xd: {  	[smem:$0x3F9F] =	sst s5  }
0xe: {  	[smem:$0x3FA0] =	sst s6  }
0xf: {  	[smem:$0x3FA1] =	sst s7  }
0x10: {  	[smem:$0x3FA2] =	sst s8  }
0x11: {  	[smem:$0x3FA3] =	sst s9;
	s0 =	simm.s32 @!p0 $0x0  }
0x12: {  	s1 =	sld [smem:$0x3F89];
	s0 =	simm.s32 @p0 $0x1  }
0x13: {  	[smem:$0x3FA4] =	sst s0;
	s0 =	simm.s32 @!p1 $0x0  }
0x14: {  	s2 =	sld [smem:$0x3F88];
	s0 =	simm.s32 @p1 $0x1  }
0x15: {  	[smem:$0x3FA5] =	sst s0;
	s0 =	simm.s32 @!p2 $0x0  }
0x16: {  	s3 =	sld [smem:$0x3FDB];
	s0 =	simm.s32 @p2 $0x1  }
0x17: {  	s4 =	simm.s32 $0x1BF5;
	[smem:$0x3FA7] =	sst s0  }
0x18: {  	s0 =	sld [smem:$0x3F8A];
	_ =	swait.ge [sflag:s4], $0x0  }
0x19: {  	s7 =	sld [smem:$0x3F8B]  }
0x1a: {  	s8 =	sadd.s32 $0xFFFFE003, lr  }
0x1b: {  	s9 =	sadd.s32 $0xFFFFFEF7, lr;
	s5 =	simm.s32 $0xFFFFFFFF;
	p2 =	slt.u32 s8, $0xFFFFF086  }
0x1c: {  	p1 =	slt.u32 s9, $0xF7A;
	s5 =	simm.s32 @!p2 $0x0  }
0x1d: {  	s5 =	simm.s32 @p1 $0x1;
	p0 =	seq.s32 s7, s2  }
0x1e: {  	s7 =	smul.u32 @!p0 $0xF7A, s2;
	p2 =	seq.s32 @!p0 s5, $0x0  }
0x1f: {  	s9 =	smul.u32 $0xF7A, s1;
	s8 =	simm.s32 @!p0 $0x1BF5;
	p2 =	por !p2, p0  }
0x20: {  	[sflag:s8] =	ssyncset.s32 @!p0 $0xFFFFF086;
	s6 =	sadd.s32 @!p0 s3, s7;
	s7 =	simm.s32 @!p0 $0x108  }
0x21: {  	s3 =	sadd.s32 s3, s9;
	s6 =	sadd.s32 @!p0 $0x88, s6;
	s7 =	simm.s32 @p2 $0x1082  }
0x22: {  	[simem:s7], [sflag:s8] =	dma.local @!p0 [hbm:s6], $0xF7A  }
0x23: {  	s9 =	sor.u32 $0xD0000000, s2;
	s6 =	simm.s32 $0x108;
	_ =	swait.ge @!p0 [sflag:s8], $0x0  }
0x24: {  	s3 =	sadd.s32 $0x88, s3;
	s6 =	simm.s32 @!p1 $0x1082;
	[sflag:s4] =	ssyncset.s32 $0xFFFFF086  }
0x25: {  	[simem:s6], [sflag:s4] =	dma.local [hbm:s3], $0xF7A  }
0x26: {  	[smem:$0x3F8B] =	sst s1;
	(tag) =	ssettag s2;
	_ =	strace s9  }
0x27: {  	s1 =	sld [smem:$0x3F9B]  }
0x28: {  	s2 =	sld [smem:$0x3F9C]  }
0x29: {  	s4 =	sld [smem:$0x3F9E]  }
0x2a: {  	p0 =	seq.s32 s5, $0x0;
	s5 =	sld [smem:$0x3F9F]  }
0x2b: {  	s6 =	sld [smem:$0x3FA0]  }
0x2c: {  	s7 =	sld [smem:$0x3FA1]  }
0x2d: {  	s3 =	simm.s32 $0x108;
	s8 =	sld [smem:$0x3FA2]  }
0x2e: {  	s3 =	simm.s32 @!p0 $0x1082;
	s9 =	sld [smem:$0x3FA3]  }
0x2f: {  	lr =	sadd.s32 s0, s3;
	s0 =	sld [smem:$0x3F9A]  }
0x30: {  	s3 =	sld [smem:$0x3F9D]  }
0x31: {  	[smem:$0x3FA6] =	sst s10  }
0x32: {  	s10 =	sld [smem:$0x3FA4];
	_ =	sdelay $0x3  }
0x33: {  	p0 =	seq.s32 s10, $0x1;
	s10 =	sld [smem:$0x3FA6];
	_ =	sdelay $0x3  }
0x34: {  	[smem:$0x3FA6] =	sst s10  }
0x35: {  	s10 =	sld [smem:$0x3FA5];
	_ =	sdelay $0x3  }
0x36: {  	p1 =	seq.s32 s10, $0x1;
	s10 =	sld [smem:$0x3FA6];
	_ =	sdelay $0x3  }
0x37: {  	[smem:$0x3FA6] =	sst s10  }
0x38: {  	s10 =	sld [smem:$0x3FA7]  }
0x39: {  	_ = 	snop;
	(pc) =	sbr.ind lr, $3  }
0x3a: {  	_ = 	snop  }
0x3b: {  	_ = 	snop  }
0x3c: {  	p2 =	seq.s32 s10, $0x1;
	s10 =	sld [smem:$0x3FA6]  }
0x3d: {  	_ =	shalt  }
0x3e: {  	_ =	shalt  }
0x3f: {  	_ =	shalt  }
0x40: {  	_ =	shalt  }
0x41: {  	_ =	shalt  }
0x42: {  	_ =	shalt  }
0x43: {  	_ =	shalt  }
0x44: {  	_ =	shalt  }
0x45: {  	_ =	shalt  }
0x46: {  	_ =	shalt  }
0x47: {  	_ =	shalt  }
0x48: {  	_ =	shalt  }
0x49: {  	_ =	shalt  }
0x4a: {  	_ =	shalt  }
0x4b: {  	_ =	shalt  }
0x4c: {  	_ =	shalt  }
0x4d: {  	_ =	shalt  }
0x4e: {  	_ =	shalt  }
0x4f: {  	_ =	shalt  }
0x50: {  	_ =	shalt  }
0x51: {  	_ =	shalt  }
0x52: {  	_ =	shalt  }
0x53: {  	_ =	shalt  }
0x54: {  	_ =	shalt  }
0x55: {  	_ =	shalt  }
0x56: {  	_ =	shalt  }
0x57: {  	_ =	shalt  }
0x58: {  	_ =	shalt  }
0x59: {  	_ =	shalt  }
0x5a: {  	_ =	shalt  }
0x5b: {  	_ =	shalt  }
0x5c: {  	_ =	shalt  }
0x5d: {  	_ =	shalt  }
0x5e: {  	_ =	shalt  }
0x5f: {  	_ =	shalt  }
0x60: {  	_ =	shalt  }
0x61: {  	_ =	shalt  }
0x62: {  	_ =	shalt  }
0x63: {  	_ =	shalt  }
0x64: {  	_ =	shalt  }
0x65: {  	_ =	shalt  }
0x66: {  	_ =	shalt  }
0x67: {  	_ =	shalt  }
0x68: {  	_ =	shalt  }
0x69: {  	_ =	shalt  }
0x6a: {  	_ =	shalt  }
0x6b: {  	_ =	shalt  }
0x6c: {  	_ =	shalt  }
0x6d: {  	_ =	shalt  }
0x6e: {  	_ =	shalt  }
0x6f: {  	_ =	shalt  }
0x70: {  	_ =	shalt  }
0x71: {  	_ =	shalt  }
0x72: {  	_ =	shalt  }
0x73: {  	_ =	shalt  }
0x74: {  	_ =	shalt  }
0x75: {  	_ =	shalt  }
0x76: {  	_ =	shalt  }
0x77: {  	_ =	shalt  }
0x78: {  	_ =	shalt  }
0x79: {  	_ =	shalt  }
0x7a: {  	_ =	shalt  }
0x7b: {  	_ =	shalt  }
0x7c: {  	_ =	shalt  }
0x7d: {  	_ =	shalt  }
0x7e: {  	_ =	shalt  }
0x7f: {  	_ =	shalt  }
0x80: {  	_ =	shalt  }
0x81: {  	_ =	shalt  }
0x82: {  	_ =	shalt  }
0x83: {  	_ =	shalt  }
0x84: {  	_ =	shalt  }
0x85: {  	_ =	shalt  }
0x86: {  	_ =	shalt  }
0x87: {  	_ =	shalt  }
.Lfunc_end0:
.L_simem_size_0:
called_computation.1_lowered:
.L_overlay_start_0:
0x88: {  	s2 =	sld [smem:$0x3FD9]  }
0x89: {  	s3 =	sld [smem:$0x3FFE];
	_ =	sdelay $0x1  }
0x8a: {  	s1 =	srdreg.scid  }
0x8b: {  	s0 =	sand.u32 $0x1, s1  }
0x8c: {  	s16 =	sshll.u32 s0, $0xA;
	s2 =	sadd.s32 s3, s2  }
0x8d: {  	s2 =	sadd.s32 s2, s16  }
0x8e: {  	[smem:$0x3FB2] =	sst s2  }
0x8f: {  	_ = 	snop  }
0x90: {  	(tm) =	ssettm $0x1  }
0x91: {  	s17 =	sld [smem:$0x3FFB];
	_ =	sdelay $0x3  }
0x92: {  	_ =	strace s17  }
0x93: {  	s2 =	sld [smem:$0x3FFC];
	_ =	sdelay $0x3  }
0x94: {  	_ =	strace s2  }
0x95: {  	s2 =	sld [smem:$0x3FFD];
	_ =	sdelay $0x3  }
0x96: {  	_ =	strace s2  }
0x97: {  	_ =	strace $0x8FFFFFFF  }
0x98: {  	s18 =	sld [smem:$0x3FDB];
	_ =	sdelay $0x1  }
0x99: {  	s19 =	simm.s32 $_scs_section_size  }
0x9a: {  	s4 =	simm.s32 $_size__tile_overlayer_lowered;
	s5 =	simm.s32 $_tile_overlayer_lowered  }
0x9b: {  	s22 =	simm.s32 $0x1BFF;
	s21 =	sshll.u32 s5, $0x1;
	s2 =	sadd.s32 s19, s18  }
0x9c: {  	s6 =	simm.s32 $0x0;
	s20 =	sshll.u32 s4, $0x1;
	s4 =	sadd.s32 s21, s2  }
0x9d: {  	[timem:s6], [sflag:s22] =	dma.local [hbm:s4], s20  }
0x9e: {  	_ =	swait.ge [sflag:s22], s20  }
0x9f: {  	s3 =	ssub.s32 $0x0, s20;
	[sflag:s22] =	ssyncset.done $0x0  }
0xa0: {  	[sflag:s22] =	ssyncadd.s32 s3;
	_ =	sdelay $0x1  }
0xa1: {  	s23 =	simm.s32 $0x1B8B  }
0xa2: {  	_ =	swait.ge [sflag:s23], $0x1  }
0xa3: {  	[sflag:s23] =	ssyncset.done $0x0  }
0xa4: {  	s25 =	simm.s32 $0x1B8E;
	s24 =	sld [smem:$0x3FFE];
	[sflag:s23] =	ssyncadd.s32 $0xFFFFFFFF  }
0xa5: {  	s26 =	simm.s32 $execute0_lowered;
	[smem:$0x3FD2] =	sst s25  }
0xa6: {  	s4 =	sshll.u32 s26, $0x1;
	_ =	strace $0x80000049;
	[dreg:$0x1] =	wrdreg $0xFFFFFFFF  }
0xa7: {  	s28 =	simm.s32 $_size_execute0_lowered;
	s2 =	sadd.s32 s2, s4;
	[dreg:$0x0] =	wrdreg $0x0  }
0xa8: {  	s4 =	sshll.u32 s28, $0x1;
	[dreg:$0x2] =	wrdreg s2  }
0xa9: {  	[dreg:$0x3] =	wrdreg s4  }
0xaa: {  	[dreg:$0x4] =	wrdreg $0xC0  }
0xab: {  	_ =	task [dreg:s6], $0x5FFFF  }
0xac: {  	[dreg:$0x1] =	wrdreg $0xFFFFFFFF  }
0xad: {  	[dreg:$0x0] =	wrdreg $0x60  }
0xae: {  	[dreg:$0x2] =	wrdreg s24  }
0xaf: {  	[dreg:$0x3] =	wrdreg $0x0  }
0xb0: {  	[dreg:$0x4] =	wrdreg $0x9  }
0xb1: {  	_ =	task.clear_ibuf [dreg:s6], $0x5FFFF;
	_ =	strace $0x90000049  }
0xb2: {  	s29 =	simm.s32 $0x9;
	_ =	strace $0x8000004B  }
0xb3: {  	_ =	swait.ge [sflag:s29], $0x1  }
0xb4: {  	[sflag:s29] =	ssyncadd.s32 $0xFFFFFFFF  }
0xb5: {  	_ =	strace $0x9000004B  }
0xb6: {  	_ =	sfence  }
0xb7: {  	s30 =	sld [smem:$0x0];
	_ =	sdelay $0x2  }
0xb8: {  	s31 =	sshll.u32 s1, $0xD;
	s1 =	sshrl.u32 s1, $0x2  }
0xb9: {  	s3 =	sand.u32 $0x4000, s31;
	s1 =	sadd.s32 s1, s30  }
0xba: {  	s0 =	sor.u32 s3, s0;
	s1 =	sshll.u32 s1, $0x11  }
0xbb: {  	s0 =	sor.u32 s1, s0  }
0xbc: {  	s0 =	sadd.s32 $0x8F2B, s0  }
0xbd: {  	[sflag:s0] =	ssyncadd.remote.s32 $0x1  }
0xbe: {  	_ =	sfence.sel $0xFFFF  }
0xbf: {  	[dreg:$0x0] =	wrdreg $0xFFFFFFFF;
	(pc) =	sbr.abs _section_cstart, $3  }
0xc0: {  	[dreg:$0x1] =	wrdreg $0xFFFFFFFF  }
0xc1: {  	_ =	task.clear_ibuf [dreg:s6], $0x2FFFF;
	_ =	strace $0x9FFFFFFF  }
0xc2: {  	(tm) =	ssettm $0x7FFFFFFF  }
0xc3: {  	_ =	shalt  }
tec
execute0_lowered:
.L_overlay_start_1:
0x0: {  	(tag) =	ssettag $0x1  }
0x1: {  	s0 =	rddreg [dreg:$0x0]  }
0x2: {  	s2 =	rddreg [dreg:$0x1]  }
0x3: {  	s1 =	srdreg.scid;
	s21 =	stileid.u32;
	s3 =	simm.s32 $0x0  }
0x4: {  	s28 =	simm.s32 $0x138E8;
	s29 =	simm.s32 $0x4;
	s30 =	simm.s32 $0x6  }
0x5: {  	s31 =	simm.s32 $0x139B8;
	s1 =	sand.u32 $0x1, s1;
	s6 =	smul.u32 $0x271, s21  }
0x6: {  	[smem:$0x7FF] =	sst s3;
	s8 =	sadd.s32 $0x4A00, s0;
	s11 =	smul.u32 $0x4E200, s21  }
0x7: {  	s4 =	sadd.s32 $0xF96A00, s0;
	s7 =	smul.u32 $0x2710, s1;
	s10 =	ssub.s32 $0x2, s1  }
0x8: {  	s5 =	sadd.s32 $0x4E6A00, s0;
	_ =	strace $0x8000004A;
	s23 =	sshrl.u32 s10, $0x1  }
0x9: {  	s24 =	sshrl.u32 s11, $0x2;
	s7 =	sadd.s32 s6, s7;
	s6 =	sadd.s32 $0x52C00, s0  }
0xa: {  	s9 =	sshll.u32 s7, $0x4;
	s25 =	sadd.s32 $0x64, s7;
	s26 =	sadd.s32 $0xC8, s7  }
0xb: {  	s13 =	sadd.s32 $0x12C, s7;
	s17 =	sadd.s32 $0x258, s7;
	s12 =	sadd.s32 s9, s0  }
0xc: {  	s0 =	ssub.s32 s10, s23;
	s9 =	sadd.s32 s8, s9;
	s14 =	sshll.u32 s25, $0x4  }
0xd: {  	s15 =	sshll.u32 s26, $0x4;
	s16 =	sshll.u32 s13, $0x4;
	s13 =	sshll.u32 s13, $0x3  }
0xe: {  	[dreg:$0x3] =	wrdreg s9;
	s14 =	sadd.s32 s8, s14;
	s19 =	sadd.s32 s8, s15  }
0xf: {  	s20 =	sadd.s32 s8, s16;
	s15 =	sadd.s32 $0x190, s7;
	[dreg:$0x4] =	wrdreg s14  }
0x10: {  	s16 =	sadd.s32 $0x1F4, s7;
	s7 =	sshll.u32 s7, $0x3;
	[dreg:$0x5] =	wrdreg s19  }
0x11: {  	s9 =	sshll.u32 s17, $0x3;
	s0 =	smax.u32 s0, $0x1;
	[dreg:$0x6] =	wrdreg s20  }
0x12: {  	s22 =	sshll.u32 s15, $0x4;
	s18 =	sshll.u32 s16, $0x4;
	s19 =	sshll.u32 s17, $0x4  }
0x13: {  	s7 =	sadd.s32 s6, s7;
	s20 =	smul.u32 $0x4E200, s1;
	[dreg:$0x16] =	wrdreg s0  }
0x14: {  	s17 =	sadd.s32 $0x79E00, s12;
	s12 =	simm.s32 $0x13A20;
	[dreg:$0xb] =	wrdreg s7  }
0x15: {  	s14 =	sadd.s32 s8, s22;
	s23 =	sadd.s32 s8, s18;
	[dreg:$0x15] =	wrdreg s17  }
0x16: {  	s8 =	sadd.s32 s8, s19;
	s18 =	sadd.s32 s24, s2;
	[dreg:$0x7] =	wrdreg s14  }
0x17: {  	s24 =	sshll.u32 s25, $0x3;
	s25 =	sshll.u32 s26, $0x3;
	[dreg:$0x8] =	wrdreg s23  }
0x18: {  	s26 =	smul.u32 $0xC80, s1;
	s22 =	sadd.s32 s6, s13;
	[dreg:$0x9] =	wrdreg s8  }
0x19: {  	s17 =	simm.s32 $0x16C20;
	s14 =	smul.u32 $0xC8, s21;
	[dreg:$0xe] =	wrdreg s22  }
0x1a: {  	s8 =	sadd.s32 s6, s24;
	s11 =	sadd.s32 s6, s25;
	[dreg:$0xa] =	wrdreg s18  }
0x1b: {  	s23 =	sshll.u32 s15, $0x3;
	s25 =	sshll.u32 s16, $0x3;
	[dreg:$0xc] =	wrdreg s8  }
0x1c: {  	s22 =	sadd.s32 $0x6400, s18;
	[dreg:$0xd] =	wrdreg s11;
	s1 =	sadd.s32 s6, s23  }
0x1d: {  	[dreg:$0x18] =	wrdreg s22;
	s23 =	sadd.s32 $0x9600, s18;
	s22 =	simm.s32 $0x64  }
0x1e: {  	s19 =	sadd.s32 s14, s26;
	[dreg:$0xf] =	wrdreg s1;
	s26 =	smul.u32 $0x4E20, s21  }
0x1f: {  	s1 =	sadd.s32 s6, s25;
	s21 =	sadd.s32 $0x3200, s18;
	[dreg:$0x19] =	wrdreg s23  }
0x20: {  	s25 =	sadd.s32 $0xFA00, s18;
	s24 =	smul.u32 $0xD0, s19;
	[dreg:$0x10] =	wrdreg s1  }
0x21: {  	s23 =	simm.s32 $0x2;
	s10 =	smul.u32 $0x1A, s19;
	[dreg:$0x17] =	wrdreg s21  }
0x22: {  	s1 =	sadd.s32 s6, s9;
	[dreg:$0x1b] =	wrdreg s25;
	s25 =	simm.s32 $0x3  }
0x23: {  	[dreg:$0x11] =	wrdreg s1;
	s13 =	sadd.s32 s26, s20;
	s26 =	sadd.s32 $0x12C00, s18  }
0x24: {  	s11 =	sshrl.u32 s24, $0x3;
	s15 =	sadd.s32 s5, s10;
	s7 =	sshll.u32 s13, $0x4  }
0x25: {  	s24 =	sadd.s32 $0xC800, s18;
	[dreg:$0x1c] =	wrdreg s26;
	s10 =	sor.u32 $0x1, s14  }
.Ltmp0:
0x26: {  	s13 =	simm.s32 $0x9;
	s18 =	simm.s32 $0x13950;
	(pc) =	sbr.rel .LBB2_1-.Ltmp0, $4  }
0x27: {  	s26 =	simm.s32 $0x5;
	[dreg:$0x12] =	wrdreg s15;
	s1 =	sadd.s32 s5, s11  }
0x28: {  	s16 =	sadd.s32 s4, s7;
	[dreg:$0x1a] =	wrdreg s24;
	s11 =	sor.u32 $0x3, s19  }
0x29: {  	s24 =	simm.s32 $0x1B720;
	s1 =	sadd.s32 $0x1A, s1;
	[dreg:$0x14] =	wrdreg s16  }
0x2a: {  	s16 =	simm.s32 $0x19E20;
	[dreg:$0x13] =	wrdreg s1;
	s1 =	simm.s32 $0x0  }
.LBB2_22:
0x2b: {  	s0 =	simm.s32 $0x8  }
0x2c: {  	_ =	swait.ge [sflag:s0], $0x3200  }
0x2d: {  	[sflag:s0] =	ssyncset.done $0x0  }
0x2e: {  	[sflag:s0] =	ssyncadd.s32 $0xFFFFCE00  }
0x2f: {  	s15 =	stileid.u32;
	[bflag:$0x0] =	sbarrier.arrive $0xFFFF  }
0x30: {  	s0 =	sshll.u32 s15, $0x6;
	s7 =	rddreg [dreg:$0xa]  }
0x31: {  	s0 =	sor.u32 $0x1C09, s0;
	s8 =	rddreg [dreg:$0x15];
	s7 =	sshrl.u32 s7, $0x3  }
0x32: {  	[hbm:s8], [sflag:s0] =	dma.local [spmem:s7], $0x2710  }
0x33: {  	_ =	swait.ge [sflag:s13], $0x2710  }
0x34: {  	s1 =	sadd.s32 $0x1, s1;
	s21 =	rddreg [dreg:$0x16]  }
0x35: {  	p0 =	sne.s32 s1, s21  }
.Ltmp1:
0x36: {  	_ = 	snop;
	(pc) =	sbr.rel @!p0 .LBB2_23-.Ltmp1, $3  }
0x37: {  	_ =	sdelay $0x1  }
0x38: {  	[sflag:s13] =	ssyncset.done $0x0  }
0x39: {  	[sflag:s13] =	ssyncadd.s32 $0xFFFFD8F0  }
.LBB2_1:
0x3a: {  	s0 =	rddreg [dreg:$0x3]  }
0x3b: {  	[tilespmem:s12], [sflag:$0x9] =	stream.linear.gather [hbm4b:s0+s3], $0x3200, $0x38;
	[tilespmem:$0x1D020] =	vst v63  }
0x3c: {  	_ =	swait.ge [sflag:s13], $0x3200  }
0x3d: {  	[sflag:s13] =	ssyncset.done $0x0  }
0x3e: {  	s0 =	simm.s32 $0x13A60;
	[sflag:s13] =	ssyncadd.s32 $0xFFFFCE00  }
0x3f: {  	v0 =	vld [tilespmem:s0+$0xFFFFFFC0]  }
0x40: {  	v1 =	vld [tilespmem:s0+$0xFFFFFFD0];
	_ =	sdelay $0x4  }
0x41: {  	s7 =	simm.s32 $0x0;
	v0 =	vpack.i.f32.bf16 v1, v0  }
0x42: {  	[tilespmem:s7+$0x19E20] =	vst v0  }
0x43: {  	v0 =	vld [tilespmem:s0+$0xFFFFFFE0]  }
0x44: {  	v1 =	vld [tilespmem:s0+$0xFFFFFFF0];
	_ =	sdelay $0x4  }
0x45: {  	v0 =	vpack.i.f32.bf16 v1, v0  }
0x46: {  	[tilespmem:s7+$0x19E30] =	vst v0  }
0x47: {  	v0 =	vld [tilespmem:s0+$0x0]  }
0x48: {  	v1 =	vld [tilespmem:s0+$0x10];
	_ =	sdelay $0x4  }
0x49: {  	v0 =	vpack.i.f32.bf16 v1, v0  }
0x4a: {  	[tilespmem:s7+$0x19E40] =	vst v0  }
0x4b: {  	v0 =	vld [tilespmem:s0+$0x20]  }
0x4c: {  	s8 =	simm.s32 $0x100;
	v1 =	vld [tilespmem:s0+$0x30]  }
.LBB2_2:
0x4d: {  	_ = 	snop  }
0x4e: {  	p0 =	sne.s32 s8, $0x6300  }
0x4f: {  	s0 =	sadd.s32 $0x80, s0;
	s9 =	smov.u32 s8;
	s8 =	sadd.s32 $0x100, s8  }
0x50: {  	_ = 	snop  }
0x51: {  	v0 =	vpack.i.f32.bf16 v1, v0  }
0x52: {  	[tilespmem:s7+$0x19E50] =	vst v0  }
0x53: {  	v0 =	vld [tilespmem:s0+$0xFFFFFFC0]  }
0x54: {  	v1 =	vld [tilespmem:s0+$0xFFFFFFD0];
	_ =	sdelay $0x4  }
0x55: {  	s7 =	sshra.s32 s9, $0x2;
	v0 =	vpack.i.f32.bf16 v1, v0  }
0x56: {  	[tilespmem:s7+$0x19E20] =	vst v0  }
0x57: {  	v0 =	vld [tilespmem:s0+$0xFFFFFFE0]  }
0x58: {  	v1 =	vld [tilespmem:s0+$0xFFFFFFF0];
	_ =	sdelay $0x4  }
0x59: {  	v0 =	vpack.i.f32.bf16 v1, v0  }
0x5a: {  	[tilespmem:s7+$0x19E30] =	vst v0  }
0x5b: {  	v0 =	vld [tilespmem:s0+$0x0]  }
0x5c: {  	v1 =	vld [tilespmem:s0+$0x10];
	_ =	sdelay $0x3  }
.Ltmp2:
0x5d: {  	(pc) =	sbr.rel @p0 .LBB2_2-.Ltmp2, $4  }
0x5e: {  	v0 =	vpack.i.f32.bf16 v1, v0  }
0x5f: {  	[tilespmem:s7+$0x19E40] =	vst v0  }
0x60: {  	v0 =	vld [tilespmem:s0+$0x20]  }
0x61: {  	v1 =	vld [tilespmem:s0+$0x30]  }
0x62: {  	_ =	sdelay $0x3  }
0x63: {  	v0 =	vpack.i.f32.bf16 v1, v0  }
0x64: {  	s0 =	rddreg [dreg:$0xa];
	[tilespmem:s7+$0x19E50] =	vst v0  }
0x65: {  	[spmem:s0] =	stream.linear.scatter [tilespmem:s12], [sflag:$0x9], $0x3200, $0x38;
	[tilespmem:$0x1D020] =	vst v63  }
0x66: {  	_ =	swait.ge [sflag:s13], $0x3200  }
0x67: {  	[sflag:s13] =	ssyncset.done $0x0  }
0x68: {  	s9 =	simm.s32 $0x0;
	s15 =	rddreg [dreg:$0xb];
	[sflag:s13] =	ssyncadd.s32 $0xFFFFCE00  }
0x69: {  	[hbm4b:s15+s9] =	stream.linear.scatter [tilespmem:s16], [sflag:$0x9], $0x1900, $0x38;
	[tilespmem:$0x1D020] =	vst v63  }
0x6a: {  	_ =	swait.ge [sflag:s13], $0x1900  }
0x6b: {  	[sflag:s13] =	ssyncset.done $0x0  }
0x6c: {  	s21 =	rddreg [dreg:$0x4];
	[sflag:s13] =	ssyncadd.s32 $0xFFFFE700  }
0x6d: {  	[tilespmem:s12], [sflag:$0x9] =	stream.linear.gather [hbm4b:s21+s9], $0x3200, $0x38;
	[tilespmem:$0x1D020] =	vst v63  }
0x6e: {  	_ =	swait.ge [sflag:s13], $0x3200  }
0x6f: {  	[sflag:s13] =	ssyncset.done $0x0  }
0x70: {  	s0 =	simm.s32 $0x13A60;
	[sflag:s13] =	ssyncadd.s32 $0xFFFFCE00  }
0x71: {  	v0 =	vld [tilespmem:s0+$0xFFFFFFC0]  }
0x72: {  	v1 =	vld [tilespmem:s0+$0xFFFFFFD0];
	_ =	sdelay $0x4  }
0x73: {  	s7 =	simm.s32 $0x0;
	v0 =	vpack.i.f32.bf16 v1, v0  }
0x74: {  	[tilespmem:s7+$0x19E20] =	vst v0  }
0x75: {  	v0 =	vld [tilespmem:s0+$0xFFFFFFE0]  }
0x76: {  	v1 =	vld [tilespmem:s0+$0xFFFFFFF0];
	_ =	sdelay $0x4  }
0x77: {  	v0 =	vpack.i.f32.bf16 v1, v0  }
0x78: {  	[tilespmem:s7+$0x19E30] =	vst v0  }
0x79: {  	v0 =	vld [tilespmem:s0+$0x0]  }
0x7a: {  	v1 =	vld [tilespmem:s0+$0x10];
	_ =	sdelay $0x4  }
0x7b: {  	v0 =	vpack.i.f32.bf16 v1, v0  }
0x7c: {  	[tilespmem:s7+$0x19E40] =	vst v0  }
0x7d: {  	v0 =	vld [tilespmem:s0+$0x20]  }
0x7e: {  	s8 =	simm.s32 $0x100;
	v1 =	vld [tilespmem:s0+$0x30]  }
.LBB2_4:
0x7f: {  	_ = 	snop  }
0x80: {  	p0 =	sne.s32 s8, $0x6300  }
0x81: {  	s0 =	sadd.s32 $0x80, s0;
	s9 =	smov.u32 s8;
	s8 =	sadd.s32 $0x100, s8  }
0x82: {  	_ = 	snop  }
0x83: {  	v0 =	vpack.i.f32.bf16 v1, v0  }
0x84: {  	[tilespmem:s7+$0x19E50] =	vst v0  }
0x85: {  	v0 =	vld [tilespmem:s0+$0xFFFFFFC0]  }
0x86: {  	v1 =	vld [tilespmem:s0+$0xFFFFFFD0];
	_ =	sdelay $0x4  }
0x87: {  	s7 =	sshra.s32 s9, $0x2;
	v0 =	vpack.i.f32.bf16 v1, v0  }
0x88: {  	[tilespmem:s7+$0x19E20] =	vst v0  }
0x89: {  	v0 =	vld [tilespmem:s0+$0xFFFFFFE0]  }
0x8a: {  	v1 =	vld [tilespmem:s0+$0xFFFFFFF0];
	_ =	sdelay $0x4  }
0x8b: {  	v0 =	vpack.i.f32.bf16 v1, v0  }
0x8c: {  	[tilespmem:s7+$0x19E30] =	vst v0  }
0x8d: {  	v0 =	vld [tilespmem:s0+$0x0]  }
0x8e: {  	v1 =	vld [tilespmem:s0+$0x10];
	_ =	sdelay $0x3  }
.Ltmp3:
0x8f: {  	(pc) =	sbr.rel @p0 .LBB2_4-.Ltmp3, $4  }
0x90: {  	v0 =	vpack.i.f32.bf16 v1, v0  }
0x91: {  	[tilespmem:s7+$0x19E40] =	vst v0  }
0x92: {  	v0 =	vld [tilespmem:s0+$0x20]  }
0x93: {  	v1 =	vld [tilespmem:s0+$0x30]  }
0x94: {  	_ =	sdelay $0x3  }
0x95: {  	v0 =	vpack.i.f32.bf16 v1, v0  }
0x96: {  	s0 =	rddreg [dreg:$0x17];
	[tilespmem:s7+$0x19E50] =	vst v0  }
0x97: {  	[spmem:s0] =	stream.linear.scatter [tilespmem:s12], [sflag:$0x9], $0x3200, $0x38;
	[tilespmem:$0x1D020] =	vst v63  }
0x98: {  	_ =	swait.ge [sflag:s13], $0x3200  }
0x99: {  	[sflag:s13] =	ssyncset.done $0x0  }
0x9a: {  	s9 =	simm.s32 $0x0;
	s15 =	rddreg [dreg:$0xc];
	[sflag:s13] =	ssyncadd.s32 $0xFFFFCE00  }
0x9b: {  	[hbm4b:s15+s9] =	stream.linear.scatter [tilespmem:s16], [sflag:$0x9], $0x1900, $0x38;
	[tilespmem:$0x1D020] =	vst v63  }
0x9c: {  	_ =	swait.ge [sflag:s13], $0x1900  }
0x9d: {  	[sflag:s13] =	ssyncset.done $0x0  }
0x9e: {  	s21 =	rddreg [dreg:$0x5];
	[sflag:s13] =	ssyncadd.s32 $0xFFFFE700  }
0x9f: {  	[tilespmem:s12], [sflag:$0x9] =	stream.linear.gather [hbm4b:s21+s9], $0x3200, $0x38;
	[tilespmem:$0x1D020] =	vst v63  }
0xa0: {  	_ =	swait.ge [sflag:s13], $0x3200  }
0xa1: {  	[sflag:s13] =	ssyncset.done $0x0  }
0xa2: {  	s0 =	simm.s32 $0x13A60;
	[sflag:s13] =	ssyncadd.s32 $0xFFFFCE00  }
0xa3: {  	v0 =	vld [tilespmem:s0+$0xFFFFFFC0]  }
0xa4: {  	v1 =	vld [tilespmem:s0+$0xFFFFFFD0];
	_ =	sdelay $0x4  }
0xa5: {  	s7 =	simm.s32 $0x0;
	v0 =	vpack.i.f32.bf16 v1, v0  }
0xa6: {  	[tilespmem:s7+$0x19E20] =	vst v0  }
0xa7: {  	v0 =	vld [tilespmem:s0+$0xFFFFFFE0]  }
0xa8: {  	v1 =	vld [tilespmem:s0+$0xFFFFFFF0];
	_ =	sdelay $0x4  }
0xa9: {  	v0 =	vpack.i.f32.bf16 v1, v0  }
0xaa: {  	[tilespmem:s7+$0x19E30] =	vst v0  }
0xab: {  	v0 =	vld [tilespmem:s0+$0x0]  }
0xac: {  	v1 =	vld [tilespmem:s0+$0x10];
	_ =	sdelay $0x4  }
0xad: {  	v0 =	vpack.i.f32.bf16 v1, v0  }
0xae: {  	[tilespmem:s7+$0x19E40] =	vst v0  }
0xaf: {  	v0 =	vld [tilespmem:s0+$0x20]  }
0xb0: {  	s8 =	simm.s32 $0x100;
	v1 =	vld [tilespmem:s0+$0x30]  }
.LBB2_6:
0xb1: {  	_ = 	snop  }
0xb2: {  	p0 =	sne.s32 s8, $0x6300  }
0xb3: {  	s0 =	sadd.s32 $0x80, s0;
	s9 =	smov.u32 s8;
	s8 =	sadd.s32 $0x100, s8  }
0xb4: {  	_ = 	snop  }
0xb5: {  	v0 =	vpack.i.f32.bf16 v1, v0  }
0xb6: {  	[tilespmem:s7+$0x19E50] =	vst v0  }
0xb7: {  	v0 =	vld [tilespmem:s0+$0xFFFFFFC0]  }
0xb8: {  	v1 =	vld [tilespmem:s0+$0xFFFFFFD0];
	_ =	sdelay $0x4  }
0xb9: {  	s7 =	sshra.s32 s9, $0x2;
	v0 =	vpack.i.f32.bf16 v1, v0  }
0xba: {  	[tilespmem:s7+$0x19E20] =	vst v0  }
0xbb: {  	v0 =	vld [tilespmem:s0+$0xFFFFFFE0]  }
0xbc: {  	v1 =	vld [tilespmem:s0+$0xFFFFFFF0];
	_ =	sdelay $0x4  }
0xbd: {  	v0 =	vpack.i.f32.bf16 v1, v0  }
0xbe: {  	[tilespmem:s7+$0x19E30] =	vst v0  }
0xbf: {  	v0 =	vld [tilespmem:s0+$0x0]  }
0xc0: {  	v1 =	vld [tilespmem:s0+$0x10];
	_ =	sdelay $0x3  }
.Ltmp4:
0xc1: {  	(pc) =	sbr.rel @p0 .LBB2_6-.Ltmp4, $4  }
0xc2: {  	v0 =	vpack.i.f32.bf16 v1, v0  }
0xc3: {  	[tilespmem:s7+$0x19E40] =	vst v0  }
0xc4: {  	v0 =	vld [tilespmem:s0+$0x20]  }
0xc5: {  	v1 =	vld [tilespmem:s0+$0x30]  }
0xc6: {  	_ =	sdelay $0x3  }
0xc7: {  	v0 =	vpack.i.f32.bf16 v1, v0  }
0xc8: {  	s0 =	rddreg [dreg:$0x18];
	[tilespmem:s7+$0x19E50] =	vst v0  }
0xc9: {  	[spmem:s0] =	stream.linear.scatter [tilespmem:s12], [sflag:$0x9], $0x3200, $0x38;
	[tilespmem:$0x1D020] =	vst v63  }
0xca: {  	_ =	swait.ge [sflag:s13], $0x3200  }
0xcb: {  	[sflag:s13] =	ssyncset.done $0x0  }
0xcc: {  	s9 =	simm.s32 $0x0;
	s15 =	rddreg [dreg:$0xd];
	[sflag:s13] =	ssyncadd.s32 $0xFFFFCE00  }
0xcd: {  	[hbm4b:s15+s9] =	stream.linear.scatter [tilespmem:s16], [sflag:$0x9], $0x1900, $0x38;
	[tilespmem:$0x1D020] =	vst v63  }
0xce: {  	_ =	swait.ge [sflag:s13], $0x1900  }
0xcf: {  	[sflag:s13] =	ssyncset.done $0x0  }
0xd0: {  	s21 =	rddreg [dreg:$0x6];
	[sflag:s13] =	ssyncadd.s32 $0xFFFFE700  }
0xd1: {  	[tilespmem:s12], [sflag:$0x9] =	stream.linear.gather [hbm4b:s21+s9], $0x3200, $0x38;
	[tilespmem:$0x1D020] =	vst v63  }
0xd2: {  	_ =	swait.ge [sflag:s13], $0x3200  }
0xd3: {  	[sflag:s13] =	ssyncset.done $0x0  }
0xd4: {  	s0 =	simm.s32 $0x13A60;
	[sflag:s13] =	ssyncadd.s32 $0xFFFFCE00  }
0xd5: {  	v0 =	vld [tilespmem:s0+$0xFFFFFFC0]  }
0xd6: {  	v1 =	vld [tilespmem:s0+$0xFFFFFFD0];
	_ =	sdelay $0x4  }
0xd7: {  	s7 =	simm.s32 $0x0;
	v0 =	vpack.i.f32.bf16 v1, v0  }
0xd8: {  	[tilespmem:s7+$0x19E20] =	vst v0  }
0xd9: {  	v0 =	vld [tilespmem:s0+$0xFFFFFFE0]  }
0xda: {  	v1 =	vld [tilespmem:s0+$0xFFFFFFF0];
	_ =	sdelay $0x4  }
0xdb: {  	v0 =	vpack.i.f32.bf16 v1, v0  }
0xdc: {  	[tilespmem:s7+$0x19E30] =	vst v0  }
0xdd: {  	v0 =	vld [tilespmem:s0+$0x0]  }
0xde: {  	v1 =	vld [tilespmem:s0+$0x10];
	_ =	sdelay $0x4  }
0xdf: {  	v0 =	vpack.i.f32.bf16 v1, v0  }
0xe0: {  	[tilespmem:s7+$0x19E40] =	vst v0  }
0xe1: {  	v0 =	vld [tilespmem:s0+$0x20]  }
0xe2: {  	s8 =	simm.s32 $0x100;
	v1 =	vld [tilespmem:s0+$0x30]  }
.LBB2_8:
0xe3: {  	_ = 	snop  }
0xe4: {  	p0 =	sne.s32 s8, $0x6300  }
0xe5: {  	s0 =	sadd.s32 $0x80, s0;
	s9 =	smov.u32 s8;
	s8 =	sadd.s32 $0x100, s8  }
0xe6: {  	_ = 	snop  }
0xe7: {  	v0 =	vpack.i.f32.bf16 v1, v0  }
0xe8: {  	[tilespmem:s7+$0x19E50] =	vst v0  }
0xe9: {  	v0 =	vld [tilespmem:s0+$0xFFFFFFC0]  }
0xea: {  	v1 =	vld [tilespmem:s0+$0xFFFFFFD0];
	_ =	sdelay $0x4  }
0xeb: {  	s7 =	sshra.s32 s9, $0x2;
	v0 =	vpack.i.f32.bf16 v1, v0  }
0xec: {  	[tilespmem:s7+$0x19E20] =	vst v0  }
0xed: {  	v0 =	vld [tilespmem:s0+$0xFFFFFFE0]  }
0xee: {  	v1 =	vld [tilespmem:s0+$0xFFFFFFF0];
	_ =	sdelay $0x4  }
0xef: {  	v0 =	vpack.i.f32.bf16 v1, v0  }
0xf0: {  	[tilespmem:s7+$0x19E30] =	vst v0  }
0xf1: {  	v0 =	vld [tilespmem:s0+$0x0]  }
0xf2: {  	v1 =	vld [tilespmem:s0+$0x10];
	_ =	sdelay $0x3  }
.Ltmp5:
0xf3: {  	(pc) =	sbr.rel @p0 .LBB2_8-.Ltmp5, $4  }
0xf4: {  	v0 =	vpack.i.f32.bf16 v1, v0  }
0xf5: {  	[tilespmem:s7+$0x19E40] =	vst v0  }
0xf6: {  	v0 =	vld [tilespmem:s0+$0x20]  }
0xf7: {  	v1 =	vld [tilespmem:s0+$0x30]  }
0xf8: {  	_ =	sdelay $0x3  }
0xf9: {  	v0 =	vpack.i.f32.bf16 v1, v0  }
0xfa: {  	s0 =	rddreg [dreg:$0x19];
	[tilespmem:s7+$0x19E50] =	vst v0  }
0xfb: {  	[spmem:s0] =	stream.linear.scatter [tilespmem:s12], [sflag:$0x9], $0x3200, $0x38;
	[tilespmem:$0x1D020] =	vst v63  }
0xfc: {  	_ =	swait.ge [sflag:s13], $0x3200  }
0xfd: {  	[sflag:s13] =	ssyncset.done $0x0  }
0xfe: {  	s9 =	simm.s32 $0x0;
	s15 =	rddreg [dreg:$0xe];
	[sflag:s13] =	ssyncadd.s32 $0xFFFFCE00  }
0xff: {  	[hbm4b:s15+s9] =	stream.linear.scatter [tilespmem:s16], [sflag:$0x9], $0x1900, $0x38;
	[tilespmem:$0x1D020] =	vst v63  }
0x100: {  	_ =	swait.ge [sflag:s13], $0x1900  }
0x101: {  	[sflag:s13] =	ssyncset.done $0x0  }
0x102: {  	s21 =	rddreg [dreg:$0x7];
	[sflag:s13] =	ssyncadd.s32 $0xFFFFE700  }
0x103: {  	[tilespmem:s12], [sflag:$0x9] =	stream.linear.gather [hbm4b:s21+s9], $0x3200, $0x38;
	[tilespmem:$0x1D020] =	vst v63  }
0x104: {  	_ =	swait.ge [sflag:s13], $0x3200  }
0x105: {  	[sflag:s13] =	ssyncset.done $0x0  }
0x106: {  	s0 =	simm.s32 $0x13A60;
	[sflag:s13] =	ssyncadd.s32 $0xFFFFCE00  }
0x107: {  	v0 =	vld [tilespmem:s0+$0xFFFFFFC0]  }
0x108: {  	v1 =	vld [tilespmem:s0+$0xFFFFFFD0];
	_ =	sdelay $0x4  }
0x109: {  	s7 =	simm.s32 $0x0;
	v0 =	vpack.i.f32.bf16 v1, v0  }
0x10a: {  	[tilespmem:s7+$0x19E20] =	vst v0  }
0x10b: {  	v0 =	vld [tilespmem:s0+$0xFFFFFFE0]  }
0x10c: {  	v1 =	vld [tilespmem:s0+$0xFFFFFFF0];
	_ =	sdelay $0x4  }
0x10d: {  	v0 =	vpack.i.f32.bf16 v1, v0  }
0x10e: {  	[tilespmem:s7+$0x19E30] =	vst v0  }
0x10f: {  	v0 =	vld [tilespmem:s0+$0x0]  }
0x110: {  	v1 =	vld [tilespmem:s0+$0x10];
	_ =	sdelay $0x4  }
0x111: {  	v0 =	vpack.i.f32.bf16 v1, v0  }
0x112: {  	[tilespmem:s7+$0x19E40] =	vst v0  }
0x113: {  	v0 =	vld [tilespmem:s0+$0x20]  }
0x114: {  	s8 =	simm.s32 $0x100;
	v1 =	vld [tilespmem:s0+$0x30]  }
.LBB2_10:
0x115: {  	_ = 	snop  }
0x116: {  	p0 =	sne.s32 s8, $0x6300  }
0x117: {  	s0 =	sadd.s32 $0x80, s0;
	s9 =	smov.u32 s8;
	s8 =	sadd.s32 $0x100, s8  }
0x118: {  	_ = 	snop  }
0x119: {  	v0 =	vpack.i.f32.bf16 v1, v0  }
0x11a: {  	[tilespmem:s7+$0x19E50] =	vst v0  }
0x11b: {  	v0 =	vld [tilespmem:s0+$0xFFFFFFC0]  }
0x11c: {  	v1 =	vld [tilespmem:s0+$0xFFFFFFD0];
	_ =	sdelay $0x4  }
0x11d: {  	s7 =	sshra.s32 s9, $0x2;
	v0 =	vpack.i.f32.bf16 v1, v0  }
0x11e: {  	[tilespmem:s7+$0x19E20] =	vst v0  }
0x11f: {  	v0 =	vld [tilespmem:s0+$0xFFFFFFE0]  }
0x120: {  	v1 =	vld [tilespmem:s0+$0xFFFFFFF0];
	_ =	sdelay $0x4  }
0x121: {  	v0 =	vpack.i.f32.bf16 v1, v0  }
0x122: {  	[tilespmem:s7+$0x19E30] =	vst v0  }
0x123: {  	v0 =	vld [tilespmem:s0+$0x0]  }
0x124: {  	v1 =	vld [tilespmem:s0+$0x10];
	_ =	sdelay $0x3  }
.Ltmp6:
0x125: {  	(pc) =	sbr.rel @p0 .LBB2_10-.Ltmp6, $4  }
0x126: {  	v0 =	vpack.i.f32.bf16 v1, v0  }
0x127: {  	[tilespmem:s7+$0x19E40] =	vst v0  }
0x128: {  	v0 =	vld [tilespmem:s0+$0x20]  }
0x129: {  	v1 =	vld [tilespmem:s0+$0x30]  }
0x12a: {  	_ =	sdelay $0x3  }
0x12b: {  	v0 =	vpack.i.f32.bf16 v1, v0  }
0x12c: {  	s0 =	rddreg [dreg:$0x1a];
	[tilespmem:s7+$0x19E50] =	vst v0  }
0x12d: {  	[spmem:s0] =	stream.linear.scatter [tilespmem:s12], [sflag:$0x9], $0x3200, $0x38;
	[tilespmem:$0x1D020] =	vst v63  }
0x12e: {  	_ =	swait.ge [sflag:s13], $0x3200  }
0x12f: {  	[sflag:s13] =	ssyncset.done $0x0  }
0x130: {  	s9 =	simm.s32 $0x0;
	s15 =	rddreg [dreg:$0xf];
	[sflag:s13] =	ssyncadd.s32 $0xFFFFCE00  }
0x131: {  	[hbm4b:s15+s9] =	stream.linear.scatter [tilespmem:s16], [sflag:$0x9], $0x1900, $0x38;
	[tilespmem:$0x1D020] =	vst v63  }
0x132: {  	_ =	swait.ge [sflag:s13], $0x1900  }
0x133: {  	[sflag:s13] =	ssyncset.done $0x0  }
0x134: {  	s21 =	rddreg [dreg:$0x8];
	[sflag:s13] =	ssyncadd.s32 $0xFFFFE700  }
0x135: {  	[tilespmem:s12], [sflag:$0x9] =	stream.linear.gather [hbm4b:s21+s9], $0x3200, $0x38;
	[tilespmem:$0x1D020] =	vst v63  }
0x136: {  	_ =	swait.ge [sflag:s13], $0x3200  }
0x137: {  	[sflag:s13] =	ssyncset.done $0x0  }
0x138: {  	s0 =	simm.s32 $0x13A60;
	[sflag:s13] =	ssyncadd.s32 $0xFFFFCE00  }
0x139: {  	v0 =	vld [tilespmem:s0+$0xFFFFFFC0]  }
0x13a: {  	v1 =	vld [tilespmem:s0+$0xFFFFFFD0];
	_ =	sdelay $0x4  }
0x13b: {  	s7 =	simm.s32 $0x0;
	v0 =	vpack.i.f32.bf16 v1, v0  }
0x13c: {  	[tilespmem:s7+$0x19E20] =	vst v0  }
0x13d: {  	v0 =	vld [tilespmem:s0+$0xFFFFFFE0]  }
0x13e: {  	v1 =	vld [tilespmem:s0+$0xFFFFFFF0];
	_ =	sdelay $0x4  }
0x13f: {  	v0 =	vpack.i.f32.bf16 v1, v0  }
0x140: {  	[tilespmem:s7+$0x19E30] =	vst v0  }
0x141: {  	v0 =	vld [tilespmem:s0+$0x0]  }
0x142: {  	v1 =	vld [tilespmem:s0+$0x10];
	_ =	sdelay $0x4  }
0x143: {  	v0 =	vpack.i.f32.bf16 v1, v0  }
0x144: {  	[tilespmem:s7+$0x19E40] =	vst v0  }
0x145: {  	v0 =	vld [tilespmem:s0+$0x20]  }
0x146: {  	s8 =	simm.s32 $0x100;
	v1 =	vld [tilespmem:s0+$0x30]  }
.LBB2_12:
0x147: {  	_ = 	snop  }
0x148: {  	p0 =	sne.s32 s8, $0x6300  }
0x149: {  	s0 =	sadd.s32 $0x80, s0;
	s9 =	smov.u32 s8;
	s8 =	sadd.s32 $0x100, s8  }
0x14a: {  	_ = 	snop  }
0x14b: {  	v0 =	vpack.i.f32.bf16 v1, v0  }
0x14c: {  	[tilespmem:s7+$0x19E50] =	vst v0  }
0x14d: {  	v0 =	vld [tilespmem:s0+$0xFFFFFFC0]  }
0x14e: {  	v1 =	vld [tilespmem:s0+$0xFFFFFFD0];
	_ =	sdelay $0x4  }
0x14f: {  	s7 =	sshra.s32 s9, $0x2;
	v0 =	vpack.i.f32.bf16 v1, v0  }
0x150: {  	[tilespmem:s7+$0x19E20] =	vst v0  }
0x151: {  	v0 =	vld [tilespmem:s0+$0xFFFFFFE0]  }
0x152: {  	v1 =	vld [tilespmem:s0+$0xFFFFFFF0];
	_ =	sdelay $0x4  }
0x153: {  	v0 =	vpack.i.f32.bf16 v1, v0  }
0x154: {  	[tilespmem:s7+$0x19E30] =	vst v0  }
0x155: {  	v0 =	vld [tilespmem:s0+$0x0]  }
0x156: {  	v1 =	vld [tilespmem:s0+$0x10];
	_ =	sdelay $0x3  }
.Ltmp7:
0x157: {  	(pc) =	sbr.rel @p0 .LBB2_12-.Ltmp7, $4  }
0x158: {  	v0 =	vpack.i.f32.bf16 v1, v0  }
0x159: {  	[tilespmem:s7+$0x19E40] =	vst v0  }
0x15a: {  	v0 =	vld [tilespmem:s0+$0x20]  }
0x15b: {  	v1 =	vld [tilespmem:s0+$0x30]  }
0x15c: {  	_ =	sdelay $0x3  }
0x15d: {  	v0 =	vpack.i.f32.bf16 v1, v0  }
0x15e: {  	s0 =	rddreg [dreg:$0x1b];
	[tilespmem:s7+$0x19E50] =	vst v0  }
0x15f: {  	[spmem:s0] =	stream.linear.scatter [tilespmem:s12], [sflag:$0x9], $0x3200, $0x38;
	[tilespmem:$0x1D020] =	vst v63  }
0x160: {  	_ =	swait.ge [sflag:s13], $0x3200  }
0x161: {  	[sflag:s13] =	ssyncset.done $0x0  }
0x162: {  	s9 =	simm.s32 $0x0;
	s15 =	rddreg [dreg:$0x10];
	[sflag:s13] =	ssyncadd.s32 $0xFFFFCE00  }
0x163: {  	[hbm4b:s15+s9] =	stream.linear.scatter [tilespmem:s16], [sflag:$0x9], $0x1900, $0x38;
	[tilespmem:$0x1D020] =	vst v63  }
0x164: {  	_ =	swait.ge [sflag:s13], $0x1900  }
0x165: {  	[sflag:s13] =	ssyncset.done $0x0  }
0x166: {  	s21 =	rddreg [dreg:$0x9];
	[sflag:s13] =	ssyncadd.s32 $0xFFFFE700  }
0x167: {  	[tilespmem:s12], [sflag:$0x9] =	stream.linear.gather [hbm4b:s21+s9], $0xC80, $0x38;
	[tilespmem:$0x1D020] =	vst v63  }
0x168: {  	_ =	swait.ge [sflag:s13], $0xC80  }
0x169: {  	[sflag:s13] =	ssyncset.done $0x0  }
0x16a: {  	s0 =	simm.s32 $0x13A60;
	[sflag:s13] =	ssyncadd.s32 $0xFFFFF380  }
0x16b: {  	v0 =	vld [tilespmem:s0+$0xFFFFFFC0]  }
0x16c: {  	v1 =	vld [tilespmem:s0+$0xFFFFFFD0];
	_ =	sdelay $0x4  }
0x16d: {  	s7 =	simm.s32 $0x0;
	v0 =	vpack.i.f32.bf16 v1, v0  }
0x16e: {  	[tilespmem:s7+$0x19E20] =	vst v0  }
0x16f: {  	v0 =	vld [tilespmem:s0+$0xFFFFFFE0]  }
0x170: {  	v1 =	vld [tilespmem:s0+$0xFFFFFFF0];
	_ =	sdelay $0x4  }
0x171: {  	v0 =	vpack.i.f32.bf16 v1, v0  }
0x172: {  	[tilespmem:s7+$0x19E30] =	vst v0  }
0x173: {  	v0 =	vld [tilespmem:s0+$0x0]  }
0x174: {  	v1 =	vld [tilespmem:s0+$0x10];
	_ =	sdelay $0x4  }
0x175: {  	v0 =	vpack.i.f32.bf16 v1, v0  }
0x176: {  	[tilespmem:s7+$0x19E40] =	vst v0  }
0x177: {  	v0 =	vld [tilespmem:s0+$0x20]  }
0x178: {  	s8 =	simm.s32 $0x100;
	v1 =	vld [tilespmem:s0+$0x30]  }
.LBB2_14:
0x179: {  	_ = 	snop  }
0x17a: {  	p0 =	sne.s32 s8, $0x1800  }
0x17b: {  	s0 =	sadd.s32 $0x80, s0;
	s9 =	smov.u32 s8;
	s8 =	sadd.s32 $0x100, s8  }
0x17c: {  	_ = 	snop  }
0x17d: {  	v0 =	vpack.i.f32.bf16 v1, v0  }
0x17e: {  	[tilespmem:s7+$0x19E50] =	vst v0  }
0x17f: {  	v0 =	vld [tilespmem:s0+$0xFFFFFFC0]  }
0x180: {  	v1 =	vld [tilespmem:s0+$0xFFFFFFD0];
	_ =	sdelay $0x4  }
0x181: {  	s7 =	sshra.s32 s9, $0x2;
	v0 =	vpack.i.f32.bf16 v1, v0  }
0x182: {  	[tilespmem:s7+$0x19E20] =	vst v0  }
0x183: {  	v0 =	vld [tilespmem:s0+$0xFFFFFFE0]  }
0x184: {  	v1 =	vld [tilespmem:s0+$0xFFFFFFF0];
	_ =	sdelay $0x4  }
0x185: {  	v0 =	vpack.i.f32.bf16 v1, v0  }
0x186: {  	[tilespmem:s7+$0x19E30] =	vst v0  }
0x187: {  	v0 =	vld [tilespmem:s0+$0x0]  }
0x188: {  	v1 =	vld [tilespmem:s0+$0x10];
	_ =	sdelay $0x3  }
.Ltmp8:
0x189: {  	(pc) =	sbr.rel @p0 .LBB2_14-.Ltmp8, $4  }
0x18a: {  	v0 =	vpack.i.f32.bf16 v1, v0  }
0x18b: {  	[tilespmem:s7+$0x19E40] =	vst v0  }
0x18c: {  	v0 =	vld [tilespmem:s0+$0x20]  }
0x18d: {  	v1 =	vld [tilespmem:s0+$0x30]  }
0x18e: {  	_ =	sdelay $0x3  }
0x18f: {  	v0 =	vpack.i.f32.bf16 v1, v0  }
0x190: {  	s0 =	rddreg [dreg:$0x1c];
	[tilespmem:s7+$0x19E50] =	vst v0  }
0x191: {  	[spmem:s0] =	stream.linear.scatter [tilespmem:s12], [sflag:$0x9], $0xC80, $0x38;
	[tilespmem:$0x1D020] =	vst v63  }
0x192: {  	_ =	swait.ge [sflag:s13], $0xC80  }
0x193: {  	[sflag:s13] =	ssyncset.done $0x0  }
0x194: {  	s7 =	simm.s32 $0x0;
	s15 =	rddreg [dreg:$0x11];
	[sflag:s13] =	ssyncadd.s32 $0xFFFFF380  }
0x195: {  	[hbm4b:s15+s7] =	stream.linear.scatter [tilespmem:s16], [sflag:$0x9], $0x640, $0x38;
	[tilespmem:$0x1D020] =	vst v63  }
0x196: {  	_ =	swait.ge [sflag:s13], $0x640  }
0x197: {  	[sflag:s13] =	ssyncset.done $0x0  }
0x198: {  	[sflag:s13] =	ssyncadd.s32 $0xFFFFF9C0  }
0x199: {  	[bflag:$0x0] =	sbarrier.arrive $0xFFFF  }
0x19a: {  	s8 =	simm.s32 $0x13880;
	s21 =	rddreg [dreg:$0x12]  }
0x19b: {  	[tilespmem:s8], [sflag:$0x1] =	stream.linear.gather [hbm4b:s21+s7], $0xD0, $0x38;
	[tilespmem:$0x1D020] =	vst v63  }
0x19c: {  	s9 =	rddreg [dreg:$0x13]  }
0x19d: {  	[tilespmem:s18], [sflag:$0x2] =	stream.linear.gather [hbm4b:s9+s7], $0xD0, $0x38;
	[tilespmem:$0x1D020] =	vst v63  }
0x19e: {  	s15 =	rddreg [dreg:$0x14];
	s21 =	simm.s32 $0x1  }
0x19f: {  	[tilespmem:s12], [sflag:$0x3] =	stream.linear.gather [hbm4b:s15+s7], $0x3200, $0x38;
	[tilespmem:$0x1D020] =	vst v63  }
0x1a0: {  	_ =	swait.ge [sflag:s21], $0xD0  }
0x1a1: {  	[sflag:s21] =	ssyncset.done $0x0  }
0x1a2: {  	[sflag:s21] =	ssyncadd.s32 $0xFFFFFF30  }
0x1a3: {  	[tilespmem:s16], [sflag:$0x5] =	stream.indirect.gather [hbm4b:s6+s22], $0x40, s8, s22, $0xb8;
	[tilespmem:$0x1D020] =	vst v63  }
.LBB2_16:
0x1a4: {  	s8 =	sshll.u32 s7, $0x1  }
0x1a5: {  	s0 =	sadd.s32 s8, s10  }
0x1a6: {  	s0 =	smul.u32 $0x64, s0  }
0x1a7: {  	p0 =	seq.s32 s7, $0x0  }
0x1a8: {  	s9 =	simm.s32 @!p0 $0x8;
	s0 =	sadd.s32 s20, s0  }
0x1a9: {  	_ =	swait.ge @!p0 [sflag:s9], $0x3200;
	s0 =	sshll.u32 s0, $0x4  }
0x1aa: {  	[sflag:s9] =	ssyncset.done @!p0 $0x0;
	s0 =	sand.u32 $0x1FFFFFC0, s0  }
0x1ab: {  	[sflag:s9] =	ssyncadd.s32 @!p0 $0xFFFFCE00;
	s0 =	sadd.s32 s4, s0  }
0x1ac: {  	[tilespmem:s17], [sflag:$0x4] =	stream.linear.gather [hbm4b:s0+s3], $0x3200, $0x38;
	[tilespmem:$0x1D020] =	vst v63  }
0x1ad: {  	_ =	swait.ge [sflag:s23], $0xD0  }
0x1ae: {  	[sflag:s23] =	ssyncset.done $0x0  }
0x1af: {  	[sflag:s23] =	ssyncadd.s32 $0xFFFFFF30  }
0x1b0: {  	[tilespmem:s24], [sflag:$0x6] =	stream.indirect.gather [hbm4b:s6+s22], $0x40, s18, s22, $0xb8;
	[tilespmem:$0x1D020] =	vst v63  }
0x1b1: {  	_ =	swait.ge [sflag:s25], $0x3200  }
0x1b2: {  	[sflag:s25] =	ssyncset.done $0x0  }
0x1b3: {  	[sflag:s25] =	ssyncadd.s32 $0xFFFFCE00  }
0x1b4: {  	_ =	swait.ge [sflag:s26], $0x1900  }
0x1b5: {  	[sflag:s26] =	ssyncset.done $0x0  }
0x1b6: {  	s15 =	simm.s32 $0x19EA0;
	[sflag:s26] =	ssyncadd.s32 $0xFFFFE700  }
0x1b7: {  	s9 =	simm.s32 $0x13B20;
	v0 =	vld [tilespmem:s15+$0x40]  }
0x1b8: {  	v1 =	vld [tilespmem:s9+$0x80]  }
0x1b9: {  	v2 =	vld [tilespmem:s9+$0x90]  }
0x1ba: {  	v3 =	vld [tilespmem:s15+$0xFFFFFFC0]  }
0x1bb: {  	v4 =	vld [tilespmem:s15+$0xFFFFFF80]  }
0x1bc: {  	v6 =	vld [tilespmem:s9+$0xFFFFFF00];
	v5 =	vshll.u32 v0, $0x10  }
0x1bd: {  	v7 =	vld [tilespmem:s15+$0x0];
	v0 =	vand.u32 $0xFFFF0000, v0;
	v1 =	vadd.f32 v5, v1  }
0x1be: {  	v5 =	vld [tilespmem:s9+$0xFFFFFF10];
	v0 =	vadd.f32 v0, v2  }
0x1bf: {  	v2 =	vld [tilespmem:s9+$0xFFFFFF80];
	v1 =	vmax.f32 v1, $0.0e+00  }
0x1c0: {  	v8 =	vld [tilespmem:s9+$0xFFFFFF90];
	v0 =	vmax.f32 v0, $0.0e+00;
	[tilespmem:s9+$0x80] =	vst v1  }
0x1c1: {  	v9 =	vld [tilespmem:s9+$0x0];
	v1 =	vshll.u32 v4, $0x10;
	[tilespmem:s9+$0x90] =	vst v0  }
0x1c2: {  	v4 =	vand.u32 $0xFFFF0000, v4;
	v0 =	vadd.f32 v1, v6;
	v1 =	vld [tilespmem:s15+$0x50]  }
0x1c3: {  	v6 =	vld [tilespmem:s9+$0xA0];
	v4 =	vadd.f32 v4, v5;
	v5 =	vshll.u32 v3, $0x10  }
0x1c4: {  	v3 =	vand.u32 $0xFFFF0000, v3;
	v0 =	vmax.f32 v0, $0.0e+00;
	v2 =	vadd.f32 v5, v2;
	v5 =	vld [tilespmem:s9+$0xB0]  }
0x1c5: {  	v3 =	vadd.f32 v3, v8;
	[tilespmem:s9+$0xFFFFFF00] =	vst v0;
	v0 =	vmax.f32 v4, $0.0e+00  }
0x1c6: {  	v10 =	vld [tilespmem:s9+$0xFFFFFF30];
	[tilespmem:s9+$0xFFFFFF10] =	vst v0;
	v0 =	vshll.u32 v7, $0x10;
	v2 =	vmax.f32 v2, $0.0e+00  }
0x1c7: {  	v4 =	vld [tilespmem:s9+$0x10];
	v0 =	vadd.f32 v0, v9;
	[tilespmem:s9+$0xFFFFFF80] =	vst v2;
	v2 =	vmax.f32 v3, $0.0e+00;
	v3 =	vshll.u32 v1, $0x10  }
0x1c8: {  	v9 =	vld [tilespmem:s15+$0xFFFFFF90];
	v1 =	vand.u32 $0xFFFF0000, v1;
	[tilespmem:s9+$0xFFFFFF90] =	vst v2;
	v2 =	vadd.f32 v3, v6  }
0x1c9: {  	v8 =	vld [tilespmem:s9+$0xFFFFFF20];
	v0 =	vmax.f32 v0, $0.0e+00;
	v1 =	vadd.f32 v1, v5  }
0x1ca: {  	v6 =	vld [tilespmem:s9+$0xFFFFFFB0];
	[tilespmem:s9+$0x0] =	vst v0;
	v2 =	vmax.f32 v2, $0.0e+00  }
0x1cb: {  	v3 =	vld [tilespmem:s15+$0xFFFFFFD0];
	v5 =	vand.u32 $0xFFFF0000, v7;
	[tilespmem:s9+$0xA0] =	vst v2;
	v1 =	vmax.f32 v1, $0.0e+00  }
0x1cc: {  	v0 =	vld [tilespmem:s9+$0xFFFFFFA0];
	v2 =	vadd.f32 v5, v4;
	[tilespmem:s9+$0xB0] =	vst v1  }
0x1cd: {  	v1 =	vshll.u32 v9, $0x10;
	v5 =	vld [tilespmem:s15+$0x60]  }
0x1ce: {  	v7 =	vand.u32 $0xFFFF0000, v9;
	v2 =	vmax.f32 v2, $0.0e+00;
	v1 =	vadd.f32 v1, v8;
	v8 =	vld [tilespmem:s9+$0xC0]  }
0x1cf: {  	v7 =	vadd.f32 v7, v10;
	[tilespmem:s9+$0x10] =	vst v2;
	v2 =	vld [tilespmem:s9+$0xD0]  }
0x1d0: {  	v9 =	vshll.u32 v3, $0x10;
	v1 =	vmax.f32 v1, $0.0e+00;
	v10 =	vld [tilespmem:s15+$0x10]  }
0x1d1: {  	v4 =	vld [tilespmem:s9+$0x20];
	v3 =	vand.u32 $0xFFFF0000, v3;
	v7 =	vmax.f32 v7, $0.0e+00;
	v0 =	vadd.f32 v9, v0;
	[tilespmem:s9+$0xFFFFFF20] =	vst v1  }
0x1d2: {  	v1 =	vadd.f32 v3, v6;
	[tilespmem:s9+$0xFFFFFF30] =	vst v7;
	v3 =	vld [tilespmem:s9+$0x30]  }
0x1d3: {  	v0 =	vmax.f32 v0, $0.0e+00;
	v6 =	vld [tilespmem:s15+$0xFFFFFFA0];
	v7 =	vshll.u32 v5, $0x10  }
0x1d4: {  	[tilespmem:s9+$0xFFFFFFA0] =	vst v0;
	v0 =	vmax.f32 v1, $0.0e+00;
	v1 =	vld [tilespmem:s9+$0xFFFFFF40];
	v5 =	vand.u32 $0xFFFF0000, v5;
	v7 =	vadd.f32 v7, v8  }
0x1d5: {  	[tilespmem:s9+$0xFFFFFFB0] =	vst v0;
	v0 =	vadd.f32 v5, v2;
	v2 =	vld [tilespmem:s9+$0xFFFFFF50];
	v5 =	vshll.u32 v10, $0x10  }
0x1d6: {  	v8 =	vld [tilespmem:s15+$0xFFFFFFE0];
	v9 =	vand.u32 $0xFFFF0000, v10;
	v7 =	vmax.f32 v7, $0.0e+00;
	v4 =	vadd.f32 v5, v4  }
0x1d7: {  	v5 =	vld [tilespmem:s9+$0xFFFFFFC0];
	v3 =	vadd.f32 v9, v3;
	v0 =	vmax.f32 v0, $0.0e+00;
	[tilespmem:s9+$0xC0] =	vst v7  }
0x1d8: {  	v9 =	vld [tilespmem:s9+$0xFFFFFFD0];
	v7 =	vshll.u32 v6, $0x10;
	[tilespmem:s9+$0xD0] =	vst v0;
	v0 =	vmax.f32 v4, $0.0e+00  }
0x1d9: {  	v4 =	vand.u32 $0xFFFF0000, v6;
	v1 =	vadd.f32 v7, v1;
	v3 =	vmax.f32 v3, $0.0e+00;
	v6 =	vld [tilespmem:s15+$0x70];
	[tilespmem:s9+$0x20] =	vst v0  }
0x1da: {  	v0 =	vld [tilespmem:s9+$0xF0];
	[tilespmem:s9+$0x30] =	vst v3  }
0x1db: {  	v2 =	vadd.f32 v4, v2;
	v3 =	vshll.u32 v8, $0x10;
	v1 =	vmax.f32 v1, $0.0e+00;
	v4 =	vld [tilespmem:s15+$0x20]  }
0x1dc: {  	v7 =	vand.u32 $0xFFFF0000, v8;
	v8 =	vld [tilespmem:s9+$0x40];
	[tilespmem:s9+$0xFFFFFF40] =	vst v1;
	v1 =	vadd.f32 v3, v5  }
0x1dd: {  	v2 =	vmax.f32 v2, $0.0e+00;
	v3 =	vadd.f32 v7, v9;
	v5 =	vld [tilespmem:s9+$0x50]  }
0x1de: {  	v9 =	vld [tilespmem:s9+$0xFFFFFF70];
	[tilespmem:s9+$0xFFFFFF50] =	vst v2;
	v1 =	vmax.f32 v1, $0.0e+00  }
0x1df: {  	v7 =	vld [tilespmem:s15+$0xFFFFFFB0];
	[tilespmem:s9+$0xFFFFFFC0] =	vst v1;
	v1 =	vmax.f32 v3, $0.0e+00  }
0x1e0: {  	v2 =	vld [tilespmem:s9+$0xFFFFFF60];
	v3 =	vand.u32 $0xFFFF0000, v6;
	[tilespmem:s9+$0xFFFFFFD0] =	vst v1  }
0x1e1: {  	v1 =	vshll.u32 v4, $0x10;
	v0 =	vadd.f32 v3, v0;
	v10 =	vld [tilespmem:s15+$0xFFFFFFF0]  }
0x1e2: {  	v3 =	vand.u32 $0xFFFF0000, v4;
	v1 =	vadd.f32 v1, v8;
	v8 =	vld [tilespmem:s9+$0xFFFFFFE0]  }
0x1e3: {  	v4 =	vadd.f32 v3, v5;
	v3 =	vld [tilespmem:s9+$0xFFFFFFF0];
	v0 =	vmax.f32 v0, $0.0e+00  }
0x1e4: {  	v5 =	vmax.f32 v1, $0.0e+00;
	v1 =	vld [tilespmem:s9+$0x60];
	v11 =	vshll.u32 v7, $0x10;
	[tilespmem:s9+$0xF0] =	vst v0  }
0x1e5: {  	v4 =	vmax.f32 v4, $0.0e+00;
	[tilespmem:s9+$0x40] =	vst v5;
	v5 =	vand.u32 $0xFFFF0000, v7;
	v11 =	vadd.f32 v11, v2;
	v2 =	vld [tilespmem:s9+$0x70]  }
0x1e6: {  	v0 =	vshll.u32 v6, $0x10;
	[tilespmem:s9+$0x50] =	vst v4;
	v4 =	vld [tilespmem:s9+$0xE0];
	v6 =	vadd.f32 v5, v9;
	v5 =	vshll.u32 v10, $0x10  }
0x1e7: {  	s21 =	simm.s32 $0x0;
	s0 =	simm.s32 $0x19FA0;
	v7 =	vand.u32 $0xFFFF0000, v10;
	v9 =	vmax.f32 v11, $0.0e+00;
	v8 =	vadd.f32 v5, v8;
	v5 =	vld [tilespmem:s15+$0x30];
	s15 =	simm.s32 $0x13B20  }
.LBB2_17:
0x1e8: {  	v10 =	vld [tilespmem:s0+$0x40];
	[tilespmem:s9+$0xFFFFFF60] =	vst v9;
	v6 =	vmax.f32 v6, $0.0e+00;
	v3 =	vadd.f32 v7, v3;
	s15 =	sadd.s32 $0x200, s15  }
0x1e9: {  	v7 =	vld [tilespmem:s15+$0x80];
	[tilespmem:s9+$0xFFFFFF70] =	vst v6;
	v6 =	vmax.f32 v8, $0.0e+00  }
0x1ea: {  	v8 =	vld [tilespmem:s15+$0x90];
	[tilespmem:s9+$0xFFFFFFE0] =	vst v6;
	v3 =	vmax.f32 v3, $0.0e+00  }
0x1eb: {  	s21 =	sadd.s32 $0x4, s21;
	v6 =	vld [tilespmem:s0+$0xFFFFFFC0];
	[tilespmem:s9+$0xFFFFFFF0] =	vst v3;
	v0 =	vadd.f32 v0, v4  }
0x1ec: {  	p0 =	slt.u32 s21, $0x60;
	v3 =	vld [tilespmem:s0+$0x0];
	v4 =	vshll.u32 v5, $0x10;
	v5 =	vand.u32 $0xFFFF0000, v5  }
0x1ed: {  	v9 =	vld [tilespmem:s0+$0xFFFFFF80];
	v11 =	vshll.u32 v10, $0x10;
	v1 =	vadd.f32 v4, v1;
	v2 =	vadd.f32 v5, v2  }
0x1ee: {  	v5 =	vand.u32 $0xFFFF0000, v10;
	v0 =	vmax.f32 v0, $0.0e+00;
	v4 =	vld [tilespmem:s15+$0xFFFFFF00];
	v7 =	vadd.f32 v11, v7  }
0x1ef: {  	v10 =	vld [tilespmem:s15+$0xFFFFFF10];
	v5 =	vadd.f32 v5, v8;
	v1 =	vmax.f32 v1, $0.0e+00;
	v2 =	vmax.f32 v2, $0.0e+00;
	[tilespmem:s9+$0xE0] =	vst v0  }
0x1f0: {  	v0 =	vshll.u32 v6, $0x10;
	v6 =	vand.u32 $0xFFFF0000, v6;
	v8 =	vld [tilespmem:s15+$0xFFFFFF80];
	v7 =	vmax.f32 v7, $0.0e+00;
	[tilespmem:s9+$0x60] =	vst v1  }
0x1f1: {  	v1 =	vld [tilespmem:s15+$0xFFFFFF90];
	v11 =	vshll.u32 v3, $0x10;
	v3 =	vand.u32 $0xFFFF0000, v3;
	[tilespmem:s15+$0x80] =	vst v7;
	v5 =	vmax.f32 v5, $0.0e+00  }
0x1f2: {  	v7 =	vshll.u32 v9, $0x10;
	v9 =	vand.u32 $0xFFFF0000, v9;
	v12 =	vld [tilespmem:s15+$0x0];
	[tilespmem:s15+$0x90] =	vst v5  }
0x1f3: {  	v4 =	vadd.f32 v7, v4;
	v5 =	vld [tilespmem:s0+$0x50];
	[tilespmem:s9+$0x70] =	vst v2;
	s9 =	smov.u32 s15  }
0x1f4: {  	v2 =	vadd.f32 v9, v10;
	v7 =	vld [tilespmem:s15+$0xA0]  }
0x1f5: {  	v4 =	vmax.f32 v4, $0.0e+00;
	v0 =	vadd.f32 v0, v8;
	v8 =	vld [tilespmem:s15+$0xB0]  }
0x1f6: {  	[tilespmem:s15+$0xFFFFFF00] =	vst v4;
	v2 =	vmax.f32 v2, $0.0e+00;
	v1 =	vadd.f32 v6, v1;
	v4 =	vld [tilespmem:s15+$0x10]  }
0x1f7: {  	[tilespmem:s15+$0xFFFFFF10] =	vst v2;
	v2 =	vld [tilespmem:s15+$0xFFFFFF20];
	v0 =	vmax.f32 v0, $0.0e+00;
	v6 =	vadd.f32 v11, v12  }
0x1f8: {  	v9 =	vld [tilespmem:s0+$0xFFFFFF90];
	[tilespmem:s15+$0xFFFFFF80] =	vst v0;
	v0 =	vmax.f32 v1, $0.0e+00;
	v1 =	vshll.u32 v5, $0x10  }
0x1f9: {  	v5 =	vand.u32 $0xFFFF0000, v5;
	v10 =	vld [tilespmem:s15+$0xFFFFFF30];
	[tilespmem:s15+$0xFFFFFF90] =	vst v0;
	v0 =	vmax.f32 v6, $0.0e+00;
	v1 =	vadd.f32 v1, v7  }
0x1fa: {  	v6 =	vld [tilespmem:s0+$0xFFFFFFD0];
	[tilespmem:s15+$0x0] =	vst v0;
	v0 =	vadd.f32 v5, v8  }
0x1fb: {  	v5 =	vld [tilespmem:s15+$0xFFFFFFA0];
	v3 =	vadd.f32 v3, v4;
	v1 =	vmax.f32 v1, $0.0e+00  }
0x1fc: {  	v4 =	vld [tilespmem:s15+$0xFFFFFFB0];
	[tilespmem:s15+$0xA0] =	vst v1;
	v0 =	vmax.f32 v0, $0.0e+00  }
0x1fd: {  	v1 =	vshll.u32 v9, $0x10;
	v7 =	vand.u32 $0xFFFF0000, v9;
	v3 =	vmax.f32 v3, $0.0e+00;
	v8 =	vld [tilespmem:s15+$0x20];
	[tilespmem:s15+$0xB0] =	vst v0  }
0x1fe: {  	v0 =	vadd.f32 v1, v2;
	v1 =	vadd.f32 v7, v10;
	[tilespmem:s15+$0x10] =	vst v3;
	v2 =	vld [tilespmem:s0+$0x60]  }
0x1ff: {  	v3 =	vshll.u32 v6, $0x10;
	v6 =	vand.u32 $0xFFFF0000, v6;
	v7 =	vld [tilespmem:s15+$0xC0]  }
0x200: {  	v0 =	vmax.f32 v0, $0.0e+00;
	v1 =	vmax.f32 v1, $0.0e+00;
	v3 =	vadd.f32 v3, v5;
	v5 =	vld [tilespmem:s15+$0xD0]  }
0x201: {  	[tilespmem:s15+$0xFFFFFF20] =	vst v0;
	v0 =	vadd.f32 v6, v4;
	v4 =	vld [tilespmem:s0+$0x10]  }
0x202: {  	[tilespmem:s15+$0xFFFFFF30] =	vst v1;
	v1 =	vmax.f32 v3, $0.0e+00;
	v3 =	vld [tilespmem:s15+$0x30]  }
0x203: {  	v6 =	vld [tilespmem:s0+$0xFFFFFFA0];
	[tilespmem:s15+$0xFFFFFFA0] =	vst v1;
	v0 =	vmax.f32 v0, $0.0e+00;
	v1 =	vshll.u32 v2, $0x10  }
0x204: {  	v9 =	vld [tilespmem:s15+$0xFFFFFF40];
	[tilespmem:s15+$0xFFFFFFB0] =	vst v0;
	v0 =	vand.u32 $0xFFFF0000, v2;
	v1 =	vadd.f32 v1, v7  }
0x205: {  	v2 =	vld [tilespmem:s0+$0xFFFFFFE0];
	v0 =	vadd.f32 v0, v5  }
0x206: {  	v5 =	vld [tilespmem:s15+$0xFFFFFF50];
	v7 =	vshll.u32 v4, $0x10;
	v4 =	vand.u32 $0xFFFF0000, v4;
	v1 =	vmax.f32 v1, $0.0e+00  }
0x207: {  	v10 =	vld [tilespmem:s15+$0xFFFFFFC0];
	v7 =	vadd.f32 v7, v8;
	v3 =	vadd.f32 v4, v3;
	[tilespmem:s15+$0xC0] =	vst v1;
	v0 =	vmax.f32 v0, $0.0e+00  }
0x208: {  	v1 =	vshll.u32 v6, $0x10;
	v4 =	vand.u32 $0xFFFF0000, v6;
	v6 =	vld [tilespmem:s15+$0xFFFFFFD0];
	[tilespmem:s15+$0xD0] =	vst v0  }
0x209: {  	v0 =	vadd.f32 v1, v9;
	v1 =	vmax.f32 v7, $0.0e+00;
	v3 =	vmax.f32 v3, $0.0e+00;
	v7 =	vld [tilespmem:s0+$0x70]  }
0x20a: {  	v8 =	vshll.u32 v2, $0x10;
	v2 =	vand.u32 $0xFFFF0000, v2;
	[tilespmem:s15+$0x20] =	vst v1;
	v1 =	vld [tilespmem:s15+$0xF0]  }
0x20b: {  	v0 =	vmax.f32 v0, $0.0e+00;
	v4 =	vadd.f32 v4, v5;
	[tilespmem:s15+$0x30] =	vst v3;
	v3 =	vld [tilespmem:s15+$0x40]  }
0x20c: {  	[tilespmem:s15+$0xFFFFFF40] =	vst v0;
	v0 =	vadd.f32 v8, v10;
	v5 =	vld [tilespmem:s0+$0x20]  }
0x20d: {  	v4 =	vmax.f32 v4, $0.0e+00;
	v2 =	vadd.f32 v2, v6;
	v6 =	vld [tilespmem:s15+$0x50]  }
0x20e: {  	[tilespmem:s15+$0xFFFFFF50] =	vst v4;
	v4 =	vld [tilespmem:s15+$0xFFFFFF60];
	v8 =	vmax.f32 v0, $0.0e+00;
	v0 =	vshll.u32 v7, $0x10;
	v7 =	vand.u32 $0xFFFF0000, v7  }
0x20f: {  	v9 =	vld [tilespmem:s0+$0xFFFFFFB0];
	[tilespmem:s15+$0xFFFFFFC0] =	vst v8;
	v2 =	vmax.f32 v2, $0.0e+00;
	v1 =	vadd.f32 v7, v1  }
0x210: {  	v7 =	vld [tilespmem:s15+$0xFFFFFF70];
	[tilespmem:s15+$0xFFFFFFD0] =	vst v2  }
0x211: {  	v8 =	vld [tilespmem:s0+$0xFFFFFFF0];
	v2 =	vshll.u32 v5, $0x10;
	v5 =	vand.u32 $0xFFFF0000, v5;
	v1 =	vmax.f32 v1, $0.0e+00  }
0x212: {  	v10 =	vld [tilespmem:s15+$0xFFFFFFE0];
	v2 =	vadd.f32 v2, v3;
	v5 =	vadd.f32 v5, v6;
	[tilespmem:s15+$0xF0] =	vst v1  }
.Ltmp9:
0x213: {  	v3 =	vld [tilespmem:s15+$0xFFFFFFF0];
	(pc) =	sbr.rel @p0 .LBB2_17-.Ltmp9, $4  }
0x214: {  	v6 =	vshll.u32 v9, $0x10;
	v2 =	vmax.f32 v2, $0.0e+00;
	v5 =	vmax.f32 v5, $0.0e+00;
	v1 =	vld [tilespmem:s15+$0x60]  }
0x215: {  	v9 =	vand.u32 $0xFFFF0000, v9;
	v11 =	vadd.f32 v6, v4;
	[tilespmem:s15+$0x40] =	vst v2;
	v2 =	vld [tilespmem:s15+$0x70]  }
0x216: {  	v6 =	vadd.f32 v9, v7;
	v12 =	vshll.u32 v8, $0x10;
	v7 =	vand.u32 $0xFFFF0000, v8;
	[tilespmem:s15+$0x50] =	vst v5;
	v4 =	vld [tilespmem:s15+$0xE0]  }
0x217: {  	v9 =	vmax.f32 v11, $0.0e+00;
	v8 =	vadd.f32 v12, v10;
	v5 =	vld [tilespmem:s0+$0x30];
	s0 =	sadd.s32 $0x100, s0  }
0x218: {  	_ =	sdelay $0x2  }
0x219: {  	[tilespmem:s9+$0xFFFFFF60] =	vst v9;
	v6 =	vmax.f32 v6, $0.0e+00;
	v3 =	vadd.f32 v7, v3  }
0x21a: {  	[tilespmem:s9+$0xFFFFFF70] =	vst v6;
	v6 =	vmax.f32 v8, $0.0e+00;
	v0 =	vadd.f32 v0, v4;
	v4 =	vshll.u32 v5, $0x10  }
0x21b: {  	[tilespmem:s9+$0xFFFFFFE0] =	vst v6;
	v3 =	vmax.f32 v3, $0.0e+00;
	v5 =	vand.u32 $0xFFFF0000, v5;
	v1 =	vadd.f32 v4, v1  }
0x21c: {  	[tilespmem:s9+$0xFFFFFFF0] =	vst v3;
	v2 =	vadd.f32 v5, v2;
	v0 =	vmax.f32 v0, $0.0e+00  }
0x21d: {  	p0 =	seq.s32 s7, $0x63;
	[tilespmem:s9+$0xE0] =	vst v0;
	v1 =	vmax.f32 v1, $0.0e+00  }
0x21e: {  	s0 =	sadd.s32 @!p0 $0x2, s8;
	v0 =	vmax.f32 v2, $0.0e+00;
	[tilespmem:s9+$0x60] =	vst v1  }
0x21f: {  	s15 =	sadd.s32 @!p0 s19, s0;
	[tilespmem:s9+$0x70] =	vst v0;
	s9 =	simm.s32 @p0 $0x7  }
0x220: {  	[spmem:s2] =	stream.indirect.scatter.add.f32 [tilespmem:s12], [sflag:$0x7], $0x80, s28, s22, $0xb8;
	[tilespmem:$0x1D020] =	vst v63  }
0x221: {  	s0 =	sadd.s32 @!p0 s14, s0;
	s15 =	smul.u32 @!p0 $0x1A, s15;
	_ =	swait.ge @p0 [sflag:s9], $0x3200  }
0x222: {  	s21 =	simm.s32 @!p0 $0x13880;
	s0 =	smul.u32 @!p0 $0x64, s0;
	[sflag:s9] =	ssyncset.done @p0 $0x0  }
0x223: {  	[sflag:s9] =	ssyncadd.s32 @p0 $0xFFFFCE00;
	s9 =	sadd.s32 @!p0 s5, s15;
	s15 =	simm.s32 @!p0 $0x0  }
0x224: {  	[tilespmem:s21], [sflag:$0x1] =	stream.linear.gather @!p0 [hbm4b:s9+s15], $0xD0, $0x38;
	[tilespmem:$0x1D020] =	vst v63  }
0x225: {  	s0 =	sadd.s32 @!p0 s20, s0;
	s9 =	simm.s32 @!p0 $0x7  }
0x226: {  	s0 =	sshll.u32 @!p0 s0, $0x4;
	_ =	swait.ge @!p0 [sflag:s9], $0x3200  }
0x227: {  	s0 =	sand.u32 @!p0 $0x1FFFFFC0, s0;
	[sflag:s9] =	ssyncset.done @!p0 $0x0  }
0x228: {  	s0 =	sadd.s32 @!p0 s4, s0;
	[sflag:s9] =	ssyncadd.s32 @!p0 $0xFFFFCE00;
	s9 =	simm.s32 @!p0 $0x13A20  }
0x229: {  	[tilespmem:s9], [sflag:$0x3] =	stream.linear.gather @!p0 [hbm4b:s0+s15], $0x3200, $0x38;
	[tilespmem:$0x1D020] =	vst v63  }
0x22a: {  	s0 =	simm.s32 @!p0 $0x1  }
0x22b: {  	_ =	swait.ge @!p0 [sflag:s0], $0xD0  }
0x22c: {  	[sflag:s0] =	ssyncset.done @!p0 $0x0  }
0x22d: {  	s9 =	simm.s32 @!p0 $0x19E20;
	[sflag:s0] =	ssyncadd.s32 @!p0 $0xFFFFFF30;
	s0 =	simm.s32 @!p0 $0x64  }
0x22e: {  	[tilespmem:s9], [sflag:$0x5] =	stream.indirect.gather @!p0 [hbm4b:s6+s0], $0x40, s21, s0, $0xb8;
	[tilespmem:$0x1D020] =	vst v63  }
0x22f: {  	_ =	swait.ge [sflag:s29], $0x3200  }
0x230: {  	[sflag:s29] =	ssyncset.done $0x0  }
0x231: {  	[sflag:s29] =	ssyncadd.s32 $0xFFFFCE00  }
0x232: {  	_ =	swait.ge [sflag:s30], $0x1900  }
0x233: {  	[sflag:s30] =	ssyncset.done $0x0  }
0x234: {  	s15 =	simm.s32 $0x1B7A0;
	[sflag:s30] =	ssyncadd.s32 $0xFFFFE700  }
0x235: {  	s9 =	simm.s32 $0x16D20;
	v0 =	vld [tilespmem:s15+$0x40]  }
0x236: {  	v1 =	vld [tilespmem:s9+$0x80]  }
0x237: {  	v2 =	vld [tilespmem:s9+$0x90]  }
0x238: {  	v3 =	vld [tilespmem:s15+$0xFFFFFFC0]  }
0x239: {  	v4 =	vld [tilespmem:s15+$0xFFFFFF80]  }
0x23a: {  	v6 =	vld [tilespmem:s9+$0xFFFFFF00];
	v5 =	vshll.u32 v0, $0x10  }
0x23b: {  	v7 =	vld [tilespmem:s15+$0x0];
	v0 =	vand.u32 $0xFFFF0000, v0;
	v1 =	vadd.f32 v5, v1  }
0x23c: {  	v5 =	vld [tilespmem:s9+$0xFFFFFF10];
	v0 =	vadd.f32 v0, v2  }
0x23d: {  	v2 =	vld [tilespmem:s9+$0xFFFFFF80];
	v1 =	vmax.f32 v1, $0.0e+00  }
0x23e: {  	v8 =	vld [tilespmem:s9+$0xFFFFFF90];
	v0 =	vmax.f32 v0, $0.0e+00;
	[tilespmem:s9+$0x80] =	vst v1  }
0x23f: {  	v9 =	vld [tilespmem:s9+$0x0];
	v1 =	vshll.u32 v4, $0x10;
	[tilespmem:s9+$0x90] =	vst v0  }
0x240: {  	v4 =	vand.u32 $0xFFFF0000, v4;
	v0 =	vadd.f32 v1, v6;
	v1 =	vld [tilespmem:s15+$0x50]  }
0x241: {  	v6 =	vld [tilespmem:s9+$0xA0];
	v4 =	vadd.f32 v4, v5;
	v5 =	vshll.u32 v3, $0x10  }
0x242: {  	v3 =	vand.u32 $0xFFFF0000, v3;
	v0 =	vmax.f32 v0, $0.0e+00;
	v2 =	vadd.f32 v5, v2;
	v5 =	vld [tilespmem:s9+$0xB0]  }
0x243: {  	v3 =	vadd.f32 v3, v8;
	[tilespmem:s9+$0xFFFFFF00] =	vst v0;
	v0 =	vmax.f32 v4, $0.0e+00  }
0x244: {  	v10 =	vld [tilespmem:s9+$0xFFFFFF30];
	[tilespmem:s9+$0xFFFFFF10] =	vst v0;
	v0 =	vshll.u32 v7, $0x10;
	v2 =	vmax.f32 v2, $0.0e+00  }
0x245: {  	v4 =	vld [tilespmem:s9+$0x10];
	v0 =	vadd.f32 v0, v9;
	[tilespmem:s9+$0xFFFFFF80] =	vst v2;
	v2 =	vmax.f32 v3, $0.0e+00;
	v3 =	vshll.u32 v1, $0x10  }
0x246: {  	v9 =	vld [tilespmem:s15+$0xFFFFFF90];
	v1 =	vand.u32 $0xFFFF0000, v1;
	[tilespmem:s9+$0xFFFFFF90] =	vst v2;
	v2 =	vadd.f32 v3, v6  }
0x247: {  	v8 =	vld [tilespmem:s9+$0xFFFFFF20];
	v0 =	vmax.f32 v0, $0.0e+00;
	v1 =	vadd.f32 v1, v5  }
0x248: {  	v6 =	vld [tilespmem:s9+$0xFFFFFFB0];
	[tilespmem:s9+$0x0] =	vst v0;
	v2 =	vmax.f32 v2, $0.0e+00  }
0x249: {  	v3 =	vld [tilespmem:s15+$0xFFFFFFD0];
	v5 =	vand.u32 $0xFFFF0000, v7;
	[tilespmem:s9+$0xA0] =	vst v2;
	v1 =	vmax.f32 v1, $0.0e+00  }
0x24a: {  	v0 =	vld [tilespmem:s9+$0xFFFFFFA0];
	v2 =	vadd.f32 v5, v4;
	[tilespmem:s9+$0xB0] =	vst v1  }
0x24b: {  	v1 =	vshll.u32 v9, $0x10;
	v5 =	vld [tilespmem:s15+$0x60]  }
0x24c: {  	v7 =	vand.u32 $0xFFFF0000, v9;
	v2 =	vmax.f32 v2, $0.0e+00;
	v1 =	vadd.f32 v1, v8;
	v8 =	vld [tilespmem:s9+$0xC0]  }
0x24d: {  	v7 =	vadd.f32 v7, v10;
	[tilespmem:s9+$0x10] =	vst v2;
	v2 =	vld [tilespmem:s9+$0xD0]  }
0x24e: {  	v9 =	vshll.u32 v3, $0x10;
	v1 =	vmax.f32 v1, $0.0e+00;
	v10 =	vld [tilespmem:s15+$0x10]  }
0x24f: {  	v4 =	vld [tilespmem:s9+$0x20];
	v3 =	vand.u32 $0xFFFF0000, v3;
	v7 =	vmax.f32 v7, $0.0e+00;
	v0 =	vadd.f32 v9, v0;
	[tilespmem:s9+$0xFFFFFF20] =	vst v1  }
0x250: {  	v1 =	vadd.f32 v3, v6;
	[tilespmem:s9+$0xFFFFFF30] =	vst v7;
	v3 =	vld [tilespmem:s9+$0x30]  }
0x251: {  	v0 =	vmax.f32 v0, $0.0e+00;
	v6 =	vld [tilespmem:s15+$0xFFFFFFA0];
	v7 =	vshll.u32 v5, $0x10  }
0x252: {  	[tilespmem:s9+$0xFFFFFFA0] =	vst v0;
	v0 =	vmax.f32 v1, $0.0e+00;
	v1 =	vld [tilespmem:s9+$0xFFFFFF40];
	v5 =	vand.u32 $0xFFFF0000, v5;
	v7 =	vadd.f32 v7, v8  }
0x253: {  	[tilespmem:s9+$0xFFFFFFB0] =	vst v0;
	v0 =	vadd.f32 v5, v2;
	v2 =	vld [tilespmem:s9+$0xFFFFFF50];
	v5 =	vshll.u32 v10, $0x10  }
0x254: {  	v8 =	vld [tilespmem:s15+$0xFFFFFFE0];
	v9 =	vand.u32 $0xFFFF0000, v10;
	v7 =	vmax.f32 v7, $0.0e+00;
	v4 =	vadd.f32 v5, v4  }
0x255: {  	v5 =	vld [tilespmem:s9+$0xFFFFFFC0];
	v3 =	vadd.f32 v9, v3;
	v0 =	vmax.f32 v0, $0.0e+00;
	[tilespmem:s9+$0xC0] =	vst v7  }
0x256: {  	v9 =	vld [tilespmem:s9+$0xFFFFFFD0];
	v7 =	vshll.u32 v6, $0x10;
	[tilespmem:s9+$0xD0] =	vst v0;
	v0 =	vmax.f32 v4, $0.0e+00  }
0x257: {  	v4 =	vand.u32 $0xFFFF0000, v6;
	v1 =	vadd.f32 v7, v1;
	v3 =	vmax.f32 v3, $0.0e+00;
	v6 =	vld [tilespmem:s15+$0x70];
	[tilespmem:s9+$0x20] =	vst v0  }
0x258: {  	v0 =	vld [tilespmem:s9+$0xF0];
	[tilespmem:s9+$0x30] =	vst v3  }
0x259: {  	v2 =	vadd.f32 v4, v2;
	v3 =	vshll.u32 v8, $0x10;
	v1 =	vmax.f32 v1, $0.0e+00;
	v4 =	vld [tilespmem:s15+$0x20]  }
0x25a: {  	v7 =	vand.u32 $0xFFFF0000, v8;
	v8 =	vld [tilespmem:s9+$0x40];
	[tilespmem:s9+$0xFFFFFF40] =	vst v1;
	v1 =	vadd.f32 v3, v5  }
0x25b: {  	v2 =	vmax.f32 v2, $0.0e+00;
	v3 =	vadd.f32 v7, v9;
	v5 =	vld [tilespmem:s9+$0x50]  }
0x25c: {  	v9 =	vld [tilespmem:s9+$0xFFFFFF70];
	[tilespmem:s9+$0xFFFFFF50] =	vst v2;
	v1 =	vmax.f32 v1, $0.0e+00  }
0x25d: {  	v7 =	vld [tilespmem:s15+$0xFFFFFFB0];
	[tilespmem:s9+$0xFFFFFFC0] =	vst v1;
	v1 =	vmax.f32 v3, $0.0e+00  }
0x25e: {  	v2 =	vld [tilespmem:s9+$0xFFFFFF60];
	v3 =	vand.u32 $0xFFFF0000, v6;
	[tilespmem:s9+$0xFFFFFFD0] =	vst v1  }
0x25f: {  	v1 =	vshll.u32 v4, $0x10;
	v0 =	vadd.f32 v3, v0;
	v10 =	vld [tilespmem:s15+$0xFFFFFFF0]  }
0x260: {  	v3 =	vand.u32 $0xFFFF0000, v4;
	v1 =	vadd.f32 v1, v8;
	v8 =	vld [tilespmem:s9+$0xFFFFFFE0]  }
0x261: {  	v4 =	vadd.f32 v3, v5;
	v3 =	vld [tilespmem:s9+$0xFFFFFFF0];
	v0 =	vmax.f32 v0, $0.0e+00  }
0x262: {  	v5 =	vmax.f32 v1, $0.0e+00;
	v1 =	vld [tilespmem:s9+$0x60];
	v11 =	vshll.u32 v7, $0x10;
	[tilespmem:s9+$0xF0] =	vst v0  }
0x263: {  	v4 =	vmax.f32 v4, $0.0e+00;
	[tilespmem:s9+$0x40] =	vst v5;
	v5 =	vand.u32 $0xFFFF0000, v7;
	v11 =	vadd.f32 v11, v2;
	v2 =	vld [tilespmem:s9+$0x70]  }
0x264: {  	v0 =	vshll.u32 v6, $0x10;
	[tilespmem:s9+$0x50] =	vst v4;
	v4 =	vld [tilespmem:s9+$0xE0];
	v6 =	vadd.f32 v5, v9;
	v5 =	vshll.u32 v10, $0x10  }
0x265: {  	s21 =	simm.s32 $0x0;
	s0 =	simm.s32 $0x1B8A0;
	v7 =	vand.u32 $0xFFFF0000, v10;
	v9 =	vmax.f32 v11, $0.0e+00;
	v8 =	vadd.f32 v5, v8;
	v5 =	vld [tilespmem:s15+$0x30];
	s15 =	simm.s32 $0x16D20  }
.LBB2_19:
0x266: {  	v10 =	vld [tilespmem:s0+$0x40];
	[tilespmem:s9+$0xFFFFFF60] =	vst v9;
	v6 =	vmax.f32 v6, $0.0e+00;
	v3 =	vadd.f32 v7, v3;
	s15 =	sadd.s32 $0x200, s15  }
0x267: {  	v7 =	vld [tilespmem:s15+$0x80];
	[tilespmem:s9+$0xFFFFFF70] =	vst v6;
	v6 =	vmax.f32 v8, $0.0e+00  }
0x268: {  	v8 =	vld [tilespmem:s15+$0x90];
	[tilespmem:s9+$0xFFFFFFE0] =	vst v6;
	v3 =	vmax.f32 v3, $0.0e+00  }
0x269: {  	s21 =	sadd.s32 $0x4, s21;
	v6 =	vld [tilespmem:s0+$0xFFFFFFC0];
	[tilespmem:s9+$0xFFFFFFF0] =	vst v3;
	v0 =	vadd.f32 v0, v4  }
0x26a: {  	p1 =	slt.u32 s21, $0x60;
	v3 =	vld [tilespmem:s0+$0x0];
	v4 =	vshll.u32 v5, $0x10;
	v5 =	vand.u32 $0xFFFF0000, v5  }
0x26b: {  	v9 =	vld [tilespmem:s0+$0xFFFFFF80];
	v11 =	vshll.u32 v10, $0x10;
	v1 =	vadd.f32 v4, v1;
	v2 =	vadd.f32 v5, v2  }
0x26c: {  	v5 =	vand.u32 $0xFFFF0000, v10;
	v0 =	vmax.f32 v0, $0.0e+00;
	v4 =	vld [tilespmem:s15+$0xFFFFFF00];
	v7 =	vadd.f32 v11, v7  }
0x26d: {  	v10 =	vld [tilespmem:s15+$0xFFFFFF10];
	v5 =	vadd.f32 v5, v8;
	v1 =	vmax.f32 v1, $0.0e+00;
	v2 =	vmax.f32 v2, $0.0e+00;
	[tilespmem:s9+$0xE0] =	vst v0  }
0x26e: {  	v0 =	vshll.u32 v6, $0x10;
	v6 =	vand.u32 $0xFFFF0000, v6;
	v8 =	vld [tilespmem:s15+$0xFFFFFF80];
	v7 =	vmax.f32 v7, $0.0e+00;
	[tilespmem:s9+$0x60] =	vst v1  }
0x26f: {  	v1 =	vld [tilespmem:s15+$0xFFFFFF90];
	v11 =	vshll.u32 v3, $0x10;
	v3 =	vand.u32 $0xFFFF0000, v3;
	[tilespmem:s15+$0x80] =	vst v7;
	v5 =	vmax.f32 v5, $0.0e+00  }
0x270: {  	v7 =	vshll.u32 v9, $0x10;
	v9 =	vand.u32 $0xFFFF0000, v9;
	v12 =	vld [tilespmem:s15+$0x0];
	[tilespmem:s15+$0x90] =	vst v5  }
0x271: {  	v4 =	vadd.f32 v7, v4;
	v5 =	vld [tilespmem:s0+$0x50];
	[tilespmem:s9+$0x70] =	vst v2;
	s9 =	smov.u32 s15  }
0x272: {  	v2 =	vadd.f32 v9, v10;
	v7 =	vld [tilespmem:s15+$0xA0]  }
0x273: {  	v4 =	vmax.f32 v4, $0.0e+00;
	v0 =	vadd.f32 v0, v8;
	v8 =	vld [tilespmem:s15+$0xB0]  }
0x274: {  	[tilespmem:s15+$0xFFFFFF00] =	vst v4;
	v2 =	vmax.f32 v2, $0.0e+00;
	v1 =	vadd.f32 v6, v1;
	v4 =	vld [tilespmem:s15+$0x10]  }
0x275: {  	[tilespmem:s15+$0xFFFFFF10] =	vst v2;
	v2 =	vld [tilespmem:s15+$0xFFFFFF20];
	v0 =	vmax.f32 v0, $0.0e+00;
	v6 =	vadd.f32 v11, v12  }
0x276: {  	v9 =	vld [tilespmem:s0+$0xFFFFFF90];
	[tilespmem:s15+$0xFFFFFF80] =	vst v0;
	v0 =	vmax.f32 v1, $0.0e+00;
	v1 =	vshll.u32 v5, $0x10  }
0x277: {  	v5 =	vand.u32 $0xFFFF0000, v5;
	v10 =	vld [tilespmem:s15+$0xFFFFFF30];
	[tilespmem:s15+$0xFFFFFF90] =	vst v0;
	v0 =	vmax.f32 v6, $0.0e+00;
	v1 =	vadd.f32 v1, v7  }
0x278: {  	v6 =	vld [tilespmem:s0+$0xFFFFFFD0];
	[tilespmem:s15+$0x0] =	vst v0;
	v0 =	vadd.f32 v5, v8  }
0x279: {  	v5 =	vld [tilespmem:s15+$0xFFFFFFA0];
	v3 =	vadd.f32 v3, v4;
	v1 =	vmax.f32 v1, $0.0e+00  }
0x27a: {  	v4 =	vld [tilespmem:s15+$0xFFFFFFB0];
	[tilespmem:s15+$0xA0] =	vst v1;
	v0 =	vmax.f32 v0, $0.0e+00  }
0x27b: {  	v1 =	vshll.u32 v9, $0x10;
	v7 =	vand.u32 $0xFFFF0000, v9;
	v3 =	vmax.f32 v3, $0.0e+00;
	v8 =	vld [tilespmem:s15+$0x20];
	[tilespmem:s15+$0xB0] =	vst v0  }
0x27c: {  	v0 =	vadd.f32 v1, v2;
	v1 =	vadd.f32 v7, v10;
	[tilespmem:s15+$0x10] =	vst v3;
	v2 =	vld [tilespmem:s0+$0x60]  }
0x27d: {  	v3 =	vshll.u32 v6, $0x10;
	v6 =	vand.u32 $0xFFFF0000, v6;
	v7 =	vld [tilespmem:s15+$0xC0]  }
0x27e: {  	v0 =	vmax.f32 v0, $0.0e+00;
	v1 =	vmax.f32 v1, $0.0e+00;
	v3 =	vadd.f32 v3, v5;
	v5 =	vld [tilespmem:s15+$0xD0]  }
0x27f: {  	[tilespmem:s15+$0xFFFFFF20] =	vst v0;
	v0 =	vadd.f32 v6, v4;
	v4 =	vld [tilespmem:s0+$0x10]  }
0x280: {  	[tilespmem:s15+$0xFFFFFF30] =	vst v1;
	v1 =	vmax.f32 v3, $0.0e+00;
	v3 =	vld [tilespmem:s15+$0x30]  }
0x281: {  	v6 =	vld [tilespmem:s0+$0xFFFFFFA0];
	[tilespmem:s15+$0xFFFFFFA0] =	vst v1;
	v0 =	vmax.f32 v0, $0.0e+00;
	v1 =	vshll.u32 v2, $0x10  }
0x282: {  	v9 =	vld [tilespmem:s15+$0xFFFFFF40];
	[tilespmem:s15+$0xFFFFFFB0] =	vst v0;
	v0 =	vand.u32 $0xFFFF0000, v2;
	v1 =	vadd.f32 v1, v7  }
0x283: {  	v2 =	vld [tilespmem:s0+$0xFFFFFFE0];
	v0 =	vadd.f32 v0, v5  }
0x284: {  	v5 =	vld [tilespmem:s15+$0xFFFFFF50];
	v7 =	vshll.u32 v4, $0x10;
	v4 =	vand.u32 $0xFFFF0000, v4;
	v1 =	vmax.f32 v1, $0.0e+00  }
0x285: {  	v10 =	vld [tilespmem:s15+$0xFFFFFFC0];
	v7 =	vadd.f32 v7, v8;
	v3 =	vadd.f32 v4, v3;
	[tilespmem:s15+$0xC0] =	vst v1;
	v0 =	vmax.f32 v0, $0.0e+00  }
0x286: {  	v1 =	vshll.u32 v6, $0x10;
	v4 =	vand.u32 $0xFFFF0000, v6;
	v6 =	vld [tilespmem:s15+$0xFFFFFFD0];
	[tilespmem:s15+$0xD0] =	vst v0  }
0x287: {  	v0 =	vadd.f32 v1, v9;
	v1 =	vmax.f32 v7, $0.0e+00;
	v3 =	vmax.f32 v3, $0.0e+00;
	v7 =	vld [tilespmem:s0+$0x70]  }
0x288: {  	v8 =	vshll.u32 v2, $0x10;
	v2 =	vand.u32 $0xFFFF0000, v2;
	[tilespmem:s15+$0x20] =	vst v1;
	v1 =	vld [tilespmem:s15+$0xF0]  }
0x289: {  	v0 =	vmax.f32 v0, $0.0e+00;
	v4 =	vadd.f32 v4, v5;
	[tilespmem:s15+$0x30] =	vst v3;
	v3 =	vld [tilespmem:s15+$0x40]  }
0x28a: {  	[tilespmem:s15+$0xFFFFFF40] =	vst v0;
	v0 =	vadd.f32 v8, v10;
	v5 =	vld [tilespmem:s0+$0x20]  }
0x28b: {  	v4 =	vmax.f32 v4, $0.0e+00;
	v2 =	vadd.f32 v2, v6;
	v6 =	vld [tilespmem:s15+$0x50]  }
0x28c: {  	[tilespmem:s15+$0xFFFFFF50] =	vst v4;
	v4 =	vld [tilespmem:s15+$0xFFFFFF60];
	v8 =	vmax.f32 v0, $0.0e+00;
	v0 =	vshll.u32 v7, $0x10;
	v7 =	vand.u32 $0xFFFF0000, v7  }
0x28d: {  	v9 =	vld [tilespmem:s0+$0xFFFFFFB0];
	[tilespmem:s15+$0xFFFFFFC0] =	vst v8;
	v2 =	vmax.f32 v2, $0.0e+00;
	v1 =	vadd.f32 v7, v1  }
0x28e: {  	v7 =	vld [tilespmem:s15+$0xFFFFFF70];
	[tilespmem:s15+$0xFFFFFFD0] =	vst v2  }
0x28f: {  	v8 =	vld [tilespmem:s0+$0xFFFFFFF0];
	v2 =	vshll.u32 v5, $0x10;
	v5 =	vand.u32 $0xFFFF0000, v5;
	v1 =	vmax.f32 v1, $0.0e+00  }
0x290: {  	v10 =	vld [tilespmem:s15+$0xFFFFFFE0];
	v2 =	vadd.f32 v2, v3;
	v5 =	vadd.f32 v5, v6;
	[tilespmem:s15+$0xF0] =	vst v1  }
.Ltmp10:
0x291: {  	v3 =	vld [tilespmem:s15+$0xFFFFFFF0];
	(pc) =	sbr.rel @p1 .LBB2_19-.Ltmp10, $4  }
0x292: {  	v6 =	vshll.u32 v9, $0x10;
	v2 =	vmax.f32 v2, $0.0e+00;
	v5 =	vmax.f32 v5, $0.0e+00;
	v1 =	vld [tilespmem:s15+$0x60]  }
0x293: {  	v9 =	vand.u32 $0xFFFF0000, v9;
	v11 =	vadd.f32 v6, v4;
	[tilespmem:s15+$0x40] =	vst v2;
	v2 =	vld [tilespmem:s15+$0x70]  }
0x294: {  	v6 =	vadd.f32 v9, v7;
	v12 =	vshll.u32 v8, $0x10;
	v7 =	vand.u32 $0xFFFF0000, v8;
	[tilespmem:s15+$0x50] =	vst v5;
	v4 =	vld [tilespmem:s15+$0xE0]  }
0x295: {  	v9 =	vmax.f32 v11, $0.0e+00;
	v8 =	vadd.f32 v12, v10;
	v5 =	vld [tilespmem:s0+$0x30];
	s0 =	sadd.s32 $0x100, s0  }
0x296: {  	_ =	sdelay $0x2  }
0x297: {  	[tilespmem:s9+$0xFFFFFF60] =	vst v9;
	v6 =	vmax.f32 v6, $0.0e+00;
	v3 =	vadd.f32 v7, v3  }
0x298: {  	[tilespmem:s9+$0xFFFFFF70] =	vst v6;
	v60 =	vmax.f32 v8, $0.0e+00;
	v0 =	vadd.f32 v0, v4;
	v61 =	vshll.u32 v5, $0x10  }
0x299: {  	[tilespmem:s9+$0xFFFFFFE0] =	vst v60;
	v3 =	vmax.f32 v3, $0.0e+00;
	v62 =	vand.u32 $0xFFFF0000, v5;
	v1 =	vadd.f32 v61, v1  }
.Ltmp11:
0x29a: {  	[tilespmem:s9+$0xFFFFFFF0] =	vst v3;
	v2 =	vadd.f32 v62, v2;
	v0 =	vmax.f32 v0, $0.0e+00;
	(pc) =	sbr.rel @p0 .LBB2_22-.Ltmp11, $4  }
0x29b: {  	[tilespmem:s9+$0xE0] =	vst v0;
	v1 =	vmax.f32 v1, $0.0e+00  }
0x29c: {  	v63 =	vmax.f32 v2, $0.0e+00;
	[tilespmem:s9+$0x60] =	vst v1  }
0x29d: {  	[tilespmem:s9+$0x70] =	vst v63  }
0x29e: {  	[spmem:s2] =	stream.indirect.scatter.add.f32 [tilespmem:s17], [sflag:$0x8], $0x80, s31, s22, $0xb8;
	[tilespmem:$0x1D020] =	vst v63  }
.Ltmp12:
0x29f: {  	s0 =	sadd.s32 s8, s11;
	(pc) =	sbr.rel .LBB2_16-.Ltmp12, $3  }
0x2a0: {  	s0 =	smul.u32 $0x1A, s0;
	_ =	sdelay $0x1  }
0x2a1: {  	s7 =	sadd.s32 $0x1, s7;
	s0 =	sadd.s32 s5, s0  }
0x2a2: {  	[tilespmem:s18], [sflag:$0x2] =	stream.linear.gather [hbm4b:s0+s3], $0xD0, $0x38;
	[tilespmem:$0x1D020] =	vst v63  }
.LBB2_23:
0x2a3: {  	_ =	sfence.sel $0x180000  }
0x2a4: {  	[bflag:$0x0] =	sbarrier.arrive $0xFFFF  }
0x2a5: {  	_ =	strace $0x9000004A  }
0x2a6: {  	s0 =	stileid.u32;
	[bflag:$0x2] =	sbarrier.arrive $0xFFFF  }
0x2a7: {  	p0 =	sne.s32 s0, $0x0;
	s0 =	rddreg [dreg:$0x2]  }
0x2a8: {  	s0 =	sadd.s32 @!p0 $0x100000, s0  }
0x2a9: {  	[sflag:s0] =	ssyncadd.tile.s32 @!p0 $0x1;
	_ =	shalt  }
.Lfunc_end2:
_tile_overlayer_lowered:
.L_overlay_start_2:
0x2aa: {  	(tag) =	ssettag $0x2  }
0x2ab: {  	s0 =	rddreg [dreg:$0x0];
	s2 =	stileid.u32  }
0x2ac: {  	s1 =	rddreg [dreg:$0x1];
	p0 =	sne.s32 s2, $0x0  }
0x2ad: {  	s3 =	rddreg [dreg:$0x2];
	[bflag:$0x3] =	sbarrier.arrive $0xFFFF;
	s2 =	simm.s32 @!p0 $0x1C09  }
0x2ae: {  	[timem:s3], [sflag:s2] =	dma.local @!p0 [hbm:s0], s1  }
0x2af: {  	s0 =	simm.s32 @!p0 $0x9  }
0x2b0: {  	_ =	swait.ge @!p0 [sflag:s0], s1  }
0x2b1: {  	s1 =	ssub.s32 @!p0 $0x0, s1;
	[sflag:s0] =	ssyncset.done @!p0 $0x0  }
0x2b2: {  	[sflag:s0] =	ssyncadd.s32 @!p0 s1  }
0x2b3: {  	[bflag:$0x3] =	sbarrier.arrive $0xFFFF  }
0x2b4: {  	_ =	shalt  }

</sc_bundles>
